<compile_context>
chip_gen: v7x
topology: tpu7x:2x2x1
jax: 0.10.2.dev20260603
libtpu: 0.0.44.dev20260713+nightly
codegen_flags: <defaults>
</compile_context>

<pallas_src>
import dataclasses
import functools

import jax
import jax.numpy as jnp
from jax.experimental import pallas as pl
from jax.experimental.pallas import tpu as pltpu
from jax.experimental.pallas import tpu_sc as plsc

N = 1048576
DIM = 64
BINS = (1, 2, 3, 4, 8, 16, 32, 64)
LANES = 16
TI = N // 128


def _bucket(v):
    acc = (v >= BINS[0]).astype(jnp.int32)
    for b in BINS[1:]:
        acc += (v >= b).astype(jnp.int32)
    return acc


def kernel(lengths, table):
    lengths = lengths.astype(jnp.int32).reshape(1, N)
    tab_t = table.T.reshape(DIM, 9)

    mesh = plsc.VectorSubcoreMesh(core_axis_name="c", subcore_axis_name="s")
    cp = pltpu.CompilerParams()
    if "needs_layout_passes" in pltpu.CompilerParams.__dataclass_fields__:
        cp = dataclasses.replace(cp, needs_layout_passes=False)
    cp = dataclasses.replace(cp, use_tc_tiling_on_sc=False)

    @functools.partial(
        pl.kernel,
        out_type=jax.ShapeDtypeStruct((8, TI, 8, 128), jnp.float32),
        mesh=mesh,
        scratch_types=[pltpu.VMEM((DIM, 9), jnp.float32)],
        compiler_params=cp,
    )
    def k(len_hbm, tab_hbm, out_hbm, tab_v):
        pltpu.sync_copy(tab_hbm, tab_v)

        def body(len_vmem, out_vmem):
            for j in range(2):
                @plsc.parallel_loop(0, 128, LANES, unroll=2)
                def _(c, j=j):
                    r = _bucket(len_vmem[0, pl.ds(j * 128 + c, LANES)])
                    for td in range(8):
                        for di in range(8):
                            out_vmem[td, j, di, pl.ds(c, LANES)] = (
                                plsc.load_gather(tab_v.at[td * 8 + di], [r])
                            )

        pltpu.emit_pipeline(
            body,
            grid=(TI // 2,),
            in_specs=[pl.BlockSpec((1, 256), lambda i: (0, i))],
            out_specs=[pl.BlockSpec((8, 2, 8, 128), lambda i: (0, i, 0, 0))],
            core_axis_name=("c", "s"),
            dimension_semantics=(pltpu.PARALLEL,),
        )(len_hbm, out_hbm)

    out4 = k(lengths, tab_t)
    return out4.transpose(1, 3, 0, 2).reshape(N, DIM)

# --- scband reference (transcript-rebuilt; emitter-appended) ---
"""Pipeline reference for scband-distance-910533066859 (READ-ONLY COPY).

The authoritative reference and input builder live on the scoring server;
editing this copy changes nothing except your own understanding.
"""

import jax, jax.numpy as jnp
import numpy as np

N = 1048576
DIM = 64
NUM_BINS = 8  # bins = [1, 2, 3, 4, 8, 16, 32, 64]; table has NUM_BINS + 1 rows


def setup_inputs(seed: int = 0) -> dict:
    key = jax.random.key(seed)
    k1, k2 = jax.random.split(key)
    lengths = jax.random.randint(k1, (N,), 0, 128)
    table = jax.random.normal(k2, (NUM_BINS + 1, DIM), dtype=jnp.float32) * 0.02
    return {"lengths": lengths, "table": table}


def reference(lengths, table):
    # stoi: for each num, index = number of bins b with num >= b
    bins = jnp.array([1, 2, 3, 4, 8, 16, 32, 64], dtype=lengths.dtype)
    idx = jnp.sum(lengths[:, None] >= bins[None, :], axis=1)
    # embedding lookup (Dropout(0.2) is identity in eval mode)
    out = jnp.take(table, idx, axis=0)
    return jnp.squeeze(out)

if __name__ == "__main__":
    import jax
    _d = setup_inputs()
    print(jax.jit(kernel)(*tuple(_d.values())))

</pallas_src>

<mosaic_0001>
#map = affine_map<(d0, d1) -> (0, 0)>
#map1 = affine_map<(d0, d1) -> (0, 0, 0, 0)>
module attributes {stable_mosaic.version = 14 : i64} {
  func.func @k(%arg0: i32, %arg1: i32, %arg2: memref<1x1048576xi32, #tpu.memory_space<hbm>>, %arg3: memref<64x9xf32, #tpu.memory_space<hbm>>, %arg4: memref<8x8192x8x128xf32, #tpu.memory_space<hbm>>, %arg5: memref<64x9xf32, #tpu.memory_space<vmem>>) attributes {dimension_semantics = [#tpu.dimension_semantics<core_parallel>, #tpu.dimension_semantics<subcore_parallel>], iteration_bounds = array<i64: 2, 16>, scalar_prefetch = 0 : i64, scratch_operands = 1 : i64, tpu.core_type = #tpu.core_type<sc_vector_subcore>, window_params = [{transform_indices = #map}, {transform_indices = #map}, {transform_indices = #map1}]} {
    "tpu.region"() ({
      %run_scoped3A = tpu.sem_alloc : memref<!tpu.dma_semaphore, #tpu.memory_space<semaphore_mem>>
      tpu.enqueue_dma source(%arg3 : memref<64x9xf32, #tpu.memory_space<hbm>>) target(%arg5 : memref<64x9xf32, #tpu.memory_space<vmem>>) target_semaphore(%run_scoped3A : memref<!tpu.dma_semaphore, #tpu.memory_space<semaphore_mem>>)
      tpu.wait_dma2 semaphore(%run_scoped3A : memref<!tpu.dma_semaphore, #tpu.memory_space<semaphore_mem>>) src(%arg3 : memref<64x9xf32, #tpu.memory_space<hbm>>) dst(%arg5 : memref<64x9xf32, #tpu.memory_space<vmem>>)
      tpu.yield
    }) : () -> ()
    %mul3A = arith.constant 1 : i32
    %mul3A_0 = arith.muli %arg1, %mul3A : i32
    %add3A = arith.constant 0 : i32
    %add3A_1 = arith.addi %add3A, %mul3A_0 : i32
    %mul3A_2 = arith.constant 16 : i32
    %mul3A_3 = arith.muli %arg0, %mul3A_2 : i32
    %add3A_4 = arith.addi %add3A_1, %mul3A_3 : i32
    %mul3A_5 = arith.constant 128 : i32
    %mul3A_6 = arith.muli %add3A_4, %mul3A_5 : i32
    "tpu.region"() ({
      %run_scoped3A = memref.alloca() : memref<2x1x256xi32, #tpu.memory_space<vmem>>
      %run_scoped3A_7 = tpu.sem_alloc : memref<2x!tpu.dma_semaphore, #tpu.memory_space<semaphore_mem>>
      %run_scoped3A_8 = memref.alloca() : memref<2x8x2x8x128xf32, #tpu.memory_space<vmem>>
      %run_scoped3A_9 = tpu.sem_alloc : memref<2x!tpu.dma_semaphore, #tpu.memory_space<semaphore_mem>>
      %add3A_10 = arith.constant 0 : i32
      %add3A_11 = arith.addi %add3A_10, %mul3A_6 : i32
      %select_n3A = arith.constant true
      %select_n3A_12 = arith.constant 0 : i32
      %select_n3A_13 = arith.constant -1 : i32
      %select_n3A_14 = arith.select %select_n3A, %select_n3A_13, %select_n3A_12 : i32
      %eq3A = arith.constant -1 : i32
      %eq3A_15 = arith.cmpi eq, %select_n3A_14, %eq3A : i32
      %select_n3A_16 = arith.constant 127 : i32
      %select_n3A_17 = arith.select %eq3A_15, %select_n3A_16, %select_n3A_14 : i32
      %add3A_18 = arith.addi %select_n3A_17, %mul3A_6 : i32
      %select_n3A_19 = arith.constant true
      %select_n3A_20 = arith.constant 0 : i32
      %select_n3A_21 = arith.constant 1 : i32
      %select_n3A_22 = arith.select %select_n3A_19, %select_n3A_21, %select_n3A_20 : i32
      %eq3A_23 = arith.constant 128 : i32
      %eq3A_24 = arith.cmpi eq, %select_n3A_22, %eq3A_23 : i32
      %select_n3A_25 = arith.constant 0 : i32
      %select_n3A_26 = arith.select %eq3A_24, %select_n3A_25, %select_n3A_22 : i32
      %add3A_27 = arith.addi %select_n3A_26, %mul3A_6 : i32
      %add3A_28 = arith.constant 1 : i32
      %add3A_29 = arith.addi %select_n3A_26, %add3A_28 : i32
      %select_n3A_30 = arith.constant true
      %select_n3A_31 = arith.select %select_n3A_30, %add3A_29, %select_n3A_26 : i32
      %eq3A_32 = arith.constant 128 : i32
      %eq3A_33 = arith.cmpi eq, %select_n3A_31, %eq3A_32 : i32
      %select_n3A_34 = arith.constant 0 : i32
      %select_n3A_35 = arith.select %eq3A_33, %select_n3A_34, %select_n3A_31 : i32
      %add3A_36 = arith.addi %select_n3A_35, %mul3A_6 : i32
      "tpu.trace_start"() <{level = 10 : i32, message = "ep_initialize_0"}> : () -> ()
      %rem3A = arith.constant 0 : i32
      %rem3A_37 = arith.constant 2 : i32
      %rem3A_38 = arith.remui %rem3A, %rem3A_37 : i32
      %mul3A_39 = arith.constant 256 : i32
      %mul3A_40 = arith.muli %mul3A_39, %add3A_11 : i32
      %dma_start3A = arith.constant 0 : i32
      %dma_start3A_41 = arith.constant 0 : i32
      %dma_start3A_42 = tpu.memref_slice %run_scoped3A[%rem3A_38, %dma_start3A, %dma_start3A_41] : memref<2x1x256xi32, #tpu.memory_space<vmem>> -> memref<1x1x256xi32, #tpu.memory_space<vmem>>
      %dma_start3A_43 = tpu.memref_squeeze %dma_start3A_42 : memref<1x1x256xi32, #tpu.memory_space<vmem>> -> memref<1x256xi32, #tpu.memory_space<vmem>>
      %dma_start3A_44 = arith.constant 0 : i32
      %dma_start3A_45 = tpu.memref_slice %arg2[%dma_start3A_44, %mul3A_40] : memref<1x1048576xi32, #tpu.memory_space<hbm>> -> memref<1x256xi32, #tpu.memory_space<hbm>>
      %dma_start3A_46 = tpu.memref_slice %run_scoped3A_7[%rem3A_38] : memref<2x!tpu.dma_semaphore, #tpu.memory_space<semaphore_mem>> -> memref<1x!tpu.dma_semaphore, #tpu.memory_space<semaphore_mem>>
      %dma_start3A_47 = tpu.memref_squeeze %dma_start3A_46 : memref<1x!tpu.dma_semaphore, #tpu.memory_space<semaphore_mem>> -> memref<!tpu.dma_semaphore, #tpu.memory_space<semaphore_mem>>
      %dma_start3A_48 = arith.constant 0 : i32
      %dma_start3A_49 = arith.constant 0 : i32
      %dma_start3A_50 = tpu.memref_slice %run_scoped3A[%rem3A_38, %dma_start3A_48, %dma_start3A_49] : memref<2x1x256xi32, #tpu.memory_space<vmem>> -> memref<1x1x256xi32, #tpu.memory_space<vmem>>
      %dma_start3A_51 = tpu.memref_squeeze %dma_start3A_50 : memref<1x1x256xi32, #tpu.memory_space<vmem>> -> memref<1x256xi32, #tpu.memory_space<vmem>>
      %dma_start3A_52 = arith.constant 0 : i32
      %dma_start3A_53 = tpu.memref_slice %arg2[%dma_start3A_52, %mul3A_40] : memref<1x1048576xi32, #tpu.memory_space<hbm>> -> memref<1x256xi32, #tpu.memory_space<hbm>>
      tpu.enqueue_dma source(%dma_start3A_53 : memref<1x256xi32, #tpu.memory_space<hbm>>) target(%dma_start3A_51 : memref<1x256xi32, #tpu.memory_space<vmem>>) target_semaphore(%dma_start3A_47 : memref<!tpu.dma_semaphore, #tpu.memory_space<semaphore_mem>>)
      %add3A_54 = arith.constant 0 : i32
      %add3A_55 = arith.constant 1 : i32
      %add3A_56 = arith.addi %add3A_54, %add3A_55 : i32
      %select_n3A_57 = arith.constant true
      %select_n3A_58 = arith.constant 0 : i32
      %select_n3A_59 = arith.select %select_n3A_57, %add3A_56, %select_n3A_58 : i32
      "tpu.trace_stop"() : () -> ()
      %scan3A = arith.constant 0 : i32
      %scan3A_60 = arith.constant 0 : i32
      %scan3A_61 = arith.constant 0 : i32
      %scan3A_62 = arith.constant 0 : i32
      %scan3A_63 = arith.constant 0 : i32
      %scan3A_64 = arith.constant 128 : i32
      %scan3A_65 = arith.addi %scan3A_63, %scan3A_64 : i32
      %scan3A_66 = arith.constant 1 : i32
      %scan3A_67:5 = scf.for %scan3A_129 = %scan3A_63 to %scan3A_65 step %scan3A_66 iter_args(%scan3A_130 = %select_n3A_59, %scan3A_131 = %scan3A, %scan3A_132 = %scan3A_60, %scan3A_133 = %scan3A_61, %scan3A_134 = %scan3A_62) -> (i32, i32, i32, i32, i32)  : i32 {
        %eq3A_135 = arith.constant 0 : i32
        %eq3A_136 = arith.cmpi eq, %scan3A_129, %eq3A_135 : i32
        %eq3A_137 = arith.constant 127 : i32
        %eq3A_138 = arith.cmpi eq, %scan3A_129, %eq3A_137 : i32
        %add3A_139 = arith.addi %scan3A_134, %mul3A_6 : i32
        %sub3A_140 = arith.constant 1 : i32
        %sub3A_141 = arith.subi %scan3A_134, %sub3A_140 : i32
        %select_n3A_142 = arith.constant true
        %select_n3A_143 = arith.select %select_n3A_142, %sub3A_141, %scan3A_134 : i32
        %eq3A_144 = arith.constant -1 : i32
        %eq3A_145 = arith.cmpi eq, %select_n3A_143, %eq3A_144 : i32
        %select_n3A_146 = arith.constant 127 : i32
        %select_n3A_147 = arith.select %eq3A_145, %select_n3A_146, %select_n3A_143 : i32
        %add3A_148 = arith.addi %select_n3A_147, %mul3A_6 : i32
        %add3A_149 = arith.constant 1 : i32
        %add3A_150 = arith.addi %scan3A_134, %add3A_149 : i32
        %select_n3A_151 = arith.constant true
        %select_n3A_152 = arith.select %select_n3A_151, %add3A_150, %scan3A_134 : i32
        %eq3A_153 = arith.constant 128 : i32
        %eq3A_154 = arith.cmpi eq, %select_n3A_152, %eq3A_153 : i32
        %select_n3A_155 = arith.constant 0 : i32
        %select_n3A_156 = arith.select %eq3A_154, %select_n3A_155, %select_n3A_152 : i32
        %add3A_157 = arith.addi %select_n3A_156, %mul3A_6 : i32
        %add3A_158 = arith.constant 1 : i32
        %add3A_159 = arith.addi %select_n3A_156, %add3A_158 : i32
        %select_n3A_160 = arith.constant true
        %select_n3A_161 = arith.select %select_n3A_160, %add3A_159, %select_n3A_156 : i32
        %eq3A_162 = arith.constant 128 : i32
        %eq3A_163 = arith.cmpi eq, %select_n3A_161, %eq3A_162 : i32
        %select_n3A_164 = arith.constant 0 : i32
        %select_n3A_165 = arith.select %eq3A_163, %select_n3A_164, %select_n3A_161 : i32
        %add3A_166 = arith.addi %select_n3A_165, %mul3A_6 : i32
        %ne3A = arith.cmpi ne, %add3A_139, %add3A_157 : i32
        %or3A = arith.constant false
        %or3A_167 = arith.ori %or3A, %ne3A : i1
        %ge3A = arith.constant 127 : i32
        %ge3A_168 = arith.cmpi sge, %scan3A_129, %ge3A : i32
        %not3A = arith.constant true
        %not3A_169 = arith.xori %ge3A_168, %not3A : i1
        %and3A = arith.andi %or3A_167, %not3A_169 : i1
        %convert_element_type3A = arith.extui %and3A : i1 to i32
        %cond3A = arith.constant 0 : i32
        %cond3A_170 = arith.cmpi ne, %convert_element_type3A, %cond3A : i32
        scf.if %cond3A_170 {
          "tpu.trace_start"() <{level = 10 : i32, message = "ep_copy_in"}> : () -> ()
          %rem3A_284 = arith.constant 2 : i32
          %rem3A_285 = arith.remui %scan3A_130, %rem3A_284 : i32
          %mul3A_286 = arith.constant 256 : i32
          %mul3A_287 = arith.muli %mul3A_286, %add3A_157 : i32
          %dma_start3A_288 = arith.constant 0 : i32
          %dma_start3A_289 = arith.constant 0 : i32
          %dma_start3A_290 = tpu.memref_slice %run_scoped3A[%rem3A_285, %dma_start3A_288, %dma_start3A_289] : memref<2x1x256xi32, #tpu.memory_space<vmem>> -> memref<1x1x256xi32, #tpu.memory_space<vmem>>
          %dma_start3A_291 = tpu.memref_squeeze %dma_start3A_290 : memref<1x1x256xi32, #tpu.memory_space<vmem>> -> memref<1x256xi32, #tpu.memory_space<vmem>>
          %dma_start3A_292 = arith.constant 0 : i32
          %dma_start3A_293 = tpu.memref_slice %arg2[%dma_start3A_292, %mul3A_287] : memref<1x1048576xi32, #tpu.memory_space<hbm>> -> memref<1x256xi32, #tpu.memory_space<hbm>>
          %dma_start3A_294 = tpu.memref_slice %run_scoped3A_7[%rem3A_285] : memref<2x!tpu.dma_semaphore, #tpu.memory_space<semaphore_mem>> -> memref<1x!tpu.dma_semaphore, #tpu.memory_space<semaphore_mem>>
          %dma_start3A_295 = tpu.memref_squeeze %dma_start3A_294 : memref<1x!tpu.dma_semaphore, #tpu.memory_space<semaphore_mem>> -> memref<!tpu.dma_semaphore, #tpu.memory_space<semaphore_mem>>
          %dma_start3A_296 = arith.constant 0 : i32
          %dma_start3A_297 = arith.constant 0 : i32
          %dma_start3A_298 = tpu.memref_slice %run_scoped3A[%rem3A_285, %dma_start3A_296, %dma_start3A_297] : memref<2x1x256xi32, #tpu.memory_space<vmem>> -> memref<1x1x256xi32, #tpu.memory_space<vmem>>
          %dma_start3A_299 = tpu.memref_squeeze %dma_start3A_298 : memref<1x1x256xi32, #tpu.memory_space<vmem>> -> memref<1x256xi32, #tpu.memory_space<vmem>>
          %dma_start3A_300 = arith.constant 0 : i32
          %dma_start3A_301 = tpu.memref_slice %arg2[%dma_start3A_300, %mul3A_287] : memref<1x1048576xi32, #tpu.memory_space<hbm>> -> memref<1x256xi32, #tpu.memory_space<hbm>>
          tpu.enqueue_dma source(%dma_start3A_301 : memref<1x256xi32, #tpu.memory_space<hbm>>) target(%dma_start3A_299 : memref<1x256xi32, #tpu.memory_space<vmem>>) target_semaphore(%dma_start3A_295 : memref<!tpu.dma_semaphore, #tpu.memory_space<semaphore_mem>>)
          "tpu.trace_stop"() : () -> ()
        } else {
        }
        %and3A_171 = arith.constant true
        %and3A_172 = arith.andi %and3A, %and3A_171 : i1
        %add3A_173 = arith.constant 1 : i32
        %add3A_174 = arith.addi %scan3A_130, %add3A_173 : i32
        %select_n3A_175 = arith.select %and3A_172, %add3A_174, %scan3A_130 : i32
        %ne3A_176 = arith.cmpi ne, %add3A_139, %add3A_157 : i32
        %or3A_177 = arith.constant false
        %or3A_178 = arith.ori %or3A_177, %ne3A_176 : i1
        %or3A_179 = arith.constant false
        %or3A_180 = arith.ori %or3A_178, %or3A_179 : i1
        %or3A_181 = arith.constant false
        %or3A_182 = arith.ori %or3A_180, %or3A_181 : i1
        %ge3A_183 = arith.constant 127 : i32
        %ge3A_184 = arith.cmpi sge, %scan3A_129, %ge3A_183 : i32
        %not3A_185 = arith.constant true
        %not3A_186 = arith.xori %ge3A_184, %not3A_185 : i1
        %and3A_187 = arith.andi %or3A_182, %not3A_186 : i1
        %ne3A_188 = arith.cmpi ne, %add3A_139, %add3A_148 : i32
        %or3A_189 = arith.constant false
        %or3A_190 = arith.ori %or3A_189, %ne3A_188 : i1
        %or3A_191 = arith.ori %or3A_190, %eq3A_136 : i1
        %convert_element_type3A_192 = arith.extui %or3A_191 : i1 to i32
        %cond3A_193 = arith.constant 0 : i32
        %cond3A_194 = arith.cmpi ne, %convert_element_type3A_192, %cond3A_193 : i32
        scf.if %cond3A_194 {
          "tpu.trace_start"() <{level = 10 : i32, message = "ep_wait_in"}> : () -> ()
          %mul3A_284 = arith.constant 256 : i32
          %mul3A_285 = arith.muli %mul3A_284, %add3A_139 : i32
          %rem3A_286 = arith.constant 2 : i32
          %rem3A_287 = arith.remui %scan3A_131, %rem3A_286 : i32
          %dma_wait3A_288 = arith.constant 0 : i32
          %dma_wait3A_289 = arith.constant 0 : i32
          %dma_wait3A_290 = tpu.memref_slice %run_scoped3A[%rem3A_287, %dma_wait3A_288, %dma_wait3A_289] : memref<2x1x256xi32, #tpu.memory_space<vmem>> -> memref<1x1x256xi32, #tpu.memory_space<vmem>>
          %dma_wait3A_291 = tpu.memref_squeeze %dma_wait3A_290 : memref<1x1x256xi32, #tpu.memory_space<vmem>> -> memref<1x256xi32, #tpu.memory_space<vmem>>
          %dma_wait3A_292 = arith.constant 0 : i32
          %dma_wait3A_293 = tpu.memref_slice %arg2[%dma_wait3A_292, %mul3A_285] : memref<1x1048576xi32, #tpu.memory_space<hbm>> -> memref<1x256xi32, #tpu.memory_space<hbm>>
          %dma_wait3A_294 = tpu.memref_slice %run_scoped3A_7[%rem3A_287] : memref<2x!tpu.dma_semaphore, #tpu.memory_space<semaphore_mem>> -> memref<1x!tpu.dma_semaphore, #tpu.memory_space<semaphore_mem>>
          %dma_wait3A_295 = tpu.memref_squeeze %dma_wait3A_294 : memref<1x!tpu.dma_semaphore, #tpu.memory_space<semaphore_mem>> -> memref<!tpu.dma_semaphore, #tpu.memory_space<semaphore_mem>>
          %dma_wait3A_296 = arith.constant 0 : i32
          %dma_wait3A_297 = arith.constant 0 : i32
          %dma_wait3A_298 = tpu.memref_slice %run_scoped3A[%rem3A_287, %dma_wait3A_296, %dma_wait3A_297] : memref<2x1x256xi32, #tpu.memory_space<vmem>> -> memref<1x1x256xi32, #tpu.memory_space<vmem>>
          %dma_wait3A_299 = tpu.memref_squeeze %dma_wait3A_298 : memref<1x1x256xi32, #tpu.memory_space<vmem>> -> memref<1x256xi32, #tpu.memory_space<vmem>>
          %dma_wait3A_300 = arith.constant 0 : i32
          %dma_wait3A_301 = tpu.memref_slice %arg2[%dma_wait3A_300, %mul3A_285] : memref<1x1048576xi32, #tpu.memory_space<hbm>> -> memref<1x256xi32, #tpu.memory_space<hbm>>
          tpu.wait_dma2 semaphore(%dma_wait3A_295 : memref<!tpu.dma_semaphore, #tpu.memory_space<semaphore_mem>>) src(%dma_wait3A_301 : memref<1x256xi32, #tpu.memory_space<hbm>>) dst(%dma_wait3A_299 : memref<1x256xi32, #tpu.memory_space<vmem>>)
          "tpu.trace_stop"() : () -> ()
        } else {
        }
        %ne3A_195 = arith.cmpi ne, %add3A_139, %add3A_148 : i32
        %or3A_196 = arith.constant false
        %or3A_197 = arith.ori %or3A_196, %ne3A_195 : i1
        %or3A_198 = arith.constant false
        %or3A_199 = arith.ori %or3A_197, %or3A_198 : i1
        %or3A_200 = arith.constant false
        %or3A_201 = arith.ori %or3A_199, %or3A_200 : i1
        %or3A_202 = arith.ori %or3A_201, %eq3A_136 : i1
        %convert_element_type3A_203 = arith.extui %or3A_202 : i1 to i32
        %cond3A_204 = arith.constant 0 : i32
        %cond3A_205 = arith.cmpi ne, %convert_element_type3A_203, %cond3A_204 : i32
        scf.if %cond3A_205 {
        } else {
        }
        %rem3A_206 = arith.constant 2 : i32
        %rem3A_207 = arith.remui %scan3A_131, %rem3A_206 : i32
        %rem3A_208 = arith.constant 2 : i32
        %rem3A_209 = arith.remui %scan3A_132, %rem3A_208 : i32
        %parallel_loop3A = arith.constant 0 : i32
        %parallel_loop3A_210 = arith.constant 128 : i32
        %parallel_loop3A_211 = arith.constant 16 : i32
        "tpu.trace_start"() <{level = 10 : i32, message = "ep_run_kernel"}> : () -> ()
        scf.for %parallel_loop3A_284 = %parallel_loop3A to %parallel_loop3A_210 step %parallel_loop3A_211  : i32 {
          %parallel_loop3A_285 = arith.constant 0 : i32
          %parallel_loop3A_286 = arith.addi %parallel_loop3A_285, %parallel_loop3A_284 : i32
          %parallel_loop3A_287 = arith.constant 0 : i32
          %parallel_loop3A_288 = arith.constant 0 : i32
          %parallel_loop3A_289 = arith.constant 0 : i32
          %parallel_loop3A_290 = tpu.memref_slice %run_scoped3A[%rem3A_207, %parallel_loop3A_288, %parallel_loop3A_289] : memref<2x1x256xi32, #tpu.memory_space<vmem>> -> memref<1x1x256xi32, #tpu.memory_space<vmem>>
          %parallel_loop3A_291 = tpu.memref_squeeze %parallel_loop3A_290 : memref<1x1x256xi32, #tpu.memory_space<vmem>> -> memref<1x256xi32, #tpu.memory_space<vmem>>
          %parallel_loop3A_292 = arith.index_cast %parallel_loop3A_287 : i32 to index
          %parallel_loop3A_293 = arith.index_cast %parallel_loop3A_286 : i32 to index
          %parallel_loop3A_294 = tpu.vector_load %parallel_loop3A_291[%parallel_loop3A_292, %parallel_loop3A_293] {strides = array<i32>} : memref<1x256xi32, #tpu.memory_space<vmem>>, vector<16xi32>,
          %parallel_loop3A_295 = arith.constant 1 : i32
          %parallel_loop3A_296 = vector.broadcast %parallel_loop3A_295 : i32 to vector<16xi32>
          %parallel_loop3A_297 = arith.cmpi sge, %parallel_loop3A_294, %parallel_loop3A_296 : vector<16xi32>
          %parallel_loop3A_298 = arith.extui %parallel_loop3A_297 : vector<16xi1> to vector<16xi32>
          %parallel_loop3A_299 = arith.constant 2 : i32
          %parallel_loop3A_300 = vector.broadcast %parallel_loop3A_299 : i32 to vector<16xi32>
          %parallel_loop3A_301 = arith.cmpi sge, %parallel_loop3A_294, %parallel_loop3A_300 : vector<16xi32>
          %parallel_loop3A_302 = arith.extui %parallel_loop3A_301 : vector<16xi1> to vector<16xi32>
          %parallel_loop3A_303 = arith.addi %parallel_loop3A_298, %parallel_loop3A_302 : vector<16xi32>
          %parallel_loop3A_304 = arith.constant 3 : i32
          %parallel_loop3A_305 = vector.broadcast %parallel_loop3A_304 : i32 to vector<16xi32>
          %parallel_loop3A_306 = arith.cmpi sge, %parallel_loop3A_294, %parallel_loop3A_305 : vector<16xi32>
          %parallel_loop3A_307 = arith.extui %parallel_loop3A_306 : vector<16xi1> to vector<16xi32>
          %parallel_loop3A_308 = arith.addi %parallel_loop3A_303, %parallel_loop3A_307 : vector<16xi32>
          %parallel_loop3A_309 = arith.constant 4 : i32
          %parallel_loop3A_310 = vector.broadcast %parallel_loop3A_309 : i32 to vector<16xi32>
          %parallel_loop3A_311 = arith.cmpi sge, %parallel_loop3A_294, %parallel_loop3A_310 : vector<16xi32>
          %parallel_loop3A_312 = arith.extui %parallel_loop3A_311 : vector<16xi1> to vector<16xi32>
          %parallel_loop3A_313 = arith.addi %parallel_loop3A_308, %parallel_loop3A_312 : vector<16xi32>
          %parallel_loop3A_314 = arith.constant 8 : i32
          %parallel_loop3A_315 = vector.broadcast %parallel_loop3A_314 : i32 to vector<16xi32>
          %parallel_loop3A_316 = arith.cmpi sge, %parallel_loop3A_294, %parallel_loop3A_315 : vector<16xi32>
          %parallel_loop3A_317 = arith.extui %parallel_loop3A_316 : vector<16xi1> to vector<16xi32>
          %parallel_loop3A_318 = arith.addi %parallel_loop3A_313, %parallel_loop3A_317 : vector<16xi32>
          %parallel_loop3A_319 = arith.constant 16 : i32
          %parallel_loop3A_320 = vector.broadcast %parallel_loop3A_319 : i32 to vector<16xi32>
          %parallel_loop3A_321 = arith.cmpi sge, %parallel_loop3A_294, %parallel_loop3A_320 : vector<16xi32>
          %parallel_loop3A_322 = arith.extui %parallel_loop3A_321 : vector<16xi1> to vector<16xi32>
          %parallel_loop3A_323 = arith.addi %parallel_loop3A_318, %parallel_loop3A_322 : vector<16xi32>
          %parallel_loop3A_324 = arith.constant 32 : i32
          %parallel_loop3A_325 = vector.broadcast %parallel_loop3A_324 : i32 to vector<16xi32>
          %parallel_loop3A_326 = arith.cmpi sge, %parallel_loop3A_294, %parallel_loop3A_325 : vector<16xi32>
          %parallel_loop3A_327 = arith.extui %parallel_loop3A_326 : vector<16xi1> to vector<16xi32>
          %parallel_loop3A_328 = arith.addi %parallel_loop3A_323, %parallel_loop3A_327 : vector<16xi32>
          %parallel_loop3A_329 = arith.constant 64 : i32
          %parallel_loop3A_330 = vector.broadcast %parallel_loop3A_329 : i32 to vector<16xi32>
          %parallel_loop3A_331 = arith.cmpi sge, %parallel_loop3A_294, %parallel_loop3A_330 : vector<16xi32>
          %parallel_loop3A_332 = arith.extui %parallel_loop3A_331 : vector<16xi1> to vector<16xi32>
          %parallel_loop3A_333 = arith.addi %parallel_loop3A_328, %parallel_loop3A_332 : vector<16xi32>
          %parallel_loop3A_334 = arith.constant 0 : i32
          %parallel_loop3A_335 = arith.constant 0 : i32
          %parallel_loop3A_336 = tpu.memref_slice %arg5[%parallel_loop3A_334, %parallel_loop3A_335] : memref<64x9xf32, #tpu.memory_space<vmem>> -> memref<1x9xf32, #tpu.memory_space<vmem>>
          %parallel_loop3A_337 = tpu.memref_squeeze %parallel_loop3A_336 : memref<1x9xf32, #tpu.memory_space<vmem>> -> memref<9xf32, #tpu.memory_space<vmem>>
          %parallel_loop3A_338 = tpu.vector_load_idx %parallel_loop3A_337[%parallel_loop3A_333] : memref<9xf32, #tpu.memory_space<vmem>>[vector<16xi32>], vector<16xf32>,
          %parallel_loop3A_339 = arith.constant 0 : i32
          %parallel_loop3A_340 = arith.constant 0 : i32
          %parallel_loop3A_341 = arith.constant 0 : i32
          %parallel_loop3A_342 = arith.constant 0 : i32
          %parallel_loop3A_343 = arith.constant 0 : i32
          %parallel_loop3A_344 = arith.constant 0 : i32
          %parallel_loop3A_345 = arith.constant 0 : i32
          %parallel_loop3A_346 = tpu.memref_slice %run_scoped3A_8[%rem3A_209, %parallel_loop3A_342, %parallel_loop3A_343, %parallel_loop3A_344, %parallel_loop3A_345] : memref<2x8x2x8x128xf32, #tpu.memory_space<vmem>> -> memref<1x8x2x8x128xf32, #tpu.memory_space<vmem>>
          %parallel_loop3A_347 = tpu.memref_squeeze %parallel_loop3A_346 : memref<1x8x2x8x128xf32, #tpu.memory_space<vmem>> -> memref<8x2x8x128xf32, #tpu.memory_space<vmem>>
          %parallel_loop3A_348 = arith.index_cast %parallel_loop3A_339 : i32 to index
          %parallel_loop3A_349 = arith.index_cast %parallel_loop3A_340 : i32 to index
          %parallel_loop3A_350 = arith.index_cast %parallel_loop3A_341 : i32 to index
          %parallel_loop3A_351 = arith.index_cast %parallel_loop3A_284 : i32 to index
          %parallel_loop3A_352 = tpu.vector_load %parallel_loop3A_347[%parallel_loop3A_348, %parallel_loop3A_349, %parallel_loop3A_350, %parallel_loop3A_351] {strides = array<i32>} : memref<8x2x8x128xf32, #tpu.memory_space<vmem>>, vector<16xf32>,
          tpu.vector_store %parallel_loop3A_347[%parallel_loop3A_348, %parallel_loop3A_349, %parallel_loop3A_350, %parallel_loop3A_351], %parallel_loop3A_338 {strides = array<i32>} : memref<8x2x8x128xf32, #tpu.memory_space<vmem>>, vector<16xf32>,
          %parallel_loop3A_353 = arith.constant 1 : i32
          %parallel_loop3A_354 = arith.constant 0 : i32
          %parallel_loop3A_355 = tpu.memref_slice %arg5[%parallel_loop3A_353, %parallel_loop3A_354] : memref<64x9xf32, #tpu.memory_space<vmem>> -> memref<1x9xf32, #tpu.memory_space<vmem>>
          %parallel_loop3A_356 = tpu.memref_squeeze %parallel_loop3A_355 : memref<1x9xf32, #tpu.memory_space<vmem>> -> memref<9xf32, #tpu.memory_space<vmem>>
          %parallel_loop3A_357 = tpu.vector_load_idx %parallel_loop3A_356[%parallel_loop3A_333] : memref<9xf32, #tpu.memory_space<vmem>>[vector<16xi32>], vector<16xf32>,
          %parallel_loop3A_358 = arith.constant 0 : i32
          %parallel_loop3A_359 = arith.constant 0 : i32
          %parallel_loop3A_360 = arith.constant 1 : i32
          %parallel_loop3A_361 = arith.constant 0 : i32
          %parallel_loop3A_362 = arith.constant 0 : i32
          %parallel_loop3A_363 = arith.constant 0 : i32
          %parallel_loop3A_364 = arith.constant 0 : i32
          %parallel_loop3A_365 = tpu.memref_slice %run_scoped3A_8[%rem3A_209, %parallel_loop3A_361, %parallel_loop3A_362, %parallel_loop3A_363, %parallel_loop3A_364] : memref<2x8x2x8x128xf32, #tpu.memory_space<vmem>> -> memref<1x8x2x8x128xf32, #tpu.memory_space<vmem>>
          %parallel_loop3A_366 = tpu.memref_squeeze %parallel_loop3A_365 : memref<1x8x2x8x128xf32, #tpu.memory_space<vmem>> -> memref<8x2x8x128xf32, #tpu.memory_space<vmem>>
          %parallel_loop3A_367 = arith.index_cast %parallel_loop3A_358 : i32 to index
          %parallel_loop3A_368 = arith.index_cast %parallel_loop3A_359 : i32 to index
          %parallel_loop3A_369 = arith.index_cast %parallel_loop3A_360 : i32 to index
          %parallel_loop3A_370 = arith.index_cast %parallel_loop3A_284 : i32 to index
          %parallel_loop3A_371 = tpu.vector_load %parallel_loop3A_366[%parallel_loop3A_367, %parallel_loop3A_368, %parallel_loop3A_369, %parallel_loop3A_370] {strides = array<i32>} : memref<8x2x8x128xf32, #tpu.memory_space<vmem>>, vector<16xf32>,
          tpu.vector_store %parallel_loop3A_366[%parallel_loop3A_367, %parallel_loop3A_368, %parallel_loop3A_369, %parallel_loop3A_370], %parallel_loop3A_357 {strides = array<i32>} : memref<8x2x8x128xf32, #tpu.memory_space<vmem>>, vector<16xf32>,
          %parallel_loop3A_372 = arith.constant 2 : i32
          %parallel_loop3A_373 = arith.constant 0 : i32
          %parallel_loop3A_374 = tpu.memref_slice %arg5[%parallel_loop3A_372, %parallel_loop3A_373] : memref<64x9xf32, #tpu.memory_space<vmem>> -> memref<1x9xf32, #tpu.memory_space<vmem>>
          %parallel_loop3A_375 = tpu.memref_squeeze %parallel_loop3A_374 : memref<1x9xf32, #tpu.memory_space<vmem>> -> memref<9xf32, #tpu.memory_space<vmem>>
          %parallel_loop3A_376 = tpu.vector_load_idx %parallel_loop3A_375[%parallel_loop3A_333] : memref<9xf32, #tpu.memory_space<vmem>>[vector<16xi32>], vector<16xf32>,
          %parallel_loop3A_377 = arith.constant 0 : i32
          %parallel_loop3A_378 = arith.constant 0 : i32
          %parallel_loop3A_379 = arith.constant 2 : i32
          %parallel_loop3A_380 = arith.constant 0 : i32
          %parallel_loop3A_381 = arith.constant 0 : i32
          %parallel_loop3A_382 = arith.constant 0 : i32
          %parallel_loop3A_383 = arith.constant 0 : i32
          %parallel_loop3A_384 = tpu.memref_slice %run_scoped3A_8[%rem3A_209, %parallel_loop3A_380, %parallel_loop3A_381, %parallel_loop3A_382, %parallel_loop3A_383] : memref<2x8x2x8x128xf32, #tpu.memory_space<vmem>> -> memref<1x8x2x8x128xf32, #tpu.memory_space<vmem>>
          %parallel_loop3A_385 = tpu.memref_squeeze %parallel_loop3A_384 : memref<1x8x2x8x128xf32, #tpu.memory_space<vmem>> -> memref<8x2x8x128xf32, #tpu.memory_space<vmem>>
          %parallel_loop3A_386 = arith.index_cast %parallel_loop3A_377 : i32 to index
          %parallel_loop3A_387 = arith.index_cast %parallel_loop3A_378 : i32 to index
          %parallel_loop3A_388 = arith.index_cast %parallel_loop3A_379 : i32 to index
          %parallel_loop3A_389 = arith.index_cast %parallel_loop3A_284 : i32 to index
          %parallel_loop3A_390 = tpu.vector_load %parallel_loop3A_385[%parallel_loop3A_386, %parallel_loop3A_387, %parallel_loop3A_388, %parallel_loop3A_389] {strides = array<i32>} : memref<8x2x8x128xf32, #tpu.memory_space<vmem>>, vector<16xf32>,
          tpu.vector_store %parallel_loop3A_385[%parallel_loop3A_386, %parallel_loop3A_387, %parallel_loop3A_388, %parallel_loop3A_389], %parallel_loop3A_376 {strides = array<i32>} : memref<8x2x8x128xf32, #tpu.memory_space<vmem>>, vector<16xf32>,
          %parallel_loop3A_391 = arith.constant 3 : i32
          %parallel_loop3A_392 = arith.constant 0 : i32
          %parallel_loop3A_393 = tpu.memref_slice %arg5[%parallel_loop3A_391, %parallel_loop3A_392] : memref<64x9xf32, #tpu.memory_space<vmem>> -> memref<1x9xf32, #tpu.memory_space<vmem>>
          %parallel_loop3A_394 = tpu.memref_squeeze %parallel_loop3A_393 : memref<1x9xf32, #tpu.memory_space<vmem>> -> memref<9xf32, #tpu.memory_space<vmem>>
          %parallel_loop3A_395 = tpu.vector_load_idx %parallel_loop3A_394[%parallel_loop3A_333] : memref<9xf32, #tpu.memory_space<vmem>>[vector<16xi32>], vector<16xf32>,
          %parallel_loop3A_396 = arith.constant 0 : i32
          %parallel_loop3A_397 = arith.constant 0 : i32
          %parallel_loop3A_398 = arith.constant 3 : i32
          %parallel_loop3A_399 = arith.constant 0 : i32
          %parallel_loop3A_400 = arith.constant 0 : i32
          %parallel_loop3A_401 = arith.constant 0 : i32
          %parallel_loop3A_402 = arith.constant 0 : i32
          %parallel_loop3A_403 = tpu.memref_slice %run_scoped3A_8[%rem3A_209, %parallel_loop3A_399, %parallel_loop3A_400, %parallel_loop3A_401, %parallel_loop3A_402] : memref<2x8x2x8x128xf32, #tpu.memory_space<vmem>> -> memref<1x8x2x8x128xf32, #tpu.memory_space<vmem>>
          %parallel_loop3A_404 = tpu.memref_squeeze %parallel_loop3A_403 : memref<1x8x2x8x128xf32, #tpu.memory_space<vmem>> -> memref<8x2x8x128xf32, #tpu.memory_space<vmem>>
          %parallel_loop3A_405 = arith.index_cast %parallel_loop3A_396 : i32 to index
          %parallel_loop3A_406 = arith.index_cast %parallel_loop3A_397 : i32 to index
          %parallel_loop3A_407 = arith.index_cast %parallel_loop3A_398 : i32 to index
          %parallel_loop3A_408 = arith.index_cast %parallel_loop3A_284 : i32 to index
          %parallel_loop3A_409 = tpu.vector_load %parallel_loop3A_404[%parallel_loop3A_405, %parallel_loop3A_406, %parallel_loop3A_407, %parallel_loop3A_408] {strides = array<i32>} : memref<8x2x8x128xf32, #tpu.memory_space<vmem>>, vector<16xf32>,
          tpu.vector_store %parallel_loop3A_404[%parallel_loop3A_405, %parallel_loop3A_406, %parallel_loop3A_407, %parallel_loop3A_408], %parallel_loop3A_395 {strides = array<i32>} : memref<8x2x8x128xf32, #tpu.memory_space<vmem>>, vector<16xf32>,
          %parallel_loop3A_410 = arith.constant 4 : i32
          %parallel_loop3A_411 = arith.constant 0 : i32
          %parallel_loop3A_412 = tpu.memref_slice %arg5[%parallel_loop3A_410, %parallel_loop3A_411] : memref<64x9xf32, #tpu.memory_space<vmem>> -> memref<1x9xf32, #tpu.memory_space<vmem>>
          %parallel_loop3A_413 = tpu.memref_squeeze %parallel_loop3A_412 : memref<1x9xf32, #tpu.memory_space<vmem>> -> memref<9xf32, #tpu.memory_space<vmem>>
          %parallel_loop3A_414 = tpu.vector_load_idx %parallel_loop3A_413[%parallel_loop3A_333] : memref<9xf32, #tpu.memory_space<vmem>>[vector<16xi32>], vector<16xf32>,
          %parallel_loop3A_415 = arith.constant 0 : i32
          %parallel_loop3A_416 = arith.constant 0 : i32
          %parallel_loop3A_417 = arith.constant 4 : i32
          %parallel_loop3A_418 = arith.constant 0 : i32
          %parallel_loop3A_419 = arith.constant 0 : i32
          %parallel_loop3A_420 = arith.constant 0 : i32
          %parallel_loop3A_421 = arith.constant 0 : i32
          %parallel_loop3A_422 = tpu.memref_slice %run_scoped3A_8[%rem3A_209, %parallel_loop3A_418, %parallel_loop3A_419, %parallel_loop3A_420, %parallel_loop3A_421] : memref<2x8x2x8x128xf32, #tpu.memory_space<vmem>> -> memref<1x8x2x8x128xf32, #tpu.memory_space<vmem>>
          %parallel_loop3A_423 = tpu.memref_squeeze %parallel_loop3A_422 : memref<1x8x2x8x128xf32, #tpu.memory_space<vmem>> -> memref<8x2x8x128xf32, #tpu.memory_space<vmem>>
          %parallel_loop3A_424 = arith.index_cast %parallel_loop3A_415 : i32 to index
          %parallel_loop3A_425 = arith.index_cast %parallel_loop3A_416 : i32 to index
          %parallel_loop3A_426 = arith.index_cast %parallel_loop3A_417 : i32 to index
          %parallel_loop3A_427 = arith.index_cast %parallel_loop3A_284 : i32 to index
          %parallel_loop3A_428 = tpu.vector_load %parallel_loop3A_423[%parallel_loop3A_424, %parallel_loop3A_425, %parallel_loop3A_426, %parallel_loop3A_427] {strides = array<i32>} : memref<8x2x8x128xf32, #tpu.memory_space<vmem>>, vector<16xf32>,
          tpu.vector_store %parallel_loop3A_423[%parallel_loop3A_424, %parallel_loop3A_425, %parallel_loop3A_426, %parallel_loop3A_427], %parallel_loop3A_414 {strides = array<i32>} : memref<8x2x8x128xf32, #tpu.memory_space<vmem>>, vector<16xf32>,
          %parallel_loop3A_429 = arith.constant 5 : i32
          %parallel_loop3A_430 = arith.constant 0 : i32
          %parallel_loop3A_431 = tpu.memref_slice %arg5[%parallel_loop3A_429, %parallel_loop3A_430] : memref<64x9xf32, #tpu.memory_space<vmem>> -> memref<1x9xf32, #tpu.memory_space<vmem>>
          %parallel_loop3A_432 = tpu.memref_squeeze %parallel_loop3A_431 : memref<1x9xf32, #tpu.memory_space<vmem>> -> memref<9xf32, #tpu.memory_space<vmem>>
          %parallel_loop3A_433 = tpu.vector_load_idx %parallel_loop3A_432[%parallel_loop3A_333] : memref<9xf32, #tpu.memory_space<vmem>>[vector<16xi32>], vector<16xf32>,
          %parallel_loop3A_434 = arith.constant 0 : i32
          %parallel_loop3A_435 = arith.constant 0 : i32
          %parallel_loop3A_436 = arith.constant 5 : i32
          %parallel_loop3A_437 = arith.constant 0 : i32
          %parallel_loop3A_438 = arith.constant 0 : i32
          %parallel_loop3A_439 = arith.constant 0 : i32
          %parallel_loop3A_440 = arith.constant 0 : i32
          %parallel_loop3A_441 = tpu.memref_slice %run_scoped3A_8[%rem3A_209, %parallel_loop3A_437, %parallel_loop3A_438, %parallel_loop3A_439, %parallel_loop3A_440] : memref<2x8x2x8x128xf32, #tpu.memory_space<vmem>> -> memref<1x8x2x8x128xf32, #tpu.memory_space<vmem>>
          %parallel_loop3A_442 = tpu.memref_squeeze %parallel_loop3A_441 : memref<1x8x2x8x128xf32, #tpu.memory_space<vmem>> -> memref<8x2x8x128xf32, #tpu.memory_space<vmem>>
          %parallel_loop3A_443 = arith.index_cast %parallel_loop3A_434 : i32 to index
          %parallel_loop3A_444 = arith.index_cast %parallel_loop3A_435 : i32 to index
          %parallel_loop3A_445 = arith.index_cast %parallel_loop3A_436 : i32 to index
          %parallel_loop3A_446 = arith.index_cast %parallel_loop3A_284 : i32 to index
          %parallel_loop3A_447 = tpu.vector_load %parallel_loop3A_442[%parallel_loop3A_443, %parallel_loop3A_444, %parallel_loop3A_445, %parallel_loop3A_446] {strides = array<i32>} : memref<8x2x8x128xf32, #tpu.memory_space<vmem>>, vector<16xf32>,
          tpu.vector_store %parallel_loop3A_442[%parallel_loop3A_443, %parallel_loop3A_444, %parallel_loop3A_445, %parallel_loop3A_446], %parallel_loop3A_433 {strides = array<i32>} : memref<8x2x8x128xf32, #tpu.memory_space<vmem>>, vector<16xf32>,
          %parallel_loop3A_448 = arith.constant 6 : i32
          %parallel_loop3A_449 = arith.constant 0 : i32
          %parallel_loop3A_450 = tpu.memref_slice %arg5[%parallel_loop3A_448, %parallel_loop3A_449] : memref<64x9xf32, #tpu.memory_space<vmem>> -> memref<1x9xf32, #tpu.memory_space<vmem>>
          %parallel_loop3A_451 = tpu.memref_squeeze %parallel_loop3A_450 : memref<1x9xf32, #tpu.memory_space<vmem>> -> memref<9xf32, #tpu.memory_space<vmem>>
          %parallel_loop3A_452 = tpu.vector_load_idx %parallel_loop3A_451[%parallel_loop3A_333] : memref<9xf32, #tpu.memory_space<vmem>>[vector<16xi32>], vector<16xf32>,
          %parallel_loop3A_453 = arith.constant 0 : i32
          %parallel_loop3A_454 = arith.constant 0 : i32
          %parallel_loop3A_455 = arith.constant 6 : i32
          %parallel_loop3A_456 = arith.constant 0 : i32
          %parallel_loop3A_457 = arith.constant 0 : i32
          %parallel_loop3A_458 = arith.constant 0 : i32
          %parallel_loop3A_459 = arith.constant 0 : i32
          %parallel_loop3A_460 = tpu.memref_slice %run_scoped3A_8[%rem3A_209, %parallel_loop3A_456, %parallel_loop3A_457, %parallel_loop3A_458, %parallel_loop3A_459] : memref<2x8x2x8x128xf32, #tpu.memory_space<vmem>> -> memref<1x8x2x8x128xf32, #tpu.memory_space<vmem>>
          %parallel_loop3A_461 = tpu.memref_squeeze %parallel_loop3A_460 : memref<1x8x2x8x128xf32, #tpu.memory_space<vmem>> -> memref<8x2x8x128xf32, #tpu.memory_space<vmem>>
          %parallel_loop3A_462 = arith.index_cast %parallel_loop3A_453 : i32 to index
          %parallel_loop3A_463 = arith.index_cast %parallel_loop3A_454 : i32 to index
          %parallel_loop3A_464 = arith.index_cast %parallel_loop3A_455 : i32 to index
          %parallel_loop3A_465 = arith.index_cast %parallel_loop3A_284 : i32 to index
          %parallel_loop3A_466 = tpu.vector_load %parallel_loop3A_461[%parallel_loop3A_462, %parallel_loop3A_463, %parallel_loop3A_464, %parallel_loop3A_465] {strides = array<i32>} : memref<8x2x8x128xf32, #tpu.memory_space<vmem>>, vector<16xf32>,
          tpu.vector_store %parallel_loop3A_461[%parallel_loop3A_462, %parallel_loop3A_463, %parallel_loop3A_464, %parallel_loop3A_465], %parallel_loop3A_452 {strides = array<i32>} : memref<8x2x8x128xf32, #tpu.memory_space<vmem>>, vector<16xf32>,
          %parallel_loop3A_467 = arith.constant 7 : i32
          %parallel_loop3A_468 = arith.constant 0 : i32
          %parallel_loop3A_469 = tpu.memref_slice %arg5[%parallel_loop3A_467, %parallel_loop3A_468] : memref<64x9xf32, #tpu.memory_space<vmem>> -> memref<1x9xf32, #tpu.memory_space<vmem>>
          %parallel_loop3A_470 = tpu.memref_squeeze %parallel_loop3A_469 : memref<1x9xf32, #tpu.memory_space<vmem>> -> memref<9xf32, #tpu.memory_space<vmem>>
          %parallel_loop3A_471 = tpu.vector_load_idx %parallel_loop3A_470[%parallel_loop3A_333] : memref<9xf32, #tpu.memory_space<vmem>>[vector<16xi32>], vector<16xf32>,
          %parallel_loop3A_472 = arith.constant 0 : i32
          %parallel_loop3A_473 = arith.constant 0 : i32
          %parallel_loop3A_474 = arith.constant 7 : i32
          %parallel_loop3A_475 = arith.constant 0 : i32
          %parallel_loop3A_476 = arith.constant 0 : i32
          %parallel_loop3A_477 = arith.constant 0 : i32
          %parallel_loop3A_478 = arith.constant 0 : i32
          %parallel_loop3A_479 = tpu.memref_slice %run_scoped3A_8[%rem3A_209, %parallel_loop3A_475, %parallel_loop3A_476, %parallel_loop3A_477, %parallel_loop3A_478] : memref<2x8x2x8x128xf32, #tpu.memory_space<vmem>> -> memref<1x8x2x8x128xf32, #tpu.memory_space<vmem>>
          %parallel_loop3A_480 = tpu.memref_squeeze %parallel_loop3A_479 : memref<1x8x2x8x128xf32, #tpu.memory_space<vmem>> -> memref<8x2x8x128xf32, #tpu.memory_space<vmem>>
          %parallel_loop3A_481 = arith.index_cast %parallel_loop3A_472 : i32 to index
          %parallel_loop3A_482 = arith.index_cast %parallel_loop3A_473 : i32 to index
          %parallel_loop3A_483 = arith.index_cast %parallel_loop3A_474 : i32 to index
          %parallel_loop3A_484 = arith.index_cast %parallel_loop3A_284 : i32 to index
          %parallel_loop3A_485 = tpu.vector_load %parallel_loop3A_480[%parallel_loop3A_481, %parallel_loop3A_482, %parallel_loop3A_483, %parallel_loop3A_484] {strides = array<i32>} : memref<8x2x8x128xf32, #tpu.memory_space<vmem>>, vector<16xf32>,
          tpu.vector_store %parallel_loop3A_480[%parallel_loop3A_481, %parallel_loop3A_482, %parallel_loop3A_483, %parallel_loop3A_484], %parallel_loop3A_471 {strides = array<i32>} : memref<8x2x8x128xf32, #tpu.memory_space<vmem>>, vector<16xf32>,
          %parallel_loop3A_486 = arith.constant 8 : i32
          %parallel_loop3A_487 = arith.constant 0 : i32
          %parallel_loop3A_488 = tpu.memref_slice %arg5[%parallel_loop3A_486, %parallel_loop3A_487] : memref<64x9xf32, #tpu.memory_space<vmem>> -> memref<1x9xf32, #tpu.memory_space<vmem>>
          %parallel_loop3A_489 = tpu.memref_squeeze %parallel_loop3A_488 : memref<1x9xf32, #tpu.memory_space<vmem>> -> memref<9xf32, #tpu.memory_space<vmem>>
          %parallel_loop3A_490 = tpu.vector_load_idx %parallel_loop3A_489[%parallel_loop3A_333] : memref<9xf32, #tpu.memory_space<vmem>>[vector<16xi32>], vector<16xf32>,
          %parallel_loop3A_491 = arith.constant 1 : i32
          %parallel_loop3A_492 = arith.constant 0 : i32
          %parallel_loop3A_493 = arith.constant 0 : i32
          %parallel_loop3A_494 = arith.constant 0 : i32
          %parallel_loop3A_495 = arith.constant 0 : i32
          %parallel_loop3A_496 = arith.constant 0 : i32
          %parallel_loop3A_497 = arith.constant 0 : i32
          %parallel_loop3A_498 = tpu.memref_slice %run_scoped3A_8[%rem3A_209, %parallel_loop3A_494, %parallel_loop3A_495, %parallel_loop3A_496, %parallel_loop3A_497] : memref<2x8x2x8x128xf32, #tpu.memory_space<vmem>> -> memref<1x8x2x8x128xf32, #tpu.memory_space<vmem>>
          %parallel_loop3A_499 = tpu.memref_squeeze %parallel_loop3A_498 : memref<1x8x2x8x128xf32, #tpu.memory_space<vmem>> -> memref<8x2x8x128xf32, #tpu.memory_space<vmem>>
          %parallel_loop3A_500 = arith.index_cast %parallel_loop3A_491 : i32 to index
          %parallel_loop3A_501 = arith.index_cast %parallel_loop3A_492 : i32 to index
          %parallel_loop3A_502 = arith.index_cast %parallel_loop3A_493 : i32 to index
          %parallel_loop3A_503 = arith.index_cast %parallel_loop3A_284 : i32 to index
          %parallel_loop3A_504 = tpu.vector_load %parallel_loop3A_499[%parallel_loop3A_500, %parallel_loop3A_501, %parallel_loop3A_502, %parallel_loop3A_503] {strides = array<i32>} : memref<8x2x8x128xf32, #tpu.memory_space<vmem>>, vector<16xf32>,
          tpu.vector_store %parallel_loop3A_499[%parallel_loop3A_500, %parallel_loop3A_501, %parallel_loop3A_502, %parallel_loop3A_503], %parallel_loop3A_490 {strides = array<i32>} : memref<8x2x8x128xf32, #tpu.memory_space<vmem>>, vector<16xf32>,
          %parallel_loop3A_505 = arith.constant 9 : i32
          %parallel_loop3A_506 = arith.constant 0 : i32
          %parallel_loop3A_507 = tpu.memref_slice %arg5[%parallel_loop3A_505, %parallel_loop3A_506] : memref<64x9xf32, #tpu.memory_space<vmem>> -> memref<1x9xf32, #tpu.memory_space<vmem>>
          %parallel_loop3A_508 = tpu.memref_squeeze %parallel_loop3A_507 : memref<1x9xf32, #tpu.memory_space<vmem>> -> memref<9xf32, #tpu.memory_space<vmem>>
          %parallel_loop3A_509 = tpu.vector_load_idx %parallel_loop3A_508[%parallel_loop3A_333] : memref<9xf32, #tpu.memory_space<vmem>>[vector<16xi32>], vector<16xf32>,
          %parallel_loop3A_510 = arith.constant 1 : i32
          %parallel_loop3A_511 = arith.constant 0 : i32
          %parallel_loop3A_512 = arith.constant 1 : i32
          %parallel_loop3A_513 = arith.constant 0 : i32
          %parallel_loop3A_514 = arith.constant 0 : i32
          %parallel_loop3A_515 = arith.constant 0 : i32
          %parallel_loop3A_516 = arith.constant 0 : i32
          %parallel_loop3A_517 = tpu.memref_slice %run_scoped3A_8[%rem3A_209, %parallel_loop3A_513, %parallel_loop3A_514, %parallel_loop3A_515, %parallel_loop3A_516] : memref<2x8x2x8x128xf32, #tpu.memory_space<vmem>> -> memref<1x8x2x8x128xf32, #tpu.memory_space<vmem>>
          %parallel_loop3A_518 = tpu.memref_squeeze %parallel_loop3A_517 : memref<1x8x2x8x128xf32, #tpu.memory_space<vmem>> -> memref<8x2x8x128xf32, #tpu.memory_space<vmem>>
          %parallel_loop3A_519 = arith.index_cast %parallel_loop3A_510 : i32 to index
          %parallel_loop3A_520 = arith.index_cast %parallel_loop3A_511 : i32 to index
          %parallel_loop3A_521 = arith.index_cast %parallel_loop3A_512 : i32 to index
          %parallel_loop3A_522 = arith.index_cast %parallel_loop3A_284 : i32 to index
          %parallel_loop3A_523 = tpu.vector_load %parallel_loop3A_518[%parallel_loop3A_519, %parallel_loop3A_520, %parallel_loop3A_521, %parallel_loop3A_522] {strides = array<i32>} : memref<8x2x8x128xf32, #tpu.memory_space<vmem>>, vector<16xf32>,
          tpu.vector_store %parallel_loop3A_518[%parallel_loop3A_519, %parallel_loop3A_520, %parallel_loop3A_521, %parallel_loop3A_522], %parallel_loop3A_509 {strides = array<i32>} : memref<8x2x8x128xf32, #tpu.memory_space<vmem>>, vector<16xf32>,
          %parallel_loop3A_524 = arith.constant 10 : i32
          %parallel_loop3A_525 = arith.constant 0 : i32
          %parallel_loop3A_526 = tpu.memref_slice %arg5[%parallel_loop3A_524, %parallel_loop3A_525] : memref<64x9xf32, #tpu.memory_space<vmem>> -> memref<1x9xf32, #tpu.memory_space<vmem>>
          %parallel_loop3A_527 = tpu.memref_squeeze %parallel_loop3A_526 : memref<1x9xf32, #tpu.memory_space<vmem>> -> memref<9xf32, #tpu.memory_space<vmem>>
          %parallel_loop3A_528 = tpu.vector_load_idx %parallel_loop3A_527[%parallel_loop3A_333] : memref<9xf32, #tpu.memory_space<vmem>>[vector<16xi32>], vector<16xf32>,
          %parallel_loop3A_529 = arith.constant 1 : i32
          %parallel_loop3A_530 = arith.constant 0 : i32
          %parallel_loop3A_531 = arith.constant 2 : i32
          %parallel_loop3A_532 = arith.constant 0 : i32
          %parallel_loop3A_533 = arith.constant 0 : i32
          %parallel_loop3A_534 = arith.constant 0 : i32
          %parallel_loop3A_535 = arith.constant 0 : i32
          %parallel_loop3A_536 = tpu.memref_slice %run_scoped3A_8[%rem3A_209, %parallel_loop3A_532, %parallel_loop3A_533, %parallel_loop3A_534, %parallel_loop3A_535] : memref<2x8x2x8x128xf32, #tpu.memory_space<vmem>> -> memref<1x8x2x8x128xf32, #tpu.memory_space<vmem>>
          %parallel_loop3A_537 = tpu.memref_squeeze %parallel_loop3A_536 : memref<1x8x2x8x128xf32, #tpu.memory_space<vmem>> -> memref<8x2x8x128xf32, #tpu.memory_space<vmem>>
          %parallel_loop3A_538 = arith.index_cast %parallel_loop3A_529 : i32 to index
          %parallel_loop3A_539 = arith.index_cast %parallel_loop3A_530 : i32 to index
          %parallel_loop3A_540 = arith.index_cast %parallel_loop3A_531 : i32 to index
          %parallel_loop3A_541 = arith.index_cast %parallel_loop3A_284 : i32 to index
          %parallel_loop3A_542 = tpu.vector_load %parallel_loop3A_537[%parallel_loop3A_538, %parallel_loop3A_539, %parallel_loop3A_540, %parallel_loop3A_541] {strides = array<i32>} : memref<8x2x8x128xf32, #tpu.memory_space<vmem>>, vector<16xf32>,
          tpu.vector_store %parallel_loop3A_537[%parallel_loop3A_538, %parallel_loop3A_539, %parallel_loop3A_540, %parallel_loop3A_541], %parallel_loop3A_528 {strides = array<i32>} : memref<8x2x8x128xf32, #tpu.memory_space<vmem>>, vector<16xf32>,
          %parallel_loop3A_543 = arith.constant 11 : i32
          %parallel_loop3A_544 = arith.constant 0 : i32
          %parallel_loop3A_545 = tpu.memref_slice %arg5[%parallel_loop3A_543, %parallel_loop3A_544] : memref<64x9xf32, #tpu.memory_space<vmem>> -> memref<1x9xf32, #tpu.memory_space<vmem>>
          %parallel_loop3A_546 = tpu.memref_squeeze %parallel_loop3A_545 : memref<1x9xf32, #tpu.memory_space<vmem>> -> memref<9xf32, #tpu.memory_space<vmem>>
          %parallel_loop3A_547 = tpu.vector_load_idx %parallel_loop3A_546[%parallel_loop3A_333] : memref<9xf32, #tpu.memory_space<vmem>>[vector<16xi32>], vector<16xf32>,
          %parallel_loop3A_548 = arith.constant 1 : i32
          %parallel_loop3A_549 = arith.constant 0 : i32
          %parallel_loop3A_550 = arith.constant 3 : i32
          %parallel_loop3A_551 = arith.constant 0 : i32
          %parallel_loop3A_552 = arith.constant 0 : i32
          %parallel_loop3A_553 = arith.constant 0 : i32
          %parallel_loop3A_554 = arith.constant 0 : i32
          %parallel_loop3A_555 = tpu.memref_slice %run_scoped3A_8[%rem3A_209, %parallel_loop3A_551, %parallel_loop3A_552, %parallel_loop3A_553, %parallel_loop3A_554] : memref<2x8x2x8x128xf32, #tpu.memory_space<vmem>> -> memref<1x8x2x8x128xf32, #tpu.memory_space<vmem>>
          %parallel_loop3A_556 = tpu.memref_squeeze %parallel_loop3A_555 : memref<1x8x2x8x128xf32, #tpu.memory_space<vmem>> -> memref<8x2x8x128xf32, #tpu.memory_space<vmem>>
          %parallel_loop3A_557 = arith.index_cast %parallel_loop3A_548 : i32 to index
          %parallel_loop3A_558 = arith.index_cast %parallel_loop3A_549 : i32 to index
          %parallel_loop3A_559 = arith.index_cast %parallel_loop3A_550 : i32 to index
          %parallel_loop3A_560 = arith.index_cast %parallel_loop3A_284 : i32 to index
          %parallel_loop3A_561 = tpu.vector_load %parallel_loop3A_556[%parallel_loop3A_557, %parallel_loop3A_558, %parallel_loop3A_559, %parallel_loop3A_560] {strides = array<i32>} : memref<8x2x8x128xf32, #tpu.memory_space<vmem>>, vector<16xf32>,
          tpu.vector_store %parallel_loop3A_556[%parallel_loop3A_557, %parallel_loop3A_558, %parallel_loop3A_559, %parallel_loop3A_560], %parallel_loop3A_547 {strides = array<i32>} : memref<8x2x8x128xf32, #tpu.memory_space<vmem>>, vector<16xf32>,
          %parallel_loop3A_562 = arith.constant 12 : i32
          %parallel_loop3A_563 = arith.constant 0 : i32
          %parallel_loop3A_564 = tpu.memref_slice %arg5[%parallel_loop3A_562, %parallel_loop3A_563] : memref<64x9xf32, #tpu.memory_space<vmem>> -> memref<1x9xf32, #tpu.memory_space<vmem>>
          %parallel_loop3A_565 = tpu.memref_squeeze %parallel_loop3A_564 : memref<1x9xf32, #tpu.memory_space<vmem>> -> memref<9xf32, #tpu.memory_space<vmem>>
          %parallel_loop3A_566 = tpu.vector_load_idx %parallel_loop3A_565[%parallel_loop3A_333] : memref<9xf32, #tpu.memory_space<vmem>>[vector<16xi32>], vector<16xf32>,
          %parallel_loop3A_567 = arith.constant 1 : i32
          %parallel_loop3A_568 = arith.constant 0 : i32
          %parallel_loop3A_569 = arith.constant 4 : i32
          %parallel_loop3A_570 = arith.constant 0 : i32
          %parallel_loop3A_571 = arith.constant 0 : i32
          %parallel_loop3A_572 = arith.constant 0 : i32
          %parallel_loop3A_573 = arith.constant 0 : i32
          %parallel_loop3A_574 = tpu.memref_slice %run_scoped3A_8[%rem3A_209, %parallel_loop3A_570, %parallel_loop3A_571, %parallel_loop3A_572, %parallel_loop3A_573] : memref<2x8x2x8x128xf32, #tpu.memory_space<vmem>> -> memref<1x8x2x8x128xf32, #tpu.memory_space<vmem>>
          %parallel_loop3A_575 = tpu.memref_squeeze %parallel_loop3A_574 : memref<1x8x2x8x128xf32, #tpu.memory_space<vmem>> -> memref<8x2x8x128xf32, #tpu.memory_space<vmem>>
          %parallel_loop3A_576 = arith.index_cast %parallel_loop3A_567 : i32 to index
          %parallel_loop3A_577 = arith.index_cast %parallel_loop3A_568 : i32 to index
          %parallel_loop3A_578 = arith.index_cast %parallel_loop3A_569 : i32 to index
          %parallel_loop3A_579 = arith.index_cast %parallel_loop3A_284 : i32 to index
          %parallel_loop3A_580 = tpu.vector_load %parallel_loop3A_575[%parallel_loop3A_576, %parallel_loop3A_577, %parallel_loop3A_578, %parallel_loop3A_579] {strides = array<i32>} : memref<8x2x8x128xf32, #tpu.memory_space<vmem>>, vector<16xf32>,
          tpu.vector_store %parallel_loop3A_575[%parallel_loop3A_576, %parallel_loop3A_577, %parallel_loop3A_578, %parallel_loop3A_579], %parallel_loop3A_566 {strides = array<i32>} : memref<8x2x8x128xf32, #tpu.memory_space<vmem>>, vector<16xf32>,
          %parallel_loop3A_581 = arith.constant 13 : i32
          %parallel_loop3A_582 = arith.constant 0 : i32
          %parallel_loop3A_583 = tpu.memref_slice %arg5[%parallel_loop3A_581, %parallel_loop3A_582] : memref<64x9xf32, #tpu.memory_space<vmem>> -> memref<1x9xf32, #tpu.memory_space<vmem>>
          %parallel_loop3A_584 = tpu.memref_squeeze %parallel_loop3A_583 : memref<1x9xf32, #tpu.memory_space<vmem>> -> memref<9xf32, #tpu.memory_space<vmem>>
          %parallel_loop3A_585 = tpu.vector_load_idx %parallel_loop3A_584[%parallel_loop3A_333] : memref<9xf32, #tpu.memory_space<vmem>>[vector<16xi32>], vector<16xf32>,
          %parallel_loop3A_586 = arith.constant 1 : i32
          %parallel_loop3A_587 = arith.constant 0 : i32
          %parallel_loop3A_588 = arith.constant 5 : i32
          %parallel_loop3A_589 = arith.constant 0 : i32
          %parallel_loop3A_590 = arith.constant 0 : i32
          %parallel_loop3A_591 = arith.constant 0 : i32
          %parallel_loop3A_592 = arith.constant 0 : i32
          %parallel_loop3A_593 = tpu.memref_slice %run_scoped3A_8[%rem3A_209, %parallel_loop3A_589, %parallel_loop3A_590, %parallel_loop3A_591, %parallel_loop3A_592] : memref<2x8x2x8x128xf32, #tpu.memory_space<vmem>> -> memref<1x8x2x8x128xf32, #tpu.memory_space<vmem>>
          %parallel_loop3A_594 = tpu.memref_squeeze %parallel_loop3A_593 : memref<1x8x2x8x128xf32, #tpu.memory_space<vmem>> -> memref<8x2x8x128xf32, #tpu.memory_space<vmem>>
          %parallel_loop3A_595 = arith.index_cast %parallel_loop3A_586 : i32 to index
          %parallel_loop3A_596 = arith.index_cast %parallel_loop3A_587 : i32 to index
          %parallel_loop3A_597 = arith.index_cast %parallel_loop3A_588 : i32 to index
          %parallel_loop3A_598 = arith.index_cast %parallel_loop3A_284 : i32 to index
          %parallel_loop3A_599 = tpu.vector_load %parallel_loop3A_594[%parallel_loop3A_595, %parallel_loop3A_596, %parallel_loop3A_597, %parallel_loop3A_598] {strides = array<i32>} : memref<8x2x8x128xf32, #tpu.memory_space<vmem>>, vector<16xf32>,
          tpu.vector_store %parallel_loop3A_594[%parallel_loop3A_595, %parallel_loop3A_596, %parallel_loop3A_597, %parallel_loop3A_598], %parallel_loop3A_585 {strides = array<i32>} : memref<8x2x8x128xf32, #tpu.memory_space<vmem>>, vector<16xf32>,
          %parallel_loop3A_600 = arith.constant 14 : i32
          %parallel_loop3A_601 = arith.constant 0 : i32
          %parallel_loop3A_602 = tpu.memref_slice %arg5[%parallel_loop3A_600, %parallel_loop3A_601] : memref<64x9xf32, #tpu.memory_space<vmem>> -> memref<1x9xf32, #tpu.memory_space<vmem>>
          %parallel_loop3A_603 = tpu.memref_squeeze %parallel_loop3A_602 : memref<1x9xf32, #tpu.memory_space<vmem>> -> memref<9xf32, #tpu.memory_space<vmem>>
          %parallel_loop3A_604 = tpu.vector_load_idx %parallel_loop3A_603[%parallel_loop3A_333] : memref<9xf32, #tpu.memory_space<vmem>>[vector<16xi32>], vector<16xf32>,
          %parallel_loop3A_605 = arith.constant 1 : i32
          %parallel_loop3A_606 = arith.constant 0 : i32
          %parallel_loop3A_607 = arith.constant 6 : i32
          %parallel_loop3A_608 = arith.constant 0 : i32
          %parallel_loop3A_609 = arith.constant 0 : i32
          %parallel_loop3A_610 = arith.constant 0 : i32
          %parallel_loop3A_611 = arith.constant 0 : i32
          %parallel_loop3A_612 = tpu.memref_slice %run_scoped3A_8[%rem3A_209, %parallel_loop3A_608, %parallel_loop3A_609, %parallel_loop3A_610, %parallel_loop3A_611] : memref<2x8x2x8x128xf32, #tpu.memory_space<vmem>> -> memref<1x8x2x8x128xf32, #tpu.memory_space<vmem>>
          %parallel_loop3A_613 = tpu.memref_squeeze %parallel_loop3A_612 : memref<1x8x2x8x128xf32, #tpu.memory_space<vmem>> -> memref<8x2x8x128xf32, #tpu.memory_space<vmem>>
          %parallel_loop3A_614 = arith.index_cast %parallel_loop3A_605 : i32 to index
          %parallel_loop3A_615 = arith.index_cast %parallel_loop3A_606 : i32 to index
          %parallel_loop3A_616 = arith.index_cast %parallel_loop3A_607 : i32 to index
          %parallel_loop3A_617 = arith.index_cast %parallel_loop3A_284 : i32 to index
          %parallel_loop3A_618 = tpu.vector_load %parallel_loop3A_613[%parallel_loop3A_614, %parallel_loop3A_615, %parallel_loop3A_616, %parallel_loop3A_617] {strides = array<i32>} : memref<8x2x8x128xf32, #tpu.memory_space<vmem>>, vector<16xf32>,
          tpu.vector_store %parallel_loop3A_613[%parallel_loop3A_614, %parallel_loop3A_615, %parallel_loop3A_616, %parallel_loop3A_617], %parallel_loop3A_604 {strides = array<i32>} : memref<8x2x8x128xf32, #tpu.memory_space<vmem>>, vector<16xf32>,
          %parallel_loop3A_619 = arith.constant 15 : i32
          %parallel_loop3A_620 = arith.constant 0 : i32
          %parallel_loop3A_621 = tpu.memref_slice %arg5[%parallel_loop3A_619, %parallel_loop3A_620] : memref<64x9xf32, #tpu.memory_space<vmem>> -> memref<1x9xf32, #tpu.memory_space<vmem>>
          %parallel_loop3A_622 = tpu.memref_squeeze %parallel_loop3A_621 : memref<1x9xf32, #tpu.memory_space<vmem>> -> memref<9xf32, #tpu.memory_space<vmem>>
          %parallel_loop3A_623 = tpu.vector_load_idx %parallel_loop3A_622[%parallel_loop3A_333] : memref<9xf32, #tpu.memory_space<vmem>>[vector<16xi32>], vector<16xf32>,
          %parallel_loop3A_624 = arith.constant 1 : i32
          %parallel_loop3A_625 = arith.constant 0 : i32
          %parallel_loop3A_626 = arith.constant 7 : i32
          %parallel_loop3A_627 = arith.constant 0 : i32
          %parallel_loop3A_628 = arith.constant 0 : i32
          %parallel_loop3A_629 = arith.constant 0 : i32
          %parallel_loop3A_630 = arith.constant 0 : i32
          %parallel_loop3A_631 = tpu.memref_slice %run_scoped3A_8[%rem3A_209, %parallel_loop3A_627, %parallel_loop3A_628, %parallel_loop3A_629, %parallel_loop3A_630] : memref<2x8x2x8x128xf32, #tpu.memory_space<vmem>> -> memref<1x8x2x8x128xf32, #tpu.memory_space<vmem>>
          %parallel_loop3A_632 = tpu.memref_squeeze %parallel_loop3A_631 : memref<1x8x2x8x128xf32, #tpu.memory_space<vmem>> -> memref<8x2x8x128xf32, #tpu.memory_space<vmem>>
          %parallel_loop3A_633 = arith.index_cast %parallel_loop3A_624 : i32 to index
          %parallel_loop3A_634 = arith.index_cast %parallel_loop3A_625 : i32 to index
          %parallel_loop3A_635 = arith.index_cast %parallel_loop3A_626 : i32 to index
          %parallel_loop3A_636 = arith.index_cast %parallel_loop3A_284 : i32 to index
          %parallel_loop3A_637 = tpu.vector_load %parallel_loop3A_632[%parallel_loop3A_633, %parallel_loop3A_634, %parallel_loop3A_635, %parallel_loop3A_636] {strides = array<i32>} : memref<8x2x8x128xf32, #tpu.memory_space<vmem>>, vector<16xf32>,
          tpu.vector_store %parallel_loop3A_632[%parallel_loop3A_633, %parallel_loop3A_634, %parallel_loop3A_635, %parallel_loop3A_636], %parallel_loop3A_623 {strides = array<i32>} : memref<8x2x8x128xf32, #tpu.memory_space<vmem>>, vector<16xf32>,
          %parallel_loop3A_638 = arith.constant 16 : i32
          %parallel_loop3A_639 = arith.constant 0 : i32
          %parallel_loop3A_640 = tpu.memref_slice %arg5[%parallel_loop3A_638, %parallel_loop3A_639] : memref<64x9xf32, #tpu.memory_space<vmem>> -> memref<1x9xf32, #tpu.memory_space<vmem>>
          %parallel_loop3A_641 = tpu.memref_squeeze %parallel_loop3A_640 : memref<1x9xf32, #tpu.memory_space<vmem>> -> memref<9xf32, #tpu.memory_space<vmem>>
          %parallel_loop3A_642 = tpu.vector_load_idx %parallel_loop3A_641[%parallel_loop3A_333] : memref<9xf32, #tpu.memory_space<vmem>>[vector<16xi32>], vector<16xf32>,
          %parallel_loop3A_643 = arith.constant 2 : i32
          %parallel_loop3A_644 = arith.constant 0 : i32
          %parallel_loop3A_645 = arith.constant 0 : i32
          %parallel_loop3A_646 = arith.constant 0 : i32
          %parallel_loop3A_647 = arith.constant 0 : i32
          %parallel_loop3A_648 = arith.constant 0 : i32
          %parallel_loop3A_649 = arith.constant 0 : i32
          %parallel_loop3A_650 = tpu.memref_slice %run_scoped3A_8[%rem3A_209, %parallel_loop3A_646, %parallel_loop3A_647, %parallel_loop3A_648, %parallel_loop3A_649] : memref<2x8x2x8x128xf32, #tpu.memory_space<vmem>> -> memref<1x8x2x8x128xf32, #tpu.memory_space<vmem>>
          %parallel_loop3A_651 = tpu.memref_squeeze %parallel_loop3A_650 : memref<1x8x2x8x128xf32, #tpu.memory_space<vmem>> -> memref<8x2x8x128xf32, #tpu.memory_space<vmem>>
          %parallel_loop3A_652 = arith.index_cast %parallel_loop3A_643 : i32 to index
          %parallel_loop3A_653 = arith.index_cast %parallel_loop3A_644 : i32 to index
          %parallel_loop3A_654 = arith.index_cast %parallel_loop3A_645 : i32 to index
          %parallel_loop3A_655 = arith.index_cast %parallel_loop3A_284 : i32 to index
          %parallel_loop3A_656 = tpu.vector_load %parallel_loop3A_651[%parallel_loop3A_652, %parallel_loop3A_653, %parallel_loop3A_654, %parallel_loop3A_655] {strides = array<i32>} : memref<8x2x8x128xf32, #tpu.memory_space<vmem>>, vector<16xf32>,
          tpu.vector_store %parallel_loop3A_651[%parallel_loop3A_652, %parallel_loop3A_653, %parallel_loop3A_654, %parallel_loop3A_655], %parallel_loop3A_642 {strides = array<i32>} : memref<8x2x8x128xf32, #tpu.memory_space<vmem>>, vector<16xf32>,
          %parallel_loop3A_657 = arith.constant 17 : i32
          %parallel_loop3A_658 = arith.constant 0 : i32
          %parallel_loop3A_659 = tpu.memref_slice %arg5[%parallel_loop3A_657, %parallel_loop3A_658] : memref<64x9xf32, #tpu.memory_space<vmem>> -> memref<1x9xf32, #tpu.memory_space<vmem>>
          %parallel_loop3A_660 = tpu.memref_squeeze %parallel_loop3A_659 : memref<1x9xf32, #tpu.memory_space<vmem>> -> memref<9xf32, #tpu.memory_space<vmem>>
          %parallel_loop3A_661 = tpu.vector_load_idx %parallel_loop3A_660[%parallel_loop3A_333] : memref<9xf32, #tpu.memory_space<vmem>>[vector<16xi32>], vector<16xf32>,
          %parallel_loop3A_662 = arith.constant 2 : i32
          %parallel_loop3A_663 = arith.constant 0 : i32
          %parallel_loop3A_664 = arith.constant 1 : i32
          %parallel_loop3A_665 = arith.constant 0 : i32
          %parallel_loop3A_666 = arith.constant 0 : i32
          %parallel_loop3A_667 = arith.constant 0 : i32
          %parallel_loop3A_668 = arith.constant 0 : i32
          %parallel_loop3A_669 = tpu.memref_slice %run_scoped3A_8[%rem3A_209, %parallel_loop3A_665, %parallel_loop3A_666, %parallel_loop3A_667, %parallel_loop3A_668] : memref<2x8x2x8x128xf32, #tpu.memory_space<vmem>> -> memref<1x8x2x8x128xf32, #tpu.memory_space<vmem>>
          %parallel_loop3A_670 = tpu.memref_squeeze %parallel_loop3A_669 : memref<1x8x2x8x128xf32, #tpu.memory_space<vmem>> -> memref<8x2x8x128xf32, #tpu.memory_space<vmem>>
          %parallel_loop3A_671 = arith.index_cast %parallel_loop3A_662 : i32 to index
          %parallel_loop3A_672 = arith.index_cast %parallel_loop3A_663 : i32 to index
          %parallel_loop3A_673 = arith.index_cast %parallel_loop3A_664 : i32 to index
          %parallel_loop3A_674 = arith.index_cast %parallel_loop3A_284 : i32 to index
          %parallel_loop3A_675 = tpu.vector_load %parallel_loop3A_670[%parallel_loop3A_671, %parallel_loop3A_672, %parallel_loop3A_673, %parallel_loop3A_674] {strides = array<i32>} : memref<8x2x8x128xf32, #tpu.memory_space<vmem>>, vector<16xf32>,
          tpu.vector_store %parallel_loop3A_670[%parallel_loop3A_671, %parallel_loop3A_672, %parallel_loop3A_673, %parallel_loop3A_674], %parallel_loop3A_661 {strides = array<i32>} : memref<8x2x8x128xf32, #tpu.memory_space<vmem>>, vector<16xf32>,
          %parallel_loop3A_676 = arith.constant 18 : i32
          %parallel_loop3A_677 = arith.constant 0 : i32
          %parallel_loop3A_678 = tpu.memref_slice %arg5[%parallel_loop3A_676, %parallel_loop3A_677] : memref<64x9xf32, #tpu.memory_space<vmem>> -> memref<1x9xf32, #tpu.memory_space<vmem>>
          %parallel_loop3A_679 = tpu.memref_squeeze %parallel_loop3A_678 : memref<1x9xf32, #tpu.memory_space<vmem>> -> memref<9xf32, #tpu.memory_space<vmem>>
          %parallel_loop3A_680 = tpu.vector_load_idx %parallel_loop3A_679[%parallel_loop3A_333] : memref<9xf32, #tpu.memory_space<vmem>>[vector<16xi32>], vector<16xf32>,
          %parallel_loop3A_681 = arith.constant 2 : i32
          %parallel_loop3A_682 = arith.constant 0 : i32
          %parallel_loop3A_683 = arith.constant 2 : i32
          %parallel_loop3A_684 = arith.constant 0 : i32
          %parallel_loop3A_685 = arith.constant 0 : i32
          %parallel_loop3A_686 = arith.constant 0 : i32
          %parallel_loop3A_687 = arith.constant 0 : i32
          %parallel_loop3A_688 = tpu.memref_slice %run_scoped3A_8[%rem3A_209, %parallel_loop3A_684, %parallel_loop3A_685, %parallel_loop3A_686, %parallel_loop3A_687] : memref<2x8x2x8x128xf32, #tpu.memory_space<vmem>> -> memref<1x8x2x8x128xf32, #tpu.memory_space<vmem>>
          %parallel_loop3A_689 = tpu.memref_squeeze %parallel_loop3A_688 : memref<1x8x2x8x128xf32, #tpu.memory_space<vmem>> -> memref<8x2x8x128xf32, #tpu.memory_space<vmem>>
          %parallel_loop3A_690 = arith.index_cast %parallel_loop3A_681 : i32 to index
          %parallel_loop3A_691 = arith.index_cast %parallel_loop3A_682 : i32 to index
          %parallel_loop3A_692 = arith.index_cast %parallel_loop3A_683 : i32 to index
          %parallel_loop3A_693 = arith.index_cast %parallel_loop3A_284 : i32 to index
          %parallel_loop3A_694 = tpu.vector_load %parallel_loop3A_689[%parallel_loop3A_690, %parallel_loop3A_691, %parallel_loop3A_692, %parallel_loop3A_693] {strides = array<i32>} : memref<8x2x8x128xf32, #tpu.memory_space<vmem>>, vector<16xf32>,
          tpu.vector_store %parallel_loop3A_689[%parallel_loop3A_690, %parallel_loop3A_691, %parallel_loop3A_692, %parallel_loop3A_693], %parallel_loop3A_680 {strides = array<i32>} : memref<8x2x8x128xf32, #tpu.memory_space<vmem>>, vector<16xf32>,
          %parallel_loop3A_695 = arith.constant 19 : i32
          %parallel_loop3A_696 = arith.constant 0 : i32
          %parallel_loop3A_697 = tpu.memref_slice %arg5[%parallel_loop3A_695, %parallel_loop3A_696] : memref<64x9xf32, #tpu.memory_space<vmem>> -> memref<1x9xf32, #tpu.memory_space<vmem>>
          %parallel_loop3A_698 = tpu.memref_squeeze %parallel_loop3A_697 : memref<1x9xf32, #tpu.memory_space<vmem>> -> memref<9xf32, #tpu.memory_space<vmem>>
          %parallel_loop3A_699 = tpu.vector_load_idx %parallel_loop3A_698[%parallel_loop3A_333] : memref<9xf32, #tpu.memory_space<vmem>>[vector<16xi32>], vector<16xf32>,
          %parallel_loop3A_700 = arith.constant 2 : i32
          %parallel_loop3A_701 = arith.constant 0 : i32
          %parallel_loop3A_702 = arith.constant 3 : i32
          %parallel_loop3A_703 = arith.constant 0 : i32
          %parallel_loop3A_704 = arith.constant 0 : i32
          %parallel_loop3A_705 = arith.constant 0 : i32
          %parallel_loop3A_706 = arith.constant 0 : i32
          %parallel_loop3A_707 = tpu.memref_slice %run_scoped3A_8[%rem3A_209, %parallel_loop3A_703, %parallel_loop3A_704, %parallel_loop3A_705, %parallel_loop3A_706] : memref<2x8x2x8x128xf32, #tpu.memory_space<vmem>> -> memref<1x8x2x8x128xf32, #tpu.memory_space<vmem>>
          %parallel_loop3A_708 = tpu.memref_squeeze %parallel_loop3A_707 : memref<1x8x2x8x128xf32, #tpu.memory_space<vmem>> -> memref<8x2x8x128xf32, #tpu.memory_space<vmem>>
          %parallel_loop3A_709 = arith.index_cast %parallel_loop3A_700 : i32 to index
          %parallel_loop3A_710 = arith.index_cast %parallel_loop3A_701 : i32 to index
          %parallel_loop3A_711 = arith.index_cast %parallel_loop3A_702 : i32 to index
          %parallel_loop3A_712 = arith.index_cast %parallel_loop3A_284 : i32 to index
          %parallel_loop3A_713 = tpu.vector_load %parallel_loop3A_708[%parallel_loop3A_709, %parallel_loop3A_710, %parallel_loop3A_711, %parallel_loop3A_712] {strides = array<i32>} : memref<8x2x8x128xf32, #tpu.memory_space<vmem>>, vector<16xf32>,
          tpu.vector_store %parallel_loop3A_708[%parallel_loop3A_709, %parallel_loop3A_710, %parallel_loop3A_711, %parallel_loop3A_712], %parallel_loop3A_699 {strides = array<i32>} : memref<8x2x8x128xf32, #tpu.memory_space<vmem>>, vector<16xf32>,
          %parallel_loop3A_714 = arith.constant 20 : i32
          %parallel_loop3A_715 = arith.constant 0 : i32
          %parallel_loop3A_716 = tpu.memref_slice %arg5[%parallel_loop3A_714, %parallel_loop3A_715] : memref<64x9xf32, #tpu.memory_space<vmem>> -> memref<1x9xf32, #tpu.memory_space<vmem>>
          %parallel_loop3A_717 = tpu.memref_squeeze %parallel_loop3A_716 : memref<1x9xf32, #tpu.memory_space<vmem>> -> memref<9xf32, #tpu.memory_space<vmem>>
          %parallel_loop3A_718 = tpu.vector_load_idx %parallel_loop3A_717[%parallel_loop3A_333] : memref<9xf32, #tpu.memory_space<vmem>>[vector<16xi32>], vector<16xf32>,
          %parallel_loop3A_719 = arith.constant 2 : i32
          %parallel_loop3A_720 = arith.constant 0 : i32
          %parallel_loop3A_721 = arith.constant 4 : i32
          %parallel_loop3A_722 = arith.constant 0 : i32
          %parallel_loop3A_723 = arith.constant 0 : i32
          %parallel_loop3A_724 = arith.constant 0 : i32
          %parallel_loop3A_725 = arith.constant 0 : i32
          %parallel_loop3A_726 = tpu.memref_slice %run_scoped3A_8[%rem3A_209, %parallel_loop3A_722, %parallel_loop3A_723, %parallel_loop3A_724, %parallel_loop3A_725] : memref<2x8x2x8x128xf32, #tpu.memory_space<vmem>> -> memref<1x8x2x8x128xf32, #tpu.memory_space<vmem>>
          %parallel_loop3A_727 = tpu.memref_squeeze %parallel_loop3A_726 : memref<1x8x2x8x128xf32, #tpu.memory_space<vmem>> -> memref<8x2x8x128xf32, #tpu.memory_space<vmem>>
          %parallel_loop3A_728 = arith.index_cast %parallel_loop3A_719 : i32 to index
          %parallel_loop3A_729 = arith.index_cast %parallel_loop3A_720 : i32 to index
          %parallel_loop3A_730 = arith.index_cast %parallel_loop3A_721 : i32 to index
          %parallel_loop3A_731 = arith.index_cast %parallel_loop3A_284 : i32 to index
          %parallel_loop3A_732 = tpu.vector_load %parallel_loop3A_727[%parallel_loop3A_728, %parallel_loop3A_729, %parallel_loop3A_730, %parallel_loop3A_731] {strides = array<i32>} : memref<8x2x8x128xf32, #tpu.memory_space<vmem>>, vector<16xf32>,
          tpu.vector_store %parallel_loop3A_727[%parallel_loop3A_728, %parallel_loop3A_729, %parallel_loop3A_730, %parallel_loop3A_731], %parallel_loop3A_718 {strides = array<i32>} : memref<8x2x8x128xf32, #tpu.memory_space<vmem>>, vector<16xf32>,
          %parallel_loop3A_733 = arith.constant 21 : i32
          %parallel_loop3A_734 = arith.constant 0 : i32
          %parallel_loop3A_735 = tpu.memref_slice %arg5[%parallel_loop3A_733, %parallel_loop3A_734] : memref<64x9xf32, #tpu.memory_space<vmem>> -> memref<1x9xf32, #tpu.memory_space<vmem>>
          %parallel_loop3A_736 = tpu.memref_squeeze %parallel_loop3A_735 : memref<1x9xf32, #tpu.memory_space<vmem>> -> memref<9xf32, #tpu.memory_space<vmem>>
          %parallel_loop3A_737 = tpu.vector_load_idx %parallel_loop3A_736[%parallel_loop3A_333] : memref<9xf32, #tpu.memory_space<vmem>>[vector<16xi32>], vector<16xf32>,
          %parallel_loop3A_738 = arith.constant 2 : i32
          %parallel_loop3A_739 = arith.constant 0 : i32
          %parallel_loop3A_740 = arith.constant 5 : i32
          %parallel_loop3A_741 = arith.constant 0 : i32
          %parallel_loop3A_742 = arith.constant 0 : i32
          %parallel_loop3A_743 = arith.constant 0 : i32
          %parallel_loop3A_744 = arith.constant 0 : i32
          %parallel_loop3A_745 = tpu.memref_slice %run_scoped3A_8[%rem3A_209, %parallel_loop3A_741, %parallel_loop3A_742, %parallel_loop3A_743, %parallel_loop3A_744] : memref<2x8x2x8x128xf32, #tpu.memory_space<vmem>> -> memref<1x8x2x8x128xf32, #tpu.memory_space<vmem>>
          %parallel_loop3A_746 = tpu.memref_squeeze %parallel_loop3A_745 : memref<1x8x2x8x128xf32, #tpu.memory_space<vmem>> -> memref<8x2x8x128xf32, #tpu.memory_space<vmem>>
          %parallel_loop3A_747 = arith.index_cast %parallel_loop3A_738 : i32 to index
          %parallel_loop3A_748 = arith.index_cast %parallel_loop3A_739 : i32 to index
          %parallel_loop3A_749 = arith.index_cast %parallel_loop3A_740 : i32 to index
          %parallel_loop3A_750 = arith.index_cast %parallel_loop3A_284 : i32 to index
          %parallel_loop3A_751 = tpu.vector_load %parallel_loop3A_746[%parallel_loop3A_747, %parallel_loop3A_748, %parallel_loop3A_749, %parallel_loop3A_750] {strides = array<i32>} : memref<8x2x8x128xf32, #tpu.memory_space<vmem>>, vector<16xf32>,
          tpu.vector_store %parallel_loop3A_746[%parallel_loop3A_747, %parallel_loop3A_748, %parallel_loop3A_749, %parallel_loop3A_750], %parallel_loop3A_737 {strides = array<i32>} : memref<8x2x8x128xf32, #tpu.memory_space<vmem>>, vector<16xf32>,
          %parallel_loop3A_752 = arith.constant 22 : i32
          %parallel_loop3A_753 = arith.constant 0 : i32
          %parallel_loop3A_754 = tpu.memref_slice %arg5[%parallel_loop3A_752, %parallel_loop3A_753] : memref<64x9xf32, #tpu.memory_space<vmem>> -> memref<1x9xf32, #tpu.memory_space<vmem>>
          %parallel_loop3A_755 = tpu.memref_squeeze %parallel_loop3A_754 : memref<1x9xf32, #tpu.memory_space<vmem>> -> memref<9xf32, #tpu.memory_space<vmem>>
          %parallel_loop3A_756 = tpu.vector_load_idx %parallel_loop3A_755[%parallel_loop3A_333] : memref<9xf32, #tpu.memory_space<vmem>>[vector<16xi32>], vector<16xf32>,
          %parallel_loop3A_757 = arith.constant 2 : i32
          %parallel_loop3A_758 = arith.constant 0 : i32
          %parallel_loop3A_759 = arith.constant 6 : i32
          %parallel_loop3A_760 = arith.constant 0 : i32
          %parallel_loop3A_761 = arith.constant 0 : i32
          %parallel_loop3A_762 = arith.constant 0 : i32
          %parallel_loop3A_763 = arith.constant 0 : i32
          %parallel_loop3A_764 = tpu.memref_slice %run_scoped3A_8[%rem3A_209, %parallel_loop3A_760, %parallel_loop3A_761, %parallel_loop3A_762, %parallel_loop3A_763] : memref<2x8x2x8x128xf32, #tpu.memory_space<vmem>> -> memref<1x8x2x8x128xf32, #tpu.memory_space<vmem>>
          %parallel_loop3A_765 = tpu.memref_squeeze %parallel_loop3A_764 : memref<1x8x2x8x128xf32, #tpu.memory_space<vmem>> -> memref<8x2x8x128xf32, #tpu.memory_space<vmem>>
          %parallel_loop3A_766 = arith.index_cast %parallel_loop3A_757 : i32 to index
          %parallel_loop3A_767 = arith.index_cast %parallel_loop3A_758 : i32 to index
          %parallel_loop3A_768 = arith.index_cast %parallel_loop3A_759 : i32 to index
          %parallel_loop3A_769 = arith.index_cast %parallel_loop3A_284 : i32 to index
          %parallel_loop3A_770 = tpu.vector_load %parallel_loop3A_765[%parallel_loop3A_766, %parallel_loop3A_767, %parallel_loop3A_768, %parallel_loop3A_769] {strides = array<i32>} : memref<8x2x8x128xf32, #tpu.memory_space<vmem>>, vector<16xf32>,
          tpu.vector_store %parallel_loop3A_765[%parallel_loop3A_766, %parallel_loop3A_767, %parallel_loop3A_768, %parallel_loop3A_769], %parallel_loop3A_756 {strides = array<i32>} : memref<8x2x8x128xf32, #tpu.memory_space<vmem>>, vector<16xf32>,
          %parallel_loop3A_771 = arith.constant 23 : i32
          %parallel_loop3A_772 = arith.constant 0 : i32
          %parallel_loop3A_773 = tpu.memref_slice %arg5[%parallel_loop3A_771, %parallel_loop3A_772] : memref<64x9xf32, #tpu.memory_space<vmem>> -> memref<1x9xf32, #tpu.memory_space<vmem>>
          %parallel_loop3A_774 = tpu.memref_squeeze %parallel_loop3A_773 : memref<1x9xf32, #tpu.memory_space<vmem>> -> memref<9xf32, #tpu.memory_space<vmem>>
          %parallel_loop3A_775 = tpu.vector_load_idx %parallel_loop3A_774[%parallel_loop3A_333] : memref<9xf32, #tpu.memory_space<vmem>>[vector<16xi32>], vector<16xf32>,
          %parallel_loop3A_776 = arith.constant 2 : i32
          %parallel_loop3A_777 = arith.constant 0 : i32
          %parallel_loop3A_778 = arith.constant 7 : i32
          %parallel_loop3A_779 = arith.constant 0 : i32
          %parallel_loop3A_780 = arith.constant 0 : i32
          %parallel_loop3A_781 = arith.constant 0 : i32
          %parallel_loop3A_782 = arith.constant 0 : i32
          %parallel_loop3A_783 = tpu.memref_slice %run_scoped3A_8[%rem3A_209, %parallel_loop3A_779, %parallel_loop3A_780, %parallel_loop3A_781, %parallel_loop3A_782] : memref<2x8x2x8x128xf32, #tpu.memory_space<vmem>> -> memref<1x8x2x8x128xf32, #tpu.memory_space<vmem>>
          %parallel_loop3A_784 = tpu.memref_squeeze %parallel_loop3A_783 : memref<1x8x2x8x128xf32, #tpu.memory_space<vmem>> -> memref<8x2x8x128xf32, #tpu.memory_space<vmem>>
          %parallel_loop3A_785 = arith.index_cast %parallel_loop3A_776 : i32 to index
          %parallel_loop3A_786 = arith.index_cast %parallel_loop3A_777 : i32 to index
          %parallel_loop3A_787 = arith.index_cast %parallel_loop3A_778 : i32 to index
          %parallel_loop3A_788 = arith.index_cast %parallel_loop3A_284 : i32 to index
          %parallel_loop3A_789 = tpu.vector_load %parallel_loop3A_784[%parallel_loop3A_785, %parallel_loop3A_786, %parallel_loop3A_787, %parallel_loop3A_788] {strides = array<i32>} : memref<8x2x8x128xf32, #tpu.memory_space<vmem>>, vector<16xf32>,
          tpu.vector_store %parallel_loop3A_784[%parallel_loop3A_785, %parallel_loop3A_786, %parallel_loop3A_787, %parallel_loop3A_788], %parallel_loop3A_775 {strides = array<i32>} : memref<8x2x8x128xf32, #tpu.memory_space<vmem>>, vector<16xf32>,
          %parallel_loop3A_790 = arith.constant 24 : i32
          %parallel_loop3A_791 = arith.constant 0 : i32
          %parallel_loop3A_792 = tpu.memref_slice %arg5[%parallel_loop3A_790, %parallel_loop3A_791] : memref<64x9xf32, #tpu.memory_space<vmem>> -> memref<1x9xf32, #tpu.memory_space<vmem>>
          %parallel_loop3A_793 = tpu.memref_squeeze %parallel_loop3A_792 : memref<1x9xf32, #tpu.memory_space<vmem>> -> memref<9xf32, #tpu.memory_space<vmem>>
          %parallel_loop3A_794 = tpu.vector_load_idx %parallel_loop3A_793[%parallel_loop3A_333] : memref<9xf32, #tpu.memory_space<vmem>>[vector<16xi32>], vector<16xf32>,
          %parallel_loop3A_795 = arith.constant 3 : i32
          %parallel_loop3A_796 = arith.constant 0 : i32
          %parallel_loop3A_797 = arith.constant 0 : i32
          %parallel_loop3A_798 = arith.constant 0 : i32
          %parallel_loop3A_799 = arith.constant 0 : i32
          %parallel_loop3A_800 = arith.constant 0 : i32
          %parallel_loop3A_801 = arith.constant 0 : i32
          %parallel_loop3A_802 = tpu.memref_slice %run_scoped3A_8[%rem3A_209, %parallel_loop3A_798, %parallel_loop3A_799, %parallel_loop3A_800, %parallel_loop3A_801] : memref<2x8x2x8x128xf32, #tpu.memory_space<vmem>> -> memref<1x8x2x8x128xf32, #tpu.memory_space<vmem>>
          %parallel_loop3A_803 = tpu.memref_squeeze %parallel_loop3A_802 : memref<1x8x2x8x128xf32, #tpu.memory_space<vmem>> -> memref<8x2x8x128xf32, #tpu.memory_space<vmem>>
          %parallel_loop3A_804 = arith.index_cast %parallel_loop3A_795 : i32 to index
          %parallel_loop3A_805 = arith.index_cast %parallel_loop3A_796 : i32 to index
          %parallel_loop3A_806 = arith.index_cast %parallel_loop3A_797 : i32 to index
          %parallel_loop3A_807 = arith.index_cast %parallel_loop3A_284 : i32 to index
          %parallel_loop3A_808 = tpu.vector_load %parallel_loop3A_803[%parallel_loop3A_804, %parallel_loop3A_805, %parallel_loop3A_806, %parallel_loop3A_807] {strides = array<i32>} : memref<8x2x8x128xf32, #tpu.memory_space<vmem>>, vector<16xf32>,
          tpu.vector_store %parallel_loop3A_803[%parallel_loop3A_804, %parallel_loop3A_805, %parallel_loop3A_806, %parallel_loop3A_807], %parallel_loop3A_794 {strides = array<i32>} : memref<8x2x8x128xf32, #tpu.memory_space<vmem>>, vector<16xf32>,
          %parallel_loop3A_809 = arith.constant 25 : i32
          %parallel_loop3A_810 = arith.constant 0 : i32
          %parallel_loop3A_811 = tpu.memref_slice %arg5[%parallel_loop3A_809, %parallel_loop3A_810] : memref<64x9xf32, #tpu.memory_space<vmem>> -> memref<1x9xf32, #tpu.memory_space<vmem>>
          %parallel_loop3A_812 = tpu.memref_squeeze %parallel_loop3A_811 : memref<1x9xf32, #tpu.memory_space<vmem>> -> memref<9xf32, #tpu.memory_space<vmem>>
          %parallel_loop3A_813 = tpu.vector_load_idx %parallel_loop3A_812[%parallel_loop3A_333] : memref<9xf32, #tpu.memory_space<vmem>>[vector<16xi32>], vector<16xf32>,
          %parallel_loop3A_814 = arith.constant 3 : i32
          %parallel_loop3A_815 = arith.constant 0 : i32
          %parallel_loop3A_816 = arith.constant 1 : i32
          %parallel_loop3A_817 = arith.constant 0 : i32
          %parallel_loop3A_818 = arith.constant 0 : i32
          %parallel_loop3A_819 = arith.constant 0 : i32
          %parallel_loop3A_820 = arith.constant 0 : i32
          %parallel_loop3A_821 = tpu.memref_slice %run_scoped3A_8[%rem3A_209, %parallel_loop3A_817, %parallel_loop3A_818, %parallel_loop3A_819, %parallel_loop3A_820] : memref<2x8x2x8x128xf32, #tpu.memory_space<vmem>> -> memref<1x8x2x8x128xf32, #tpu.memory_space<vmem>>
          %parallel_loop3A_822 = tpu.memref_squeeze %parallel_loop3A_821 : memref<1x8x2x8x128xf32, #tpu.memory_space<vmem>> -> memref<8x2x8x128xf32, #tpu.memory_space<vmem>>
          %parallel_loop3A_823 = arith.index_cast %parallel_loop3A_814 : i32 to index
          %parallel_loop3A_824 = arith.index_cast %parallel_loop3A_815 : i32 to index
          %parallel_loop3A_825 = arith.index_cast %parallel_loop3A_816 : i32 to index
          %parallel_loop3A_826 = arith.index_cast %parallel_loop3A_284 : i32 to index
          %parallel_loop3A_827 = tpu.vector_load %parallel_loop3A_822[%parallel_loop3A_823, %parallel_loop3A_824, %parallel_loop3A_825, %parallel_loop3A_826] {strides = array<i32>} : memref<8x2x8x128xf32, #tpu.memory_space<vmem>>, vector<16xf32>,
          tpu.vector_store %parallel_loop3A_822[%parallel_loop3A_823, %parallel_loop3A_824, %parallel_loop3A_825, %parallel_loop3A_826], %parallel_loop3A_813 {strides = array<i32>} : memref<8x2x8x128xf32, #tpu.memory_space<vmem>>, vector<16xf32>,
          %parallel_loop3A_828 = arith.constant 26 : i32
          %parallel_loop3A_829 = arith.constant 0 : i32
          %parallel_loop3A_830 = tpu.memref_slice %arg5[%parallel_loop3A_828, %parallel_loop3A_829] : memref<64x9xf32, #tpu.memory_space<vmem>> -> memref<1x9xf32, #tpu.memory_space<vmem>>
          %parallel_loop3A_831 = tpu.memref_squeeze %parallel_loop3A_830 : memref<1x9xf32, #tpu.memory_space<vmem>> -> memref<9xf32, #tpu.memory_space<vmem>>
          %parallel_loop3A_832 = tpu.vector_load_idx %parallel_loop3A_831[%parallel_loop3A_333] : memref<9xf32, #tpu.memory_space<vmem>>[vector<16xi32>], vector<16xf32>,
          %parallel_loop3A_833 = arith.constant 3 : i32
          %parallel_loop3A_834 = arith.constant 0 : i32
          %parallel_loop3A_835 = arith.constant 2 : i32
          %parallel_loop3A_836 = arith.constant 0 : i32
          %parallel_loop3A_837 = arith.constant 0 : i32
          %parallel_loop3A_838 = arith.constant 0 : i32
          %parallel_loop3A_839 = arith.constant 0 : i32
          %parallel_loop3A_840 = tpu.memref_slice %run_scoped3A_8[%rem3A_209, %parallel_loop3A_836, %parallel_loop3A_837, %parallel_loop3A_838, %parallel_loop3A_839] : memref<2x8x2x8x128xf32, #tpu.memory_space<vmem>> -> memref<1x8x2x8x128xf32, #tpu.memory_space<vmem>>
          %parallel_loop3A_841 = tpu.memref_squeeze %parallel_loop3A_840 : memref<1x8x2x8x128xf32, #tpu.memory_space<vmem>> -> memref<8x2x8x128xf32, #tpu.memory_space<vmem>>
          %parallel_loop3A_842 = arith.index_cast %parallel_loop3A_833 : i32 to index
          %parallel_loop3A_843 = arith.index_cast %parallel_loop3A_834 : i32 to index
          %parallel_loop3A_844 = arith.index_cast %parallel_loop3A_835 : i32 to index
          %parallel_loop3A_845 = arith.index_cast %parallel_loop3A_284 : i32 to index
          %parallel_loop3A_846 = tpu.vector_load %parallel_loop3A_841[%parallel_loop3A_842, %parallel_loop3A_843, %parallel_loop3A_844, %parallel_loop3A_845] {strides = array<i32>} : memref<8x2x8x128xf32, #tpu.memory_space<vmem>>, vector<16xf32>,
          tpu.vector_store %parallel_loop3A_841[%parallel_loop3A_842, %parallel_loop3A_843, %parallel_loop3A_844, %parallel_loop3A_845], %parallel_loop3A_832 {strides = array<i32>} : memref<8x2x8x128xf32, #tpu.memory_space<vmem>>, vector<16xf32>,
          %parallel_loop3A_847 = arith.constant 27 : i32
          %parallel_loop3A_848 = arith.constant 0 : i32
          %parallel_loop3A_849 = tpu.memref_slice %arg5[%parallel_loop3A_847, %parallel_loop3A_848] : memref<64x9xf32, #tpu.memory_space<vmem>> -> memref<1x9xf32, #tpu.memory_space<vmem>>
          %parallel_loop3A_850 = tpu.memref_squeeze %parallel_loop3A_849 : memref<1x9xf32, #tpu.memory_space<vmem>> -> memref<9xf32, #tpu.memory_space<vmem>>
          %parallel_loop3A_851 = tpu.vector_load_idx %parallel_loop3A_850[%parallel_loop3A_333] : memref<9xf32, #tpu.memory_space<vmem>>[vector<16xi32>], vector<16xf32>,
          %parallel_loop3A_852 = arith.constant 3 : i32
          %parallel_loop3A_853 = arith.constant 0 : i32
          %parallel_loop3A_854 = arith.constant 3 : i32
          %parallel_loop3A_855 = arith.constant 0 : i32
          %parallel_loop3A_856 = arith.constant 0 : i32
          %parallel_loop3A_857 = arith.constant 0 : i32
          %parallel_loop3A_858 = arith.constant 0 : i32
          %parallel_loop3A_859 = tpu.memref_slice %run_scoped3A_8[%rem3A_209, %parallel_loop3A_855, %parallel_loop3A_856, %parallel_loop3A_857, %parallel_loop3A_858] : memref<2x8x2x8x128xf32, #tpu.memory_space<vmem>> -> memref<1x8x2x8x128xf32, #tpu.memory_space<vmem>>
          %parallel_loop3A_860 = tpu.memref_squeeze %parallel_loop3A_859 : memref<1x8x2x8x128xf32, #tpu.memory_space<vmem>> -> memref<8x2x8x128xf32, #tpu.memory_space<vmem>>
          %parallel_loop3A_861 = arith.index_cast %parallel_loop3A_852 : i32 to index
          %parallel_loop3A_862 = arith.index_cast %parallel_loop3A_853 : i32 to index
          %parallel_loop3A_863 = arith.index_cast %parallel_loop3A_854 : i32 to index
          %parallel_loop3A_864 = arith.index_cast %parallel_loop3A_284 : i32 to index
          %parallel_loop3A_865 = tpu.vector_load %parallel_loop3A_860[%parallel_loop3A_861, %parallel_loop3A_862, %parallel_loop3A_863, %parallel_loop3A_864] {strides = array<i32>} : memref<8x2x8x128xf32, #tpu.memory_space<vmem>>, vector<16xf32>,
          tpu.vector_store %parallel_loop3A_860[%parallel_loop3A_861, %parallel_loop3A_862, %parallel_loop3A_863, %parallel_loop3A_864], %parallel_loop3A_851 {strides = array<i32>} : memref<8x2x8x128xf32, #tpu.memory_space<vmem>>, vector<16xf32>,
          %parallel_loop3A_866 = arith.constant 28 : i32
          %parallel_loop3A_867 = arith.constant 0 : i32
          %parallel_loop3A_868 = tpu.memref_slice %arg5[%parallel_loop3A_866, %parallel_loop3A_867] : memref<64x9xf32, #tpu.memory_space<vmem>> -> memref<1x9xf32, #tpu.memory_space<vmem>>
          %parallel_loop3A_869 = tpu.memref_squeeze %parallel_loop3A_868 : memref<1x9xf32, #tpu.memory_space<vmem>> -> memref<9xf32, #tpu.memory_space<vmem>>
          %parallel_loop3A_870 = tpu.vector_load_idx %parallel_loop3A_869[%parallel_loop3A_333] : memref<9xf32, #tpu.memory_space<vmem>>[vector<16xi32>], vector<16xf32>,
          %parallel_loop3A_871 = arith.constant 3 : i32
          %parallel_loop3A_872 = arith.constant 0 : i32
          %parallel_loop3A_873 = arith.constant 4 : i32
          %parallel_loop3A_874 = arith.constant 0 : i32
          %parallel_loop3A_875 = arith.constant 0 : i32
          %parallel_loop3A_876 = arith.constant 0 : i32
          %parallel_loop3A_877 = arith.constant 0 : i32
          %parallel_loop3A_878 = tpu.memref_slice %run_scoped3A_8[%rem3A_209, %parallel_loop3A_874, %parallel_loop3A_875, %parallel_loop3A_876, %parallel_loop3A_877] : memref<2x8x2x8x128xf32, #tpu.memory_space<vmem>> -> memref<1x8x2x8x128xf32, #tpu.memory_space<vmem>>
          %parallel_loop3A_879 = tpu.memref_squeeze %parallel_loop3A_878 : memref<1x8x2x8x128xf32, #tpu.memory_space<vmem>> -> memref<8x2x8x128xf32, #tpu.memory_space<vmem>>
          %parallel_loop3A_880 = arith.index_cast %parallel_loop3A_871 : i32 to index
          %parallel_loop3A_881 = arith.index_cast %parallel_loop3A_872 : i32 to index
          %parallel_loop3A_882 = arith.index_cast %parallel_loop3A_873 : i32 to index
          %parallel_loop3A_883 = arith.index_cast %parallel_loop3A_284 : i32 to index
          %parallel_loop3A_884 = tpu.vector_load %parallel_loop3A_879[%parallel_loop3A_880, %parallel_loop3A_881, %parallel_loop3A_882, %parallel_loop3A_883] {strides = array<i32>} : memref<8x2x8x128xf32, #tpu.memory_space<vmem>>, vector<16xf32>,
          tpu.vector_store %parallel_loop3A_879[%parallel_loop3A_880, %parallel_loop3A_881, %parallel_loop3A_882, %parallel_loop3A_883], %parallel_loop3A_870 {strides = array<i32>} : memref<8x2x8x128xf32, #tpu.memory_space<vmem>>, vector<16xf32>,
          %parallel_loop3A_885 = arith.constant 29 : i32
          %parallel_loop3A_886 = arith.constant 0 : i32
          %parallel_loop3A_887 = tpu.memref_slice %arg5[%parallel_loop3A_885, %parallel_loop3A_886] : memref<64x9xf32, #tpu.memory_space<vmem>> -> memref<1x9xf32, #tpu.memory_space<vmem>>
          %parallel_loop3A_888 = tpu.memref_squeeze %parallel_loop3A_887 : memref<1x9xf32, #tpu.memory_space<vmem>> -> memref<9xf32, #tpu.memory_space<vmem>>
          %parallel_loop3A_889 = tpu.vector_load_idx %parallel_loop3A_888[%parallel_loop3A_333] : memref<9xf32, #tpu.memory_space<vmem>>[vector<16xi32>], vector<16xf32>,
          %parallel_loop3A_890 = arith.constant 3 : i32
          %parallel_loop3A_891 = arith.constant 0 : i32
          %parallel_loop3A_892 = arith.constant 5 : i32
          %parallel_loop3A_893 = arith.constant 0 : i32
          %parallel_loop3A_894 = arith.constant 0 : i32
          %parallel_loop3A_895 = arith.constant 0 : i32
          %parallel_loop3A_896 = arith.constant 0 : i32
          %parallel_loop3A_897 = tpu.memref_slice %run_scoped3A_8[%rem3A_209, %parallel_loop3A_893, %parallel_loop3A_894, %parallel_loop3A_895, %parallel_loop3A_896] : memref<2x8x2x8x128xf32, #tpu.memory_space<vmem>> -> memref<1x8x2x8x128xf32, #tpu.memory_space<vmem>>
          %parallel_loop3A_898 = tpu.memref_squeeze %parallel_loop3A_897 : memref<1x8x2x8x128xf32, #tpu.memory_space<vmem>> -> memref<8x2x8x128xf32, #tpu.memory_space<vmem>>
          %parallel_loop3A_899 = arith.index_cast %parallel_loop3A_890 : i32 to index
          %parallel_loop3A_900 = arith.index_cast %parallel_loop3A_891 : i32 to index
          %parallel_loop3A_901 = arith.index_cast %parallel_loop3A_892 : i32 to index
          %parallel_loop3A_902 = arith.index_cast %parallel_loop3A_284 : i32 to index
          %parallel_loop3A_903 = tpu.vector_load %parallel_loop3A_898[%parallel_loop3A_899, %parallel_loop3A_900, %parallel_loop3A_901, %parallel_loop3A_902] {strides = array<i32>} : memref<8x2x8x128xf32, #tpu.memory_space<vmem>>, vector<16xf32>,
          tpu.vector_store %parallel_loop3A_898[%parallel_loop3A_899, %parallel_loop3A_900, %parallel_loop3A_901, %parallel_loop3A_902], %parallel_loop3A_889 {strides = array<i32>} : memref<8x2x8x128xf32, #tpu.memory_space<vmem>>, vector<16xf32>,
          %parallel_loop3A_904 = arith.constant 30 : i32
          %parallel_loop3A_905 = arith.constant 0 : i32
          %parallel_loop3A_906 = tpu.memref_slice %arg5[%parallel_loop3A_904, %parallel_loop3A_905] : memref<64x9xf32, #tpu.memory_space<vmem>> -> memref<1x9xf32, #tpu.memory_space<vmem>>
          %parallel_loop3A_907 = tpu.memref_squeeze %parallel_loop3A_906 : memref<1x9xf32, #tpu.memory_space<vmem>> -> memref<9xf32, #tpu.memory_space<vmem>>
          %parallel_loop3A_908 = tpu.vector_load_idx %parallel_loop3A_907[%parallel_loop3A_333] : memref<9xf32, #tpu.memory_space<vmem>>[vector<16xi32>], vector<16xf32>,
          %parallel_loop3A_909 = arith.constant 3 : i32
          %parallel_loop3A_910 = arith.constant 0 : i32
          %parallel_loop3A_911 = arith.constant 6 : i32
          %parallel_loop3A_912 = arith.constant 0 : i32
          %parallel_loop3A_913 = arith.constant 0 : i32
          %parallel_loop3A_914 = arith.constant 0 : i32
          %parallel_loop3A_915 = arith.constant 0 : i32
          %parallel_loop3A_916 = tpu.memref_slice %run_scoped3A_8[%rem3A_209, %parallel_loop3A_912, %parallel_loop3A_913, %parallel_loop3A_914, %parallel_loop3A_915] : memref<2x8x2x8x128xf32, #tpu.memory_space<vmem>> -> memref<1x8x2x8x128xf32, #tpu.memory_space<vmem>>
          %parallel_loop3A_917 = tpu.memref_squeeze %parallel_loop3A_916 : memref<1x8x2x8x128xf32, #tpu.memory_space<vmem>> -> memref<8x2x8x128xf32, #tpu.memory_space<vmem>>
          %parallel_loop3A_918 = arith.index_cast %parallel_loop3A_909 : i32 to index
          %parallel_loop3A_919 = arith.index_cast %parallel_loop3A_910 : i32 to index
          %parallel_loop3A_920 = arith.index_cast %parallel_loop3A_911 : i32 to index
          %parallel_loop3A_921 = arith.index_cast %parallel_loop3A_284 : i32 to index
          %parallel_loop3A_922 = tpu.vector_load %parallel_loop3A_917[%parallel_loop3A_918, %parallel_loop3A_919, %parallel_loop3A_920, %parallel_loop3A_921] {strides = array<i32>} : memref<8x2x8x128xf32, #tpu.memory_space<vmem>>, vector<16xf32>,
          tpu.vector_store %parallel_loop3A_917[%parallel_loop3A_918, %parallel_loop3A_919, %parallel_loop3A_920, %parallel_loop3A_921], %parallel_loop3A_908 {strides = array<i32>} : memref<8x2x8x128xf32, #tpu.memory_space<vmem>>, vector<16xf32>,
          %parallel_loop3A_923 = arith.constant 31 : i32
          %parallel_loop3A_924 = arith.constant 0 : i32
          %parallel_loop3A_925 = tpu.memref_slice %arg5[%parallel_loop3A_923, %parallel_loop3A_924] : memref<64x9xf32, #tpu.memory_space<vmem>> -> memref<1x9xf32, #tpu.memory_space<vmem>>
          %parallel_loop3A_926 = tpu.memref_squeeze %parallel_loop3A_925 : memref<1x9xf32, #tpu.memory_space<vmem>> -> memref<9xf32, #tpu.memory_space<vmem>>
          %parallel_loop3A_927 = tpu.vector_load_idx %parallel_loop3A_926[%parallel_loop3A_333] : memref<9xf32, #tpu.memory_space<vmem>>[vector<16xi32>], vector<16xf32>,
          %parallel_loop3A_928 = arith.constant 3 : i32
          %parallel_loop3A_929 = arith.constant 0 : i32
          %parallel_loop3A_930 = arith.constant 7 : i32
          %parallel_loop3A_931 = arith.constant 0 : i32
          %parallel_loop3A_932 = arith.constant 0 : i32
          %parallel_loop3A_933 = arith.constant 0 : i32
          %parallel_loop3A_934 = arith.constant 0 : i32
          %parallel_loop3A_935 = tpu.memref_slice %run_scoped3A_8[%rem3A_209, %parallel_loop3A_931, %parallel_loop3A_932, %parallel_loop3A_933, %parallel_loop3A_934] : memref<2x8x2x8x128xf32, #tpu.memory_space<vmem>> -> memref<1x8x2x8x128xf32, #tpu.memory_space<vmem>>
          %parallel_loop3A_936 = tpu.memref_squeeze %parallel_loop3A_935 : memref<1x8x2x8x128xf32, #tpu.memory_space<vmem>> -> memref<8x2x8x128xf32, #tpu.memory_space<vmem>>
          %parallel_loop3A_937 = arith.index_cast %parallel_loop3A_928 : i32 to index
          %parallel_loop3A_938 = arith.index_cast %parallel_loop3A_929 : i32 to index
          %parallel_loop3A_939 = arith.index_cast %parallel_loop3A_930 : i32 to index
          %parallel_loop3A_940 = arith.index_cast %parallel_loop3A_284 : i32 to index
          %parallel_loop3A_941 = tpu.vector_load %parallel_loop3A_936[%parallel_loop3A_937, %parallel_loop3A_938, %parallel_loop3A_939, %parallel_loop3A_940] {strides = array<i32>} : memref<8x2x8x128xf32, #tpu.memory_space<vmem>>, vector<16xf32>,
          tpu.vector_store %parallel_loop3A_936[%parallel_loop3A_937, %parallel_loop3A_938, %parallel_loop3A_939, %parallel_loop3A_940], %parallel_loop3A_927 {strides = array<i32>} : memref<8x2x8x128xf32, #tpu.memory_space<vmem>>, vector<16xf32>,
          %parallel_loop3A_942 = arith.constant 32 : i32
          %parallel_loop3A_943 = arith.constant 0 : i32
          %parallel_loop3A_944 = tpu.memref_slice %arg5[%parallel_loop3A_942, %parallel_loop3A_943] : memref<64x9xf32, #tpu.memory_space<vmem>> -> memref<1x9xf32, #tpu.memory_space<vmem>>
          %parallel_loop3A_945 = tpu.memref_squeeze %parallel_loop3A_944 : memref<1x9xf32, #tpu.memory_space<vmem>> -> memref<9xf32, #tpu.memory_space<vmem>>
          %parallel_loop3A_946 = tpu.vector_load_idx %parallel_loop3A_945[%parallel_loop3A_333] : memref<9xf32, #tpu.memory_space<vmem>>[vector<16xi32>], vector<16xf32>,
          %parallel_loop3A_947 = arith.constant 4 : i32
          %parallel_loop3A_948 = arith.constant 0 : i32
          %parallel_loop3A_949 = arith.constant 0 : i32
          %parallel_loop3A_950 = arith.constant 0 : i32
          %parallel_loop3A_951 = arith.constant 0 : i32
          %parallel_loop3A_952 = arith.constant 0 : i32
          %parallel_loop3A_953 = arith.constant 0 : i32
          %parallel_loop3A_954 = tpu.memref_slice %run_scoped3A_8[%rem3A_209, %parallel_loop3A_950, %parallel_loop3A_951, %parallel_loop3A_952, %parallel_loop3A_953] : memref<2x8x2x8x128xf32, #tpu.memory_space<vmem>> -> memref<1x8x2x8x128xf32, #tpu.memory_space<vmem>>
          %parallel_loop3A_955 = tpu.memref_squeeze %parallel_loop3A_954 : memref<1x8x2x8x128xf32, #tpu.memory_space<vmem>> -> memref<8x2x8x128xf32, #tpu.memory_space<vmem>>
          %parallel_loop3A_956 = arith.index_cast %parallel_loop3A_947 : i32 to index
          %parallel_loop3A_957 = arith.index_cast %parallel_loop3A_948 : i32 to index
          %parallel_loop3A_958 = arith.index_cast %parallel_loop3A_949 : i32 to index
          %parallel_loop3A_959 = arith.index_cast %parallel_loop3A_284 : i32 to index
          %parallel_loop3A_960 = tpu.vector_load %parallel_loop3A_955[%parallel_loop3A_956, %parallel_loop3A_957, %parallel_loop3A_958, %parallel_loop3A_959] {strides = array<i32>} : memref<8x2x8x128xf32, #tpu.memory_space<vmem>>, vector<16xf32>,
          tpu.vector_store %parallel_loop3A_955[%parallel_loop3A_956, %parallel_loop3A_957, %parallel_loop3A_958, %parallel_loop3A_959], %parallel_loop3A_946 {strides = array<i32>} : memref<8x2x8x128xf32, #tpu.memory_space<vmem>>, vector<16xf32>,
          %parallel_loop3A_961 = arith.constant 33 : i32
          %parallel_loop3A_962 = arith.constant 0 : i32
          %parallel_loop3A_963 = tpu.memref_slice %arg5[%parallel_loop3A_961, %parallel_loop3A_962] : memref<64x9xf32, #tpu.memory_space<vmem>> -> memref<1x9xf32, #tpu.memory_space<vmem>>
          %parallel_loop3A_964 = tpu.memref_squeeze %parallel_loop3A_963 : memref<1x9xf32, #tpu.memory_space<vmem>> -> memref<9xf32, #tpu.memory_space<vmem>>
          %parallel_loop3A_965 = tpu.vector_load_idx %parallel_loop3A_964[%parallel_loop3A_333] : memref<9xf32, #tpu.memory_space<vmem>>[vector<16xi32>], vector<16xf32>,
          %parallel_loop3A_966 = arith.constant 4 : i32
          %parallel_loop3A_967 = arith.constant 0 : i32
          %parallel_loop3A_968 = arith.constant 1 : i32
          %parallel_loop3A_969 = arith.constant 0 : i32
          %parallel_loop3A_970 = arith.constant 0 : i32
          %parallel_loop3A_971 = arith.constant 0 : i32
          %parallel_loop3A_972 = arith.constant 0 : i32
          %parallel_loop3A_973 = tpu.memref_slice %run_scoped3A_8[%rem3A_209, %parallel_loop3A_969, %parallel_loop3A_970, %parallel_loop3A_971, %parallel_loop3A_972] : memref<2x8x2x8x128xf32, #tpu.memory_space<vmem>> -> memref<1x8x2x8x128xf32, #tpu.memory_space<vmem>>
          %parallel_loop3A_974 = tpu.memref_squeeze %parallel_loop3A_973 : memref<1x8x2x8x128xf32, #tpu.memory_space<vmem>> -> memref<8x2x8x128xf32, #tpu.memory_space<vmem>>
          %parallel_loop3A_975 = arith.index_cast %parallel_loop3A_966 : i32 to index
          %parallel_loop3A_976 = arith.index_cast %parallel_loop3A_967 : i32 to index
          %parallel_loop3A_977 = arith.index_cast %parallel_loop3A_968 : i32 to index
          %parallel_loop3A_978 = arith.index_cast %parallel_loop3A_284 : i32 to index
          %parallel_loop3A_979 = tpu.vector_load %parallel_loop3A_974[%parallel_loop3A_975, %parallel_loop3A_976, %parallel_loop3A_977, %parallel_loop3A_978] {strides = array<i32>} : memref<8x2x8x128xf32, #tpu.memory_space<vmem>>, vector<16xf32>,
          tpu.vector_store %parallel_loop3A_974[%parallel_loop3A_975, %parallel_loop3A_976, %parallel_loop3A_977, %parallel_loop3A_978], %parallel_loop3A_965 {strides = array<i32>} : memref<8x2x8x128xf32, #tpu.memory_space<vmem>>, vector<16xf32>,
          %parallel_loop3A_980 = arith.constant 34 : i32
          %parallel_loop3A_981 = arith.constant 0 : i32
          %parallel_loop3A_982 = tpu.memref_slice %arg5[%parallel_loop3A_980, %parallel_loop3A_981] : memref<64x9xf32, #tpu.memory_space<vmem>> -> memref<1x9xf32, #tpu.memory_space<vmem>>
          %parallel_loop3A_983 = tpu.memref_squeeze %parallel_loop3A_982 : memref<1x9xf32, #tpu.memory_space<vmem>> -> memref<9xf32, #tpu.memory_space<vmem>>
          %parallel_loop3A_984 = tpu.vector_load_idx %parallel_loop3A_983[%parallel_loop3A_333] : memref<9xf32, #tpu.memory_space<vmem>>[vector<16xi32>], vector<16xf32>,
          %parallel_loop3A_985 = arith.constant 4 : i32
          %parallel_loop3A_986 = arith.constant 0 : i32
          %parallel_loop3A_987 = arith.constant 2 : i32
          %parallel_loop3A_988 = arith.constant 0 : i32
          %parallel_loop3A_989 = arith.constant 0 : i32
          %parallel_loop3A_990 = arith.constant 0 : i32
          %parallel_loop3A_991 = arith.constant 0 : i32
          %parallel_loop3A_992 = tpu.memref_slice %run_scoped3A_8[%rem3A_209, %parallel_loop3A_988, %parallel_loop3A_989, %parallel_loop3A_990, %parallel_loop3A_991] : memref<2x8x2x8x128xf32, #tpu.memory_space<vmem>> -> memref<1x8x2x8x128xf32, #tpu.memory_space<vmem>>
          %parallel_loop3A_993 = tpu.memref_squeeze %parallel_loop3A_992 : memref<1x8x2x8x128xf32, #tpu.memory_space<vmem>> -> memref<8x2x8x128xf32, #tpu.memory_space<vmem>>
          %parallel_loop3A_994 = arith.index_cast %parallel_loop3A_985 : i32 to index
          %parallel_loop3A_995 = arith.index_cast %parallel_loop3A_986 : i32 to index
          %parallel_loop3A_996 = arith.index_cast %parallel_loop3A_987 : i32 to index
          %parallel_loop3A_997 = arith.index_cast %parallel_loop3A_284 : i32 to index
          %parallel_loop3A_998 = tpu.vector_load %parallel_loop3A_993[%parallel_loop3A_994, %parallel_loop3A_995, %parallel_loop3A_996, %parallel_loop3A_997] {strides = array<i32>} : memref<8x2x8x128xf32, #tpu.memory_space<vmem>>, vector<16xf32>,
          tpu.vector_store %parallel_loop3A_993[%parallel_loop3A_994, %parallel_loop3A_995, %parallel_loop3A_996, %parallel_loop3A_997], %parallel_loop3A_984 {strides = array<i32>} : memref<8x2x8x128xf32, #tpu.memory_space<vmem>>, vector<16xf32>,
          %parallel_loop3A_999 = arith.constant 35 : i32
          %parallel_loop3A_1000 = arith.constant 0 : i32
          %parallel_loop3A_1001 = tpu.memref_slice %arg5[%parallel_loop3A_999, %parallel_loop3A_1000] : memref<64x9xf32, #tpu.memory_space<vmem>> -> memref<1x9xf32, #tpu.memory_space<vmem>>
          %parallel_loop3A_1002 = tpu.memref_squeeze %parallel_loop3A_1001 : memref<1x9xf32, #tpu.memory_space<vmem>> -> memref<9xf32, #tpu.memory_space<vmem>>
          %parallel_loop3A_1003 = tpu.vector_load_idx %parallel_loop3A_1002[%parallel_loop3A_333] : memref<9xf32, #tpu.memory_space<vmem>>[vector<16xi32>], vector<16xf32>,
          %parallel_loop3A_1004 = arith.constant 4 : i32
          %parallel_loop3A_1005 = arith.constant 0 : i32
          %parallel_loop3A_1006 = arith.constant 3 : i32
          %parallel_loop3A_1007 = arith.constant 0 : i32
          %parallel_loop3A_1008 = arith.constant 0 : i32
          %parallel_loop3A_1009 = arith.constant 0 : i32
          %parallel_loop3A_1010 = arith.constant 0 : i32
          %parallel_loop3A_1011 = tpu.memref_slice %run_scoped3A_8[%rem3A_209, %parallel_loop3A_1007, %parallel_loop3A_1008, %parallel_loop3A_1009, %parallel_loop3A_1010] : memref<2x8x2x8x128xf32, #tpu.memory_space<vmem>> -> memref<1x8x2x8x128xf32, #tpu.memory_space<vmem>>
          %parallel_loop3A_1012 = tpu.memref_squeeze %parallel_loop3A_1011 : memref<1x8x2x8x128xf32, #tpu.memory_space<vmem>> -> memref<8x2x8x128xf32, #tpu.memory_space<vmem>>
          %parallel_loop3A_1013 = arith.index_cast %parallel_loop3A_1004 : i32 to index
          %parallel_loop3A_1014 = arith.index_cast %parallel_loop3A_1005 : i32 to index
          %parallel_loop3A_1015 = arith.index_cast %parallel_loop3A_1006 : i32 to index
          %parallel_loop3A_1016 = arith.index_cast %parallel_loop3A_284 : i32 to index
          %parallel_loop3A_1017 = tpu.vector_load %parallel_loop3A_1012[%parallel_loop3A_1013, %parallel_loop3A_1014, %parallel_loop3A_1015, %parallel_loop3A_1016] {strides = array<i32>} : memref<8x2x8x128xf32, #tpu.memory_space<vmem>>, vector<16xf32>,
          tpu.vector_store %parallel_loop3A_1012[%parallel_loop3A_1013, %parallel_loop3A_1014, %parallel_loop3A_1015, %parallel_loop3A_1016], %parallel_loop3A_1003 {strides = array<i32>} : memref<8x2x8x128xf32, #tpu.memory_space<vmem>>, vector<16xf32>,
          %parallel_loop3A_1018 = arith.constant 36 : i32
          %parallel_loop3A_1019 = arith.constant 0 : i32
          %parallel_loop3A_1020 = tpu.memref_slice %arg5[%parallel_loop3A_1018, %parallel_loop3A_1019] : memref<64x9xf32, #tpu.memory_space<vmem>> -> memref<1x9xf32, #tpu.memory_space<vmem>>
          %parallel_loop3A_1021 = tpu.memref_squeeze %parallel_loop3A_1020 : memref<1x9xf32, #tpu.memory_space<vmem>> -> memref<9xf32, #tpu.memory_space<vmem>>
          %parallel_loop3A_1022 = tpu.vector_load_idx %parallel_loop3A_1021[%parallel_loop3A_333] : memref<9xf32, #tpu.memory_space<vmem>>[vector<16xi32>], vector<16xf32>,
          %parallel_loop3A_1023 = arith.constant 4 : i32
          %parallel_loop3A_1024 = arith.constant 0 : i32
          %parallel_loop3A_1025 = arith.constant 4 : i32
          %parallel_loop3A_1026 = arith.constant 0 : i32
          %parallel_loop3A_1027 = arith.constant 0 : i32
          %parallel_loop3A_1028 = arith.constant 0 : i32
          %parallel_loop3A_1029 = arith.constant 0 : i32
          %parallel_loop3A_1030 = tpu.memref_slice %run_scoped3A_8[%rem3A_209, %parallel_loop3A_1026, %parallel_loop3A_1027, %parallel_loop3A_1028, %parallel_loop3A_1029] : memref<2x8x2x8x128xf32, #tpu.memory_space<vmem>> -> memref<1x8x2x8x128xf32, #tpu.memory_space<vmem>>
          %parallel_loop3A_1031 = tpu.memref_squeeze %parallel_loop3A_1030 : memref<1x8x2x8x128xf32, #tpu.memory_space<vmem>> -> memref<8x2x8x128xf32, #tpu.memory_space<vmem>>
          %parallel_loop3A_1032 = arith.index_cast %parallel_loop3A_1023 : i32 to index
          %parallel_loop3A_1033 = arith.index_cast %parallel_loop3A_1024 : i32 to index
          %parallel_loop3A_1034 = arith.index_cast %parallel_loop3A_1025 : i32 to index
          %parallel_loop3A_1035 = arith.index_cast %parallel_loop3A_284 : i32 to index
          %parallel_loop3A_1036 = tpu.vector_load %parallel_loop3A_1031[%parallel_loop3A_1032, %parallel_loop3A_1033, %parallel_loop3A_1034, %parallel_loop3A_1035] {strides = array<i32>} : memref<8x2x8x128xf32, #tpu.memory_space<vmem>>, vector<16xf32>,
          tpu.vector_store %parallel_loop3A_1031[%parallel_loop3A_1032, %parallel_loop3A_1033, %parallel_loop3A_1034, %parallel_loop3A_1035], %parallel_loop3A_1022 {strides = array<i32>} : memref<8x2x8x128xf32, #tpu.memory_space<vmem>>, vector<16xf32>,
          %parallel_loop3A_1037 = arith.constant 37 : i32
          %parallel_loop3A_1038 = arith.constant 0 : i32
          %parallel_loop3A_1039 = tpu.memref_slice %arg5[%parallel_loop3A_1037, %parallel_loop3A_1038] : memref<64x9xf32, #tpu.memory_space<vmem>> -> memref<1x9xf32, #tpu.memory_space<vmem>>
          %parallel_loop3A_1040 = tpu.memref_squeeze %parallel_loop3A_1039 : memref<1x9xf32, #tpu.memory_space<vmem>> -> memref<9xf32, #tpu.memory_space<vmem>>
          %parallel_loop3A_1041 = tpu.vector_load_idx %parallel_loop3A_1040[%parallel_loop3A_333] : memref<9xf32, #tpu.memory_space<vmem>>[vector<16xi32>], vector<16xf32>,
          %parallel_loop3A_1042 = arith.constant 4 : i32
          %parallel_loop3A_1043 = arith.constant 0 : i32
          %parallel_loop3A_1044 = arith.constant 5 : i32
          %parallel_loop3A_1045 = arith.constant 0 : i32
          %parallel_loop3A_1046 = arith.constant 0 : i32
          %parallel_loop3A_1047 = arith.constant 0 : i32
          %parallel_loop3A_1048 = arith.constant 0 : i32
          %parallel_loop3A_1049 = tpu.memref_slice %run_scoped3A_8[%rem3A_209, %parallel_loop3A_1045, %parallel_loop3A_1046, %parallel_loop3A_1047, %parallel_loop3A_1048] : memref<2x8x2x8x128xf32, #tpu.memory_space<vmem>> -> memref<1x8x2x8x128xf32, #tpu.memory_space<vmem>>
          %parallel_loop3A_1050 = tpu.memref_squeeze %parallel_loop3A_1049 : memref<1x8x2x8x128xf32, #tpu.memory_space<vmem>> -> memref<8x2x8x128xf32, #tpu.memory_space<vmem>>
          %parallel_loop3A_1051 = arith.index_cast %parallel_loop3A_1042 : i32 to index
          %parallel_loop3A_1052 = arith.index_cast %parallel_loop3A_1043 : i32 to index
          %parallel_loop3A_1053 = arith.index_cast %parallel_loop3A_1044 : i32 to index
          %parallel_loop3A_1054 = arith.index_cast %parallel_loop3A_284 : i32 to index
          %parallel_loop3A_1055 = tpu.vector_load %parallel_loop3A_1050[%parallel_loop3A_1051, %parallel_loop3A_1052, %parallel_loop3A_1053, %parallel_loop3A_1054] {strides = array<i32>} : memref<8x2x8x128xf32, #tpu.memory_space<vmem>>, vector<16xf32>,
          tpu.vector_store %parallel_loop3A_1050[%parallel_loop3A_1051, %parallel_loop3A_1052, %parallel_loop3A_1053, %parallel_loop3A_1054], %parallel_loop3A_1041 {strides = array<i32>} : memref<8x2x8x128xf32, #tpu.memory_space<vmem>>, vector<16xf32>,
          %parallel_loop3A_1056 = arith.constant 38 : i32
          %parallel_loop3A_1057 = arith.constant 0 : i32
          %parallel_loop3A_1058 = tpu.memref_slice %arg5[%parallel_loop3A_1056, %parallel_loop3A_1057] : memref<64x9xf32, #tpu.memory_space<vmem>> -> memref<1x9xf32, #tpu.memory_space<vmem>>
          %parallel_loop3A_1059 = tpu.memref_squeeze %parallel_loop3A_1058 : memref<1x9xf32, #tpu.memory_space<vmem>> -> memref<9xf32, #tpu.memory_space<vmem>>
          %parallel_loop3A_1060 = tpu.vector_load_idx %parallel_loop3A_1059[%parallel_loop3A_333] : memref<9xf32, #tpu.memory_space<vmem>>[vector<16xi32>], vector<16xf32>,
          %parallel_loop3A_1061 = arith.constant 4 : i32
          %parallel_loop3A_1062 = arith.constant 0 : i32
          %parallel_loop3A_1063 = arith.constant 6 : i32
          %parallel_loop3A_1064 = arith.constant 0 : i32
          %parallel_loop3A_1065 = arith.constant 0 : i32
          %parallel_loop3A_1066 = arith.constant 0 : i32
          %parallel_loop3A_1067 = arith.constant 0 : i32
          %parallel_loop3A_1068 = tpu.memref_slice %run_scoped3A_8[%rem3A_209, %parallel_loop3A_1064, %parallel_loop3A_1065, %parallel_loop3A_1066, %parallel_loop3A_1067] : memref<2x8x2x8x128xf32, #tpu.memory_space<vmem>> -> memref<1x8x2x8x128xf32, #tpu.memory_space<vmem>>
          %parallel_loop3A_1069 = tpu.memref_squeeze %parallel_loop3A_1068 : memref<1x8x2x8x128xf32, #tpu.memory_space<vmem>> -> memref<8x2x8x128xf32, #tpu.memory_space<vmem>>
          %parallel_loop3A_1070 = arith.index_cast %parallel_loop3A_1061 : i32 to index
          %parallel_loop3A_1071 = arith.index_cast %parallel_loop3A_1062 : i32 to index
          %parallel_loop3A_1072 = arith.index_cast %parallel_loop3A_1063 : i32 to index
          %parallel_loop3A_1073 = arith.index_cast %parallel_loop3A_284 : i32 to index
          %parallel_loop3A_1074 = tpu.vector_load %parallel_loop3A_1069[%parallel_loop3A_1070, %parallel_loop3A_1071, %parallel_loop3A_1072, %parallel_loop3A_1073] {strides = array<i32>} : memref<8x2x8x128xf32, #tpu.memory_space<vmem>>, vector<16xf32>,
          tpu.vector_store %parallel_loop3A_1069[%parallel_loop3A_1070, %parallel_loop3A_1071, %parallel_loop3A_1072, %parallel_loop3A_1073], %parallel_loop3A_1060 {strides = array<i32>} : memref<8x2x8x128xf32, #tpu.memory_space<vmem>>, vector<16xf32>,
          %parallel_loop3A_1075 = arith.constant 39 : i32
          %parallel_loop3A_1076 = arith.constant 0 : i32
          %parallel_loop3A_1077 = tpu.memref_slice %arg5[%parallel_loop3A_1075, %parallel_loop3A_1076] : memref<64x9xf32, #tpu.memory_space<vmem>> -> memref<1x9xf32, #tpu.memory_space<vmem>>
          %parallel_loop3A_1078 = tpu.memref_squeeze %parallel_loop3A_1077 : memref<1x9xf32, #tpu.memory_space<vmem>> -> memref<9xf32, #tpu.memory_space<vmem>>
          %parallel_loop3A_1079 = tpu.vector_load_idx %parallel_loop3A_1078[%parallel_loop3A_333] : memref<9xf32, #tpu.memory_space<vmem>>[vector<16xi32>], vector<16xf32>,
          %parallel_loop3A_1080 = arith.constant 4 : i32
          %parallel_loop3A_1081 = arith.constant 0 : i32
          %parallel_loop3A_1082 = arith.constant 7 : i32
          %parallel_loop3A_1083 = arith.constant 0 : i32
          %parallel_loop3A_1084 = arith.constant 0 : i32
          %parallel_loop3A_1085 = arith.constant 0 : i32
          %parallel_loop3A_1086 = arith.constant 0 : i32
          %parallel_loop3A_1087 = tpu.memref_slice %run_scoped3A_8[%rem3A_209, %parallel_loop3A_1083, %parallel_loop3A_1084, %parallel_loop3A_1085, %parallel_loop3A_1086] : memref<2x8x2x8x128xf32, #tpu.memory_space<vmem>> -> memref<1x8x2x8x128xf32, #tpu.memory_space<vmem>>
          %parallel_loop3A_1088 = tpu.memref_squeeze %parallel_loop3A_1087 : memref<1x8x2x8x128xf32, #tpu.memory_space<vmem>> -> memref<8x2x8x128xf32, #tpu.memory_space<vmem>>
          %parallel_loop3A_1089 = arith.index_cast %parallel_loop3A_1080 : i32 to index
          %parallel_loop3A_1090 = arith.index_cast %parallel_loop3A_1081 : i32 to index
          %parallel_loop3A_1091 = arith.index_cast %parallel_loop3A_1082 : i32 to index
          %parallel_loop3A_1092 = arith.index_cast %parallel_loop3A_284 : i32 to index
          %parallel_loop3A_1093 = tpu.vector_load %parallel_loop3A_1088[%parallel_loop3A_1089, %parallel_loop3A_1090, %parallel_loop3A_1091, %parallel_loop3A_1092] {strides = array<i32>} : memref<8x2x8x128xf32, #tpu.memory_space<vmem>>, vector<16xf32>,
          tpu.vector_store %parallel_loop3A_1088[%parallel_loop3A_1089, %parallel_loop3A_1090, %parallel_loop3A_1091, %parallel_loop3A_1092], %parallel_loop3A_1079 {strides = array<i32>} : memref<8x2x8x128xf32, #tpu.memory_space<vmem>>, vector<16xf32>,
          %parallel_loop3A_1094 = arith.constant 40 : i32
          %parallel_loop3A_1095 = arith.constant 0 : i32
          %parallel_loop3A_1096 = tpu.memref_slice %arg5[%parallel_loop3A_1094, %parallel_loop3A_1095] : memref<64x9xf32, #tpu.memory_space<vmem>> -> memref<1x9xf32, #tpu.memory_space<vmem>>
          %parallel_loop3A_1097 = tpu.memref_squeeze %parallel_loop3A_1096 : memref<1x9xf32, #tpu.memory_space<vmem>> -> memref<9xf32, #tpu.memory_space<vmem>>
          %parallel_loop3A_1098 = tpu.vector_load_idx %parallel_loop3A_1097[%parallel_loop3A_333] : memref<9xf32, #tpu.memory_space<vmem>>[vector<16xi32>], vector<16xf32>,
          %parallel_loop3A_1099 = arith.constant 5 : i32
          %parallel_loop3A_1100 = arith.constant 0 : i32
          %parallel_loop3A_1101 = arith.constant 0 : i32
          %parallel_loop3A_1102 = arith.constant 0 : i32
          %parallel_loop3A_1103 = arith.constant 0 : i32
          %parallel_loop3A_1104 = arith.constant 0 : i32
          %parallel_loop3A_1105 = arith.constant 0 : i32
          %parallel_loop3A_1106 = tpu.memref_slice %run_scoped3A_8[%rem3A_209, %parallel_loop3A_1102, %parallel_loop3A_1103, %parallel_loop3A_1104, %parallel_loop3A_1105] : memref<2x8x2x8x128xf32, #tpu.memory_space<vmem>> -> memref<1x8x2x8x128xf32, #tpu.memory_space<vmem>>
          %parallel_loop3A_1107 = tpu.memref_squeeze %parallel_loop3A_1106 : memref<1x8x2x8x128xf32, #tpu.memory_space<vmem>> -> memref<8x2x8x128xf32, #tpu.memory_space<vmem>>
          %parallel_loop3A_1108 = arith.index_cast %parallel_loop3A_1099 : i32 to index
          %parallel_loop3A_1109 = arith.index_cast %parallel_loop3A_1100 : i32 to index
          %parallel_loop3A_1110 = arith.index_cast %parallel_loop3A_1101 : i32 to index
          %parallel_loop3A_1111 = arith.index_cast %parallel_loop3A_284 : i32 to index
          %parallel_loop3A_1112 = tpu.vector_load %parallel_loop3A_1107[%parallel_loop3A_1108, %parallel_loop3A_1109, %parallel_loop3A_1110, %parallel_loop3A_1111] {strides = array<i32>} : memref<8x2x8x128xf32, #tpu.memory_space<vmem>>, vector<16xf32>,
          tpu.vector_store %parallel_loop3A_1107[%parallel_loop3A_1108, %parallel_loop3A_1109, %parallel_loop3A_1110, %parallel_loop3A_1111], %parallel_loop3A_1098 {strides = array<i32>} : memref<8x2x8x128xf32, #tpu.memory_space<vmem>>, vector<16xf32>,
          %parallel_loop3A_1113 = arith.constant 41 : i32
          %parallel_loop3A_1114 = arith.constant 0 : i32
          %parallel_loop3A_1115 = tpu.memref_slice %arg5[%parallel_loop3A_1113, %parallel_loop3A_1114] : memref<64x9xf32, #tpu.memory_space<vmem>> -> memref<1x9xf32, #tpu.memory_space<vmem>>
          %parallel_loop3A_1116 = tpu.memref_squeeze %parallel_loop3A_1115 : memref<1x9xf32, #tpu.memory_space<vmem>> -> memref<9xf32, #tpu.memory_space<vmem>>
          %parallel_loop3A_1117 = tpu.vector_load_idx %parallel_loop3A_1116[%parallel_loop3A_333] : memref<9xf32, #tpu.memory_space<vmem>>[vector<16xi32>], vector<16xf32>,
          %parallel_loop3A_1118 = arith.constant 5 : i32
          %parallel_loop3A_1119 = arith.constant 0 : i32
          %parallel_loop3A_1120 = arith.constant 1 : i32
          %parallel_loop3A_1121 = arith.constant 0 : i32
          %parallel_loop3A_1122 = arith.constant 0 : i32
          %parallel_loop3A_1123 = arith.constant 0 : i32
          %parallel_loop3A_1124 = arith.constant 0 : i32
          %parallel_loop3A_1125 = tpu.memref_slice %run_scoped3A_8[%rem3A_209, %parallel_loop3A_1121, %parallel_loop3A_1122, %parallel_loop3A_1123, %parallel_loop3A_1124] : memref<2x8x2x8x128xf32, #tpu.memory_space<vmem>> -> memref<1x8x2x8x128xf32, #tpu.memory_space<vmem>>
          %parallel_loop3A_1126 = tpu.memref_squeeze %parallel_loop3A_1125 : memref<1x8x2x8x128xf32, #tpu.memory_space<vmem>> -> memref<8x2x8x128xf32, #tpu.memory_space<vmem>>
          %parallel_loop3A_1127 = arith.index_cast %parallel_loop3A_1118 : i32 to index
          %parallel_loop3A_1128 = arith.index_cast %parallel_loop3A_1119 : i32 to index
          %parallel_loop3A_1129 = arith.index_cast %parallel_loop3A_1120 : i32 to index
          %parallel_loop3A_1130 = arith.index_cast %parallel_loop3A_284 : i32 to index
          %parallel_loop3A_1131 = tpu.vector_load %parallel_loop3A_1126[%parallel_loop3A_1127, %parallel_loop3A_1128, %parallel_loop3A_1129, %parallel_loop3A_1130] {strides = array<i32>} : memref<8x2x8x128xf32, #tpu.memory_space<vmem>>, vector<16xf32>,
          tpu.vector_store %parallel_loop3A_1126[%parallel_loop3A_1127, %parallel_loop3A_1128, %parallel_loop3A_1129, %parallel_loop3A_1130], %parallel_loop3A_1117 {strides = array<i32>} : memref<8x2x8x128xf32, #tpu.memory_space<vmem>>, vector<16xf32>,
          %parallel_loop3A_1132 = arith.constant 42 : i32
          %parallel_loop3A_1133 = arith.constant 0 : i32
          %parallel_loop3A_1134 = tpu.memref_slice %arg5[%parallel_loop3A_1132, %parallel_loop3A_1133] : memref<64x9xf32, #tpu.memory_space<vmem>> -> memref<1x9xf32, #tpu.memory_space<vmem>>
          %parallel_loop3A_1135 = tpu.memref_squeeze %parallel_loop3A_1134 : memref<1x9xf32, #tpu.memory_space<vmem>> -> memref<9xf32, #tpu.memory_space<vmem>>
          %parallel_loop3A_1136 = tpu.vector_load_idx %parallel_loop3A_1135[%parallel_loop3A_333] : memref<9xf32, #tpu.memory_space<vmem>>[vector<16xi32>], vector<16xf32>,
          %parallel_loop3A_1137 = arith.constant 5 : i32
          %parallel_loop3A_1138 = arith.constant 0 : i32
          %parallel_loop3A_1139 = arith.constant 2 : i32
          %parallel_loop3A_1140 = arith.constant 0 : i32
          %parallel_loop3A_1141 = arith.constant 0 : i32
          %parallel_loop3A_1142 = arith.constant 0 : i32
          %parallel_loop3A_1143 = arith.constant 0 : i32
          %parallel_loop3A_1144 = tpu.memref_slice %run_scoped3A_8[%rem3A_209, %parallel_loop3A_1140, %parallel_loop3A_1141, %parallel_loop3A_1142, %parallel_loop3A_1143] : memref<2x8x2x8x128xf32, #tpu.memory_space<vmem>> -> memref<1x8x2x8x128xf32, #tpu.memory_space<vmem>>
          %parallel_loop3A_1145 = tpu.memref_squeeze %parallel_loop3A_1144 : memref<1x8x2x8x128xf32, #tpu.memory_space<vmem>> -> memref<8x2x8x128xf32, #tpu.memory_space<vmem>>
          %parallel_loop3A_1146 = arith.index_cast %parallel_loop3A_1137 : i32 to index
          %parallel_loop3A_1147 = arith.index_cast %parallel_loop3A_1138 : i32 to index
          %parallel_loop3A_1148 = arith.index_cast %parallel_loop3A_1139 : i32 to index
          %parallel_loop3A_1149 = arith.index_cast %parallel_loop3A_284 : i32 to index
          %parallel_loop3A_1150 = tpu.vector_load %parallel_loop3A_1145[%parallel_loop3A_1146, %parallel_loop3A_1147, %parallel_loop3A_1148, %parallel_loop3A_1149] {strides = array<i32>} : memref<8x2x8x128xf32, #tpu.memory_space<vmem>>, vector<16xf32>,
          tpu.vector_store %parallel_loop3A_1145[%parallel_loop3A_1146, %parallel_loop3A_1147, %parallel_loop3A_1148, %parallel_loop3A_1149], %parallel_loop3A_1136 {strides = array<i32>} : memref<8x2x8x128xf32, #tpu.memory_space<vmem>>, vector<16xf32>,
          %parallel_loop3A_1151 = arith.constant 43 : i32
          %parallel_loop3A_1152 = arith.constant 0 : i32
          %parallel_loop3A_1153 = tpu.memref_slice %arg5[%parallel_loop3A_1151, %parallel_loop3A_1152] : memref<64x9xf32, #tpu.memory_space<vmem>> -> memref<1x9xf32, #tpu.memory_space<vmem>>
          %parallel_loop3A_1154 = tpu.memref_squeeze %parallel_loop3A_1153 : memref<1x9xf32, #tpu.memory_space<vmem>> -> memref<9xf32, #tpu.memory_space<vmem>>
          %parallel_loop3A_1155 = tpu.vector_load_idx %parallel_loop3A_1154[%parallel_loop3A_333] : memref<9xf32, #tpu.memory_space<vmem>>[vector<16xi32>], vector<16xf32>,
          %parallel_loop3A_1156 = arith.constant 5 : i32
          %parallel_loop3A_1157 = arith.constant 0 : i32
          %parallel_loop3A_1158 = arith.constant 3 : i32
          %parallel_loop3A_1159 = arith.constant 0 : i32
          %parallel_loop3A_1160 = arith.constant 0 : i32
          %parallel_loop3A_1161 = arith.constant 0 : i32
          %parallel_loop3A_1162 = arith.constant 0 : i32
          %parallel_loop3A_1163 = tpu.memref_slice %run_scoped3A_8[%rem3A_209, %parallel_loop3A_1159, %parallel_loop3A_1160, %parallel_loop3A_1161, %parallel_loop3A_1162] : memref<2x8x2x8x128xf32, #tpu.memory_space<vmem>> -> memref<1x8x2x8x128xf32, #tpu.memory_space<vmem>>
          %parallel_loop3A_1164 = tpu.memref_squeeze %parallel_loop3A_1163 : memref<1x8x2x8x128xf32, #tpu.memory_space<vmem>> -> memref<8x2x8x128xf32, #tpu.memory_space<vmem>>
          %parallel_loop3A_1165 = arith.index_cast %parallel_loop3A_1156 : i32 to index
          %parallel_loop3A_1166 = arith.index_cast %parallel_loop3A_1157 : i32 to index
          %parallel_loop3A_1167 = arith.index_cast %parallel_loop3A_1158 : i32 to index
          %parallel_loop3A_1168 = arith.index_cast %parallel_loop3A_284 : i32 to index
          %parallel_loop3A_1169 = tpu.vector_load %parallel_loop3A_1164[%parallel_loop3A_1165, %parallel_loop3A_1166, %parallel_loop3A_1167, %parallel_loop3A_1168] {strides = array<i32>} : memref<8x2x8x128xf32, #tpu.memory_space<vmem>>, vector<16xf32>,
          tpu.vector_store %parallel_loop3A_1164[%parallel_loop3A_1165, %parallel_loop3A_1166, %parallel_loop3A_1167, %parallel_loop3A_1168], %parallel_loop3A_1155 {strides = array<i32>} : memref<8x2x8x128xf32, #tpu.memory_space<vmem>>, vector<16xf32>,
          %parallel_loop3A_1170 = arith.constant 44 : i32
          %parallel_loop3A_1171 = arith.constant 0 : i32
          %parallel_loop3A_1172 = tpu.memref_slice %arg5[%parallel_loop3A_1170, %parallel_loop3A_1171] : memref<64x9xf32, #tpu.memory_space<vmem>> -> memref<1x9xf32, #tpu.memory_space<vmem>>
          %parallel_loop3A_1173 = tpu.memref_squeeze %parallel_loop3A_1172 : memref<1x9xf32, #tpu.memory_space<vmem>> -> memref<9xf32, #tpu.memory_space<vmem>>
          %parallel_loop3A_1174 = tpu.vector_load_idx %parallel_loop3A_1173[%parallel_loop3A_333] : memref<9xf32, #tpu.memory_space<vmem>>[vector<16xi32>], vector<16xf32>,
          %parallel_loop3A_1175 = arith.constant 5 : i32
          %parallel_loop3A_1176 = arith.constant 0 : i32
          %parallel_loop3A_1177 = arith.constant 4 : i32
          %parallel_loop3A_1178 = arith.constant 0 : i32
          %parallel_loop3A_1179 = arith.constant 0 : i32
          %parallel_loop3A_1180 = arith.constant 0 : i32
          %parallel_loop3A_1181 = arith.constant 0 : i32
          %parallel_loop3A_1182 = tpu.memref_slice %run_scoped3A_8[%rem3A_209, %parallel_loop3A_1178, %parallel_loop3A_1179, %parallel_loop3A_1180, %parallel_loop3A_1181] : memref<2x8x2x8x128xf32, #tpu.memory_space<vmem>> -> memref<1x8x2x8x128xf32, #tpu.memory_space<vmem>>
          %parallel_loop3A_1183 = tpu.memref_squeeze %parallel_loop3A_1182 : memref<1x8x2x8x128xf32, #tpu.memory_space<vmem>> -> memref<8x2x8x128xf32, #tpu.memory_space<vmem>>
          %parallel_loop3A_1184 = arith.index_cast %parallel_loop3A_1175 : i32 to index
          %parallel_loop3A_1185 = arith.index_cast %parallel_loop3A_1176 : i32 to index
          %parallel_loop3A_1186 = arith.index_cast %parallel_loop3A_1177 : i32 to index
          %parallel_loop3A_1187 = arith.index_cast %parallel_loop3A_284 : i32 to index
          %parallel_loop3A_1188 = tpu.vector_load %parallel_loop3A_1183[%parallel_loop3A_1184, %parallel_loop3A_1185, %parallel_loop3A_1186, %parallel_loop3A_1187] {strides = array<i32>} : memref<8x2x8x128xf32, #tpu.memory_space<vmem>>, vector<16xf32>,
          tpu.vector_store %parallel_loop3A_1183[%parallel_loop3A_1184, %parallel_loop3A_1185, %parallel_loop3A_1186, %parallel_loop3A_1187], %parallel_loop3A_1174 {strides = array<i32>} : memref<8x2x8x128xf32, #tpu.memory_space<vmem>>, vector<16xf32>,
          %parallel_loop3A_1189 = arith.constant 45 : i32
          %parallel_loop3A_1190 = arith.constant 0 : i32
          %parallel_loop3A_1191 = tpu.memref_slice %arg5[%parallel_loop3A_1189, %parallel_loop3A_1190] : memref<64x9xf32, #tpu.memory_space<vmem>> -> memref<1x9xf32, #tpu.memory_space<vmem>>
          %parallel_loop3A_1192 = tpu.memref_squeeze %parallel_loop3A_1191 : memref<1x9xf32, #tpu.memory_space<vmem>> -> memref<9xf32, #tpu.memory_space<vmem>>
          %parallel_loop3A_1193 = tpu.vector_load_idx %parallel_loop3A_1192[%parallel_loop3A_333] : memref<9xf32, #tpu.memory_space<vmem>>[vector<16xi32>], vector<16xf32>,
          %parallel_loop3A_1194 = arith.constant 5 : i32
          %parallel_loop3A_1195 = arith.constant 0 : i32
          %parallel_loop3A_1196 = arith.constant 5 : i32
          %parallel_loop3A_1197 = arith.constant 0 : i32
          %parallel_loop3A_1198 = arith.constant 0 : i32
          %parallel_loop3A_1199 = arith.constant 0 : i32
          %parallel_loop3A_1200 = arith.constant 0 : i32
          %parallel_loop3A_1201 = tpu.memref_slice %run_scoped3A_8[%rem3A_209, %parallel_loop3A_1197, %parallel_loop3A_1198, %parallel_loop3A_1199, %parallel_loop3A_1200] : memref<2x8x2x8x128xf32, #tpu.memory_space<vmem>> -> memref<1x8x2x8x128xf32, #tpu.memory_space<vmem>>
          %parallel_loop3A_1202 = tpu.memref_squeeze %parallel_loop3A_1201 : memref<1x8x2x8x128xf32, #tpu.memory_space<vmem>> -> memref<8x2x8x128xf32, #tpu.memory_space<vmem>>
          %parallel_loop3A_1203 = arith.index_cast %parallel_loop3A_1194 : i32 to index
          %parallel_loop3A_1204 = arith.index_cast %parallel_loop3A_1195 : i32 to index
          %parallel_loop3A_1205 = arith.index_cast %parallel_loop3A_1196 : i32 to index
          %parallel_loop3A_1206 = arith.index_cast %parallel_loop3A_284 : i32 to index
          %parallel_loop3A_1207 = tpu.vector_load %parallel_loop3A_1202[%parallel_loop3A_1203, %parallel_loop3A_1204, %parallel_loop3A_1205, %parallel_loop3A_1206] {strides = array<i32>} : memref<8x2x8x128xf32, #tpu.memory_space<vmem>>, vector<16xf32>,
          tpu.vector_store %parallel_loop3A_1202[%parallel_loop3A_1203, %parallel_loop3A_1204, %parallel_loop3A_1205, %parallel_loop3A_1206], %parallel_loop3A_1193 {strides = array<i32>} : memref<8x2x8x128xf32, #tpu.memory_space<vmem>>, vector<16xf32>,
          %parallel_loop3A_1208 = arith.constant 46 : i32
          %parallel_loop3A_1209 = arith.constant 0 : i32
          %parallel_loop3A_1210 = tpu.memref_slice %arg5[%parallel_loop3A_1208, %parallel_loop3A_1209] : memref<64x9xf32, #tpu.memory_space<vmem>> -> memref<1x9xf32, #tpu.memory_space<vmem>>
          %parallel_loop3A_1211 = tpu.memref_squeeze %parallel_loop3A_1210 : memref<1x9xf32, #tpu.memory_space<vmem>> -> memref<9xf32, #tpu.memory_space<vmem>>
          %parallel_loop3A_1212 = tpu.vector_load_idx %parallel_loop3A_1211[%parallel_loop3A_333] : memref<9xf32, #tpu.memory_space<vmem>>[vector<16xi32>], vector<16xf32>,
          %parallel_loop3A_1213 = arith.constant 5 : i32
          %parallel_loop3A_1214 = arith.constant 0 : i32
          %parallel_loop3A_1215 = arith.constant 6 : i32
          %parallel_loop3A_1216 = arith.constant 0 : i32
          %parallel_loop3A_1217 = arith.constant 0 : i32
          %parallel_loop3A_1218 = arith.constant 0 : i32
          %parallel_loop3A_1219 = arith.constant 0 : i32
          %parallel_loop3A_1220 = tpu.memref_slice %run_scoped3A_8[%rem3A_209, %parallel_loop3A_1216, %parallel_loop3A_1217, %parallel_loop3A_1218, %parallel_loop3A_1219] : memref<2x8x2x8x128xf32, #tpu.memory_space<vmem>> -> memref<1x8x2x8x128xf32, #tpu.memory_space<vmem>>
          %parallel_loop3A_1221 = tpu.memref_squeeze %parallel_loop3A_1220 : memref<1x8x2x8x128xf32, #tpu.memory_space<vmem>> -> memref<8x2x8x128xf32, #tpu.memory_space<vmem>>
          %parallel_loop3A_1222 = arith.index_cast %parallel_loop3A_1213 : i32 to index
          %parallel_loop3A_1223 = arith.index_cast %parallel_loop3A_1214 : i32 to index
          %parallel_loop3A_1224 = arith.index_cast %parallel_loop3A_1215 : i32 to index
          %parallel_loop3A_1225 = arith.index_cast %parallel_loop3A_284 : i32 to index
          %parallel_loop3A_1226 = tpu.vector_load %parallel_loop3A_1221[%parallel_loop3A_1222, %parallel_loop3A_1223, %parallel_loop3A_1224, %parallel_loop3A_1225] {strides = array<i32>} : memref<8x2x8x128xf32, #tpu.memory_space<vmem>>, vector<16xf32>,
          tpu.vector_store %parallel_loop3A_1221[%parallel_loop3A_1222, %parallel_loop3A_1223, %parallel_loop3A_1224, %parallel_loop3A_1225], %parallel_loop3A_1212 {strides = array<i32>} : memref<8x2x8x128xf32, #tpu.memory_space<vmem>>, vector<16xf32>,
          %parallel_loop3A_1227 = arith.constant 47 : i32
          %parallel_loop3A_1228 = arith.constant 0 : i32
          %parallel_loop3A_1229 = tpu.memref_slice %arg5[%parallel_loop3A_1227, %parallel_loop3A_1228] : memref<64x9xf32, #tpu.memory_space<vmem>> -> memref<1x9xf32, #tpu.memory_space<vmem>>
          %parallel_loop3A_1230 = tpu.memref_squeeze %parallel_loop3A_1229 : memref<1x9xf32, #tpu.memory_space<vmem>> -> memref<9xf32, #tpu.memory_space<vmem>>
          %parallel_loop3A_1231 = tpu.vector_load_idx %parallel_loop3A_1230[%parallel_loop3A_333] : memref<9xf32, #tpu.memory_space<vmem>>[vector<16xi32>], vector<16xf32>,
          %parallel_loop3A_1232 = arith.constant 5 : i32
          %parallel_loop3A_1233 = arith.constant 0 : i32
          %parallel_loop3A_1234 = arith.constant 7 : i32
          %parallel_loop3A_1235 = arith.constant 0 : i32
          %parallel_loop3A_1236 = arith.constant 0 : i32
          %parallel_loop3A_1237 = arith.constant 0 : i32
          %parallel_loop3A_1238 = arith.constant 0 : i32
          %parallel_loop3A_1239 = tpu.memref_slice %run_scoped3A_8[%rem3A_209, %parallel_loop3A_1235, %parallel_loop3A_1236, %parallel_loop3A_1237, %parallel_loop3A_1238] : memref<2x8x2x8x128xf32, #tpu.memory_space<vmem>> -> memref<1x8x2x8x128xf32, #tpu.memory_space<vmem>>
          %parallel_loop3A_1240 = tpu.memref_squeeze %parallel_loop3A_1239 : memref<1x8x2x8x128xf32, #tpu.memory_space<vmem>> -> memref<8x2x8x128xf32, #tpu.memory_space<vmem>>
          %parallel_loop3A_1241 = arith.index_cast %parallel_loop3A_1232 : i32 to index
          %parallel_loop3A_1242 = arith.index_cast %parallel_loop3A_1233 : i32 to index
          %parallel_loop3A_1243 = arith.index_cast %parallel_loop3A_1234 : i32 to index
          %parallel_loop3A_1244 = arith.index_cast %parallel_loop3A_284 : i32 to index
          %parallel_loop3A_1245 = tpu.vector_load %parallel_loop3A_1240[%parallel_loop3A_1241, %parallel_loop3A_1242, %parallel_loop3A_1243, %parallel_loop3A_1244] {strides = array<i32>} : memref<8x2x8x128xf32, #tpu.memory_space<vmem>>, vector<16xf32>,
          tpu.vector_store %parallel_loop3A_1240[%parallel_loop3A_1241, %parallel_loop3A_1242, %parallel_loop3A_1243, %parallel_loop3A_1244], %parallel_loop3A_1231 {strides = array<i32>} : memref<8x2x8x128xf32, #tpu.memory_space<vmem>>, vector<16xf32>,
          %parallel_loop3A_1246 = arith.constant 48 : i32
          %parallel_loop3A_1247 = arith.constant 0 : i32
          %parallel_loop3A_1248 = tpu.memref_slice %arg5[%parallel_loop3A_1246, %parallel_loop3A_1247] : memref<64x9xf32, #tpu.memory_space<vmem>> -> memref<1x9xf32, #tpu.memory_space<vmem>>
          %parallel_loop3A_1249 = tpu.memref_squeeze %parallel_loop3A_1248 : memref<1x9xf32, #tpu.memory_space<vmem>> -> memref<9xf32, #tpu.memory_space<vmem>>
          %parallel_loop3A_1250 = tpu.vector_load_idx %parallel_loop3A_1249[%parallel_loop3A_333] : memref<9xf32, #tpu.memory_space<vmem>>[vector<16xi32>], vector<16xf32>,
          %parallel_loop3A_1251 = arith.constant 6 : i32
          %parallel_loop3A_1252 = arith.constant 0 : i32
          %parallel_loop3A_1253 = arith.constant 0 : i32
          %parallel_loop3A_1254 = arith.constant 0 : i32
          %parallel_loop3A_1255 = arith.constant 0 : i32
          %parallel_loop3A_1256 = arith.constant 0 : i32
          %parallel_loop3A_1257 = arith.constant 0 : i32
          %parallel_loop3A_1258 = tpu.memref_slice %run_scoped3A_8[%rem3A_209, %parallel_loop3A_1254, %parallel_loop3A_1255, %parallel_loop3A_1256, %parallel_loop3A_1257] : memref<2x8x2x8x128xf32, #tpu.memory_space<vmem>> -> memref<1x8x2x8x128xf32, #tpu.memory_space<vmem>>
          %parallel_loop3A_1259 = tpu.memref_squeeze %parallel_loop3A_1258 : memref<1x8x2x8x128xf32, #tpu.memory_space<vmem>> -> memref<8x2x8x128xf32, #tpu.memory_space<vmem>>
          %parallel_loop3A_1260 = arith.index_cast %parallel_loop3A_1251 : i32 to index
          %parallel_loop3A_1261 = arith.index_cast %parallel_loop3A_1252 : i32 to index
          %parallel_loop3A_1262 = arith.index_cast %parallel_loop3A_1253 : i32 to index
          %parallel_loop3A_1263 = arith.index_cast %parallel_loop3A_284 : i32 to index
          %parallel_loop3A_1264 = tpu.vector_load %parallel_loop3A_1259[%parallel_loop3A_1260, %parallel_loop3A_1261, %parallel_loop3A_1262, %parallel_loop3A_1263] {strides = array<i32>} : memref<8x2x8x128xf32, #tpu.memory_space<vmem>>, vector<16xf32>,
          tpu.vector_store %parallel_loop3A_1259[%parallel_loop3A_1260, %parallel_loop3A_1261, %parallel_loop3A_1262, %parallel_loop3A_1263], %parallel_loop3A_1250 {strides = array<i32>} : memref<8x2x8x128xf32, #tpu.memory_space<vmem>>, vector<16xf32>,
          %parallel_loop3A_1265 = arith.constant 49 : i32
          %parallel_loop3A_1266 = arith.constant 0 : i32
          %parallel_loop3A_1267 = tpu.memref_slice %arg5[%parallel_loop3A_1265, %parallel_loop3A_1266] : memref<64x9xf32, #tpu.memory_space<vmem>> -> memref<1x9xf32, #tpu.memory_space<vmem>>
          %parallel_loop3A_1268 = tpu.memref_squeeze %parallel_loop3A_1267 : memref<1x9xf32, #tpu.memory_space<vmem>> -> memref<9xf32, #tpu.memory_space<vmem>>
          %parallel_loop3A_1269 = tpu.vector_load_idx %parallel_loop3A_1268[%parallel_loop3A_333] : memref<9xf32, #tpu.memory_space<vmem>>[vector<16xi32>], vector<16xf32>,
          %parallel_loop3A_1270 = arith.constant 6 : i32
          %parallel_loop3A_1271 = arith.constant 0 : i32
          %parallel_loop3A_1272 = arith.constant 1 : i32
          %parallel_loop3A_1273 = arith.constant 0 : i32
          %parallel_loop3A_1274 = arith.constant 0 : i32
          %parallel_loop3A_1275 = arith.constant 0 : i32
          %parallel_loop3A_1276 = arith.constant 0 : i32
          %parallel_loop3A_1277 = tpu.memref_slice %run_scoped3A_8[%rem3A_209, %parallel_loop3A_1273, %parallel_loop3A_1274, %parallel_loop3A_1275, %parallel_loop3A_1276] : memref<2x8x2x8x128xf32, #tpu.memory_space<vmem>> -> memref<1x8x2x8x128xf32, #tpu.memory_space<vmem>>
          %parallel_loop3A_1278 = tpu.memref_squeeze %parallel_loop3A_1277 : memref<1x8x2x8x128xf32, #tpu.memory_space<vmem>> -> memref<8x2x8x128xf32, #tpu.memory_space<vmem>>
          %parallel_loop3A_1279 = arith.index_cast %parallel_loop3A_1270 : i32 to index
          %parallel_loop3A_1280 = arith.index_cast %parallel_loop3A_1271 : i32 to index
          %parallel_loop3A_1281 = arith.index_cast %parallel_loop3A_1272 : i32 to index
          %parallel_loop3A_1282 = arith.index_cast %parallel_loop3A_284 : i32 to index
          %parallel_loop3A_1283 = tpu.vector_load %parallel_loop3A_1278[%parallel_loop3A_1279, %parallel_loop3A_1280, %parallel_loop3A_1281, %parallel_loop3A_1282] {strides = array<i32>} : memref<8x2x8x128xf32, #tpu.memory_space<vmem>>, vector<16xf32>,
          tpu.vector_store %parallel_loop3A_1278[%parallel_loop3A_1279, %parallel_loop3A_1280, %parallel_loop3A_1281, %parallel_loop3A_1282], %parallel_loop3A_1269 {strides = array<i32>} : memref<8x2x8x128xf32, #tpu.memory_space<vmem>>, vector<16xf32>,
          %parallel_loop3A_1284 = arith.constant 50 : i32
          %parallel_loop3A_1285 = arith.constant 0 : i32
          %parallel_loop3A_1286 = tpu.memref_slice %arg5[%parallel_loop3A_1284, %parallel_loop3A_1285] : memref<64x9xf32, #tpu.memory_space<vmem>> -> memref<1x9xf32, #tpu.memory_space<vmem>>
          %parallel_loop3A_1287 = tpu.memref_squeeze %parallel_loop3A_1286 : memref<1x9xf32, #tpu.memory_space<vmem>> -> memref<9xf32, #tpu.memory_space<vmem>>
          %parallel_loop3A_1288 = tpu.vector_load_idx %parallel_loop3A_1287[%parallel_loop3A_333] : memref<9xf32, #tpu.memory_space<vmem>>[vector<16xi32>], vector<16xf32>,
          %parallel_loop3A_1289 = arith.constant 6 : i32
          %parallel_loop3A_1290 = arith.constant 0 : i32
          %parallel_loop3A_1291 = arith.constant 2 : i32
          %parallel_loop3A_1292 = arith.constant 0 : i32
          %parallel_loop3A_1293 = arith.constant 0 : i32
          %parallel_loop3A_1294 = arith.constant 0 : i32
          %parallel_loop3A_1295 = arith.constant 0 : i32
          %parallel_loop3A_1296 = tpu.memref_slice %run_scoped3A_8[%rem3A_209, %parallel_loop3A_1292, %parallel_loop3A_1293, %parallel_loop3A_1294, %parallel_loop3A_1295] : memref<2x8x2x8x128xf32, #tpu.memory_space<vmem>> -> memref<1x8x2x8x128xf32, #tpu.memory_space<vmem>>
          %parallel_loop3A_1297 = tpu.memref_squeeze %parallel_loop3A_1296 : memref<1x8x2x8x128xf32, #tpu.memory_space<vmem>> -> memref<8x2x8x128xf32, #tpu.memory_space<vmem>>
          %parallel_loop3A_1298 = arith.index_cast %parallel_loop3A_1289 : i32 to index
          %parallel_loop3A_1299 = arith.index_cast %parallel_loop3A_1290 : i32 to index
          %parallel_loop3A_1300 = arith.index_cast %parallel_loop3A_1291 : i32 to index
          %parallel_loop3A_1301 = arith.index_cast %parallel_loop3A_284 : i32 to index
          %parallel_loop3A_1302 = tpu.vector_load %parallel_loop3A_1297[%parallel_loop3A_1298, %parallel_loop3A_1299, %parallel_loop3A_1300, %parallel_loop3A_1301] {strides = array<i32>} : memref<8x2x8x128xf32, #tpu.memory_space<vmem>>, vector<16xf32>,
          tpu.vector_store %parallel_loop3A_1297[%parallel_loop3A_1298, %parallel_loop3A_1299, %parallel_loop3A_1300, %parallel_loop3A_1301], %parallel_loop3A_1288 {strides = array<i32>} : memref<8x2x8x128xf32, #tpu.memory_space<vmem>>, vector<16xf32>,
          %parallel_loop3A_1303 = arith.constant 51 : i32
          %parallel_loop3A_1304 = arith.constant 0 : i32
          %parallel_loop3A_1305 = tpu.memref_slice %arg5[%parallel_loop3A_1303, %parallel_loop3A_1304] : memref<64x9xf32, #tpu.memory_space<vmem>> -> memref<1x9xf32, #tpu.memory_space<vmem>>
          %parallel_loop3A_1306 = tpu.memref_squeeze %parallel_loop3A_1305 : memref<1x9xf32, #tpu.memory_space<vmem>> -> memref<9xf32, #tpu.memory_space<vmem>>
          %parallel_loop3A_1307 = tpu.vector_load_idx %parallel_loop3A_1306[%parallel_loop3A_333] : memref<9xf32, #tpu.memory_space<vmem>>[vector<16xi32>], vector<16xf32>,
          %parallel_loop3A_1308 = arith.constant 6 : i32
          %parallel_loop3A_1309 = arith.constant 0 : i32
          %parallel_loop3A_1310 = arith.constant 3 : i32
          %parallel_loop3A_1311 = arith.constant 0 : i32
          %parallel_loop3A_1312 = arith.constant 0 : i32
          %parallel_loop3A_1313 = arith.constant 0 : i32
          %parallel_loop3A_1314 = arith.constant 0 : i32
          %parallel_loop3A_1315 = tpu.memref_slice %run_scoped3A_8[%rem3A_209, %parallel_loop3A_1311, %parallel_loop3A_1312, %parallel_loop3A_1313, %parallel_loop3A_1314] : memref<2x8x2x8x128xf32, #tpu.memory_space<vmem>> -> memref<1x8x2x8x128xf32, #tpu.memory_space<vmem>>
          %parallel_loop3A_1316 = tpu.memref_squeeze %parallel_loop3A_1315 : memref<1x8x2x8x128xf32, #tpu.memory_space<vmem>> -> memref<8x2x8x128xf32, #tpu.memory_space<vmem>>
          %parallel_loop3A_1317 = arith.index_cast %parallel_loop3A_1308 : i32 to index
          %parallel_loop3A_1318 = arith.index_cast %parallel_loop3A_1309 : i32 to index
          %parallel_loop3A_1319 = arith.index_cast %parallel_loop3A_1310 : i32 to index
          %parallel_loop3A_1320 = arith.index_cast %parallel_loop3A_284 : i32 to index
          %parallel_loop3A_1321 = tpu.vector_load %parallel_loop3A_1316[%parallel_loop3A_1317, %parallel_loop3A_1318, %parallel_loop3A_1319, %parallel_loop3A_1320] {strides = array<i32>} : memref<8x2x8x128xf32, #tpu.memory_space<vmem>>, vector<16xf32>,
          tpu.vector_store %parallel_loop3A_1316[%parallel_loop3A_1317, %parallel_loop3A_1318, %parallel_loop3A_1319, %parallel_loop3A_1320], %parallel_loop3A_1307 {strides = array<i32>} : memref<8x2x8x128xf32, #tpu.memory_space<vmem>>, vector<16xf32>,
          %parallel_loop3A_1322 = arith.constant 52 : i32
          %parallel_loop3A_1323 = arith.constant 0 : i32
          %parallel_loop3A_1324 = tpu.memref_slice %arg5[%parallel_loop3A_1322, %parallel_loop3A_1323] : memref<64x9xf32, #tpu.memory_space<vmem>> -> memref<1x9xf32, #tpu.memory_space<vmem>>
          %parallel_loop3A_1325 = tpu.memref_squeeze %parallel_loop3A_1324 : memref<1x9xf32, #tpu.memory_space<vmem>> -> memref<9xf32, #tpu.memory_space<vmem>>
          %parallel_loop3A_1326 = tpu.vector_load_idx %parallel_loop3A_1325[%parallel_loop3A_333] : memref<9xf32, #tpu.memory_space<vmem>>[vector<16xi32>], vector<16xf32>,
          %parallel_loop3A_1327 = arith.constant 6 : i32
          %parallel_loop3A_1328 = arith.constant 0 : i32
          %parallel_loop3A_1329 = arith.constant 4 : i32
          %parallel_loop3A_1330 = arith.constant 0 : i32
          %parallel_loop3A_1331 = arith.constant 0 : i32
          %parallel_loop3A_1332 = arith.constant 0 : i32
          %parallel_loop3A_1333 = arith.constant 0 : i32
          %parallel_loop3A_1334 = tpu.memref_slice %run_scoped3A_8[%rem3A_209, %parallel_loop3A_1330, %parallel_loop3A_1331, %parallel_loop3A_1332, %parallel_loop3A_1333] : memref<2x8x2x8x128xf32, #tpu.memory_space<vmem>> -> memref<1x8x2x8x128xf32, #tpu.memory_space<vmem>>
          %parallel_loop3A_1335 = tpu.memref_squeeze %parallel_loop3A_1334 : memref<1x8x2x8x128xf32, #tpu.memory_space<vmem>> -> memref<8x2x8x128xf32, #tpu.memory_space<vmem>>
          %parallel_loop3A_1336 = arith.index_cast %parallel_loop3A_1327 : i32 to index
          %parallel_loop3A_1337 = arith.index_cast %parallel_loop3A_1328 : i32 to index
          %parallel_loop3A_1338 = arith.index_cast %parallel_loop3A_1329 : i32 to index
          %parallel_loop3A_1339 = arith.index_cast %parallel_loop3A_284 : i32 to index
          %parallel_loop3A_1340 = tpu.vector_load %parallel_loop3A_1335[%parallel_loop3A_1336, %parallel_loop3A_1337, %parallel_loop3A_1338, %parallel_loop3A_1339] {strides = array<i32>} : memref<8x2x8x128xf32, #tpu.memory_space<vmem>>, vector<16xf32>,
          tpu.vector_store %parallel_loop3A_1335[%parallel_loop3A_1336, %parallel_loop3A_1337, %parallel_loop3A_1338, %parallel_loop3A_1339], %parallel_loop3A_1326 {strides = array<i32>} : memref<8x2x8x128xf32, #tpu.memory_space<vmem>>, vector<16xf32>,
          %parallel_loop3A_1341 = arith.constant 53 : i32
          %parallel_loop3A_1342 = arith.constant 0 : i32
          %parallel_loop3A_1343 = tpu.memref_slice %arg5[%parallel_loop3A_1341, %parallel_loop3A_1342] : memref<64x9xf32, #tpu.memory_space<vmem>> -> memref<1x9xf32, #tpu.memory_space<vmem>>
          %parallel_loop3A_1344 = tpu.memref_squeeze %parallel_loop3A_1343 : memref<1x9xf32, #tpu.memory_space<vmem>> -> memref<9xf32, #tpu.memory_space<vmem>>
          %parallel_loop3A_1345 = tpu.vector_load_idx %parallel_loop3A_1344[%parallel_loop3A_333] : memref<9xf32, #tpu.memory_space<vmem>>[vector<16xi32>], vector<16xf32>,
          %parallel_loop3A_1346 = arith.constant 6 : i32
          %parallel_loop3A_1347 = arith.constant 0 : i32
          %parallel_loop3A_1348 = arith.constant 5 : i32
          %parallel_loop3A_1349 = arith.constant 0 : i32
          %parallel_loop3A_1350 = arith.constant 0 : i32
          %parallel_loop3A_1351 = arith.constant 0 : i32
          %parallel_loop3A_1352 = arith.constant 0 : i32
          %parallel_loop3A_1353 = tpu.memref_slice %run_scoped3A_8[%rem3A_209, %parallel_loop3A_1349, %parallel_loop3A_1350, %parallel_loop3A_1351, %parallel_loop3A_1352] : memref<2x8x2x8x128xf32, #tpu.memory_space<vmem>> -> memref<1x8x2x8x128xf32, #tpu.memory_space<vmem>>
          %parallel_loop3A_1354 = tpu.memref_squeeze %parallel_loop3A_1353 : memref<1x8x2x8x128xf32, #tpu.memory_space<vmem>> -> memref<8x2x8x128xf32, #tpu.memory_space<vmem>>
          %parallel_loop3A_1355 = arith.index_cast %parallel_loop3A_1346 : i32 to index
          %parallel_loop3A_1356 = arith.index_cast %parallel_loop3A_1347 : i32 to index
          %parallel_loop3A_1357 = arith.index_cast %parallel_loop3A_1348 : i32 to index
          %parallel_loop3A_1358 = arith.index_cast %parallel_loop3A_284 : i32 to index
          %parallel_loop3A_1359 = tpu.vector_load %parallel_loop3A_1354[%parallel_loop3A_1355, %parallel_loop3A_1356, %parallel_loop3A_1357, %parallel_loop3A_1358] {strides = array<i32>} : memref<8x2x8x128xf32, #tpu.memory_space<vmem>>, vector<16xf32>,
          tpu.vector_store %parallel_loop3A_1354[%parallel_loop3A_1355, %parallel_loop3A_1356, %parallel_loop3A_1357, %parallel_loop3A_1358], %parallel_loop3A_1345 {strides = array<i32>} : memref<8x2x8x128xf32, #tpu.memory_space<vmem>>, vector<16xf32>,
          %parallel_loop3A_1360 = arith.constant 54 : i32
          %parallel_loop3A_1361 = arith.constant 0 : i32
          %parallel_loop3A_1362 = tpu.memref_slice %arg5[%parallel_loop3A_1360, %parallel_loop3A_1361] : memref<64x9xf32, #tpu.memory_space<vmem>> -> memref<1x9xf32, #tpu.memory_space<vmem>>
          %parallel_loop3A_1363 = tpu.memref_squeeze %parallel_loop3A_1362 : memref<1x9xf32, #tpu.memory_space<vmem>> -> memref<9xf32, #tpu.memory_space<vmem>>
          %parallel_loop3A_1364 = tpu.vector_load_idx %parallel_loop3A_1363[%parallel_loop3A_333] : memref<9xf32, #tpu.memory_space<vmem>>[vector<16xi32>], vector<16xf32>,
          %parallel_loop3A_1365 = arith.constant 6 : i32
          %parallel_loop3A_1366 = arith.constant 0 : i32
          %parallel_loop3A_1367 = arith.constant 6 : i32
          %parallel_loop3A_1368 = arith.constant 0 : i32
          %parallel_loop3A_1369 = arith.constant 0 : i32
          %parallel_loop3A_1370 = arith.constant 0 : i32
          %parallel_loop3A_1371 = arith.constant 0 : i32
          %parallel_loop3A_1372 = tpu.memref_slice %run_scoped3A_8[%rem3A_209, %parallel_loop3A_1368, %parallel_loop3A_1369, %parallel_loop3A_1370, %parallel_loop3A_1371] : memref<2x8x2x8x128xf32, #tpu.memory_space<vmem>> -> memref<1x8x2x8x128xf32, #tpu.memory_space<vmem>>
          %parallel_loop3A_1373 = tpu.memref_squeeze %parallel_loop3A_1372 : memref<1x8x2x8x128xf32, #tpu.memory_space<vmem>> -> memref<8x2x8x128xf32, #tpu.memory_space<vmem>>
          %parallel_loop3A_1374 = arith.index_cast %parallel_loop3A_1365 : i32 to index
          %parallel_loop3A_1375 = arith.index_cast %parallel_loop3A_1366 : i32 to index
          %parallel_loop3A_1376 = arith.index_cast %parallel_loop3A_1367 : i32 to index
          %parallel_loop3A_1377 = arith.index_cast %parallel_loop3A_284 : i32 to index
          %parallel_loop3A_1378 = tpu.vector_load %parallel_loop3A_1373[%parallel_loop3A_1374, %parallel_loop3A_1375, %parallel_loop3A_1376, %parallel_loop3A_1377] {strides = array<i32>} : memref<8x2x8x128xf32, #tpu.memory_space<vmem>>, vector<16xf32>,
          tpu.vector_store %parallel_loop3A_1373[%parallel_loop3A_1374, %parallel_loop3A_1375, %parallel_loop3A_1376, %parallel_loop3A_1377], %parallel_loop3A_1364 {strides = array<i32>} : memref<8x2x8x128xf32, #tpu.memory_space<vmem>>, vector<16xf32>,
          %parallel_loop3A_1379 = arith.constant 55 : i32
          %parallel_loop3A_1380 = arith.constant 0 : i32
          %parallel_loop3A_1381 = tpu.memref_slice %arg5[%parallel_loop3A_1379, %parallel_loop3A_1380] : memref<64x9xf32, #tpu.memory_space<vmem>> -> memref<1x9xf32, #tpu.memory_space<vmem>>
          %parallel_loop3A_1382 = tpu.memref_squeeze %parallel_loop3A_1381 : memref<1x9xf32, #tpu.memory_space<vmem>> -> memref<9xf32, #tpu.memory_space<vmem>>
          %parallel_loop3A_1383 = tpu.vector_load_idx %parallel_loop3A_1382[%parallel_loop3A_333] : memref<9xf32, #tpu.memory_space<vmem>>[vector<16xi32>], vector<16xf32>,
          %parallel_loop3A_1384 = arith.constant 6 : i32
          %parallel_loop3A_1385 = arith.constant 0 : i32
          %parallel_loop3A_1386 = arith.constant 7 : i32
          %parallel_loop3A_1387 = arith.constant 0 : i32
          %parallel_loop3A_1388 = arith.constant 0 : i32
          %parallel_loop3A_1389 = arith.constant 0 : i32
          %parallel_loop3A_1390 = arith.constant 0 : i32
          %parallel_loop3A_1391 = tpu.memref_slice %run_scoped3A_8[%rem3A_209, %parallel_loop3A_1387, %parallel_loop3A_1388, %parallel_loop3A_1389, %parallel_loop3A_1390] : memref<2x8x2x8x128xf32, #tpu.memory_space<vmem>> -> memref<1x8x2x8x128xf32, #tpu.memory_space<vmem>>
          %parallel_loop3A_1392 = tpu.memref_squeeze %parallel_loop3A_1391 : memref<1x8x2x8x128xf32, #tpu.memory_space<vmem>> -> memref<8x2x8x128xf32, #tpu.memory_space<vmem>>
          %parallel_loop3A_1393 = arith.index_cast %parallel_loop3A_1384 : i32 to index
          %parallel_loop3A_1394 = arith.index_cast %parallel_loop3A_1385 : i32 to index
          %parallel_loop3A_1395 = arith.index_cast %parallel_loop3A_1386 : i32 to index
          %parallel_loop3A_1396 = arith.index_cast %parallel_loop3A_284 : i32 to index
          %parallel_loop3A_1397 = tpu.vector_load %parallel_loop3A_1392[%parallel_loop3A_1393, %parallel_loop3A_1394, %parallel_loop3A_1395, %parallel_loop3A_1396] {strides = array<i32>} : memref<8x2x8x128xf32, #tpu.memory_space<vmem>>, vector<16xf32>,
          tpu.vector_store %parallel_loop3A_1392[%parallel_loop3A_1393, %parallel_loop3A_1394, %parallel_loop3A_1395, %parallel_loop3A_1396], %parallel_loop3A_1383 {strides = array<i32>} : memref<8x2x8x128xf32, #tpu.memory_space<vmem>>, vector<16xf32>,
          %parallel_loop3A_1398 = arith.constant 56 : i32
          %parallel_loop3A_1399 = arith.constant 0 : i32
          %parallel_loop3A_1400 = tpu.memref_slice %arg5[%parallel_loop3A_1398, %parallel_loop3A_1399] : memref<64x9xf32, #tpu.memory_space<vmem>> -> memref<1x9xf32, #tpu.memory_space<vmem>>
          %parallel_loop3A_1401 = tpu.memref_squeeze %parallel_loop3A_1400 : memref<1x9xf32, #tpu.memory_space<vmem>> -> memref<9xf32, #tpu.memory_space<vmem>>
          %parallel_loop3A_1402 = tpu.vector_load_idx %parallel_loop3A_1401[%parallel_loop3A_333] : memref<9xf32, #tpu.memory_space<vmem>>[vector<16xi32>], vector<16xf32>,
          %parallel_loop3A_1403 = arith.constant 7 : i32
          %parallel_loop3A_1404 = arith.constant 0 : i32
          %parallel_loop3A_1405 = arith.constant 0 : i32
          %parallel_loop3A_1406 = arith.constant 0 : i32
          %parallel_loop3A_1407 = arith.constant 0 : i32
          %parallel_loop3A_1408 = arith.constant 0 : i32
          %parallel_loop3A_1409 = arith.constant 0 : i32
          %parallel_loop3A_1410 = tpu.memref_slice %run_scoped3A_8[%rem3A_209, %parallel_loop3A_1406, %parallel_loop3A_1407, %parallel_loop3A_1408, %parallel_loop3A_1409] : memref<2x8x2x8x128xf32, #tpu.memory_space<vmem>> -> memref<1x8x2x8x128xf32, #tpu.memory_space<vmem>>
          %parallel_loop3A_1411 = tpu.memref_squeeze %parallel_loop3A_1410 : memref<1x8x2x8x128xf32, #tpu.memory_space<vmem>> -> memref<8x2x8x128xf32, #tpu.memory_space<vmem>>
          %parallel_loop3A_1412 = arith.index_cast %parallel_loop3A_1403 : i32 to index
          %parallel_loop3A_1413 = arith.index_cast %parallel_loop3A_1404 : i32 to index
          %parallel_loop3A_1414 = arith.index_cast %parallel_loop3A_1405 : i32 to index
          %parallel_loop3A_1415 = arith.index_cast %parallel_loop3A_284 : i32 to index
          %parallel_loop3A_1416 = tpu.vector_load %parallel_loop3A_1411[%parallel_loop3A_1412, %parallel_loop3A_1413, %parallel_loop3A_1414, %parallel_loop3A_1415] {strides = array<i32>} : memref<8x2x8x128xf32, #tpu.memory_space<vmem>>, vector<16xf32>,
          tpu.vector_store %parallel_loop3A_1411[%parallel_loop3A_1412, %parallel_loop3A_1413, %parallel_loop3A_1414, %parallel_loop3A_1415], %parallel_loop3A_1402 {strides = array<i32>} : memref<8x2x8x128xf32, #tpu.memory_space<vmem>>, vector<16xf32>,
          %parallel_loop3A_1417 = arith.constant 57 : i32
          %parallel_loop3A_1418 = arith.constant 0 : i32
          %parallel_loop3A_1419 = tpu.memref_slice %arg5[%parallel_loop3A_1417, %parallel_loop3A_1418] : memref<64x9xf32, #tpu.memory_space<vmem>> -> memref<1x9xf32, #tpu.memory_space<vmem>>
          %parallel_loop3A_1420 = tpu.memref_squeeze %parallel_loop3A_1419 : memref<1x9xf32, #tpu.memory_space<vmem>> -> memref<9xf32, #tpu.memory_space<vmem>>
          %parallel_loop3A_1421 = tpu.vector_load_idx %parallel_loop3A_1420[%parallel_loop3A_333] : memref<9xf32, #tpu.memory_space<vmem>>[vector<16xi32>], vector<16xf32>,
          %parallel_loop3A_1422 = arith.constant 7 : i32
          %parallel_loop3A_1423 = arith.constant 0 : i32
          %parallel_loop3A_1424 = arith.constant 1 : i32
          %parallel_loop3A_1425 = arith.constant 0 : i32
          %parallel_loop3A_1426 = arith.constant 0 : i32
          %parallel_loop3A_1427 = arith.constant 0 : i32
          %parallel_loop3A_1428 = arith.constant 0 : i32
          %parallel_loop3A_1429 = tpu.memref_slice %run_scoped3A_8[%rem3A_209, %parallel_loop3A_1425, %parallel_loop3A_1426, %parallel_loop3A_1427, %parallel_loop3A_1428] : memref<2x8x2x8x128xf32, #tpu.memory_space<vmem>> -> memref<1x8x2x8x128xf32, #tpu.memory_space<vmem>>
          %parallel_loop3A_1430 = tpu.memref_squeeze %parallel_loop3A_1429 : memref<1x8x2x8x128xf32, #tpu.memory_space<vmem>> -> memref<8x2x8x128xf32, #tpu.memory_space<vmem>>
          %parallel_loop3A_1431 = arith.index_cast %parallel_loop3A_1422 : i32 to index
          %parallel_loop3A_1432 = arith.index_cast %parallel_loop3A_1423 : i32 to index
          %parallel_loop3A_1433 = arith.index_cast %parallel_loop3A_1424 : i32 to index
          %parallel_loop3A_1434 = arith.index_cast %parallel_loop3A_284 : i32 to index
          %parallel_loop3A_1435 = tpu.vector_load %parallel_loop3A_1430[%parallel_loop3A_1431, %parallel_loop3A_1432, %parallel_loop3A_1433, %parallel_loop3A_1434] {strides = array<i32>} : memref<8x2x8x128xf32, #tpu.memory_space<vmem>>, vector<16xf32>,
          tpu.vector_store %parallel_loop3A_1430[%parallel_loop3A_1431, %parallel_loop3A_1432, %parallel_loop3A_1433, %parallel_loop3A_1434], %parallel_loop3A_1421 {strides = array<i32>} : memref<8x2x8x128xf32, #tpu.memory_space<vmem>>, vector<16xf32>,
          %parallel_loop3A_1436 = arith.constant 58 : i32
          %parallel_loop3A_1437 = arith.constant 0 : i32
          %parallel_loop3A_1438 = tpu.memref_slice %arg5[%parallel_loop3A_1436, %parallel_loop3A_1437] : memref<64x9xf32, #tpu.memory_space<vmem>> -> memref<1x9xf32, #tpu.memory_space<vmem>>
          %parallel_loop3A_1439 = tpu.memref_squeeze %parallel_loop3A_1438 : memref<1x9xf32, #tpu.memory_space<vmem>> -> memref<9xf32, #tpu.memory_space<vmem>>
          %parallel_loop3A_1440 = tpu.vector_load_idx %parallel_loop3A_1439[%parallel_loop3A_333] : memref<9xf32, #tpu.memory_space<vmem>>[vector<16xi32>], vector<16xf32>,
          %parallel_loop3A_1441 = arith.constant 7 : i32
          %parallel_loop3A_1442 = arith.constant 0 : i32
          %parallel_loop3A_1443 = arith.constant 2 : i32
          %parallel_loop3A_1444 = arith.constant 0 : i32
          %parallel_loop3A_1445 = arith.constant 0 : i32
          %parallel_loop3A_1446 = arith.constant 0 : i32
          %parallel_loop3A_1447 = arith.constant 0 : i32
          %parallel_loop3A_1448 = tpu.memref_slice %run_scoped3A_8[%rem3A_209, %parallel_loop3A_1444, %parallel_loop3A_1445, %parallel_loop3A_1446, %parallel_loop3A_1447] : memref<2x8x2x8x128xf32, #tpu.memory_space<vmem>> -> memref<1x8x2x8x128xf32, #tpu.memory_space<vmem>>
          %parallel_loop3A_1449 = tpu.memref_squeeze %parallel_loop3A_1448 : memref<1x8x2x8x128xf32, #tpu.memory_space<vmem>> -> memref<8x2x8x128xf32, #tpu.memory_space<vmem>>
          %parallel_loop3A_1450 = arith.index_cast %parallel_loop3A_1441 : i32 to index
          %parallel_loop3A_1451 = arith.index_cast %parallel_loop3A_1442 : i32 to index
          %parallel_loop3A_1452 = arith.index_cast %parallel_loop3A_1443 : i32 to index
          %parallel_loop3A_1453 = arith.index_cast %parallel_loop3A_284 : i32 to index
          %parallel_loop3A_1454 = tpu.vector_load %parallel_loop3A_1449[%parallel_loop3A_1450, %parallel_loop3A_1451, %parallel_loop3A_1452, %parallel_loop3A_1453] {strides = array<i32>} : memref<8x2x8x128xf32, #tpu.memory_space<vmem>>, vector<16xf32>,
          tpu.vector_store %parallel_loop3A_1449[%parallel_loop3A_1450, %parallel_loop3A_1451, %parallel_loop3A_1452, %parallel_loop3A_1453], %parallel_loop3A_1440 {strides = array<i32>} : memref<8x2x8x128xf32, #tpu.memory_space<vmem>>, vector<16xf32>,
          %parallel_loop3A_1455 = arith.constant 59 : i32
          %parallel_loop3A_1456 = arith.constant 0 : i32
          %parallel_loop3A_1457 = tpu.memref_slice %arg5[%parallel_loop3A_1455, %parallel_loop3A_1456] : memref<64x9xf32, #tpu.memory_space<vmem>> -> memref<1x9xf32, #tpu.memory_space<vmem>>
          %parallel_loop3A_1458 = tpu.memref_squeeze %parallel_loop3A_1457 : memref<1x9xf32, #tpu.memory_space<vmem>> -> memref<9xf32, #tpu.memory_space<vmem>>
          %parallel_loop3A_1459 = tpu.vector_load_idx %parallel_loop3A_1458[%parallel_loop3A_333] : memref<9xf32, #tpu.memory_space<vmem>>[vector<16xi32>], vector<16xf32>,
          %parallel_loop3A_1460 = arith.constant 7 : i32
          %parallel_loop3A_1461 = arith.constant 0 : i32
          %parallel_loop3A_1462 = arith.constant 3 : i32
          %parallel_loop3A_1463 = arith.constant 0 : i32
          %parallel_loop3A_1464 = arith.constant 0 : i32
          %parallel_loop3A_1465 = arith.constant 0 : i32
          %parallel_loop3A_1466 = arith.constant 0 : i32
          %parallel_loop3A_1467 = tpu.memref_slice %run_scoped3A_8[%rem3A_209, %parallel_loop3A_1463, %parallel_loop3A_1464, %parallel_loop3A_1465, %parallel_loop3A_1466] : memref<2x8x2x8x128xf32, #tpu.memory_space<vmem>> -> memref<1x8x2x8x128xf32, #tpu.memory_space<vmem>>
          %parallel_loop3A_1468 = tpu.memref_squeeze %parallel_loop3A_1467 : memref<1x8x2x8x128xf32, #tpu.memory_space<vmem>> -> memref<8x2x8x128xf32, #tpu.memory_space<vmem>>
          %parallel_loop3A_1469 = arith.index_cast %parallel_loop3A_1460 : i32 to index
          %parallel_loop3A_1470 = arith.index_cast %parallel_loop3A_1461 : i32 to index
          %parallel_loop3A_1471 = arith.index_cast %parallel_loop3A_1462 : i32 to index
          %parallel_loop3A_1472 = arith.index_cast %parallel_loop3A_284 : i32 to index
          %parallel_loop3A_1473 = tpu.vector_load %parallel_loop3A_1468[%parallel_loop3A_1469, %parallel_loop3A_1470, %parallel_loop3A_1471, %parallel_loop3A_1472] {strides = array<i32>} : memref<8x2x8x128xf32, #tpu.memory_space<vmem>>, vector<16xf32>,
          tpu.vector_store %parallel_loop3A_1468[%parallel_loop3A_1469, %parallel_loop3A_1470, %parallel_loop3A_1471, %parallel_loop3A_1472], %parallel_loop3A_1459 {strides = array<i32>} : memref<8x2x8x128xf32, #tpu.memory_space<vmem>>, vector<16xf32>,
          %parallel_loop3A_1474 = arith.constant 60 : i32
          %parallel_loop3A_1475 = arith.constant 0 : i32
          %parallel_loop3A_1476 = tpu.memref_slice %arg5[%parallel_loop3A_1474, %parallel_loop3A_1475] : memref<64x9xf32, #tpu.memory_space<vmem>> -> memref<1x9xf32, #tpu.memory_space<vmem>>
          %parallel_loop3A_1477 = tpu.memref_squeeze %parallel_loop3A_1476 : memref<1x9xf32, #tpu.memory_space<vmem>> -> memref<9xf32, #tpu.memory_space<vmem>>
          %parallel_loop3A_1478 = tpu.vector_load_idx %parallel_loop3A_1477[%parallel_loop3A_333] : memref<9xf32, #tpu.memory_space<vmem>>[vector<16xi32>], vector<16xf32>,
          %parallel_loop3A_1479 = arith.constant 7 : i32
          %parallel_loop3A_1480 = arith.constant 0 : i32
          %parallel_loop3A_1481 = arith.constant 4 : i32
          %parallel_loop3A_1482 = arith.constant 0 : i32
          %parallel_loop3A_1483 = arith.constant 0 : i32
          %parallel_loop3A_1484 = arith.constant 0 : i32
          %parallel_loop3A_1485 = arith.constant 0 : i32
          %parallel_loop3A_1486 = tpu.memref_slice %run_scoped3A_8[%rem3A_209, %parallel_loop3A_1482, %parallel_loop3A_1483, %parallel_loop3A_1484, %parallel_loop3A_1485] : memref<2x8x2x8x128xf32, #tpu.memory_space<vmem>> -> memref<1x8x2x8x128xf32, #tpu.memory_space<vmem>>
          %parallel_loop3A_1487 = tpu.memref_squeeze %parallel_loop3A_1486 : memref<1x8x2x8x128xf32, #tpu.memory_space<vmem>> -> memref<8x2x8x128xf32, #tpu.memory_space<vmem>>
          %parallel_loop3A_1488 = arith.index_cast %parallel_loop3A_1479 : i32 to index
          %parallel_loop3A_1489 = arith.index_cast %parallel_loop3A_1480 : i32 to index
          %parallel_loop3A_1490 = arith.index_cast %parallel_loop3A_1481 : i32 to index
          %parallel_loop3A_1491 = arith.index_cast %parallel_loop3A_284 : i32 to index
          %parallel_loop3A_1492 = tpu.vector_load %parallel_loop3A_1487[%parallel_loop3A_1488, %parallel_loop3A_1489, %parallel_loop3A_1490, %parallel_loop3A_1491] {strides = array<i32>} : memref<8x2x8x128xf32, #tpu.memory_space<vmem>>, vector<16xf32>,
          tpu.vector_store %parallel_loop3A_1487[%parallel_loop3A_1488, %parallel_loop3A_1489, %parallel_loop3A_1490, %parallel_loop3A_1491], %parallel_loop3A_1478 {strides = array<i32>} : memref<8x2x8x128xf32, #tpu.memory_space<vmem>>, vector<16xf32>,
          %parallel_loop3A_1493 = arith.constant 61 : i32
          %parallel_loop3A_1494 = arith.constant 0 : i32
          %parallel_loop3A_1495 = tpu.memref_slice %arg5[%parallel_loop3A_1493, %parallel_loop3A_1494] : memref<64x9xf32, #tpu.memory_space<vmem>> -> memref<1x9xf32, #tpu.memory_space<vmem>>
          %parallel_loop3A_1496 = tpu.memref_squeeze %parallel_loop3A_1495 : memref<1x9xf32, #tpu.memory_space<vmem>> -> memref<9xf32, #tpu.memory_space<vmem>>
          %parallel_loop3A_1497 = tpu.vector_load_idx %parallel_loop3A_1496[%parallel_loop3A_333] : memref<9xf32, #tpu.memory_space<vmem>>[vector<16xi32>], vector<16xf32>,
          %parallel_loop3A_1498 = arith.constant 7 : i32
          %parallel_loop3A_1499 = arith.constant 0 : i32
          %parallel_loop3A_1500 = arith.constant 5 : i32
          %parallel_loop3A_1501 = arith.constant 0 : i32
          %parallel_loop3A_1502 = arith.constant 0 : i32
          %parallel_loop3A_1503 = arith.constant 0 : i32
          %parallel_loop3A_1504 = arith.constant 0 : i32
          %parallel_loop3A_1505 = tpu.memref_slice %run_scoped3A_8[%rem3A_209, %parallel_loop3A_1501, %parallel_loop3A_1502, %parallel_loop3A_1503, %parallel_loop3A_1504] : memref<2x8x2x8x128xf32, #tpu.memory_space<vmem>> -> memref<1x8x2x8x128xf32, #tpu.memory_space<vmem>>
          %parallel_loop3A_1506 = tpu.memref_squeeze %parallel_loop3A_1505 : memref<1x8x2x8x128xf32, #tpu.memory_space<vmem>> -> memref<8x2x8x128xf32, #tpu.memory_space<vmem>>
          %parallel_loop3A_1507 = arith.index_cast %parallel_loop3A_1498 : i32 to index
          %parallel_loop3A_1508 = arith.index_cast %parallel_loop3A_1499 : i32 to index
          %parallel_loop3A_1509 = arith.index_cast %parallel_loop3A_1500 : i32 to index
          %parallel_loop3A_1510 = arith.index_cast %parallel_loop3A_284 : i32 to index
          %parallel_loop3A_1511 = tpu.vector_load %parallel_loop3A_1506[%parallel_loop3A_1507, %parallel_loop3A_1508, %parallel_loop3A_1509, %parallel_loop3A_1510] {strides = array<i32>} : memref<8x2x8x128xf32, #tpu.memory_space<vmem>>, vector<16xf32>,
          tpu.vector_store %parallel_loop3A_1506[%parallel_loop3A_1507, %parallel_loop3A_1508, %parallel_loop3A_1509, %parallel_loop3A_1510], %parallel_loop3A_1497 {strides = array<i32>} : memref<8x2x8x128xf32, #tpu.memory_space<vmem>>, vector<16xf32>,
          %parallel_loop3A_1512 = arith.constant 62 : i32
          %parallel_loop3A_1513 = arith.constant 0 : i32
          %parallel_loop3A_1514 = tpu.memref_slice %arg5[%parallel_loop3A_1512, %parallel_loop3A_1513] : memref<64x9xf32, #tpu.memory_space<vmem>> -> memref<1x9xf32, #tpu.memory_space<vmem>>
          %parallel_loop3A_1515 = tpu.memref_squeeze %parallel_loop3A_1514 : memref<1x9xf32, #tpu.memory_space<vmem>> -> memref<9xf32, #tpu.memory_space<vmem>>
          %parallel_loop3A_1516 = tpu.vector_load_idx %parallel_loop3A_1515[%parallel_loop3A_333] : memref<9xf32, #tpu.memory_space<vmem>>[vector<16xi32>], vector<16xf32>,
          %parallel_loop3A_1517 = arith.constant 7 : i32
          %parallel_loop3A_1518 = arith.constant 0 : i32
          %parallel_loop3A_1519 = arith.constant 6 : i32
          %parallel_loop3A_1520 = arith.constant 0 : i32
          %parallel_loop3A_1521 = arith.constant 0 : i32
          %parallel_loop3A_1522 = arith.constant 0 : i32
          %parallel_loop3A_1523 = arith.constant 0 : i32
          %parallel_loop3A_1524 = tpu.memref_slice %run_scoped3A_8[%rem3A_209, %parallel_loop3A_1520, %parallel_loop3A_1521, %parallel_loop3A_1522, %parallel_loop3A_1523] : memref<2x8x2x8x128xf32, #tpu.memory_space<vmem>> -> memref<1x8x2x8x128xf32, #tpu.memory_space<vmem>>
          %parallel_loop3A_1525 = tpu.memref_squeeze %parallel_loop3A_1524 : memref<1x8x2x8x128xf32, #tpu.memory_space<vmem>> -> memref<8x2x8x128xf32, #tpu.memory_space<vmem>>
          %parallel_loop3A_1526 = arith.index_cast %parallel_loop3A_1517 : i32 to index
          %parallel_loop3A_1527 = arith.index_cast %parallel_loop3A_1518 : i32 to index
          %parallel_loop3A_1528 = arith.index_cast %parallel_loop3A_1519 : i32 to index
          %parallel_loop3A_1529 = arith.index_cast %parallel_loop3A_284 : i32 to index
          %parallel_loop3A_1530 = tpu.vector_load %parallel_loop3A_1525[%parallel_loop3A_1526, %parallel_loop3A_1527, %parallel_loop3A_1528, %parallel_loop3A_1529] {strides = array<i32>} : memref<8x2x8x128xf32, #tpu.memory_space<vmem>>, vector<16xf32>,
          tpu.vector_store %parallel_loop3A_1525[%parallel_loop3A_1526, %parallel_loop3A_1527, %parallel_loop3A_1528, %parallel_loop3A_1529], %parallel_loop3A_1516 {strides = array<i32>} : memref<8x2x8x128xf32, #tpu.memory_space<vmem>>, vector<16xf32>,
          %parallel_loop3A_1531 = arith.constant 63 : i32
          %parallel_loop3A_1532 = arith.constant 0 : i32
          %parallel_loop3A_1533 = tpu.memref_slice %arg5[%parallel_loop3A_1531, %parallel_loop3A_1532] : memref<64x9xf32, #tpu.memory_space<vmem>> -> memref<1x9xf32, #tpu.memory_space<vmem>>
          %parallel_loop3A_1534 = tpu.memref_squeeze %parallel_loop3A_1533 : memref<1x9xf32, #tpu.memory_space<vmem>> -> memref<9xf32, #tpu.memory_space<vmem>>
          %parallel_loop3A_1535 = tpu.vector_load_idx %parallel_loop3A_1534[%parallel_loop3A_333] : memref<9xf32, #tpu.memory_space<vmem>>[vector<16xi32>], vector<16xf32>,
          %parallel_loop3A_1536 = arith.constant 7 : i32
          %parallel_loop3A_1537 = arith.constant 0 : i32
          %parallel_loop3A_1538 = arith.constant 7 : i32
          %parallel_loop3A_1539 = arith.constant 0 : i32
          %parallel_loop3A_1540 = arith.constant 0 : i32
          %parallel_loop3A_1541 = arith.constant 0 : i32
          %parallel_loop3A_1542 = arith.constant 0 : i32
          %parallel_loop3A_1543 = tpu.memref_slice %run_scoped3A_8[%rem3A_209, %parallel_loop3A_1539, %parallel_loop3A_1540, %parallel_loop3A_1541, %parallel_loop3A_1542] : memref<2x8x2x8x128xf32, #tpu.memory_space<vmem>> -> memref<1x8x2x8x128xf32, #tpu.memory_space<vmem>>
          %parallel_loop3A_1544 = tpu.memref_squeeze %parallel_loop3A_1543 : memref<1x8x2x8x128xf32, #tpu.memory_space<vmem>> -> memref<8x2x8x128xf32, #tpu.memory_space<vmem>>
          %parallel_loop3A_1545 = arith.index_cast %parallel_loop3A_1536 : i32 to index
          %parallel_loop3A_1546 = arith.index_cast %parallel_loop3A_1537 : i32 to index
          %parallel_loop3A_1547 = arith.index_cast %parallel_loop3A_1538 : i32 to index
          %parallel_loop3A_1548 = arith.index_cast %parallel_loop3A_284 : i32 to index
          %parallel_loop3A_1549 = tpu.vector_load %parallel_loop3A_1544[%parallel_loop3A_1545, %parallel_loop3A_1546, %parallel_loop3A_1547, %parallel_loop3A_1548] {strides = array<i32>} : memref<8x2x8x128xf32, #tpu.memory_space<vmem>>, vector<16xf32>,
          tpu.vector_store %parallel_loop3A_1544[%parallel_loop3A_1545, %parallel_loop3A_1546, %parallel_loop3A_1547, %parallel_loop3A_1548], %parallel_loop3A_1535 {strides = array<i32>} : memref<8x2x8x128xf32, #tpu.memory_space<vmem>>, vector<16xf32>,
        } {sc.loop_unroll_factor = 2 : i64, sc.parallel_access}
        %parallel_loop3A_212 = arith.constant 0 : i32
        %parallel_loop3A_213 = arith.constant 128 : i32
        %parallel_loop3A_214 = arith.constant 16 : i32
        scf.for %parallel_loop3A_284 = %parallel_loop3A_212 to %parallel_loop3A_213 step %parallel_loop3A_214  : i32 {
          %parallel_loop3A_285 = arith.constant 128 : i32
          %parallel_loop3A_286 = arith.addi %parallel_loop3A_285, %parallel_loop3A_284 : i32
          %parallel_loop3A_287 = arith.constant 0 : i32
          %parallel_loop3A_288 = arith.constant 0 : i32
          %parallel_loop3A_289 = arith.constant 0 : i32
          %parallel_loop3A_290 = tpu.memref_slice %run_scoped3A[%rem3A_207, %parallel_loop3A_288, %parallel_loop3A_289] : memref<2x1x256xi32, #tpu.memory_space<vmem>> -> memref<1x1x256xi32, #tpu.memory_space<vmem>>
          %parallel_loop3A_291 = tpu.memref_squeeze %parallel_loop3A_290 : memref<1x1x256xi32, #tpu.memory_space<vmem>> -> memref<1x256xi32, #tpu.memory_space<vmem>>
          %parallel_loop3A_292 = arith.index_cast %parallel_loop3A_287 : i32 to index
          %parallel_loop3A_293 = arith.index_cast %parallel_loop3A_286 : i32 to index
          %parallel_loop3A_294 = tpu.vector_load %parallel_loop3A_291[%parallel_loop3A_292, %parallel_loop3A_293] {strides = array<i32>} : memref<1x256xi32, #tpu.memory_space<vmem>>, vector<16xi32>,
          %parallel_loop3A_295 = arith.constant 1 : i32
          %parallel_loop3A_296 = vector.broadcast %parallel_loop3A_295 : i32 to vector<16xi32>
          %parallel_loop3A_297 = arith.cmpi sge, %parallel_loop3A_294, %parallel_loop3A_296 : vector<16xi32>
          %parallel_loop3A_298 = arith.extui %parallel_loop3A_297 : vector<16xi1> to vector<16xi32>
          %parallel_loop3A_299 = arith.constant 2 : i32
          %parallel_loop3A_300 = vector.broadcast %parallel_loop3A_299 : i32 to vector<16xi32>
          %parallel_loop3A_301 = arith.cmpi sge, %parallel_loop3A_294, %parallel_loop3A_300 : vector<16xi32>
          %parallel_loop3A_302 = arith.extui %parallel_loop3A_301 : vector<16xi1> to vector<16xi32>
          %parallel_loop3A_303 = arith.addi %parallel_loop3A_298, %parallel_loop3A_302 : vector<16xi32>
          %parallel_loop3A_304 = arith.constant 3 : i32
          %parallel_loop3A_305 = vector.broadcast %parallel_loop3A_304 : i32 to vector<16xi32>
          %parallel_loop3A_306 = arith.cmpi sge, %parallel_loop3A_294, %parallel_loop3A_305 : vector<16xi32>
          %parallel_loop3A_307 = arith.extui %parallel_loop3A_306 : vector<16xi1> to vector<16xi32>
          %parallel_loop3A_308 = arith.addi %parallel_loop3A_303, %parallel_loop3A_307 : vector<16xi32>
          %parallel_loop3A_309 = arith.constant 4 : i32
          %parallel_loop3A_310 = vector.broadcast %parallel_loop3A_309 : i32 to vector<16xi32>
          %parallel_loop3A_311 = arith.cmpi sge, %parallel_loop3A_294, %parallel_loop3A_310 : vector<16xi32>
          %parallel_loop3A_312 = arith.extui %parallel_loop3A_311 : vector<16xi1> to vector<16xi32>
          %parallel_loop3A_313 = arith.addi %parallel_loop3A_308, %parallel_loop3A_312 : vector<16xi32>
          %parallel_loop3A_314 = arith.constant 8 : i32
          %parallel_loop3A_315 = vector.broadcast %parallel_loop3A_314 : i32 to vector<16xi32>
          %parallel_loop3A_316 = arith.cmpi sge, %parallel_loop3A_294, %parallel_loop3A_315 : vector<16xi32>
          %parallel_loop3A_317 = arith.extui %parallel_loop3A_316 : vector<16xi1> to vector<16xi32>
          %parallel_loop3A_318 = arith.addi %parallel_loop3A_313, %parallel_loop3A_317 : vector<16xi32>
          %parallel_loop3A_319 = arith.constant 16 : i32
          %parallel_loop3A_320 = vector.broadcast %parallel_loop3A_319 : i32 to vector<16xi32>
          %parallel_loop3A_321 = arith.cmpi sge, %parallel_loop3A_294, %parallel_loop3A_320 : vector<16xi32>
          %parallel_loop3A_322 = arith.extui %parallel_loop3A_321 : vector<16xi1> to vector<16xi32>
          %parallel_loop3A_323 = arith.addi %parallel_loop3A_318, %parallel_loop3A_322 : vector<16xi32>
          %parallel_loop3A_324 = arith.constant 32 : i32
          %parallel_loop3A_325 = vector.broadcast %parallel_loop3A_324 : i32 to vector<16xi32>
          %parallel_loop3A_326 = arith.cmpi sge, %parallel_loop3A_294, %parallel_loop3A_325 : vector<16xi32>
          %parallel_loop3A_327 = arith.extui %parallel_loop3A_326 : vector<16xi1> to vector<16xi32>
          %parallel_loop3A_328 = arith.addi %parallel_loop3A_323, %parallel_loop3A_327 : vector<16xi32>
          %parallel_loop3A_329 = arith.constant 64 : i32
          %parallel_loop3A_330 = vector.broadcast %parallel_loop3A_329 : i32 to vector<16xi32>
          %parallel_loop3A_331 = arith.cmpi sge, %parallel_loop3A_294, %parallel_loop3A_330 : vector<16xi32>
          %parallel_loop3A_332 = arith.extui %parallel_loop3A_331 : vector<16xi1> to vector<16xi32>
          %parallel_loop3A_333 = arith.addi %parallel_loop3A_328, %parallel_loop3A_332 : vector<16xi32>
          %parallel_loop3A_334 = arith.constant 0 : i32
          %parallel_loop3A_335 = arith.constant 0 : i32
          %parallel_loop3A_336 = tpu.memref_slice %arg5[%parallel_loop3A_334, %parallel_loop3A_335] : memref<64x9xf32, #tpu.memory_space<vmem>> -> memref<1x9xf32, #tpu.memory_space<vmem>>
          %parallel_loop3A_337 = tpu.memref_squeeze %parallel_loop3A_336 : memref<1x9xf32, #tpu.memory_space<vmem>> -> memref<9xf32, #tpu.memory_space<vmem>>
          %parallel_loop3A_338 = tpu.vector_load_idx %parallel_loop3A_337[%parallel_loop3A_333] : memref<9xf32, #tpu.memory_space<vmem>>[vector<16xi32>], vector<16xf32>,
          %parallel_loop3A_339 = arith.constant 0 : i32
          %parallel_loop3A_340 = arith.constant 1 : i32
          %parallel_loop3A_341 = arith.constant 0 : i32
          %parallel_loop3A_342 = arith.constant 0 : i32
          %parallel_loop3A_343 = arith.constant 0 : i32
          %parallel_loop3A_344 = arith.constant 0 : i32
          %parallel_loop3A_345 = arith.constant 0 : i32
          %parallel_loop3A_346 = tpu.memref_slice %run_scoped3A_8[%rem3A_209, %parallel_loop3A_342, %parallel_loop3A_343, %parallel_loop3A_344, %parallel_loop3A_345] : memref<2x8x2x8x128xf32, #tpu.memory_space<vmem>> -> memref<1x8x2x8x128xf32, #tpu.memory_space<vmem>>
          %parallel_loop3A_347 = tpu.memref_squeeze %parallel_loop3A_346 : memref<1x8x2x8x128xf32, #tpu.memory_space<vmem>> -> memref<8x2x8x128xf32, #tpu.memory_space<vmem>>
          %parallel_loop3A_348 = arith.index_cast %parallel_loop3A_339 : i32 to index
          %parallel_loop3A_349 = arith.index_cast %parallel_loop3A_340 : i32 to index
          %parallel_loop3A_350 = arith.index_cast %parallel_loop3A_341 : i32 to index
          %parallel_loop3A_351 = arith.index_cast %parallel_loop3A_284 : i32 to index
          %parallel_loop3A_352 = tpu.vector_load %parallel_loop3A_347[%parallel_loop3A_348, %parallel_loop3A_349, %parallel_loop3A_350, %parallel_loop3A_351] {strides = array<i32>} : memref<8x2x8x128xf32, #tpu.memory_space<vmem>>, vector<16xf32>,
          tpu.vector_store %parallel_loop3A_347[%parallel_loop3A_348, %parallel_loop3A_349, %parallel_loop3A_350, %parallel_loop3A_351], %parallel_loop3A_338 {strides = array<i32>} : memref<8x2x8x128xf32, #tpu.memory_space<vmem>>, vector<16xf32>,
          %parallel_loop3A_353 = arith.constant 1 : i32
          %parallel_loop3A_354 = arith.constant 0 : i32
          %parallel_loop3A_355 = tpu.memref_slice %arg5[%parallel_loop3A_353, %parallel_loop3A_354] : memref<64x9xf32, #tpu.memory_space<vmem>> -> memref<1x9xf32, #tpu.memory_space<vmem>>
          %parallel_loop3A_356 = tpu.memref_squeeze %parallel_loop3A_355 : memref<1x9xf32, #tpu.memory_space<vmem>> -> memref<9xf32, #tpu.memory_space<vmem>>
          %parallel_loop3A_357 = tpu.vector_load_idx %parallel_loop3A_356[%parallel_loop3A_333] : memref<9xf32, #tpu.memory_space<vmem>>[vector<16xi32>], vector<16xf32>,
          %parallel_loop3A_358 = arith.constant 0 : i32
          %parallel_loop3A_359 = arith.constant 1 : i32
          %parallel_loop3A_360 = arith.constant 1 : i32
          %parallel_loop3A_361 = arith.constant 0 : i32
          %parallel_loop3A_362 = arith.constant 0 : i32
          %parallel_loop3A_363 = arith.constant 0 : i32
          %parallel_loop3A_364 = arith.constant 0 : i32
          %parallel_loop3A_365 = tpu.memref_slice %run_scoped3A_8[%rem3A_209, %parallel_loop3A_361, %parallel_loop3A_362, %parallel_loop3A_363, %parallel_loop3A_364] : memref<2x8x2x8x128xf32, #tpu.memory_space<vmem>> -> memref<1x8x2x8x128xf32, #tpu.memory_space<vmem>>
          %parallel_loop3A_366 = tpu.memref_squeeze %parallel_loop3A_365 : memref<1x8x2x8x128xf32, #tpu.memory_space<vmem>> -> memref<8x2x8x128xf32, #tpu.memory_space<vmem>>
          %parallel_loop3A_367 = arith.index_cast %parallel_loop3A_358 : i32 to index
          %parallel_loop3A_368 = arith.index_cast %parallel_loop3A_359 : i32 to index
          %parallel_loop3A_369 = arith.index_cast %parallel_loop3A_360 : i32 to index
          %parallel_loop3A_370 = arith.index_cast %parallel_loop3A_284 : i32 to index
          %parallel_loop3A_371 = tpu.vector_load %parallel_loop3A_366[%parallel_loop3A_367, %parallel_loop3A_368, %parallel_loop3A_369, %parallel_loop3A_370] {strides = array<i32>} : memref<8x2x8x128xf32, #tpu.memory_space<vmem>>, vector<16xf32>,
          tpu.vector_store %parallel_loop3A_366[%parallel_loop3A_367, %parallel_loop3A_368, %parallel_loop3A_369, %parallel_loop3A_370], %parallel_loop3A_357 {strides = array<i32>} : memref<8x2x8x128xf32, #tpu.memory_space<vmem>>, vector<16xf32>,
          %parallel_loop3A_372 = arith.constant 2 : i32
          %parallel_loop3A_373 = arith.constant 0 : i32
          %parallel_loop3A_374 = tpu.memref_slice %arg5[%parallel_loop3A_372, %parallel_loop3A_373] : memref<64x9xf32, #tpu.memory_space<vmem>> -> memref<1x9xf32, #tpu.memory_space<vmem>>
          %parallel_loop3A_375 = tpu.memref_squeeze %parallel_loop3A_374 : memref<1x9xf32, #tpu.memory_space<vmem>> -> memref<9xf32, #tpu.memory_space<vmem>>
          %parallel_loop3A_376 = tpu.vector_load_idx %parallel_loop3A_375[%parallel_loop3A_333] : memref<9xf32, #tpu.memory_space<vmem>>[vector<16xi32>], vector<16xf32>,
          %parallel_loop3A_377 = arith.constant 0 : i32
          %parallel_loop3A_378 = arith.constant 1 : i32
          %parallel_loop3A_379 = arith.constant 2 : i32
          %parallel_loop3A_380 = arith.constant 0 : i32
          %parallel_loop3A_381 = arith.constant 0 : i32
          %parallel_loop3A_382 = arith.constant 0 : i32
          %parallel_loop3A_383 = arith.constant 0 : i32
          %parallel_loop3A_384 = tpu.memref_slice %run_scoped3A_8[%rem3A_209, %parallel_loop3A_380, %parallel_loop3A_381, %parallel_loop3A_382, %parallel_loop3A_383] : memref<2x8x2x8x128xf32, #tpu.memory_space<vmem>> -> memref<1x8x2x8x128xf32, #tpu.memory_space<vmem>>
          %parallel_loop3A_385 = tpu.memref_squeeze %parallel_loop3A_384 : memref<1x8x2x8x128xf32, #tpu.memory_space<vmem>> -> memref<8x2x8x128xf32, #tpu.memory_space<vmem>>
          %parallel_loop3A_386 = arith.index_cast %parallel_loop3A_377 : i32 to index
          %parallel_loop3A_387 = arith.index_cast %parallel_loop3A_378 : i32 to index
          %parallel_loop3A_388 = arith.index_cast %parallel_loop3A_379 : i32 to index
          %parallel_loop3A_389 = arith.index_cast %parallel_loop3A_284 : i32 to index
          %parallel_loop3A_390 = tpu.vector_load %parallel_loop3A_385[%parallel_loop3A_386, %parallel_loop3A_387, %parallel_loop3A_388, %parallel_loop3A_389] {strides = array<i32>} : memref<8x2x8x128xf32, #tpu.memory_space<vmem>>, vector<16xf32>,
          tpu.vector_store %parallel_loop3A_385[%parallel_loop3A_386, %parallel_loop3A_387, %parallel_loop3A_388, %parallel_loop3A_389], %parallel_loop3A_376 {strides = array<i32>} : memref<8x2x8x128xf32, #tpu.memory_space<vmem>>, vector<16xf32>,
          %parallel_loop3A_391 = arith.constant 3 : i32
          %parallel_loop3A_392 = arith.constant 0 : i32
          %parallel_loop3A_393 = tpu.memref_slice %arg5[%parallel_loop3A_391, %parallel_loop3A_392] : memref<64x9xf32, #tpu.memory_space<vmem>> -> memref<1x9xf32, #tpu.memory_space<vmem>>
          %parallel_loop3A_394 = tpu.memref_squeeze %parallel_loop3A_393 : memref<1x9xf32, #tpu.memory_space<vmem>> -> memref<9xf32, #tpu.memory_space<vmem>>
          %parallel_loop3A_395 = tpu.vector_load_idx %parallel_loop3A_394[%parallel_loop3A_333] : memref<9xf32, #tpu.memory_space<vmem>>[vector<16xi32>], vector<16xf32>,
          %parallel_loop3A_396 = arith.constant 0 : i32
          %parallel_loop3A_397 = arith.constant 1 : i32
          %parallel_loop3A_398 = arith.constant 3 : i32
          %parallel_loop3A_399 = arith.constant 0 : i32
          %parallel_loop3A_400 = arith.constant 0 : i32
          %parallel_loop3A_401 = arith.constant 0 : i32
          %parallel_loop3A_402 = arith.constant 0 : i32
          %parallel_loop3A_403 = tpu.memref_slice %run_scoped3A_8[%rem3A_209, %parallel_loop3A_399, %parallel_loop3A_400, %parallel_loop3A_401, %parallel_loop3A_402] : memref<2x8x2x8x128xf32, #tpu.memory_space<vmem>> -> memref<1x8x2x8x128xf32, #tpu.memory_space<vmem>>
          %parallel_loop3A_404 = tpu.memref_squeeze %parallel_loop3A_403 : memref<1x8x2x8x128xf32, #tpu.memory_space<vmem>> -> memref<8x2x8x128xf32, #tpu.memory_space<vmem>>
          %parallel_loop3A_405 = arith.index_cast %parallel_loop3A_396 : i32 to index
          %parallel_loop3A_406 = arith.index_cast %parallel_loop3A_397 : i32 to index
          %parallel_loop3A_407 = arith.index_cast %parallel_loop3A_398 : i32 to index
          %parallel_loop3A_408 = arith.index_cast %parallel_loop3A_284 : i32 to index
          %parallel_loop3A_409 = tpu.vector_load %parallel_loop3A_404[%parallel_loop3A_405, %parallel_loop3A_406, %parallel_loop3A_407, %parallel_loop3A_408] {strides = array<i32>} : memref<8x2x8x128xf32, #tpu.memory_space<vmem>>, vector<16xf32>,
          tpu.vector_store %parallel_loop3A_404[%parallel_loop3A_405, %parallel_loop3A_406, %parallel_loop3A_407, %parallel_loop3A_408], %parallel_loop3A_395 {strides = array<i32>} : memref<8x2x8x128xf32, #tpu.memory_space<vmem>>, vector<16xf32>,
          %parallel_loop3A_410 = arith.constant 4 : i32
          %parallel_loop3A_411 = arith.constant 0 : i32
          %parallel_loop3A_412 = tpu.memref_slice %arg5[%parallel_loop3A_410, %parallel_loop3A_411] : memref<64x9xf32, #tpu.memory_space<vmem>> -> memref<1x9xf32, #tpu.memory_space<vmem>>
          %parallel_loop3A_413 = tpu.memref_squeeze %parallel_loop3A_412 : memref<1x9xf32, #tpu.memory_space<vmem>> -> memref<9xf32, #tpu.memory_space<vmem>>
          %parallel_loop3A_414 = tpu.vector_load_idx %parallel_loop3A_413[%parallel_loop3A_333] : memref<9xf32, #tpu.memory_space<vmem>>[vector<16xi32>], vector<16xf32>,
          %parallel_loop3A_415 = arith.constant 0 : i32
          %parallel_loop3A_416 = arith.constant 1 : i32
          %parallel_loop3A_417 = arith.constant 4 : i32
          %parallel_loop3A_418 = arith.constant 0 : i32
          %parallel_loop3A_419 = arith.constant 0 : i32
          %parallel_loop3A_420 = arith.constant 0 : i32
          %parallel_loop3A_421 = arith.constant 0 : i32
          %parallel_loop3A_422 = tpu.memref_slice %run_scoped3A_8[%rem3A_209, %parallel_loop3A_418, %parallel_loop3A_419, %parallel_loop3A_420, %parallel_loop3A_421] : memref<2x8x2x8x128xf32, #tpu.memory_space<vmem>> -> memref<1x8x2x8x128xf32, #tpu.memory_space<vmem>>
          %parallel_loop3A_423 = tpu.memref_squeeze %parallel_loop3A_422 : memref<1x8x2x8x128xf32, #tpu.memory_space<vmem>> -> memref<8x2x8x128xf32, #tpu.memory_space<vmem>>
          %parallel_loop3A_424 = arith.index_cast %parallel_loop3A_415 : i32 to index
          %parallel_loop3A_425 = arith.index_cast %parallel_loop3A_416 : i32 to index
          %parallel_loop3A_426 = arith.index_cast %parallel_loop3A_417 : i32 to index
          %parallel_loop3A_427 = arith.index_cast %parallel_loop3A_284 : i32 to index
          %parallel_loop3A_428 = tpu.vector_load %parallel_loop3A_423[%parallel_loop3A_424, %parallel_loop3A_425, %parallel_loop3A_426, %parallel_loop3A_427] {strides = array<i32>} : memref<8x2x8x128xf32, #tpu.memory_space<vmem>>, vector<16xf32>,
          tpu.vector_store %parallel_loop3A_423[%parallel_loop3A_424, %parallel_loop3A_425, %parallel_loop3A_426, %parallel_loop3A_427], %parallel_loop3A_414 {strides = array<i32>} : memref<8x2x8x128xf32, #tpu.memory_space<vmem>>, vector<16xf32>,
          %parallel_loop3A_429 = arith.constant 5 : i32
          %parallel_loop3A_430 = arith.constant 0 : i32
          %parallel_loop3A_431 = tpu.memref_slice %arg5[%parallel_loop3A_429, %parallel_loop3A_430] : memref<64x9xf32, #tpu.memory_space<vmem>> -> memref<1x9xf32, #tpu.memory_space<vmem>>
          %parallel_loop3A_432 = tpu.memref_squeeze %parallel_loop3A_431 : memref<1x9xf32, #tpu.memory_space<vmem>> -> memref<9xf32, #tpu.memory_space<vmem>>
          %parallel_loop3A_433 = tpu.vector_load_idx %parallel_loop3A_432[%parallel_loop3A_333] : memref<9xf32, #tpu.memory_space<vmem>>[vector<16xi32>], vector<16xf32>,
          %parallel_loop3A_434 = arith.constant 0 : i32
          %parallel_loop3A_435 = arith.constant 1 : i32
          %parallel_loop3A_436 = arith.constant 5 : i32
          %parallel_loop3A_437 = arith.constant 0 : i32
          %parallel_loop3A_438 = arith.constant 0 : i32
          %parallel_loop3A_439 = arith.constant 0 : i32
          %parallel_loop3A_440 = arith.constant 0 : i32
          %parallel_loop3A_441 = tpu.memref_slice %run_scoped3A_8[%rem3A_209, %parallel_loop3A_437, %parallel_loop3A_438, %parallel_loop3A_439, %parallel_loop3A_440] : memref<2x8x2x8x128xf32, #tpu.memory_space<vmem>> -> memref<1x8x2x8x128xf32, #tpu.memory_space<vmem>>
          %parallel_loop3A_442 = tpu.memref_squeeze %parallel_loop3A_441 : memref<1x8x2x8x128xf32, #tpu.memory_space<vmem>> -> memref<8x2x8x128xf32, #tpu.memory_space<vmem>>
          %parallel_loop3A_443 = arith.index_cast %parallel_loop3A_434 : i32 to index
          %parallel_loop3A_444 = arith.index_cast %parallel_loop3A_435 : i32 to index
          %parallel_loop3A_445 = arith.index_cast %parallel_loop3A_436 : i32 to index
          %parallel_loop3A_446 = arith.index_cast %parallel_loop3A_284 : i32 to index
          %parallel_loop3A_447 = tpu.vector_load %parallel_loop3A_442[%parallel_loop3A_443, %parallel_loop3A_444, %parallel_loop3A_445, %parallel_loop3A_446] {strides = array<i32>} : memref<8x2x8x128xf32, #tpu.memory_space<vmem>>, vector<16xf32>,
          tpu.vector_store %parallel_loop3A_442[%parallel_loop3A_443, %parallel_loop3A_444, %parallel_loop3A_445, %parallel_loop3A_446], %parallel_loop3A_433 {strides = array<i32>} : memref<8x2x8x128xf32, #tpu.memory_space<vmem>>, vector<16xf32>,
          %parallel_loop3A_448 = arith.constant 6 : i32
          %parallel_loop3A_449 = arith.constant 0 : i32
          %parallel_loop3A_450 = tpu.memref_slice %arg5[%parallel_loop3A_448, %parallel_loop3A_449] : memref<64x9xf32, #tpu.memory_space<vmem>> -> memref<1x9xf32, #tpu.memory_space<vmem>>
          %parallel_loop3A_451 = tpu.memref_squeeze %parallel_loop3A_450 : memref<1x9xf32, #tpu.memory_space<vmem>> -> memref<9xf32, #tpu.memory_space<vmem>>
          %parallel_loop3A_452 = tpu.vector_load_idx %parallel_loop3A_451[%parallel_loop3A_333] : memref<9xf32, #tpu.memory_space<vmem>>[vector<16xi32>], vector<16xf32>,
          %parallel_loop3A_453 = arith.constant 0 : i32
          %parallel_loop3A_454 = arith.constant 1 : i32
          %parallel_loop3A_455 = arith.constant 6 : i32
          %parallel_loop3A_456 = arith.constant 0 : i32
          %parallel_loop3A_457 = arith.constant 0 : i32
          %parallel_loop3A_458 = arith.constant 0 : i32
          %parallel_loop3A_459 = arith.constant 0 : i32
          %parallel_loop3A_460 = tpu.memref_slice %run_scoped3A_8[%rem3A_209, %parallel_loop3A_456, %parallel_loop3A_457, %parallel_loop3A_458, %parallel_loop3A_459] : memref<2x8x2x8x128xf32, #tpu.memory_space<vmem>> -> memref<1x8x2x8x128xf32, #tpu.memory_space<vmem>>
          %parallel_loop3A_461 = tpu.memref_squeeze %parallel_loop3A_460 : memref<1x8x2x8x128xf32, #tpu.memory_space<vmem>> -> memref<8x2x8x128xf32, #tpu.memory_space<vmem>>
          %parallel_loop3A_462 = arith.index_cast %parallel_loop3A_453 : i32 to index
          %parallel_loop3A_463 = arith.index_cast %parallel_loop3A_454 : i32 to index
          %parallel_loop3A_464 = arith.index_cast %parallel_loop3A_455 : i32 to index
          %parallel_loop3A_465 = arith.index_cast %parallel_loop3A_284 : i32 to index
          %parallel_loop3A_466 = tpu.vector_load %parallel_loop3A_461[%parallel_loop3A_462, %parallel_loop3A_463, %parallel_loop3A_464, %parallel_loop3A_465] {strides = array<i32>} : memref<8x2x8x128xf32, #tpu.memory_space<vmem>>, vector<16xf32>,
          tpu.vector_store %parallel_loop3A_461[%parallel_loop3A_462, %parallel_loop3A_463, %parallel_loop3A_464, %parallel_loop3A_465], %parallel_loop3A_452 {strides = array<i32>} : memref<8x2x8x128xf32, #tpu.memory_space<vmem>>, vector<16xf32>,
          %parallel_loop3A_467 = arith.constant 7 : i32
          %parallel_loop3A_468 = arith.constant 0 : i32
          %parallel_loop3A_469 = tpu.memref_slice %arg5[%parallel_loop3A_467, %parallel_loop3A_468] : memref<64x9xf32, #tpu.memory_space<vmem>> -> memref<1x9xf32, #tpu.memory_space<vmem>>
          %parallel_loop3A_470 = tpu.memref_squeeze %parallel_loop3A_469 : memref<1x9xf32, #tpu.memory_space<vmem>> -> memref<9xf32, #tpu.memory_space<vmem>>
          %parallel_loop3A_471 = tpu.vector_load_idx %parallel_loop3A_470[%parallel_loop3A_333] : memref<9xf32, #tpu.memory_space<vmem>>[vector<16xi32>], vector<16xf32>,
          %parallel_loop3A_472 = arith.constant 0 : i32
          %parallel_loop3A_473 = arith.constant 1 : i32
          %parallel_loop3A_474 = arith.constant 7 : i32
          %parallel_loop3A_475 = arith.constant 0 : i32
          %parallel_loop3A_476 = arith.constant 0 : i32
          %parallel_loop3A_477 = arith.constant 0 : i32
          %parallel_loop3A_478 = arith.constant 0 : i32
          %parallel_loop3A_479 = tpu.memref_slice %run_scoped3A_8[%rem3A_209, %parallel_loop3A_475, %parallel_loop3A_476, %parallel_loop3A_477, %parallel_loop3A_478] : memref<2x8x2x8x128xf32, #tpu.memory_space<vmem>> -> memref<1x8x2x8x128xf32, #tpu.memory_space<vmem>>
          %parallel_loop3A_480 = tpu.memref_squeeze %parallel_loop3A_479 : memref<1x8x2x8x128xf32, #tpu.memory_space<vmem>> -> memref<8x2x8x128xf32, #tpu.memory_space<vmem>>
          %parallel_loop3A_481 = arith.index_cast %parallel_loop3A_472 : i32 to index
          %parallel_loop3A_482 = arith.index_cast %parallel_loop3A_473 : i32 to index
          %parallel_loop3A_483 = arith.index_cast %parallel_loop3A_474 : i32 to index
          %parallel_loop3A_484 = arith.index_cast %parallel_loop3A_284 : i32 to index
          %parallel_loop3A_485 = tpu.vector_load %parallel_loop3A_480[%parallel_loop3A_481, %parallel_loop3A_482, %parallel_loop3A_483, %parallel_loop3A_484] {strides = array<i32>} : memref<8x2x8x128xf32, #tpu.memory_space<vmem>>, vector<16xf32>,
          tpu.vector_store %parallel_loop3A_480[%parallel_loop3A_481, %parallel_loop3A_482, %parallel_loop3A_483, %parallel_loop3A_484], %parallel_loop3A_471 {strides = array<i32>} : memref<8x2x8x128xf32, #tpu.memory_space<vmem>>, vector<16xf32>,
          %parallel_loop3A_486 = arith.constant 8 : i32
          %parallel_loop3A_487 = arith.constant 0 : i32
          %parallel_loop3A_488 = tpu.memref_slice %arg5[%parallel_loop3A_486, %parallel_loop3A_487] : memref<64x9xf32, #tpu.memory_space<vmem>> -> memref<1x9xf32, #tpu.memory_space<vmem>>
          %parallel_loop3A_489 = tpu.memref_squeeze %parallel_loop3A_488 : memref<1x9xf32, #tpu.memory_space<vmem>> -> memref<9xf32, #tpu.memory_space<vmem>>
          %parallel_loop3A_490 = tpu.vector_load_idx %parallel_loop3A_489[%parallel_loop3A_333] : memref<9xf32, #tpu.memory_space<vmem>>[vector<16xi32>], vector<16xf32>,
          %parallel_loop3A_491 = arith.constant 1 : i32
          %parallel_loop3A_492 = arith.constant 1 : i32
          %parallel_loop3A_493 = arith.constant 0 : i32
          %parallel_loop3A_494 = arith.constant 0 : i32
          %parallel_loop3A_495 = arith.constant 0 : i32
          %parallel_loop3A_496 = arith.constant 0 : i32
          %parallel_loop3A_497 = arith.constant 0 : i32
          %parallel_loop3A_498 = tpu.memref_slice %run_scoped3A_8[%rem3A_209, %parallel_loop3A_494, %parallel_loop3A_495, %parallel_loop3A_496, %parallel_loop3A_497] : memref<2x8x2x8x128xf32, #tpu.memory_space<vmem>> -> memref<1x8x2x8x128xf32, #tpu.memory_space<vmem>>
          %parallel_loop3A_499 = tpu.memref_squeeze %parallel_loop3A_498 : memref<1x8x2x8x128xf32, #tpu.memory_space<vmem>> -> memref<8x2x8x128xf32, #tpu.memory_space<vmem>>
          %parallel_loop3A_500 = arith.index_cast %parallel_loop3A_491 : i32 to index
          %parallel_loop3A_501 = arith.index_cast %parallel_loop3A_492 : i32 to index
          %parallel_loop3A_502 = arith.index_cast %parallel_loop3A_493 : i32 to index
          %parallel_loop3A_503 = arith.index_cast %parallel_loop3A_284 : i32 to index
          %parallel_loop3A_504 = tpu.vector_load %parallel_loop3A_499[%parallel_loop3A_500, %parallel_loop3A_501, %parallel_loop3A_502, %parallel_loop3A_503] {strides = array<i32>} : memref<8x2x8x128xf32, #tpu.memory_space<vmem>>, vector<16xf32>,
          tpu.vector_store %parallel_loop3A_499[%parallel_loop3A_500, %parallel_loop3A_501, %parallel_loop3A_502, %parallel_loop3A_503], %parallel_loop3A_490 {strides = array<i32>} : memref<8x2x8x128xf32, #tpu.memory_space<vmem>>, vector<16xf32>,
          %parallel_loop3A_505 = arith.constant 9 : i32
          %parallel_loop3A_506 = arith.constant 0 : i32
          %parallel_loop3A_507 = tpu.memref_slice %arg5[%parallel_loop3A_505, %parallel_loop3A_506] : memref<64x9xf32, #tpu.memory_space<vmem>> -> memref<1x9xf32, #tpu.memory_space<vmem>>
          %parallel_loop3A_508 = tpu.memref_squeeze %parallel_loop3A_507 : memref<1x9xf32, #tpu.memory_space<vmem>> -> memref<9xf32, #tpu.memory_space<vmem>>
          %parallel_loop3A_509 = tpu.vector_load_idx %parallel_loop3A_508[%parallel_loop3A_333] : memref<9xf32, #tpu.memory_space<vmem>>[vector<16xi32>], vector<16xf32>,
          %parallel_loop3A_510 = arith.constant 1 : i32
          %parallel_loop3A_511 = arith.constant 1 : i32
          %parallel_loop3A_512 = arith.constant 1 : i32
          %parallel_loop3A_513 = arith.constant 0 : i32
          %parallel_loop3A_514 = arith.constant 0 : i32
          %parallel_loop3A_515 = arith.constant 0 : i32
          %parallel_loop3A_516 = arith.constant 0 : i32
          %parallel_loop3A_517 = tpu.memref_slice %run_scoped3A_8[%rem3A_209, %parallel_loop3A_513, %parallel_loop3A_514, %parallel_loop3A_515, %parallel_loop3A_516] : memref<2x8x2x8x128xf32, #tpu.memory_space<vmem>> -> memref<1x8x2x8x128xf32, #tpu.memory_space<vmem>>
          %parallel_loop3A_518 = tpu.memref_squeeze %parallel_loop3A_517 : memref<1x8x2x8x128xf32, #tpu.memory_space<vmem>> -> memref<8x2x8x128xf32, #tpu.memory_space<vmem>>
          %parallel_loop3A_519 = arith.index_cast %parallel_loop3A_510 : i32 to index
          %parallel_loop3A_520 = arith.index_cast %parallel_loop3A_511 : i32 to index
          %parallel_loop3A_521 = arith.index_cast %parallel_loop3A_512 : i32 to index
          %parallel_loop3A_522 = arith.index_cast %parallel_loop3A_284 : i32 to index
          %parallel_loop3A_523 = tpu.vector_load %parallel_loop3A_518[%parallel_loop3A_519, %parallel_loop3A_520, %parallel_loop3A_521, %parallel_loop3A_522] {strides = array<i32>} : memref<8x2x8x128xf32, #tpu.memory_space<vmem>>, vector<16xf32>,
          tpu.vector_store %parallel_loop3A_518[%parallel_loop3A_519, %parallel_loop3A_520, %parallel_loop3A_521, %parallel_loop3A_522], %parallel_loop3A_509 {strides = array<i32>} : memref<8x2x8x128xf32, #tpu.memory_space<vmem>>, vector<16xf32>,
          %parallel_loop3A_524 = arith.constant 10 : i32
          %parallel_loop3A_525 = arith.constant 0 : i32
          %parallel_loop3A_526 = tpu.memref_slice %arg5[%parallel_loop3A_524, %parallel_loop3A_525] : memref<64x9xf32, #tpu.memory_space<vmem>> -> memref<1x9xf32, #tpu.memory_space<vmem>>
          %parallel_loop3A_527 = tpu.memref_squeeze %parallel_loop3A_526 : memref<1x9xf32, #tpu.memory_space<vmem>> -> memref<9xf32, #tpu.memory_space<vmem>>
          %parallel_loop3A_528 = tpu.vector_load_idx %parallel_loop3A_527[%parallel_loop3A_333] : memref<9xf32, #tpu.memory_space<vmem>>[vector<16xi32>], vector<16xf32>,
          %parallel_loop3A_529 = arith.constant 1 : i32
          %parallel_loop3A_530 = arith.constant 1 : i32
          %parallel_loop3A_531 = arith.constant 2 : i32
          %parallel_loop3A_532 = arith.constant 0 : i32
          %parallel_loop3A_533 = arith.constant 0 : i32
          %parallel_loop3A_534 = arith.constant 0 : i32
          %parallel_loop3A_535 = arith.constant 0 : i32
          %parallel_loop3A_536 = tpu.memref_slice %run_scoped3A_8[%rem3A_209, %parallel_loop3A_532, %parallel_loop3A_533, %parallel_loop3A_534, %parallel_loop3A_535] : memref<2x8x2x8x128xf32, #tpu.memory_space<vmem>> -> memref<1x8x2x8x128xf32, #tpu.memory_space<vmem>>
          %parallel_loop3A_537 = tpu.memref_squeeze %parallel_loop3A_536 : memref<1x8x2x8x128xf32, #tpu.memory_space<vmem>> -> memref<8x2x8x128xf32, #tpu.memory_space<vmem>>
          %parallel_loop3A_538 = arith.index_cast %parallel_loop3A_529 : i32 to index
          %parallel_loop3A_539 = arith.index_cast %parallel_loop3A_530 : i32 to index
          %parallel_loop3A_540 = arith.index_cast %parallel_loop3A_531 : i32 to index
          %parallel_loop3A_541 = arith.index_cast %parallel_loop3A_284 : i32 to index
          %parallel_loop3A_542 = tpu.vector_load %parallel_loop3A_537[%parallel_loop3A_538, %parallel_loop3A_539, %parallel_loop3A_540, %parallel_loop3A_541] {strides = array<i32>} : memref<8x2x8x128xf32, #tpu.memory_space<vmem>>, vector<16xf32>,
          tpu.vector_store %parallel_loop3A_537[%parallel_loop3A_538, %parallel_loop3A_539, %parallel_loop3A_540, %parallel_loop3A_541], %parallel_loop3A_528 {strides = array<i32>} : memref<8x2x8x128xf32, #tpu.memory_space<vmem>>, vector<16xf32>,
          %parallel_loop3A_543 = arith.constant 11 : i32
          %parallel_loop3A_544 = arith.constant 0 : i32
          %parallel_loop3A_545 = tpu.memref_slice %arg5[%parallel_loop3A_543, %parallel_loop3A_544] : memref<64x9xf32, #tpu.memory_space<vmem>> -> memref<1x9xf32, #tpu.memory_space<vmem>>
          %parallel_loop3A_546 = tpu.memref_squeeze %parallel_loop3A_545 : memref<1x9xf32, #tpu.memory_space<vmem>> -> memref<9xf32, #tpu.memory_space<vmem>>
          %parallel_loop3A_547 = tpu.vector_load_idx %parallel_loop3A_546[%parallel_loop3A_333] : memref<9xf32, #tpu.memory_space<vmem>>[vector<16xi32>], vector<16xf32>,
          %parallel_loop3A_548 = arith.constant 1 : i32
          %parallel_loop3A_549 = arith.constant 1 : i32
          %parallel_loop3A_550 = arith.constant 3 : i32
          %parallel_loop3A_551 = arith.constant 0 : i32
          %parallel_loop3A_552 = arith.constant 0 : i32
          %parallel_loop3A_553 = arith.constant 0 : i32
          %parallel_loop3A_554 = arith.constant 0 : i32
          %parallel_loop3A_555 = tpu.memref_slice %run_scoped3A_8[%rem3A_209, %parallel_loop3A_551, %parallel_loop3A_552, %parallel_loop3A_553, %parallel_loop3A_554] : memref<2x8x2x8x128xf32, #tpu.memory_space<vmem>> -> memref<1x8x2x8x128xf32, #tpu.memory_space<vmem>>
          %parallel_loop3A_556 = tpu.memref_squeeze %parallel_loop3A_555 : memref<1x8x2x8x128xf32, #tpu.memory_space<vmem>> -> memref<8x2x8x128xf32, #tpu.memory_space<vmem>>
          %parallel_loop3A_557 = arith.index_cast %parallel_loop3A_548 : i32 to index
          %parallel_loop3A_558 = arith.index_cast %parallel_loop3A_549 : i32 to index
          %parallel_loop3A_559 = arith.index_cast %parallel_loop3A_550 : i32 to index
          %parallel_loop3A_560 = arith.index_cast %parallel_loop3A_284 : i32 to index
          %parallel_loop3A_561 = tpu.vector_load %parallel_loop3A_556[%parallel_loop3A_557, %parallel_loop3A_558, %parallel_loop3A_559, %parallel_loop3A_560] {strides = array<i32>} : memref<8x2x8x128xf32, #tpu.memory_space<vmem>>, vector<16xf32>,
          tpu.vector_store %parallel_loop3A_556[%parallel_loop3A_557, %parallel_loop3A_558, %parallel_loop3A_559, %parallel_loop3A_560], %parallel_loop3A_547 {strides = array<i32>} : memref<8x2x8x128xf32, #tpu.memory_space<vmem>>, vector<16xf32>,
          %parallel_loop3A_562 = arith.constant 12 : i32
          %parallel_loop3A_563 = arith.constant 0 : i32
          %parallel_loop3A_564 = tpu.memref_slice %arg5[%parallel_loop3A_562, %parallel_loop3A_563] : memref<64x9xf32, #tpu.memory_space<vmem>> -> memref<1x9xf32, #tpu.memory_space<vmem>>
          %parallel_loop3A_565 = tpu.memref_squeeze %parallel_loop3A_564 : memref<1x9xf32, #tpu.memory_space<vmem>> -> memref<9xf32, #tpu.memory_space<vmem>>
          %parallel_loop3A_566 = tpu.vector_load_idx %parallel_loop3A_565[%parallel_loop3A_333] : memref<9xf32, #tpu.memory_space<vmem>>[vector<16xi32>], vector<16xf32>,
          %parallel_loop3A_567 = arith.constant 1 : i32
          %parallel_loop3A_568 = arith.constant 1 : i32
          %parallel_loop3A_569 = arith.constant 4 : i32
          %parallel_loop3A_570 = arith.constant 0 : i32
          %parallel_loop3A_571 = arith.constant 0 : i32
          %parallel_loop3A_572 = arith.constant 0 : i32
          %parallel_loop3A_573 = arith.constant 0 : i32
          %parallel_loop3A_574 = tpu.memref_slice %run_scoped3A_8[%rem3A_209, %parallel_loop3A_570, %parallel_loop3A_571, %parallel_loop3A_572, %parallel_loop3A_573] : memref<2x8x2x8x128xf32, #tpu.memory_space<vmem>> -> memref<1x8x2x8x128xf32, #tpu.memory_space<vmem>>
          %parallel_loop3A_575 = tpu.memref_squeeze %parallel_loop3A_574 : memref<1x8x2x8x128xf32, #tpu.memory_space<vmem>> -> memref<8x2x8x128xf32, #tpu.memory_space<vmem>>
          %parallel_loop3A_576 = arith.index_cast %parallel_loop3A_567 : i32 to index
          %parallel_loop3A_577 = arith.index_cast %parallel_loop3A_568 : i32 to index
          %parallel_loop3A_578 = arith.index_cast %parallel_loop3A_569 : i32 to index
          %parallel_loop3A_579 = arith.index_cast %parallel_loop3A_284 : i32 to index
          %parallel_loop3A_580 = tpu.vector_load %parallel_loop3A_575[%parallel_loop3A_576, %parallel_loop3A_577, %parallel_loop3A_578, %parallel_loop3A_579] {strides = array<i32>} : memref<8x2x8x128xf32, #tpu.memory_space<vmem>>, vector<16xf32>,
          tpu.vector_store %parallel_loop3A_575[%parallel_loop3A_576, %parallel_loop3A_577, %parallel_loop3A_578, %parallel_loop3A_579], %parallel_loop3A_566 {strides = array<i32>} : memref<8x2x8x128xf32, #tpu.memory_space<vmem>>, vector<16xf32>,
          %parallel_loop3A_581 = arith.constant 13 : i32
          %parallel_loop3A_582 = arith.constant 0 : i32
          %parallel_loop3A_583 = tpu.memref_slice %arg5[%parallel_loop3A_581, %parallel_loop3A_582] : memref<64x9xf32, #tpu.memory_space<vmem>> -> memref<1x9xf32, #tpu.memory_space<vmem>>
          %parallel_loop3A_584 = tpu.memref_squeeze %parallel_loop3A_583 : memref<1x9xf32, #tpu.memory_space<vmem>> -> memref<9xf32, #tpu.memory_space<vmem>>
          %parallel_loop3A_585 = tpu.vector_load_idx %parallel_loop3A_584[%parallel_loop3A_333] : memref<9xf32, #tpu.memory_space<vmem>>[vector<16xi32>], vector<16xf32>,
          %parallel_loop3A_586 = arith.constant 1 : i32
          %parallel_loop3A_587 = arith.constant 1 : i32
          %parallel_loop3A_588 = arith.constant 5 : i32
          %parallel_loop3A_589 = arith.constant 0 : i32
          %parallel_loop3A_590 = arith.constant 0 : i32
          %parallel_loop3A_591 = arith.constant 0 : i32
          %parallel_loop3A_592 = arith.constant 0 : i32
          %parallel_loop3A_593 = tpu.memref_slice %run_scoped3A_8[%rem3A_209, %parallel_loop3A_589, %parallel_loop3A_590, %parallel_loop3A_591, %parallel_loop3A_592] : memref<2x8x2x8x128xf32, #tpu.memory_space<vmem>> -> memref<1x8x2x8x128xf32, #tpu.memory_space<vmem>>
          %parallel_loop3A_594 = tpu.memref_squeeze %parallel_loop3A_593 : memref<1x8x2x8x128xf32, #tpu.memory_space<vmem>> -> memref<8x2x8x128xf32, #tpu.memory_space<vmem>>
          %parallel_loop3A_595 = arith.index_cast %parallel_loop3A_586 : i32 to index
          %parallel_loop3A_596 = arith.index_cast %parallel_loop3A_587 : i32 to index
          %parallel_loop3A_597 = arith.index_cast %parallel_loop3A_588 : i32 to index
          %parallel_loop3A_598 = arith.index_cast %parallel_loop3A_284 : i32 to index
          %parallel_loop3A_599 = tpu.vector_load %parallel_loop3A_594[%parallel_loop3A_595, %parallel_loop3A_596, %parallel_loop3A_597, %parallel_loop3A_598] {strides = array<i32>} : memref<8x2x8x128xf32, #tpu.memory_space<vmem>>, vector<16xf32>,
          tpu.vector_store %parallel_loop3A_594[%parallel_loop3A_595, %parallel_loop3A_596, %parallel_loop3A_597, %parallel_loop3A_598], %parallel_loop3A_585 {strides = array<i32>} : memref<8x2x8x128xf32, #tpu.memory_space<vmem>>, vector<16xf32>,
          %parallel_loop3A_600 = arith.constant 14 : i32
          %parallel_loop3A_601 = arith.constant 0 : i32
          %parallel_loop3A_602 = tpu.memref_slice %arg5[%parallel_loop3A_600, %parallel_loop3A_601] : memref<64x9xf32, #tpu.memory_space<vmem>> -> memref<1x9xf32, #tpu.memory_space<vmem>>
          %parallel_loop3A_603 = tpu.memref_squeeze %parallel_loop3A_602 : memref<1x9xf32, #tpu.memory_space<vmem>> -> memref<9xf32, #tpu.memory_space<vmem>>
          %parallel_loop3A_604 = tpu.vector_load_idx %parallel_loop3A_603[%parallel_loop3A_333] : memref<9xf32, #tpu.memory_space<vmem>>[vector<16xi32>], vector<16xf32>,
          %parallel_loop3A_605 = arith.constant 1 : i32
          %parallel_loop3A_606 = arith.constant 1 : i32
          %parallel_loop3A_607 = arith.constant 6 : i32
          %parallel_loop3A_608 = arith.constant 0 : i32
          %parallel_loop3A_609 = arith.constant 0 : i32
          %parallel_loop3A_610 = arith.constant 0 : i32
          %parallel_loop3A_611 = arith.constant 0 : i32
          %parallel_loop3A_612 = tpu.memref_slice %run_scoped3A_8[%rem3A_209, %parallel_loop3A_608, %parallel_loop3A_609, %parallel_loop3A_610, %parallel_loop3A_611] : memref<2x8x2x8x128xf32, #tpu.memory_space<vmem>> -> memref<1x8x2x8x128xf32, #tpu.memory_space<vmem>>
          %parallel_loop3A_613 = tpu.memref_squeeze %parallel_loop3A_612 : memref<1x8x2x8x128xf32, #tpu.memory_space<vmem>> -> memref<8x2x8x128xf32, #tpu.memory_space<vmem>>
          %parallel_loop3A_614 = arith.index_cast %parallel_loop3A_605 : i32 to index
          %parallel_loop3A_615 = arith.index_cast %parallel_loop3A_606 : i32 to index
          %parallel_loop3A_616 = arith.index_cast %parallel_loop3A_607 : i32 to index
          %parallel_loop3A_617 = arith.index_cast %parallel_loop3A_284 : i32 to index
          %parallel_loop3A_618 = tpu.vector_load %parallel_loop3A_613[%parallel_loop3A_614, %parallel_loop3A_615, %parallel_loop3A_616, %parallel_loop3A_617] {strides = array<i32>} : memref<8x2x8x128xf32, #tpu.memory_space<vmem>>, vector<16xf32>,
          tpu.vector_store %parallel_loop3A_613[%parallel_loop3A_614, %parallel_loop3A_615, %parallel_loop3A_616, %parallel_loop3A_617], %parallel_loop3A_604 {strides = array<i32>} : memref<8x2x8x128xf32, #tpu.memory_space<vmem>>, vector<16xf32>,
          %parallel_loop3A_619 = arith.constant 15 : i32
          %parallel_loop3A_620 = arith.constant 0 : i32
          %parallel_loop3A_621 = tpu.memref_slice %arg5[%parallel_loop3A_619, %parallel_loop3A_620] : memref<64x9xf32, #tpu.memory_space<vmem>> -> memref<1x9xf32, #tpu.memory_space<vmem>>
          %parallel_loop3A_622 = tpu.memref_squeeze %parallel_loop3A_621 : memref<1x9xf32, #tpu.memory_space<vmem>> -> memref<9xf32, #tpu.memory_space<vmem>>
          %parallel_loop3A_623 = tpu.vector_load_idx %parallel_loop3A_622[%parallel_loop3A_333] : memref<9xf32, #tpu.memory_space<vmem>>[vector<16xi32>], vector<16xf32>,
          %parallel_loop3A_624 = arith.constant 1 : i32
          %parallel_loop3A_625 = arith.constant 1 : i32
          %parallel_loop3A_626 = arith.constant 7 : i32
          %parallel_loop3A_627 = arith.constant 0 : i32
          %parallel_loop3A_628 = arith.constant 0 : i32
          %parallel_loop3A_629 = arith.constant 0 : i32
          %parallel_loop3A_630 = arith.constant 0 : i32
          %parallel_loop3A_631 = tpu.memref_slice %run_scoped3A_8[%rem3A_209, %parallel_loop3A_627, %parallel_loop3A_628, %parallel_loop3A_629, %parallel_loop3A_630] : memref<2x8x2x8x128xf32, #tpu.memory_space<vmem>> -> memref<1x8x2x8x128xf32, #tpu.memory_space<vmem>>
          %parallel_loop3A_632 = tpu.memref_squeeze %parallel_loop3A_631 : memref<1x8x2x8x128xf32, #tpu.memory_space<vmem>> -> memref<8x2x8x128xf32, #tpu.memory_space<vmem>>
          %parallel_loop3A_633 = arith.index_cast %parallel_loop3A_624 : i32 to index
          %parallel_loop3A_634 = arith.index_cast %parallel_loop3A_625 : i32 to index
          %parallel_loop3A_635 = arith.index_cast %parallel_loop3A_626 : i32 to index
          %parallel_loop3A_636 = arith.index_cast %parallel_loop3A_284 : i32 to index
          %parallel_loop3A_637 = tpu.vector_load %parallel_loop3A_632[%parallel_loop3A_633, %parallel_loop3A_634, %parallel_loop3A_635, %parallel_loop3A_636] {strides = array<i32>} : memref<8x2x8x128xf32, #tpu.memory_space<vmem>>, vector<16xf32>,
          tpu.vector_store %parallel_loop3A_632[%parallel_loop3A_633, %parallel_loop3A_634, %parallel_loop3A_635, %parallel_loop3A_636], %parallel_loop3A_623 {strides = array<i32>} : memref<8x2x8x128xf32, #tpu.memory_space<vmem>>, vector<16xf32>,
          %parallel_loop3A_638 = arith.constant 16 : i32
          %parallel_loop3A_639 = arith.constant 0 : i32
          %parallel_loop3A_640 = tpu.memref_slice %arg5[%parallel_loop3A_638, %parallel_loop3A_639] : memref<64x9xf32, #tpu.memory_space<vmem>> -> memref<1x9xf32, #tpu.memory_space<vmem>>
          %parallel_loop3A_641 = tpu.memref_squeeze %parallel_loop3A_640 : memref<1x9xf32, #tpu.memory_space<vmem>> -> memref<9xf32, #tpu.memory_space<vmem>>
          %parallel_loop3A_642 = tpu.vector_load_idx %parallel_loop3A_641[%parallel_loop3A_333] : memref<9xf32, #tpu.memory_space<vmem>>[vector<16xi32>], vector<16xf32>,
          %parallel_loop3A_643 = arith.constant 2 : i32
          %parallel_loop3A_644 = arith.constant 1 : i32
          %parallel_loop3A_645 = arith.constant 0 : i32
          %parallel_loop3A_646 = arith.constant 0 : i32
          %parallel_loop3A_647 = arith.constant 0 : i32
          %parallel_loop3A_648 = arith.constant 0 : i32
          %parallel_loop3A_649 = arith.constant 0 : i32
          %parallel_loop3A_650 = tpu.memref_slice %run_scoped3A_8[%rem3A_209, %parallel_loop3A_646, %parallel_loop3A_647, %parallel_loop3A_648, %parallel_loop3A_649] : memref<2x8x2x8x128xf32, #tpu.memory_space<vmem>> -> memref<1x8x2x8x128xf32, #tpu.memory_space<vmem>>
          %parallel_loop3A_651 = tpu.memref_squeeze %parallel_loop3A_650 : memref<1x8x2x8x128xf32, #tpu.memory_space<vmem>> -> memref<8x2x8x128xf32, #tpu.memory_space<vmem>>
          %parallel_loop3A_652 = arith.index_cast %parallel_loop3A_643 : i32 to index
          %parallel_loop3A_653 = arith.index_cast %parallel_loop3A_644 : i32 to index
          %parallel_loop3A_654 = arith.index_cast %parallel_loop3A_645 : i32 to index
          %parallel_loop3A_655 = arith.index_cast %parallel_loop3A_284 : i32 to index
          %parallel_loop3A_656 = tpu.vector_load %parallel_loop3A_651[%parallel_loop3A_652, %parallel_loop3A_653, %parallel_loop3A_654, %parallel_loop3A_655] {strides = array<i32>} : memref<8x2x8x128xf32, #tpu.memory_space<vmem>>, vector<16xf32>,
          tpu.vector_store %parallel_loop3A_651[%parallel_loop3A_652, %parallel_loop3A_653, %parallel_loop3A_654, %parallel_loop3A_655], %parallel_loop3A_642 {strides = array<i32>} : memref<8x2x8x128xf32, #tpu.memory_space<vmem>>, vector<16xf32>,
          %parallel_loop3A_657 = arith.constant 17 : i32
          %parallel_loop3A_658 = arith.constant 0 : i32
          %parallel_loop3A_659 = tpu.memref_slice %arg5[%parallel_loop3A_657, %parallel_loop3A_658] : memref<64x9xf32, #tpu.memory_space<vmem>> -> memref<1x9xf32, #tpu.memory_space<vmem>>
          %parallel_loop3A_660 = tpu.memref_squeeze %parallel_loop3A_659 : memref<1x9xf32, #tpu.memory_space<vmem>> -> memref<9xf32, #tpu.memory_space<vmem>>
          %parallel_loop3A_661 = tpu.vector_load_idx %parallel_loop3A_660[%parallel_loop3A_333] : memref<9xf32, #tpu.memory_space<vmem>>[vector<16xi32>], vector<16xf32>,
          %parallel_loop3A_662 = arith.constant 2 : i32
          %parallel_loop3A_663 = arith.constant 1 : i32
          %parallel_loop3A_664 = arith.constant 1 : i32
          %parallel_loop3A_665 = arith.constant 0 : i32
          %parallel_loop3A_666 = arith.constant 0 : i32
          %parallel_loop3A_667 = arith.constant 0 : i32
          %parallel_loop3A_668 = arith.constant 0 : i32
          %parallel_loop3A_669 = tpu.memref_slice %run_scoped3A_8[%rem3A_209, %parallel_loop3A_665, %parallel_loop3A_666, %parallel_loop3A_667, %parallel_loop3A_668] : memref<2x8x2x8x128xf32, #tpu.memory_space<vmem>> -> memref<1x8x2x8x128xf32, #tpu.memory_space<vmem>>
          %parallel_loop3A_670 = tpu.memref_squeeze %parallel_loop3A_669 : memref<1x8x2x8x128xf32, #tpu.memory_space<vmem>> -> memref<8x2x8x128xf32, #tpu.memory_space<vmem>>
          %parallel_loop3A_671 = arith.index_cast %parallel_loop3A_662 : i32 to index
          %parallel_loop3A_672 = arith.index_cast %parallel_loop3A_663 : i32 to index
          %parallel_loop3A_673 = arith.index_cast %parallel_loop3A_664 : i32 to index
          %parallel_loop3A_674 = arith.index_cast %parallel_loop3A_284 : i32 to index
          %parallel_loop3A_675 = tpu.vector_load %parallel_loop3A_670[%parallel_loop3A_671, %parallel_loop3A_672, %parallel_loop3A_673, %parallel_loop3A_674] {strides = array<i32>} : memref<8x2x8x128xf32, #tpu.memory_space<vmem>>, vector<16xf32>,
          tpu.vector_store %parallel_loop3A_670[%parallel_loop3A_671, %parallel_loop3A_672, %parallel_loop3A_673, %parallel_loop3A_674], %parallel_loop3A_661 {strides = array<i32>} : memref<8x2x8x128xf32, #tpu.memory_space<vmem>>, vector<16xf32>,
          %parallel_loop3A_676 = arith.constant 18 : i32
          %parallel_loop3A_677 = arith.constant 0 : i32
          %parallel_loop3A_678 = tpu.memref_slice %arg5[%parallel_loop3A_676, %parallel_loop3A_677] : memref<64x9xf32, #tpu.memory_space<vmem>> -> memref<1x9xf32, #tpu.memory_space<vmem>>
          %parallel_loop3A_679 = tpu.memref_squeeze %parallel_loop3A_678 : memref<1x9xf32, #tpu.memory_space<vmem>> -> memref<9xf32, #tpu.memory_space<vmem>>
          %parallel_loop3A_680 = tpu.vector_load_idx %parallel_loop3A_679[%parallel_loop3A_333] : memref<9xf32, #tpu.memory_space<vmem>>[vector<16xi32>], vector<16xf32>,
          %parallel_loop3A_681 = arith.constant 2 : i32
          %parallel_loop3A_682 = arith.constant 1 : i32
          %parallel_loop3A_683 = arith.constant 2 : i32
          %parallel_loop3A_684 = arith.constant 0 : i32
          %parallel_loop3A_685 = arith.constant 0 : i32
          %parallel_loop3A_686 = arith.constant 0 : i32
          %parallel_loop3A_687 = arith.constant 0 : i32
          %parallel_loop3A_688 = tpu.memref_slice %run_scoped3A_8[%rem3A_209, %parallel_loop3A_684, %parallel_loop3A_685, %parallel_loop3A_686, %parallel_loop3A_687] : memref<2x8x2x8x128xf32, #tpu.memory_space<vmem>> -> memref<1x8x2x8x128xf32, #tpu.memory_space<vmem>>
          %parallel_loop3A_689 = tpu.memref_squeeze %parallel_loop3A_688 : memref<1x8x2x8x128xf32, #tpu.memory_space<vmem>> -> memref<8x2x8x128xf32, #tpu.memory_space<vmem>>
          %parallel_loop3A_690 = arith.index_cast %parallel_loop3A_681 : i32 to index
          %parallel_loop3A_691 = arith.index_cast %parallel_loop3A_682 : i32 to index
          %parallel_loop3A_692 = arith.index_cast %parallel_loop3A_683 : i32 to index
          %parallel_loop3A_693 = arith.index_cast %parallel_loop3A_284 : i32 to index
          %parallel_loop3A_694 = tpu.vector_load %parallel_loop3A_689[%parallel_loop3A_690, %parallel_loop3A_691, %parallel_loop3A_692, %parallel_loop3A_693] {strides = array<i32>} : memref<8x2x8x128xf32, #tpu.memory_space<vmem>>, vector<16xf32>,
          tpu.vector_store %parallel_loop3A_689[%parallel_loop3A_690, %parallel_loop3A_691, %parallel_loop3A_692, %parallel_loop3A_693], %parallel_loop3A_680 {strides = array<i32>} : memref<8x2x8x128xf32, #tpu.memory_space<vmem>>, vector<16xf32>,
          %parallel_loop3A_695 = arith.constant 19 : i32
          %parallel_loop3A_696 = arith.constant 0 : i32
          %parallel_loop3A_697 = tpu.memref_slice %arg5[%parallel_loop3A_695, %parallel_loop3A_696] : memref<64x9xf32, #tpu.memory_space<vmem>> -> memref<1x9xf32, #tpu.memory_space<vmem>>
          %parallel_loop3A_698 = tpu.memref_squeeze %parallel_loop3A_697 : memref<1x9xf32, #tpu.memory_space<vmem>> -> memref<9xf32, #tpu.memory_space<vmem>>
          %parallel_loop3A_699 = tpu.vector_load_idx %parallel_loop3A_698[%parallel_loop3A_333] : memref<9xf32, #tpu.memory_space<vmem>>[vector<16xi32>], vector<16xf32>,
          %parallel_loop3A_700 = arith.constant 2 : i32
          %parallel_loop3A_701 = arith.constant 1 : i32
          %parallel_loop3A_702 = arith.constant 3 : i32
          %parallel_loop3A_703 = arith.constant 0 : i32
          %parallel_loop3A_704 = arith.constant 0 : i32
          %parallel_loop3A_705 = arith.constant 0 : i32
          %parallel_loop3A_706 = arith.constant 0 : i32
          %parallel_loop3A_707 = tpu.memref_slice %run_scoped3A_8[%rem3A_209, %parallel_loop3A_703, %parallel_loop3A_704, %parallel_loop3A_705, %parallel_loop3A_706] : memref<2x8x2x8x128xf32, #tpu.memory_space<vmem>> -> memref<1x8x2x8x128xf32, #tpu.memory_space<vmem>>
          %parallel_loop3A_708 = tpu.memref_squeeze %parallel_loop3A_707 : memref<1x8x2x8x128xf32, #tpu.memory_space<vmem>> -> memref<8x2x8x128xf32, #tpu.memory_space<vmem>>
          %parallel_loop3A_709 = arith.index_cast %parallel_loop3A_700 : i32 to index
          %parallel_loop3A_710 = arith.index_cast %parallel_loop3A_701 : i32 to index
          %parallel_loop3A_711 = arith.index_cast %parallel_loop3A_702 : i32 to index
          %parallel_loop3A_712 = arith.index_cast %parallel_loop3A_284 : i32 to index
          %parallel_loop3A_713 = tpu.vector_load %parallel_loop3A_708[%parallel_loop3A_709, %parallel_loop3A_710, %parallel_loop3A_711, %parallel_loop3A_712] {strides = array<i32>} : memref<8x2x8x128xf32, #tpu.memory_space<vmem>>, vector<16xf32>,
          tpu.vector_store %parallel_loop3A_708[%parallel_loop3A_709, %parallel_loop3A_710, %parallel_loop3A_711, %parallel_loop3A_712], %parallel_loop3A_699 {strides = array<i32>} : memref<8x2x8x128xf32, #tpu.memory_space<vmem>>, vector<16xf32>,
          %parallel_loop3A_714 = arith.constant 20 : i32
          %parallel_loop3A_715 = arith.constant 0 : i32
          %parallel_loop3A_716 = tpu.memref_slice %arg5[%parallel_loop3A_714, %parallel_loop3A_715] : memref<64x9xf32, #tpu.memory_space<vmem>> -> memref<1x9xf32, #tpu.memory_space<vmem>>
          %parallel_loop3A_717 = tpu.memref_squeeze %parallel_loop3A_716 : memref<1x9xf32, #tpu.memory_space<vmem>> -> memref<9xf32, #tpu.memory_space<vmem>>
          %parallel_loop3A_718 = tpu.vector_load_idx %parallel_loop3A_717[%parallel_loop3A_333] : memref<9xf32, #tpu.memory_space<vmem>>[vector<16xi32>], vector<16xf32>,
          %parallel_loop3A_719 = arith.constant 2 : i32
          %parallel_loop3A_720 = arith.constant 1 : i32
          %parallel_loop3A_721 = arith.constant 4 : i32
          %parallel_loop3A_722 = arith.constant 0 : i32
          %parallel_loop3A_723 = arith.constant 0 : i32
          %parallel_loop3A_724 = arith.constant 0 : i32
          %parallel_loop3A_725 = arith.constant 0 : i32
          %parallel_loop3A_726 = tpu.memref_slice %run_scoped3A_8[%rem3A_209, %parallel_loop3A_722, %parallel_loop3A_723, %parallel_loop3A_724, %parallel_loop3A_725] : memref<2x8x2x8x128xf32, #tpu.memory_space<vmem>> -> memref<1x8x2x8x128xf32, #tpu.memory_space<vmem>>
          %parallel_loop3A_727 = tpu.memref_squeeze %parallel_loop3A_726 : memref<1x8x2x8x128xf32, #tpu.memory_space<vmem>> -> memref<8x2x8x128xf32, #tpu.memory_space<vmem>>
          %parallel_loop3A_728 = arith.index_cast %parallel_loop3A_719 : i32 to index
          %parallel_loop3A_729 = arith.index_cast %parallel_loop3A_720 : i32 to index
          %parallel_loop3A_730 = arith.index_cast %parallel_loop3A_721 : i32 to index
          %parallel_loop3A_731 = arith.index_cast %parallel_loop3A_284 : i32 to index
          %parallel_loop3A_732 = tpu.vector_load %parallel_loop3A_727[%parallel_loop3A_728, %parallel_loop3A_729, %parallel_loop3A_730, %parallel_loop3A_731] {strides = array<i32>} : memref<8x2x8x128xf32, #tpu.memory_space<vmem>>, vector<16xf32>,
          tpu.vector_store %parallel_loop3A_727[%parallel_loop3A_728, %parallel_loop3A_729, %parallel_loop3A_730, %parallel_loop3A_731], %parallel_loop3A_718 {strides = array<i32>} : memref<8x2x8x128xf32, #tpu.memory_space<vmem>>, vector<16xf32>,
          %parallel_loop3A_733 = arith.constant 21 : i32
          %parallel_loop3A_734 = arith.constant 0 : i32
          %parallel_loop3A_735 = tpu.memref_slice %arg5[%parallel_loop3A_733, %parallel_loop3A_734] : memref<64x9xf32, #tpu.memory_space<vmem>> -> memref<1x9xf32, #tpu.memory_space<vmem>>
          %parallel_loop3A_736 = tpu.memref_squeeze %parallel_loop3A_735 : memref<1x9xf32, #tpu.memory_space<vmem>> -> memref<9xf32, #tpu.memory_space<vmem>>
          %parallel_loop3A_737 = tpu.vector_load_idx %parallel_loop3A_736[%parallel_loop3A_333] : memref<9xf32, #tpu.memory_space<vmem>>[vector<16xi32>], vector<16xf32>,
          %parallel_loop3A_738 = arith.constant 2 : i32
          %parallel_loop3A_739 = arith.constant 1 : i32
          %parallel_loop3A_740 = arith.constant 5 : i32
          %parallel_loop3A_741 = arith.constant 0 : i32
          %parallel_loop3A_742 = arith.constant 0 : i32
          %parallel_loop3A_743 = arith.constant 0 : i32
          %parallel_loop3A_744 = arith.constant 0 : i32
          %parallel_loop3A_745 = tpu.memref_slice %run_scoped3A_8[%rem3A_209, %parallel_loop3A_741, %parallel_loop3A_742, %parallel_loop3A_743, %parallel_loop3A_744] : memref<2x8x2x8x128xf32, #tpu.memory_space<vmem>> -> memref<1x8x2x8x128xf32, #tpu.memory_space<vmem>>
          %parallel_loop3A_746 = tpu.memref_squeeze %parallel_loop3A_745 : memref<1x8x2x8x128xf32, #tpu.memory_space<vmem>> -> memref<8x2x8x128xf32, #tpu.memory_space<vmem>>
          %parallel_loop3A_747 = arith.index_cast %parallel_loop3A_738 : i32 to index
          %parallel_loop3A_748 = arith.index_cast %parallel_loop3A_739 : i32 to index
          %parallel_loop3A_749 = arith.index_cast %parallel_loop3A_740 : i32 to index
          %parallel_loop3A_750 = arith.index_cast %parallel_loop3A_284 : i32 to index
          %parallel_loop3A_751 = tpu.vector_load %parallel_loop3A_746[%parallel_loop3A_747, %parallel_loop3A_748, %parallel_loop3A_749, %parallel_loop3A_750] {strides = array<i32>} : memref<8x2x8x128xf32, #tpu.memory_space<vmem>>, vector<16xf32>,
          tpu.vector_store %parallel_loop3A_746[%parallel_loop3A_747, %parallel_loop3A_748, %parallel_loop3A_749, %parallel_loop3A_750], %parallel_loop3A_737 {strides = array<i32>} : memref<8x2x8x128xf32, #tpu.memory_space<vmem>>, vector<16xf32>,
          %parallel_loop3A_752 = arith.constant 22 : i32
          %parallel_loop3A_753 = arith.constant 0 : i32
          %parallel_loop3A_754 = tpu.memref_slice %arg5[%parallel_loop3A_752, %parallel_loop3A_753] : memref<64x9xf32, #tpu.memory_space<vmem>> -> memref<1x9xf32, #tpu.memory_space<vmem>>
          %parallel_loop3A_755 = tpu.memref_squeeze %parallel_loop3A_754 : memref<1x9xf32, #tpu.memory_space<vmem>> -> memref<9xf32, #tpu.memory_space<vmem>>
          %parallel_loop3A_756 = tpu.vector_load_idx %parallel_loop3A_755[%parallel_loop3A_333] : memref<9xf32, #tpu.memory_space<vmem>>[vector<16xi32>], vector<16xf32>,
          %parallel_loop3A_757 = arith.constant 2 : i32
          %parallel_loop3A_758 = arith.constant 1 : i32
          %parallel_loop3A_759 = arith.constant 6 : i32
          %parallel_loop3A_760 = arith.constant 0 : i32
          %parallel_loop3A_761 = arith.constant 0 : i32
          %parallel_loop3A_762 = arith.constant 0 : i32
          %parallel_loop3A_763 = arith.constant 0 : i32
          %parallel_loop3A_764 = tpu.memref_slice %run_scoped3A_8[%rem3A_209, %parallel_loop3A_760, %parallel_loop3A_761, %parallel_loop3A_762, %parallel_loop3A_763] : memref<2x8x2x8x128xf32, #tpu.memory_space<vmem>> -> memref<1x8x2x8x128xf32, #tpu.memory_space<vmem>>
          %parallel_loop3A_765 = tpu.memref_squeeze %parallel_loop3A_764 : memref<1x8x2x8x128xf32, #tpu.memory_space<vmem>> -> memref<8x2x8x128xf32, #tpu.memory_space<vmem>>
          %parallel_loop3A_766 = arith.index_cast %parallel_loop3A_757 : i32 to index
          %parallel_loop3A_767 = arith.index_cast %parallel_loop3A_758 : i32 to index
          %parallel_loop3A_768 = arith.index_cast %parallel_loop3A_759 : i32 to index
          %parallel_loop3A_769 = arith.index_cast %parallel_loop3A_284 : i32 to index
          %parallel_loop3A_770 = tpu.vector_load %parallel_loop3A_765[%parallel_loop3A_766, %parallel_loop3A_767, %parallel_loop3A_768, %parallel_loop3A_769] {strides = array<i32>} : memref<8x2x8x128xf32, #tpu.memory_space<vmem>>, vector<16xf32>,
          tpu.vector_store %parallel_loop3A_765[%parallel_loop3A_766, %parallel_loop3A_767, %parallel_loop3A_768, %parallel_loop3A_769], %parallel_loop3A_756 {strides = array<i32>} : memref<8x2x8x128xf32, #tpu.memory_space<vmem>>, vector<16xf32>,
          %parallel_loop3A_771 = arith.constant 23 : i32
          %parallel_loop3A_772 = arith.constant 0 : i32
          %parallel_loop3A_773 = tpu.memref_slice %arg5[%parallel_loop3A_771, %parallel_loop3A_772] : memref<64x9xf32, #tpu.memory_space<vmem>> -> memref<1x9xf32, #tpu.memory_space<vmem>>
          %parallel_loop3A_774 = tpu.memref_squeeze %parallel_loop3A_773 : memref<1x9xf32, #tpu.memory_space<vmem>> -> memref<9xf32, #tpu.memory_space<vmem>>
          %parallel_loop3A_775 = tpu.vector_load_idx %parallel_loop3A_774[%parallel_loop3A_333] : memref<9xf32, #tpu.memory_space<vmem>>[vector<16xi32>], vector<16xf32>,
          %parallel_loop3A_776 = arith.constant 2 : i32
          %parallel_loop3A_777 = arith.constant 1 : i32
          %parallel_loop3A_778 = arith.constant 7 : i32
          %parallel_loop3A_779 = arith.constant 0 : i32
          %parallel_loop3A_780 = arith.constant 0 : i32
          %parallel_loop3A_781 = arith.constant 0 : i32
          %parallel_loop3A_782 = arith.constant 0 : i32
          %parallel_loop3A_783 = tpu.memref_slice %run_scoped3A_8[%rem3A_209, %parallel_loop3A_779, %parallel_loop3A_780, %parallel_loop3A_781, %parallel_loop3A_782] : memref<2x8x2x8x128xf32, #tpu.memory_space<vmem>> -> memref<1x8x2x8x128xf32, #tpu.memory_space<vmem>>
          %parallel_loop3A_784 = tpu.memref_squeeze %parallel_loop3A_783 : memref<1x8x2x8x128xf32, #tpu.memory_space<vmem>> -> memref<8x2x8x128xf32, #tpu.memory_space<vmem>>
          %parallel_loop3A_785 = arith.index_cast %parallel_loop3A_776 : i32 to index
          %parallel_loop3A_786 = arith.index_cast %parallel_loop3A_777 : i32 to index
          %parallel_loop3A_787 = arith.index_cast %parallel_loop3A_778 : i32 to index
          %parallel_loop3A_788 = arith.index_cast %parallel_loop3A_284 : i32 to index
          %parallel_loop3A_789 = tpu.vector_load %parallel_loop3A_784[%parallel_loop3A_785, %parallel_loop3A_786, %parallel_loop3A_787, %parallel_loop3A_788] {strides = array<i32>} : memref<8x2x8x128xf32, #tpu.memory_space<vmem>>, vector<16xf32>,
          tpu.vector_store %parallel_loop3A_784[%parallel_loop3A_785, %parallel_loop3A_786, %parallel_loop3A_787, %parallel_loop3A_788], %parallel_loop3A_775 {strides = array<i32>} : memref<8x2x8x128xf32, #tpu.memory_space<vmem>>, vector<16xf32>,
          %parallel_loop3A_790 = arith.constant 24 : i32
          %parallel_loop3A_791 = arith.constant 0 : i32
          %parallel_loop3A_792 = tpu.memref_slice %arg5[%parallel_loop3A_790, %parallel_loop3A_791] : memref<64x9xf32, #tpu.memory_space<vmem>> -> memref<1x9xf32, #tpu.memory_space<vmem>>
          %parallel_loop3A_793 = tpu.memref_squeeze %parallel_loop3A_792 : memref<1x9xf32, #tpu.memory_space<vmem>> -> memref<9xf32, #tpu.memory_space<vmem>>
          %parallel_loop3A_794 = tpu.vector_load_idx %parallel_loop3A_793[%parallel_loop3A_333] : memref<9xf32, #tpu.memory_space<vmem>>[vector<16xi32>], vector<16xf32>,
          %parallel_loop3A_795 = arith.constant 3 : i32
          %parallel_loop3A_796 = arith.constant 1 : i32
          %parallel_loop3A_797 = arith.constant 0 : i32
          %parallel_loop3A_798 = arith.constant 0 : i32
          %parallel_loop3A_799 = arith.constant 0 : i32
          %parallel_loop3A_800 = arith.constant 0 : i32
          %parallel_loop3A_801 = arith.constant 0 : i32
          %parallel_loop3A_802 = tpu.memref_slice %run_scoped3A_8[%rem3A_209, %parallel_loop3A_798, %parallel_loop3A_799, %parallel_loop3A_800, %parallel_loop3A_801] : memref<2x8x2x8x128xf32, #tpu.memory_space<vmem>> -> memref<1x8x2x8x128xf32, #tpu.memory_space<vmem>>
          %parallel_loop3A_803 = tpu.memref_squeeze %parallel_loop3A_802 : memref<1x8x2x8x128xf32, #tpu.memory_space<vmem>> -> memref<8x2x8x128xf32, #tpu.memory_space<vmem>>
          %parallel_loop3A_804 = arith.index_cast %parallel_loop3A_795 : i32 to index
          %parallel_loop3A_805 = arith.index_cast %parallel_loop3A_796 : i32 to index
          %parallel_loop3A_806 = arith.index_cast %parallel_loop3A_797 : i32 to index
          %parallel_loop3A_807 = arith.index_cast %parallel_loop3A_284 : i32 to index
          %parallel_loop3A_808 = tpu.vector_load %parallel_loop3A_803[%parallel_loop3A_804, %parallel_loop3A_805, %parallel_loop3A_806, %parallel_loop3A_807] {strides = array<i32>} : memref<8x2x8x128xf32, #tpu.memory_space<vmem>>, vector<16xf32>,
          tpu.vector_store %parallel_loop3A_803[%parallel_loop3A_804, %parallel_loop3A_805, %parallel_loop3A_806, %parallel_loop3A_807], %parallel_loop3A_794 {strides = array<i32>} : memref<8x2x8x128xf32, #tpu.memory_space<vmem>>, vector<16xf32>,
          %parallel_loop3A_809 = arith.constant 25 : i32
          %parallel_loop3A_810 = arith.constant 0 : i32
          %parallel_loop3A_811 = tpu.memref_slice %arg5[%parallel_loop3A_809, %parallel_loop3A_810] : memref<64x9xf32, #tpu.memory_space<vmem>> -> memref<1x9xf32, #tpu.memory_space<vmem>>
          %parallel_loop3A_812 = tpu.memref_squeeze %parallel_loop3A_811 : memref<1x9xf32, #tpu.memory_space<vmem>> -> memref<9xf32, #tpu.memory_space<vmem>>
          %parallel_loop3A_813 = tpu.vector_load_idx %parallel_loop3A_812[%parallel_loop3A_333] : memref<9xf32, #tpu.memory_space<vmem>>[vector<16xi32>], vector<16xf32>,
          %parallel_loop3A_814 = arith.constant 3 : i32
          %parallel_loop3A_815 = arith.constant 1 : i32
          %parallel_loop3A_816 = arith.constant 1 : i32
          %parallel_loop3A_817 = arith.constant 0 : i32
          %parallel_loop3A_818 = arith.constant 0 : i32
          %parallel_loop3A_819 = arith.constant 0 : i32
          %parallel_loop3A_820 = arith.constant 0 : i32
          %parallel_loop3A_821 = tpu.memref_slice %run_scoped3A_8[%rem3A_209, %parallel_loop3A_817, %parallel_loop3A_818, %parallel_loop3A_819, %parallel_loop3A_820] : memref<2x8x2x8x128xf32, #tpu.memory_space<vmem>> -> memref<1x8x2x8x128xf32, #tpu.memory_space<vmem>>
          %parallel_loop3A_822 = tpu.memref_squeeze %parallel_loop3A_821 : memref<1x8x2x8x128xf32, #tpu.memory_space<vmem>> -> memref<8x2x8x128xf32, #tpu.memory_space<vmem>>
          %parallel_loop3A_823 = arith.index_cast %parallel_loop3A_814 : i32 to index
          %parallel_loop3A_824 = arith.index_cast %parallel_loop3A_815 : i32 to index
          %parallel_loop3A_825 = arith.index_cast %parallel_loop3A_816 : i32 to index
          %parallel_loop3A_826 = arith.index_cast %parallel_loop3A_284 : i32 to index
          %parallel_loop3A_827 = tpu.vector_load %parallel_loop3A_822[%parallel_loop3A_823, %parallel_loop3A_824, %parallel_loop3A_825, %parallel_loop3A_826] {strides = array<i32>} : memref<8x2x8x128xf32, #tpu.memory_space<vmem>>, vector<16xf32>,
          tpu.vector_store %parallel_loop3A_822[%parallel_loop3A_823, %parallel_loop3A_824, %parallel_loop3A_825, %parallel_loop3A_826], %parallel_loop3A_813 {strides = array<i32>} : memref<8x2x8x128xf32, #tpu.memory_space<vmem>>, vector<16xf32>,
          %parallel_loop3A_828 = arith.constant 26 : i32
          %parallel_loop3A_829 = arith.constant 0 : i32
          %parallel_loop3A_830 = tpu.memref_slice %arg5[%parallel_loop3A_828, %parallel_loop3A_829] : memref<64x9xf32, #tpu.memory_space<vmem>> -> memref<1x9xf32, #tpu.memory_space<vmem>>
          %parallel_loop3A_831 = tpu.memref_squeeze %parallel_loop3A_830 : memref<1x9xf32, #tpu.memory_space<vmem>> -> memref<9xf32, #tpu.memory_space<vmem>>
          %parallel_loop3A_832 = tpu.vector_load_idx %parallel_loop3A_831[%parallel_loop3A_333] : memref<9xf32, #tpu.memory_space<vmem>>[vector<16xi32>], vector<16xf32>,
          %parallel_loop3A_833 = arith.constant 3 : i32
          %parallel_loop3A_834 = arith.constant 1 : i32
          %parallel_loop3A_835 = arith.constant 2 : i32
          %parallel_loop3A_836 = arith.constant 0 : i32
          %parallel_loop3A_837 = arith.constant 0 : i32
          %parallel_loop3A_838 = arith.constant 0 : i32
          %parallel_loop3A_839 = arith.constant 0 : i32
          %parallel_loop3A_840 = tpu.memref_slice %run_scoped3A_8[%rem3A_209, %parallel_loop3A_836, %parallel_loop3A_837, %parallel_loop3A_838, %parallel_loop3A_839] : memref<2x8x2x8x128xf32, #tpu.memory_space<vmem>> -> memref<1x8x2x8x128xf32, #tpu.memory_space<vmem>>
          %parallel_loop3A_841 = tpu.memref_squeeze %parallel_loop3A_840 : memref<1x8x2x8x128xf32, #tpu.memory_space<vmem>> -> memref<8x2x8x128xf32, #tpu.memory_space<vmem>>
          %parallel_loop3A_842 = arith.index_cast %parallel_loop3A_833 : i32 to index
          %parallel_loop3A_843 = arith.index_cast %parallel_loop3A_834 : i32 to index
          %parallel_loop3A_844 = arith.index_cast %parallel_loop3A_835 : i32 to index
          %parallel_loop3A_845 = arith.index_cast %parallel_loop3A_284 : i32 to index
          %parallel_loop3A_846 = tpu.vector_load %parallel_loop3A_841[%parallel_loop3A_842, %parallel_loop3A_843, %parallel_loop3A_844, %parallel_loop3A_845] {strides = array<i32>} : memref<8x2x8x128xf32, #tpu.memory_space<vmem>>, vector<16xf32>,
          tpu.vector_store %parallel_loop3A_841[%parallel_loop3A_842, %parallel_loop3A_843, %parallel_loop3A_844, %parallel_loop3A_845], %parallel_loop3A_832 {strides = array<i32>} : memref<8x2x8x128xf32, #tpu.memory_space<vmem>>, vector<16xf32>,
          %parallel_loop3A_847 = arith.constant 27 : i32
          %parallel_loop3A_848 = arith.constant 0 : i32
          %parallel_loop3A_849 = tpu.memref_slice %arg5[%parallel_loop3A_847, %parallel_loop3A_848] : memref<64x9xf32, #tpu.memory_space<vmem>> -> memref<1x9xf32, #tpu.memory_space<vmem>>
          %parallel_loop3A_850 = tpu.memref_squeeze %parallel_loop3A_849 : memref<1x9xf32, #tpu.memory_space<vmem>> -> memref<9xf32, #tpu.memory_space<vmem>>
          %parallel_loop3A_851 = tpu.vector_load_idx %parallel_loop3A_850[%parallel_loop3A_333] : memref<9xf32, #tpu.memory_space<vmem>>[vector<16xi32>], vector<16xf32>,
          %parallel_loop3A_852 = arith.constant 3 : i32
          %parallel_loop3A_853 = arith.constant 1 : i32
          %parallel_loop3A_854 = arith.constant 3 : i32
          %parallel_loop3A_855 = arith.constant 0 : i32
          %parallel_loop3A_856 = arith.constant 0 : i32
          %parallel_loop3A_857 = arith.constant 0 : i32
          %parallel_loop3A_858 = arith.constant 0 : i32
          %parallel_loop3A_859 = tpu.memref_slice %run_scoped3A_8[%rem3A_209, %parallel_loop3A_855, %parallel_loop3A_856, %parallel_loop3A_857, %parallel_loop3A_858] : memref<2x8x2x8x128xf32, #tpu.memory_space<vmem>> -> memref<1x8x2x8x128xf32, #tpu.memory_space<vmem>>
          %parallel_loop3A_860 = tpu.memref_squeeze %parallel_loop3A_859 : memref<1x8x2x8x128xf32, #tpu.memory_space<vmem>> -> memref<8x2x8x128xf32, #tpu.memory_space<vmem>>
          %parallel_loop3A_861 = arith.index_cast %parallel_loop3A_852 : i32 to index
          %parallel_loop3A_862 = arith.index_cast %parallel_loop3A_853 : i32 to index
          %parallel_loop3A_863 = arith.index_cast %parallel_loop3A_854 : i32 to index
          %parallel_loop3A_864 = arith.index_cast %parallel_loop3A_284 : i32 to index
          %parallel_loop3A_865 = tpu.vector_load %parallel_loop3A_860[%parallel_loop3A_861, %parallel_loop3A_862, %parallel_loop3A_863, %parallel_loop3A_864] {strides = array<i32>} : memref<8x2x8x128xf32, #tpu.memory_space<vmem>>, vector<16xf32>,
          tpu.vector_store %parallel_loop3A_860[%parallel_loop3A_861, %parallel_loop3A_862, %parallel_loop3A_863, %parallel_loop3A_864], %parallel_loop3A_851 {strides = array<i32>} : memref<8x2x8x128xf32, #tpu.memory_space<vmem>>, vector<16xf32>,
          %parallel_loop3A_866 = arith.constant 28 : i32
          %parallel_loop3A_867 = arith.constant 0 : i32
          %parallel_loop3A_868 = tpu.memref_slice %arg5[%parallel_loop3A_866, %parallel_loop3A_867] : memref<64x9xf32, #tpu.memory_space<vmem>> -> memref<1x9xf32, #tpu.memory_space<vmem>>
          %parallel_loop3A_869 = tpu.memref_squeeze %parallel_loop3A_868 : memref<1x9xf32, #tpu.memory_space<vmem>> -> memref<9xf32, #tpu.memory_space<vmem>>
          %parallel_loop3A_870 = tpu.vector_load_idx %parallel_loop3A_869[%parallel_loop3A_333] : memref<9xf32, #tpu.memory_space<vmem>>[vector<16xi32>], vector<16xf32>,
          %parallel_loop3A_871 = arith.constant 3 : i32
          %parallel_loop3A_872 = arith.constant 1 : i32
          %parallel_loop3A_873 = arith.constant 4 : i32
          %parallel_loop3A_874 = arith.constant 0 : i32
          %parallel_loop3A_875 = arith.constant 0 : i32
          %parallel_loop3A_876 = arith.constant 0 : i32
          %parallel_loop3A_877 = arith.constant 0 : i32
          %parallel_loop3A_878 = tpu.memref_slice %run_scoped3A_8[%rem3A_209, %parallel_loop3A_874, %parallel_loop3A_875, %parallel_loop3A_876, %parallel_loop3A_877] : memref<2x8x2x8x128xf32, #tpu.memory_space<vmem>> -> memref<1x8x2x8x128xf32, #tpu.memory_space<vmem>>
          %parallel_loop3A_879 = tpu.memref_squeeze %parallel_loop3A_878 : memref<1x8x2x8x128xf32, #tpu.memory_space<vmem>> -> memref<8x2x8x128xf32, #tpu.memory_space<vmem>>
          %parallel_loop3A_880 = arith.index_cast %parallel_loop3A_871 : i32 to index
          %parallel_loop3A_881 = arith.index_cast %parallel_loop3A_872 : i32 to index
          %parallel_loop3A_882 = arith.index_cast %parallel_loop3A_873 : i32 to index
          %parallel_loop3A_883 = arith.index_cast %parallel_loop3A_284 : i32 to index
          %parallel_loop3A_884 = tpu.vector_load %parallel_loop3A_879[%parallel_loop3A_880, %parallel_loop3A_881, %parallel_loop3A_882, %parallel_loop3A_883] {strides = array<i32>} : memref<8x2x8x128xf32, #tpu.memory_space<vmem>>, vector<16xf32>,
          tpu.vector_store %parallel_loop3A_879[%parallel_loop3A_880, %parallel_loop3A_881, %parallel_loop3A_882, %parallel_loop3A_883], %parallel_loop3A_870 {strides = array<i32>} : memref<8x2x8x128xf32, #tpu.memory_space<vmem>>, vector<16xf32>,
          %parallel_loop3A_885 = arith.constant 29 : i32
          %parallel_loop3A_886 = arith.constant 0 : i32
          %parallel_loop3A_887 = tpu.memref_slice %arg5[%parallel_loop3A_885, %parallel_loop3A_886] : memref<64x9xf32, #tpu.memory_space<vmem>> -> memref<1x9xf32, #tpu.memory_space<vmem>>
          %parallel_loop3A_888 = tpu.memref_squeeze %parallel_loop3A_887 : memref<1x9xf32, #tpu.memory_space<vmem>> -> memref<9xf32, #tpu.memory_space<vmem>>
          %parallel_loop3A_889 = tpu.vector_load_idx %parallel_loop3A_888[%parallel_loop3A_333] : memref<9xf32, #tpu.memory_space<vmem>>[vector<16xi32>], vector<16xf32>,
          %parallel_loop3A_890 = arith.constant 3 : i32
          %parallel_loop3A_891 = arith.constant 1 : i32
          %parallel_loop3A_892 = arith.constant 5 : i32
          %parallel_loop3A_893 = arith.constant 0 : i32
          %parallel_loop3A_894 = arith.constant 0 : i32
          %parallel_loop3A_895 = arith.constant 0 : i32
          %parallel_loop3A_896 = arith.constant 0 : i32
          %parallel_loop3A_897 = tpu.memref_slice %run_scoped3A_8[%rem3A_209, %parallel_loop3A_893, %parallel_loop3A_894, %parallel_loop3A_895, %parallel_loop3A_896] : memref<2x8x2x8x128xf32, #tpu.memory_space<vmem>> -> memref<1x8x2x8x128xf32, #tpu.memory_space<vmem>>
          %parallel_loop3A_898 = tpu.memref_squeeze %parallel_loop3A_897 : memref<1x8x2x8x128xf32, #tpu.memory_space<vmem>> -> memref<8x2x8x128xf32, #tpu.memory_space<vmem>>
          %parallel_loop3A_899 = arith.index_cast %parallel_loop3A_890 : i32 to index
          %parallel_loop3A_900 = arith.index_cast %parallel_loop3A_891 : i32 to index
          %parallel_loop3A_901 = arith.index_cast %parallel_loop3A_892 : i32 to index
          %parallel_loop3A_902 = arith.index_cast %parallel_loop3A_284 : i32 to index
          %parallel_loop3A_903 = tpu.vector_load %parallel_loop3A_898[%parallel_loop3A_899, %parallel_loop3A_900, %parallel_loop3A_901, %parallel_loop3A_902] {strides = array<i32>} : memref<8x2x8x128xf32, #tpu.memory_space<vmem>>, vector<16xf32>,
          tpu.vector_store %parallel_loop3A_898[%parallel_loop3A_899, %parallel_loop3A_900, %parallel_loop3A_901, %parallel_loop3A_902], %parallel_loop3A_889 {strides = array<i32>} : memref<8x2x8x128xf32, #tpu.memory_space<vmem>>, vector<16xf32>,
          %parallel_loop3A_904 = arith.constant 30 : i32
          %parallel_loop3A_905 = arith.constant 0 : i32
          %parallel_loop3A_906 = tpu.memref_slice %arg5[%parallel_loop3A_904, %parallel_loop3A_905] : memref<64x9xf32, #tpu.memory_space<vmem>> -> memref<1x9xf32, #tpu.memory_space<vmem>>
          %parallel_loop3A_907 = tpu.memref_squeeze %parallel_loop3A_906 : memref<1x9xf32, #tpu.memory_space<vmem>> -> memref<9xf32, #tpu.memory_space<vmem>>
          %parallel_loop3A_908 = tpu.vector_load_idx %parallel_loop3A_907[%parallel_loop3A_333] : memref<9xf32, #tpu.memory_space<vmem>>[vector<16xi32>], vector<16xf32>,
          %parallel_loop3A_909 = arith.constant 3 : i32
          %parallel_loop3A_910 = arith.constant 1 : i32
          %parallel_loop3A_911 = arith.constant 6 : i32
          %parallel_loop3A_912 = arith.constant 0 : i32
          %parallel_loop3A_913 = arith.constant 0 : i32
          %parallel_loop3A_914 = arith.constant 0 : i32
          %parallel_loop3A_915 = arith.constant 0 : i32
          %parallel_loop3A_916 = tpu.memref_slice %run_scoped3A_8[%rem3A_209, %parallel_loop3A_912, %parallel_loop3A_913, %parallel_loop3A_914, %parallel_loop3A_915] : memref<2x8x2x8x128xf32, #tpu.memory_space<vmem>> -> memref<1x8x2x8x128xf32, #tpu.memory_space<vmem>>
          %parallel_loop3A_917 = tpu.memref_squeeze %parallel_loop3A_916 : memref<1x8x2x8x128xf32, #tpu.memory_space<vmem>> -> memref<8x2x8x128xf32, #tpu.memory_space<vmem>>
          %parallel_loop3A_918 = arith.index_cast %parallel_loop3A_909 : i32 to index
          %parallel_loop3A_919 = arith.index_cast %parallel_loop3A_910 : i32 to index
          %parallel_loop3A_920 = arith.index_cast %parallel_loop3A_911 : i32 to index
          %parallel_loop3A_921 = arith.index_cast %parallel_loop3A_284 : i32 to index
          %parallel_loop3A_922 = tpu.vector_load %parallel_loop3A_917[%parallel_loop3A_918, %parallel_loop3A_919, %parallel_loop3A_920, %parallel_loop3A_921] {strides = array<i32>} : memref<8x2x8x128xf32, #tpu.memory_space<vmem>>, vector<16xf32>,
          tpu.vector_store %parallel_loop3A_917[%parallel_loop3A_918, %parallel_loop3A_919, %parallel_loop3A_920, %parallel_loop3A_921], %parallel_loop3A_908 {strides = array<i32>} : memref<8x2x8x128xf32, #tpu.memory_space<vmem>>, vector<16xf32>,
          %parallel_loop3A_923 = arith.constant 31 : i32
          %parallel_loop3A_924 = arith.constant 0 : i32
          %parallel_loop3A_925 = tpu.memref_slice %arg5[%parallel_loop3A_923, %parallel_loop3A_924] : memref<64x9xf32, #tpu.memory_space<vmem>> -> memref<1x9xf32, #tpu.memory_space<vmem>>
          %parallel_loop3A_926 = tpu.memref_squeeze %parallel_loop3A_925 : memref<1x9xf32, #tpu.memory_space<vmem>> -> memref<9xf32, #tpu.memory_space<vmem>>
          %parallel_loop3A_927 = tpu.vector_load_idx %parallel_loop3A_926[%parallel_loop3A_333] : memref<9xf32, #tpu.memory_space<vmem>>[vector<16xi32>], vector<16xf32>,
          %parallel_loop3A_928 = arith.constant 3 : i32
          %parallel_loop3A_929 = arith.constant 1 : i32
          %parallel_loop3A_930 = arith.constant 7 : i32
          %parallel_loop3A_931 = arith.constant 0 : i32
          %parallel_loop3A_932 = arith.constant 0 : i32
          %parallel_loop3A_933 = arith.constant 0 : i32
          %parallel_loop3A_934 = arith.constant 0 : i32
          %parallel_loop3A_935 = tpu.memref_slice %run_scoped3A_8[%rem3A_209, %parallel_loop3A_931, %parallel_loop3A_932, %parallel_loop3A_933, %parallel_loop3A_934] : memref<2x8x2x8x128xf32, #tpu.memory_space<vmem>> -> memref<1x8x2x8x128xf32, #tpu.memory_space<vmem>>
          %parallel_loop3A_936 = tpu.memref_squeeze %parallel_loop3A_935 : memref<1x8x2x8x128xf32, #tpu.memory_space<vmem>> -> memref<8x2x8x128xf32, #tpu.memory_space<vmem>>
          %parallel_loop3A_937 = arith.index_cast %parallel_loop3A_928 : i32 to index
          %parallel_loop3A_938 = arith.index_cast %parallel_loop3A_929 : i32 to index
          %parallel_loop3A_939 = arith.index_cast %parallel_loop3A_930 : i32 to index
          %parallel_loop3A_940 = arith.index_cast %parallel_loop3A_284 : i32 to index
          %parallel_loop3A_941 = tpu.vector_load %parallel_loop3A_936[%parallel_loop3A_937, %parallel_loop3A_938, %parallel_loop3A_939, %parallel_loop3A_940] {strides = array<i32>} : memref<8x2x8x128xf32, #tpu.memory_space<vmem>>, vector<16xf32>,
          tpu.vector_store %parallel_loop3A_936[%parallel_loop3A_937, %parallel_loop3A_938, %parallel_loop3A_939, %parallel_loop3A_940], %parallel_loop3A_927 {strides = array<i32>} : memref<8x2x8x128xf32, #tpu.memory_space<vmem>>, vector<16xf32>,
          %parallel_loop3A_942 = arith.constant 32 : i32
          %parallel_loop3A_943 = arith.constant 0 : i32
          %parallel_loop3A_944 = tpu.memref_slice %arg5[%parallel_loop3A_942, %parallel_loop3A_943] : memref<64x9xf32, #tpu.memory_space<vmem>> -> memref<1x9xf32, #tpu.memory_space<vmem>>
          %parallel_loop3A_945 = tpu.memref_squeeze %parallel_loop3A_944 : memref<1x9xf32, #tpu.memory_space<vmem>> -> memref<9xf32, #tpu.memory_space<vmem>>
          %parallel_loop3A_946 = tpu.vector_load_idx %parallel_loop3A_945[%parallel_loop3A_333] : memref<9xf32, #tpu.memory_space<vmem>>[vector<16xi32>], vector<16xf32>,
          %parallel_loop3A_947 = arith.constant 4 : i32
          %parallel_loop3A_948 = arith.constant 1 : i32
          %parallel_loop3A_949 = arith.constant 0 : i32
          %parallel_loop3A_950 = arith.constant 0 : i32
          %parallel_loop3A_951 = arith.constant 0 : i32
          %parallel_loop3A_952 = arith.constant 0 : i32
          %parallel_loop3A_953 = arith.constant 0 : i32
          %parallel_loop3A_954 = tpu.memref_slice %run_scoped3A_8[%rem3A_209, %parallel_loop3A_950, %parallel_loop3A_951, %parallel_loop3A_952, %parallel_loop3A_953] : memref<2x8x2x8x128xf32, #tpu.memory_space<vmem>> -> memref<1x8x2x8x128xf32, #tpu.memory_space<vmem>>
          %parallel_loop3A_955 = tpu.memref_squeeze %parallel_loop3A_954 : memref<1x8x2x8x128xf32, #tpu.memory_space<vmem>> -> memref<8x2x8x128xf32, #tpu.memory_space<vmem>>
          %parallel_loop3A_956 = arith.index_cast %parallel_loop3A_947 : i32 to index
          %parallel_loop3A_957 = arith.index_cast %parallel_loop3A_948 : i32 to index
          %parallel_loop3A_958 = arith.index_cast %parallel_loop3A_949 : i32 to index
          %parallel_loop3A_959 = arith.index_cast %parallel_loop3A_284 : i32 to index
          %parallel_loop3A_960 = tpu.vector_load %parallel_loop3A_955[%parallel_loop3A_956, %parallel_loop3A_957, %parallel_loop3A_958, %parallel_loop3A_959] {strides = array<i32>} : memref<8x2x8x128xf32, #tpu.memory_space<vmem>>, vector<16xf32>,
          tpu.vector_store %parallel_loop3A_955[%parallel_loop3A_956, %parallel_loop3A_957, %parallel_loop3A_958, %parallel_loop3A_959], %parallel_loop3A_946 {strides = array<i32>} : memref<8x2x8x128xf32, #tpu.memory_space<vmem>>, vector<16xf32>,
          %parallel_loop3A_961 = arith.constant 33 : i32
          %parallel_loop3A_962 = arith.constant 0 : i32
          %parallel_loop3A_963 = tpu.memref_slice %arg5[%parallel_loop3A_961, %parallel_loop3A_962] : memref<64x9xf32, #tpu.memory_space<vmem>> -> memref<1x9xf32, #tpu.memory_space<vmem>>
          %parallel_loop3A_964 = tpu.memref_squeeze %parallel_loop3A_963 : memref<1x9xf32, #tpu.memory_space<vmem>> -> memref<9xf32, #tpu.memory_space<vmem>>
          %parallel_loop3A_965 = tpu.vector_load_idx %parallel_loop3A_964[%parallel_loop3A_333] : memref<9xf32, #tpu.memory_space<vmem>>[vector<16xi32>], vector<16xf32>,
          %parallel_loop3A_966 = arith.constant 4 : i32
          %parallel_loop3A_967 = arith.constant 1 : i32
          %parallel_loop3A_968 = arith.constant 1 : i32
          %parallel_loop3A_969 = arith.constant 0 : i32
          %parallel_loop3A_970 = arith.constant 0 : i32
          %parallel_loop3A_971 = arith.constant 0 : i32
          %parallel_loop3A_972 = arith.constant 0 : i32
          %parallel_loop3A_973 = tpu.memref_slice %run_scoped3A_8[%rem3A_209, %parallel_loop3A_969, %parallel_loop3A_970, %parallel_loop3A_971, %parallel_loop3A_972] : memref<2x8x2x8x128xf32, #tpu.memory_space<vmem>> -> memref<1x8x2x8x128xf32, #tpu.memory_space<vmem>>
          %parallel_loop3A_974 = tpu.memref_squeeze %parallel_loop3A_973 : memref<1x8x2x8x128xf32, #tpu.memory_space<vmem>> -> memref<8x2x8x128xf32, #tpu.memory_space<vmem>>
          %parallel_loop3A_975 = arith.index_cast %parallel_loop3A_966 : i32 to index
          %parallel_loop3A_976 = arith.index_cast %parallel_loop3A_967 : i32 to index
          %parallel_loop3A_977 = arith.index_cast %parallel_loop3A_968 : i32 to index
          %parallel_loop3A_978 = arith.index_cast %parallel_loop3A_284 : i32 to index
          %parallel_loop3A_979 = tpu.vector_load %parallel_loop3A_974[%parallel_loop3A_975, %parallel_loop3A_976, %parallel_loop3A_977, %parallel_loop3A_978] {strides = array<i32>} : memref<8x2x8x128xf32, #tpu.memory_space<vmem>>, vector<16xf32>,
          tpu.vector_store %parallel_loop3A_974[%parallel_loop3A_975, %parallel_loop3A_976, %parallel_loop3A_977, %parallel_loop3A_978], %parallel_loop3A_965 {strides = array<i32>} : memref<8x2x8x128xf32, #tpu.memory_space<vmem>>, vector<16xf32>,
          %parallel_loop3A_980 = arith.constant 34 : i32
          %parallel_loop3A_981 = arith.constant 0 : i32
          %parallel_loop3A_982 = tpu.memref_slice %arg5[%parallel_loop3A_980, %parallel_loop3A_981] : memref<64x9xf32, #tpu.memory_space<vmem>> -> memref<1x9xf32, #tpu.memory_space<vmem>>
          %parallel_loop3A_983 = tpu.memref_squeeze %parallel_loop3A_982 : memref<1x9xf32, #tpu.memory_space<vmem>> -> memref<9xf32, #tpu.memory_space<vmem>>
          %parallel_loop3A_984 = tpu.vector_load_idx %parallel_loop3A_983[%parallel_loop3A_333] : memref<9xf32, #tpu.memory_space<vmem>>[vector<16xi32>], vector<16xf32>,
          %parallel_loop3A_985 = arith.constant 4 : i32
          %parallel_loop3A_986 = arith.constant 1 : i32
          %parallel_loop3A_987 = arith.constant 2 : i32
          %parallel_loop3A_988 = arith.constant 0 : i32
          %parallel_loop3A_989 = arith.constant 0 : i32
          %parallel_loop3A_990 = arith.constant 0 : i32
          %parallel_loop3A_991 = arith.constant 0 : i32
          %parallel_loop3A_992 = tpu.memref_slice %run_scoped3A_8[%rem3A_209, %parallel_loop3A_988, %parallel_loop3A_989, %parallel_loop3A_990, %parallel_loop3A_991] : memref<2x8x2x8x128xf32, #tpu.memory_space<vmem>> -> memref<1x8x2x8x128xf32, #tpu.memory_space<vmem>>
          %parallel_loop3A_993 = tpu.memref_squeeze %parallel_loop3A_992 : memref<1x8x2x8x128xf32, #tpu.memory_space<vmem>> -> memref<8x2x8x128xf32, #tpu.memory_space<vmem>>
          %parallel_loop3A_994 = arith.index_cast %parallel_loop3A_985 : i32 to index
          %parallel_loop3A_995 = arith.index_cast %parallel_loop3A_986 : i32 to index
          %parallel_loop3A_996 = arith.index_cast %parallel_loop3A_987 : i32 to index
          %parallel_loop3A_997 = arith.index_cast %parallel_loop3A_284 : i32 to index
          %parallel_loop3A_998 = tpu.vector_load %parallel_loop3A_993[%parallel_loop3A_994, %parallel_loop3A_995, %parallel_loop3A_996, %parallel_loop3A_997] {strides = array<i32>} : memref<8x2x8x128xf32, #tpu.memory_space<vmem>>, vector<16xf32>,
          tpu.vector_store %parallel_loop3A_993[%parallel_loop3A_994, %parallel_loop3A_995, %parallel_loop3A_996, %parallel_loop3A_997], %parallel_loop3A_984 {strides = array<i32>} : memref<8x2x8x128xf32, #tpu.memory_space<vmem>>, vector<16xf32>,
          %parallel_loop3A_999 = arith.constant 35 : i32
          %parallel_loop3A_1000 = arith.constant 0 : i32
          %parallel_loop3A_1001 = tpu.memref_slice %arg5[%parallel_loop3A_999, %parallel_loop3A_1000] : memref<64x9xf32, #tpu.memory_space<vmem>> -> memref<1x9xf32, #tpu.memory_space<vmem>>
          %parallel_loop3A_1002 = tpu.memref_squeeze %parallel_loop3A_1001 : memref<1x9xf32, #tpu.memory_space<vmem>> -> memref<9xf32, #tpu.memory_space<vmem>>
          %parallel_loop3A_1003 = tpu.vector_load_idx %parallel_loop3A_1002[%parallel_loop3A_333] : memref<9xf32, #tpu.memory_space<vmem>>[vector<16xi32>], vector<16xf32>,
          %parallel_loop3A_1004 = arith.constant 4 : i32
          %parallel_loop3A_1005 = arith.constant 1 : i32
          %parallel_loop3A_1006 = arith.constant 3 : i32
          %parallel_loop3A_1007 = arith.constant 0 : i32
          %parallel_loop3A_1008 = arith.constant 0 : i32
          %parallel_loop3A_1009 = arith.constant 0 : i32
          %parallel_loop3A_1010 = arith.constant 0 : i32
          %parallel_loop3A_1011 = tpu.memref_slice %run_scoped3A_8[%rem3A_209, %parallel_loop3A_1007, %parallel_loop3A_1008, %parallel_loop3A_1009, %parallel_loop3A_1010] : memref<2x8x2x8x128xf32, #tpu.memory_space<vmem>> -> memref<1x8x2x8x128xf32, #tpu.memory_space<vmem>>
          %parallel_loop3A_1012 = tpu.memref_squeeze %parallel_loop3A_1011 : memref<1x8x2x8x128xf32, #tpu.memory_space<vmem>> -> memref<8x2x8x128xf32, #tpu.memory_space<vmem>>
          %parallel_loop3A_1013 = arith.index_cast %parallel_loop3A_1004 : i32 to index
          %parallel_loop3A_1014 = arith.index_cast %parallel_loop3A_1005 : i32 to index
          %parallel_loop3A_1015 = arith.index_cast %parallel_loop3A_1006 : i32 to index
          %parallel_loop3A_1016 = arith.index_cast %parallel_loop3A_284 : i32 to index
          %parallel_loop3A_1017 = tpu.vector_load %parallel_loop3A_1012[%parallel_loop3A_1013, %parallel_loop3A_1014, %parallel_loop3A_1015, %parallel_loop3A_1016] {strides = array<i32>} : memref<8x2x8x128xf32, #tpu.memory_space<vmem>>, vector<16xf32>,
          tpu.vector_store %parallel_loop3A_1012[%parallel_loop3A_1013, %parallel_loop3A_1014, %parallel_loop3A_1015, %parallel_loop3A_1016], %parallel_loop3A_1003 {strides = array<i32>} : memref<8x2x8x128xf32, #tpu.memory_space<vmem>>, vector<16xf32>,
          %parallel_loop3A_1018 = arith.constant 36 : i32
          %parallel_loop3A_1019 = arith.constant 0 : i32
          %parallel_loop3A_1020 = tpu.memref_slice %arg5[%parallel_loop3A_1018, %parallel_loop3A_1019] : memref<64x9xf32, #tpu.memory_space<vmem>> -> memref<1x9xf32, #tpu.memory_space<vmem>>
          %parallel_loop3A_1021 = tpu.memref_squeeze %parallel_loop3A_1020 : memref<1x9xf32, #tpu.memory_space<vmem>> -> memref<9xf32, #tpu.memory_space<vmem>>
          %parallel_loop3A_1022 = tpu.vector_load_idx %parallel_loop3A_1021[%parallel_loop3A_333] : memref<9xf32, #tpu.memory_space<vmem>>[vector<16xi32>], vector<16xf32>,
          %parallel_loop3A_1023 = arith.constant 4 : i32
          %parallel_loop3A_1024 = arith.constant 1 : i32
          %parallel_loop3A_1025 = arith.constant 4 : i32
          %parallel_loop3A_1026 = arith.constant 0 : i32
          %parallel_loop3A_1027 = arith.constant 0 : i32
          %parallel_loop3A_1028 = arith.constant 0 : i32
          %parallel_loop3A_1029 = arith.constant 0 : i32
          %parallel_loop3A_1030 = tpu.memref_slice %run_scoped3A_8[%rem3A_209, %parallel_loop3A_1026, %parallel_loop3A_1027, %parallel_loop3A_1028, %parallel_loop3A_1029] : memref<2x8x2x8x128xf32, #tpu.memory_space<vmem>> -> memref<1x8x2x8x128xf32, #tpu.memory_space<vmem>>
          %parallel_loop3A_1031 = tpu.memref_squeeze %parallel_loop3A_1030 : memref<1x8x2x8x128xf32, #tpu.memory_space<vmem>> -> memref<8x2x8x128xf32, #tpu.memory_space<vmem>>
          %parallel_loop3A_1032 = arith.index_cast %parallel_loop3A_1023 : i32 to index
          %parallel_loop3A_1033 = arith.index_cast %parallel_loop3A_1024 : i32 to index
          %parallel_loop3A_1034 = arith.index_cast %parallel_loop3A_1025 : i32 to index
          %parallel_loop3A_1035 = arith.index_cast %parallel_loop3A_284 : i32 to index
          %parallel_loop3A_1036 = tpu.vector_load %parallel_loop3A_1031[%parallel_loop3A_1032, %parallel_loop3A_1033, %parallel_loop3A_1034, %parallel_loop3A_1035] {strides = array<i32>} : memref<8x2x8x128xf32, #tpu.memory_space<vmem>>, vector<16xf32>,
          tpu.vector_store %parallel_loop3A_1031[%parallel_loop3A_1032, %parallel_loop3A_1033, %parallel_loop3A_1034, %parallel_loop3A_1035], %parallel_loop3A_1022 {strides = array<i32>} : memref<8x2x8x128xf32, #tpu.memory_space<vmem>>, vector<16xf32>,
          %parallel_loop3A_1037 = arith.constant 37 : i32
          %parallel_loop3A_1038 = arith.constant 0 : i32
          %parallel_loop3A_1039 = tpu.memref_slice %arg5[%parallel_loop3A_1037, %parallel_loop3A_1038] : memref<64x9xf32, #tpu.memory_space<vmem>> -> memref<1x9xf32, #tpu.memory_space<vmem>>
          %parallel_loop3A_1040 = tpu.memref_squeeze %parallel_loop3A_1039 : memref<1x9xf32, #tpu.memory_space<vmem>> -> memref<9xf32, #tpu.memory_space<vmem>>
          %parallel_loop3A_1041 = tpu.vector_load_idx %parallel_loop3A_1040[%parallel_loop3A_333] : memref<9xf32, #tpu.memory_space<vmem>>[vector<16xi32>], vector<16xf32>,
          %parallel_loop3A_1042 = arith.constant 4 : i32
          %parallel_loop3A_1043 = arith.constant 1 : i32
          %parallel_loop3A_1044 = arith.constant 5 : i32
          %parallel_loop3A_1045 = arith.constant 0 : i32
          %parallel_loop3A_1046 = arith.constant 0 : i32
          %parallel_loop3A_1047 = arith.constant 0 : i32
          %parallel_loop3A_1048 = arith.constant 0 : i32
          %parallel_loop3A_1049 = tpu.memref_slice %run_scoped3A_8[%rem3A_209, %parallel_loop3A_1045, %parallel_loop3A_1046, %parallel_loop3A_1047, %parallel_loop3A_1048] : memref<2x8x2x8x128xf32, #tpu.memory_space<vmem>> -> memref<1x8x2x8x128xf32, #tpu.memory_space<vmem>>
          %parallel_loop3A_1050 = tpu.memref_squeeze %parallel_loop3A_1049 : memref<1x8x2x8x128xf32, #tpu.memory_space<vmem>> -> memref<8x2x8x128xf32, #tpu.memory_space<vmem>>
          %parallel_loop3A_1051 = arith.index_cast %parallel_loop3A_1042 : i32 to index
          %parallel_loop3A_1052 = arith.index_cast %parallel_loop3A_1043 : i32 to index
          %parallel_loop3A_1053 = arith.index_cast %parallel_loop3A_1044 : i32 to index
          %parallel_loop3A_1054 = arith.index_cast %parallel_loop3A_284 : i32 to index
          %parallel_loop3A_1055 = tpu.vector_load %parallel_loop3A_1050[%parallel_loop3A_1051, %parallel_loop3A_1052, %parallel_loop3A_1053, %parallel_loop3A_1054] {strides = array<i32>} : memref<8x2x8x128xf32, #tpu.memory_space<vmem>>, vector<16xf32>,
          tpu.vector_store %parallel_loop3A_1050[%parallel_loop3A_1051, %parallel_loop3A_1052, %parallel_loop3A_1053, %parallel_loop3A_1054], %parallel_loop3A_1041 {strides = array<i32>} : memref<8x2x8x128xf32, #tpu.memory_space<vmem>>, vector<16xf32>,
          %parallel_loop3A_1056 = arith.constant 38 : i32
          %parallel_loop3A_1057 = arith.constant 0 : i32
          %parallel_loop3A_1058 = tpu.memref_slice %arg5[%parallel_loop3A_1056, %parallel_loop3A_1057] : memref<64x9xf32, #tpu.memory_space<vmem>> -> memref<1x9xf32, #tpu.memory_space<vmem>>
          %parallel_loop3A_1059 = tpu.memref_squeeze %parallel_loop3A_1058 : memref<1x9xf32, #tpu.memory_space<vmem>> -> memref<9xf32, #tpu.memory_space<vmem>>
          %parallel_loop3A_1060 = tpu.vector_load_idx %parallel_loop3A_1059[%parallel_loop3A_333] : memref<9xf32, #tpu.memory_space<vmem>>[vector<16xi32>], vector<16xf32>,
          %parallel_loop3A_1061 = arith.constant 4 : i32
          %parallel_loop3A_1062 = arith.constant 1 : i32
          %parallel_loop3A_1063 = arith.constant 6 : i32
          %parallel_loop3A_1064 = arith.constant 0 : i32
          %parallel_loop3A_1065 = arith.constant 0 : i32
          %parallel_loop3A_1066 = arith.constant 0 : i32
          %parallel_loop3A_1067 = arith.constant 0 : i32
          %parallel_loop3A_1068 = tpu.memref_slice %run_scoped3A_8[%rem3A_209, %parallel_loop3A_1064, %parallel_loop3A_1065, %parallel_loop3A_1066, %parallel_loop3A_1067] : memref<2x8x2x8x128xf32, #tpu.memory_space<vmem>> -> memref<1x8x2x8x128xf32, #tpu.memory_space<vmem>>
          %parallel_loop3A_1069 = tpu.memref_squeeze %parallel_loop3A_1068 : memref<1x8x2x8x128xf32, #tpu.memory_space<vmem>> -> memref<8x2x8x128xf32, #tpu.memory_space<vmem>>
          %parallel_loop3A_1070 = arith.index_cast %parallel_loop3A_1061 : i32 to index
          %parallel_loop3A_1071 = arith.index_cast %parallel_loop3A_1062 : i32 to index
          %parallel_loop3A_1072 = arith.index_cast %parallel_loop3A_1063 : i32 to index
          %parallel_loop3A_1073 = arith.index_cast %parallel_loop3A_284 : i32 to index
          %parallel_loop3A_1074 = tpu.vector_load %parallel_loop3A_1069[%parallel_loop3A_1070, %parallel_loop3A_1071, %parallel_loop3A_1072, %parallel_loop3A_1073] {strides = array<i32>} : memref<8x2x8x128xf32, #tpu.memory_space<vmem>>, vector<16xf32>,
          tpu.vector_store %parallel_loop3A_1069[%parallel_loop3A_1070, %parallel_loop3A_1071, %parallel_loop3A_1072, %parallel_loop3A_1073], %parallel_loop3A_1060 {strides = array<i32>} : memref<8x2x8x128xf32, #tpu.memory_space<vmem>>, vector<16xf32>,
          %parallel_loop3A_1075 = arith.constant 39 : i32
          %parallel_loop3A_1076 = arith.constant 0 : i32
          %parallel_loop3A_1077 = tpu.memref_slice %arg5[%parallel_loop3A_1075, %parallel_loop3A_1076] : memref<64x9xf32, #tpu.memory_space<vmem>> -> memref<1x9xf32, #tpu.memory_space<vmem>>
          %parallel_loop3A_1078 = tpu.memref_squeeze %parallel_loop3A_1077 : memref<1x9xf32, #tpu.memory_space<vmem>> -> memref<9xf32, #tpu.memory_space<vmem>>
          %parallel_loop3A_1079 = tpu.vector_load_idx %parallel_loop3A_1078[%parallel_loop3A_333] : memref<9xf32, #tpu.memory_space<vmem>>[vector<16xi32>], vector<16xf32>,
          %parallel_loop3A_1080 = arith.constant 4 : i32
          %parallel_loop3A_1081 = arith.constant 1 : i32
          %parallel_loop3A_1082 = arith.constant 7 : i32
          %parallel_loop3A_1083 = arith.constant 0 : i32
          %parallel_loop3A_1084 = arith.constant 0 : i32
          %parallel_loop3A_1085 = arith.constant 0 : i32
          %parallel_loop3A_1086 = arith.constant 0 : i32
          %parallel_loop3A_1087 = tpu.memref_slice %run_scoped3A_8[%rem3A_209, %parallel_loop3A_1083, %parallel_loop3A_1084, %parallel_loop3A_1085, %parallel_loop3A_1086] : memref<2x8x2x8x128xf32, #tpu.memory_space<vmem>> -> memref<1x8x2x8x128xf32, #tpu.memory_space<vmem>>
          %parallel_loop3A_1088 = tpu.memref_squeeze %parallel_loop3A_1087 : memref<1x8x2x8x128xf32, #tpu.memory_space<vmem>> -> memref<8x2x8x128xf32, #tpu.memory_space<vmem>>
          %parallel_loop3A_1089 = arith.index_cast %parallel_loop3A_1080 : i32 to index
          %parallel_loop3A_1090 = arith.index_cast %parallel_loop3A_1081 : i32 to index
          %parallel_loop3A_1091 = arith.index_cast %parallel_loop3A_1082 : i32 to index
          %parallel_loop3A_1092 = arith.index_cast %parallel_loop3A_284 : i32 to index
          %parallel_loop3A_1093 = tpu.vector_load %parallel_loop3A_1088[%parallel_loop3A_1089, %parallel_loop3A_1090, %parallel_loop3A_1091, %parallel_loop3A_1092] {strides = array<i32>} : memref<8x2x8x128xf32, #tpu.memory_space<vmem>>, vector<16xf32>,
          tpu.vector_store %parallel_loop3A_1088[%parallel_loop3A_1089, %parallel_loop3A_1090, %parallel_loop3A_1091, %parallel_loop3A_1092], %parallel_loop3A_1079 {strides = array<i32>} : memref<8x2x8x128xf32, #tpu.memory_space<vmem>>, vector<16xf32>,
          %parallel_loop3A_1094 = arith.constant 40 : i32
          %parallel_loop3A_1095 = arith.constant 0 : i32
          %parallel_loop3A_1096 = tpu.memref_slice %arg5[%parallel_loop3A_1094, %parallel_loop3A_1095] : memref<64x9xf32, #tpu.memory_space<vmem>> -> memref<1x9xf32, #tpu.memory_space<vmem>>
          %parallel_loop3A_1097 = tpu.memref_squeeze %parallel_loop3A_1096 : memref<1x9xf32, #tpu.memory_space<vmem>> -> memref<9xf32, #tpu.memory_space<vmem>>
          %parallel_loop3A_1098 = tpu.vector_load_idx %parallel_loop3A_1097[%parallel_loop3A_333] : memref<9xf32, #tpu.memory_space<vmem>>[vector<16xi32>], vector<16xf32>,
          %parallel_loop3A_1099 = arith.constant 5 : i32
          %parallel_loop3A_1100 = arith.constant 1 : i32
          %parallel_loop3A_1101 = arith.constant 0 : i32
          %parallel_loop3A_1102 = arith.constant 0 : i32
          %parallel_loop3A_1103 = arith.constant 0 : i32
          %parallel_loop3A_1104 = arith.constant 0 : i32
          %parallel_loop3A_1105 = arith.constant 0 : i32
          %parallel_loop3A_1106 = tpu.memref_slice %run_scoped3A_8[%rem3A_209, %parallel_loop3A_1102, %parallel_loop3A_1103, %parallel_loop3A_1104, %parallel_loop3A_1105] : memref<2x8x2x8x128xf32, #tpu.memory_space<vmem>> -> memref<1x8x2x8x128xf32, #tpu.memory_space<vmem>>
          %parallel_loop3A_1107 = tpu.memref_squeeze %parallel_loop3A_1106 : memref<1x8x2x8x128xf32, #tpu.memory_space<vmem>> -> memref<8x2x8x128xf32, #tpu.memory_space<vmem>>
          %parallel_loop3A_1108 = arith.index_cast %parallel_loop3A_1099 : i32 to index
          %parallel_loop3A_1109 = arith.index_cast %parallel_loop3A_1100 : i32 to index
          %parallel_loop3A_1110 = arith.index_cast %parallel_loop3A_1101 : i32 to index
          %parallel_loop3A_1111 = arith.index_cast %parallel_loop3A_284 : i32 to index
          %parallel_loop3A_1112 = tpu.vector_load %parallel_loop3A_1107[%parallel_loop3A_1108, %parallel_loop3A_1109, %parallel_loop3A_1110, %parallel_loop3A_1111] {strides = array<i32>} : memref<8x2x8x128xf32, #tpu.memory_space<vmem>>, vector<16xf32>,
          tpu.vector_store %parallel_loop3A_1107[%parallel_loop3A_1108, %parallel_loop3A_1109, %parallel_loop3A_1110, %parallel_loop3A_1111], %parallel_loop3A_1098 {strides = array<i32>} : memref<8x2x8x128xf32, #tpu.memory_space<vmem>>, vector<16xf32>,
          %parallel_loop3A_1113 = arith.constant 41 : i32
          %parallel_loop3A_1114 = arith.constant 0 : i32
          %parallel_loop3A_1115 = tpu.memref_slice %arg5[%parallel_loop3A_1113, %parallel_loop3A_1114] : memref<64x9xf32, #tpu.memory_space<vmem>> -> memref<1x9xf32, #tpu.memory_space<vmem>>
          %parallel_loop3A_1116 = tpu.memref_squeeze %parallel_loop3A_1115 : memref<1x9xf32, #tpu.memory_space<vmem>> -> memref<9xf32, #tpu.memory_space<vmem>>
          %parallel_loop3A_1117 = tpu.vector_load_idx %parallel_loop3A_1116[%parallel_loop3A_333] : memref<9xf32, #tpu.memory_space<vmem>>[vector<16xi32>], vector<16xf32>,
          %parallel_loop3A_1118 = arith.constant 5 : i32
          %parallel_loop3A_1119 = arith.constant 1 : i32
          %parallel_loop3A_1120 = arith.constant 1 : i32
          %parallel_loop3A_1121 = arith.constant 0 : i32
          %parallel_loop3A_1122 = arith.constant 0 : i32
          %parallel_loop3A_1123 = arith.constant 0 : i32
          %parallel_loop3A_1124 = arith.constant 0 : i32
          %parallel_loop3A_1125 = tpu.memref_slice %run_scoped3A_8[%rem3A_209, %parallel_loop3A_1121, %parallel_loop3A_1122, %parallel_loop3A_1123, %parallel_loop3A_1124] : memref<2x8x2x8x128xf32, #tpu.memory_space<vmem>> -> memref<1x8x2x8x128xf32, #tpu.memory_space<vmem>>
          %parallel_loop3A_1126 = tpu.memref_squeeze %parallel_loop3A_1125 : memref<1x8x2x8x128xf32, #tpu.memory_space<vmem>> -> memref<8x2x8x128xf32, #tpu.memory_space<vmem>>
          %parallel_loop3A_1127 = arith.index_cast %parallel_loop3A_1118 : i32 to index
          %parallel_loop3A_1128 = arith.index_cast %parallel_loop3A_1119 : i32 to index
          %parallel_loop3A_1129 = arith.index_cast %parallel_loop3A_1120 : i32 to index
          %parallel_loop3A_1130 = arith.index_cast %parallel_loop3A_284 : i32 to index
          %parallel_loop3A_1131 = tpu.vector_load %parallel_loop3A_1126[%parallel_loop3A_1127, %parallel_loop3A_1128, %parallel_loop3A_1129, %parallel_loop3A_1130] {strides = array<i32>} : memref<8x2x8x128xf32, #tpu.memory_space<vmem>>, vector<16xf32>,
          tpu.vector_store %parallel_loop3A_1126[%parallel_loop3A_1127, %parallel_loop3A_1128, %parallel_loop3A_1129, %parallel_loop3A_1130], %parallel_loop3A_1117 {strides = array<i32>} : memref<8x2x8x128xf32, #tpu.memory_space<vmem>>, vector<16xf32>,
          %parallel_loop3A_1132 = arith.constant 42 : i32
          %parallel_loop3A_1133 = arith.constant 0 : i32
          %parallel_loop3A_1134 = tpu.memref_slice %arg5[%parallel_loop3A_1132, %parallel_loop3A_1133] : memref<64x9xf32, #tpu.memory_space<vmem>> -> memref<1x9xf32, #tpu.memory_space<vmem>>
          %parallel_loop3A_1135 = tpu.memref_squeeze %parallel_loop3A_1134 : memref<1x9xf32, #tpu.memory_space<vmem>> -> memref<9xf32, #tpu.memory_space<vmem>>
          %parallel_loop3A_1136 = tpu.vector_load_idx %parallel_loop3A_1135[%parallel_loop3A_333] : memref<9xf32, #tpu.memory_space<vmem>>[vector<16xi32>], vector<16xf32>,
          %parallel_loop3A_1137 = arith.constant 5 : i32
          %parallel_loop3A_1138 = arith.constant 1 : i32
          %parallel_loop3A_1139 = arith.constant 2 : i32
          %parallel_loop3A_1140 = arith.constant 0 : i32
          %parallel_loop3A_1141 = arith.constant 0 : i32
          %parallel_loop3A_1142 = arith.constant 0 : i32
          %parallel_loop3A_1143 = arith.constant 0 : i32
          %parallel_loop3A_1144 = tpu.memref_slice %run_scoped3A_8[%rem3A_209, %parallel_loop3A_1140, %parallel_loop3A_1141, %parallel_loop3A_1142, %parallel_loop3A_1143] : memref<2x8x2x8x128xf32, #tpu.memory_space<vmem>> -> memref<1x8x2x8x128xf32, #tpu.memory_space<vmem>>
          %parallel_loop3A_1145 = tpu.memref_squeeze %parallel_loop3A_1144 : memref<1x8x2x8x128xf32, #tpu.memory_space<vmem>> -> memref<8x2x8x128xf32, #tpu.memory_space<vmem>>
          %parallel_loop3A_1146 = arith.index_cast %parallel_loop3A_1137 : i32 to index
          %parallel_loop3A_1147 = arith.index_cast %parallel_loop3A_1138 : i32 to index
          %parallel_loop3A_1148 = arith.index_cast %parallel_loop3A_1139 : i32 to index
          %parallel_loop3A_1149 = arith.index_cast %parallel_loop3A_284 : i32 to index
          %parallel_loop3A_1150 = tpu.vector_load %parallel_loop3A_1145[%parallel_loop3A_1146, %parallel_loop3A_1147, %parallel_loop3A_1148, %parallel_loop3A_1149] {strides = array<i32>} : memref<8x2x8x128xf32, #tpu.memory_space<vmem>>, vector<16xf32>,
          tpu.vector_store %parallel_loop3A_1145[%parallel_loop3A_1146, %parallel_loop3A_1147, %parallel_loop3A_1148, %parallel_loop3A_1149], %parallel_loop3A_1136 {strides = array<i32>} : memref<8x2x8x128xf32, #tpu.memory_space<vmem>>, vector<16xf32>,
          %parallel_loop3A_1151 = arith.constant 43 : i32
          %parallel_loop3A_1152 = arith.constant 0 : i32
          %parallel_loop3A_1153 = tpu.memref_slice %arg5[%parallel_loop3A_1151, %parallel_loop3A_1152] : memref<64x9xf32, #tpu.memory_space<vmem>> -> memref<1x9xf32, #tpu.memory_space<vmem>>
          %parallel_loop3A_1154 = tpu.memref_squeeze %parallel_loop3A_1153 : memref<1x9xf32, #tpu.memory_space<vmem>> -> memref<9xf32, #tpu.memory_space<vmem>>
          %parallel_loop3A_1155 = tpu.vector_load_idx %parallel_loop3A_1154[%parallel_loop3A_333] : memref<9xf32, #tpu.memory_space<vmem>>[vector<16xi32>], vector<16xf32>,
          %parallel_loop3A_1156 = arith.constant 5 : i32
          %parallel_loop3A_1157 = arith.constant 1 : i32
          %parallel_loop3A_1158 = arith.constant 3 : i32
          %parallel_loop3A_1159 = arith.constant 0 : i32
          %parallel_loop3A_1160 = arith.constant 0 : i32
          %parallel_loop3A_1161 = arith.constant 0 : i32
          %parallel_loop3A_1162 = arith.constant 0 : i32
          %parallel_loop3A_1163 = tpu.memref_slice %run_scoped3A_8[%rem3A_209, %parallel_loop3A_1159, %parallel_loop3A_1160, %parallel_loop3A_1161, %parallel_loop3A_1162] : memref<2x8x2x8x128xf32, #tpu.memory_space<vmem>> -> memref<1x8x2x8x128xf32, #tpu.memory_space<vmem>>
          %parallel_loop3A_1164 = tpu.memref_squeeze %parallel_loop3A_1163 : memref<1x8x2x8x128xf32, #tpu.memory_space<vmem>> -> memref<8x2x8x128xf32, #tpu.memory_space<vmem>>
          %parallel_loop3A_1165 = arith.index_cast %parallel_loop3A_1156 : i32 to index
          %parallel_loop3A_1166 = arith.index_cast %parallel_loop3A_1157 : i32 to index
          %parallel_loop3A_1167 = arith.index_cast %parallel_loop3A_1158 : i32 to index
          %parallel_loop3A_1168 = arith.index_cast %parallel_loop3A_284 : i32 to index
          %parallel_loop3A_1169 = tpu.vector_load %parallel_loop3A_1164[%parallel_loop3A_1165, %parallel_loop3A_1166, %parallel_loop3A_1167, %parallel_loop3A_1168] {strides = array<i32>} : memref<8x2x8x128xf32, #tpu.memory_space<vmem>>, vector<16xf32>,
          tpu.vector_store %parallel_loop3A_1164[%parallel_loop3A_1165, %parallel_loop3A_1166, %parallel_loop3A_1167, %parallel_loop3A_1168], %parallel_loop3A_1155 {strides = array<i32>} : memref<8x2x8x128xf32, #tpu.memory_space<vmem>>, vector<16xf32>,
          %parallel_loop3A_1170 = arith.constant 44 : i32
          %parallel_loop3A_1171 = arith.constant 0 : i32
          %parallel_loop3A_1172 = tpu.memref_slice %arg5[%parallel_loop3A_1170, %parallel_loop3A_1171] : memref<64x9xf32, #tpu.memory_space<vmem>> -> memref<1x9xf32, #tpu.memory_space<vmem>>
          %parallel_loop3A_1173 = tpu.memref_squeeze %parallel_loop3A_1172 : memref<1x9xf32, #tpu.memory_space<vmem>> -> memref<9xf32, #tpu.memory_space<vmem>>
          %parallel_loop3A_1174 = tpu.vector_load_idx %parallel_loop3A_1173[%parallel_loop3A_333] : memref<9xf32, #tpu.memory_space<vmem>>[vector<16xi32>], vector<16xf32>,
          %parallel_loop3A_1175 = arith.constant 5 : i32
          %parallel_loop3A_1176 = arith.constant 1 : i32
          %parallel_loop3A_1177 = arith.constant 4 : i32
          %parallel_loop3A_1178 = arith.constant 0 : i32
          %parallel_loop3A_1179 = arith.constant 0 : i32
          %parallel_loop3A_1180 = arith.constant 0 : i32
          %parallel_loop3A_1181 = arith.constant 0 : i32
          %parallel_loop3A_1182 = tpu.memref_slice %run_scoped3A_8[%rem3A_209, %parallel_loop3A_1178, %parallel_loop3A_1179, %parallel_loop3A_1180, %parallel_loop3A_1181] : memref<2x8x2x8x128xf32, #tpu.memory_space<vmem>> -> memref<1x8x2x8x128xf32, #tpu.memory_space<vmem>>
          %parallel_loop3A_1183 = tpu.memref_squeeze %parallel_loop3A_1182 : memref<1x8x2x8x128xf32, #tpu.memory_space<vmem>> -> memref<8x2x8x128xf32, #tpu.memory_space<vmem>>
          %parallel_loop3A_1184 = arith.index_cast %parallel_loop3A_1175 : i32 to index
          %parallel_loop3A_1185 = arith.index_cast %parallel_loop3A_1176 : i32 to index
          %parallel_loop3A_1186 = arith.index_cast %parallel_loop3A_1177 : i32 to index
          %parallel_loop3A_1187 = arith.index_cast %parallel_loop3A_284 : i32 to index
          %parallel_loop3A_1188 = tpu.vector_load %parallel_loop3A_1183[%parallel_loop3A_1184, %parallel_loop3A_1185, %parallel_loop3A_1186, %parallel_loop3A_1187] {strides = array<i32>} : memref<8x2x8x128xf32, #tpu.memory_space<vmem>>, vector<16xf32>,
          tpu.vector_store %parallel_loop3A_1183[%parallel_loop3A_1184, %parallel_loop3A_1185, %parallel_loop3A_1186, %parallel_loop3A_1187], %parallel_loop3A_1174 {strides = array<i32>} : memref<8x2x8x128xf32, #tpu.memory_space<vmem>>, vector<16xf32>,
          %parallel_loop3A_1189 = arith.constant 45 : i32
          %parallel_loop3A_1190 = arith.constant 0 : i32
          %parallel_loop3A_1191 = tpu.memref_slice %arg5[%parallel_loop3A_1189, %parallel_loop3A_1190] : memref<64x9xf32, #tpu.memory_space<vmem>> -> memref<1x9xf32, #tpu.memory_space<vmem>>
          %parallel_loop3A_1192 = tpu.memref_squeeze %parallel_loop3A_1191 : memref<1x9xf32, #tpu.memory_space<vmem>> -> memref<9xf32, #tpu.memory_space<vmem>>
          %parallel_loop3A_1193 = tpu.vector_load_idx %parallel_loop3A_1192[%parallel_loop3A_333] : memref<9xf32, #tpu.memory_space<vmem>>[vector<16xi32>], vector<16xf32>,
          %parallel_loop3A_1194 = arith.constant 5 : i32
          %parallel_loop3A_1195 = arith.constant 1 : i32
          %parallel_loop3A_1196 = arith.constant 5 : i32
          %parallel_loop3A_1197 = arith.constant 0 : i32
          %parallel_loop3A_1198 = arith.constant 0 : i32
          %parallel_loop3A_1199 = arith.constant 0 : i32
          %parallel_loop3A_1200 = arith.constant 0 : i32
          %parallel_loop3A_1201 = tpu.memref_slice %run_scoped3A_8[%rem3A_209, %parallel_loop3A_1197, %parallel_loop3A_1198, %parallel_loop3A_1199, %parallel_loop3A_1200] : memref<2x8x2x8x128xf32, #tpu.memory_space<vmem>> -> memref<1x8x2x8x128xf32, #tpu.memory_space<vmem>>
          %parallel_loop3A_1202 = tpu.memref_squeeze %parallel_loop3A_1201 : memref<1x8x2x8x128xf32, #tpu.memory_space<vmem>> -> memref<8x2x8x128xf32, #tpu.memory_space<vmem>>
          %parallel_loop3A_1203 = arith.index_cast %parallel_loop3A_1194 : i32 to index
          %parallel_loop3A_1204 = arith.index_cast %parallel_loop3A_1195 : i32 to index
          %parallel_loop3A_1205 = arith.index_cast %parallel_loop3A_1196 : i32 to index
          %parallel_loop3A_1206 = arith.index_cast %parallel_loop3A_284 : i32 to index
          %parallel_loop3A_1207 = tpu.vector_load %parallel_loop3A_1202[%parallel_loop3A_1203, %parallel_loop3A_1204, %parallel_loop3A_1205, %parallel_loop3A_1206] {strides = array<i32>} : memref<8x2x8x128xf32, #tpu.memory_space<vmem>>, vector<16xf32>,
          tpu.vector_store %parallel_loop3A_1202[%parallel_loop3A_1203, %parallel_loop3A_1204, %parallel_loop3A_1205, %parallel_loop3A_1206], %parallel_loop3A_1193 {strides = array<i32>} : memref<8x2x8x128xf32, #tpu.memory_space<vmem>>, vector<16xf32>,
          %parallel_loop3A_1208 = arith.constant 46 : i32
          %parallel_loop3A_1209 = arith.constant 0 : i32
          %parallel_loop3A_1210 = tpu.memref_slice %arg5[%parallel_loop3A_1208, %parallel_loop3A_1209] : memref<64x9xf32, #tpu.memory_space<vmem>> -> memref<1x9xf32, #tpu.memory_space<vmem>>
          %parallel_loop3A_1211 = tpu.memref_squeeze %parallel_loop3A_1210 : memref<1x9xf32, #tpu.memory_space<vmem>> -> memref<9xf32, #tpu.memory_space<vmem>>
          %parallel_loop3A_1212 = tpu.vector_load_idx %parallel_loop3A_1211[%parallel_loop3A_333] : memref<9xf32, #tpu.memory_space<vmem>>[vector<16xi32>], vector<16xf32>,
          %parallel_loop3A_1213 = arith.constant 5 : i32
          %parallel_loop3A_1214 = arith.constant 1 : i32
          %parallel_loop3A_1215 = arith.constant 6 : i32
          %parallel_loop3A_1216 = arith.constant 0 : i32
          %parallel_loop3A_1217 = arith.constant 0 : i32
          %parallel_loop3A_1218 = arith.constant 0 : i32
          %parallel_loop3A_1219 = arith.constant 0 : i32
          %parallel_loop3A_1220 = tpu.memref_slice %run_scoped3A_8[%rem3A_209, %parallel_loop3A_1216, %parallel_loop3A_1217, %parallel_loop3A_1218, %parallel_loop3A_1219] : memref<2x8x2x8x128xf32, #tpu.memory_space<vmem>> -> memref<1x8x2x8x128xf32, #tpu.memory_space<vmem>>
          %parallel_loop3A_1221 = tpu.memref_squeeze %parallel_loop3A_1220 : memref<1x8x2x8x128xf32, #tpu.memory_space<vmem>> -> memref<8x2x8x128xf32, #tpu.memory_space<vmem>>
          %parallel_loop3A_1222 = arith.index_cast %parallel_loop3A_1213 : i32 to index
          %parallel_loop3A_1223 = arith.index_cast %parallel_loop3A_1214 : i32 to index
          %parallel_loop3A_1224 = arith.index_cast %parallel_loop3A_1215 : i32 to index
          %parallel_loop3A_1225 = arith.index_cast %parallel_loop3A_284 : i32 to index
          %parallel_loop3A_1226 = tpu.vector_load %parallel_loop3A_1221[%parallel_loop3A_1222, %parallel_loop3A_1223, %parallel_loop3A_1224, %parallel_loop3A_1225] {strides = array<i32>} : memref<8x2x8x128xf32, #tpu.memory_space<vmem>>, vector<16xf32>,
          tpu.vector_store %parallel_loop3A_1221[%parallel_loop3A_1222, %parallel_loop3A_1223, %parallel_loop3A_1224, %parallel_loop3A_1225], %parallel_loop3A_1212 {strides = array<i32>} : memref<8x2x8x128xf32, #tpu.memory_space<vmem>>, vector<16xf32>,
          %parallel_loop3A_1227 = arith.constant 47 : i32
          %parallel_loop3A_1228 = arith.constant 0 : i32
          %parallel_loop3A_1229 = tpu.memref_slice %arg5[%parallel_loop3A_1227, %parallel_loop3A_1228] : memref<64x9xf32, #tpu.memory_space<vmem>> -> memref<1x9xf32, #tpu.memory_space<vmem>>
          %parallel_loop3A_1230 = tpu.memref_squeeze %parallel_loop3A_1229 : memref<1x9xf32, #tpu.memory_space<vmem>> -> memref<9xf32, #tpu.memory_space<vmem>>
          %parallel_loop3A_1231 = tpu.vector_load_idx %parallel_loop3A_1230[%parallel_loop3A_333] : memref<9xf32, #tpu.memory_space<vmem>>[vector<16xi32>], vector<16xf32>,
          %parallel_loop3A_1232 = arith.constant 5 : i32
          %parallel_loop3A_1233 = arith.constant 1 : i32
          %parallel_loop3A_1234 = arith.constant 7 : i32
          %parallel_loop3A_1235 = arith.constant 0 : i32
          %parallel_loop3A_1236 = arith.constant 0 : i32
          %parallel_loop3A_1237 = arith.constant 0 : i32
          %parallel_loop3A_1238 = arith.constant 0 : i32
          %parallel_loop3A_1239 = tpu.memref_slice %run_scoped3A_8[%rem3A_209, %parallel_loop3A_1235, %parallel_loop3A_1236, %parallel_loop3A_1237, %parallel_loop3A_1238] : memref<2x8x2x8x128xf32, #tpu.memory_space<vmem>> -> memref<1x8x2x8x128xf32, #tpu.memory_space<vmem>>
          %parallel_loop3A_1240 = tpu.memref_squeeze %parallel_loop3A_1239 : memref<1x8x2x8x128xf32, #tpu.memory_space<vmem>> -> memref<8x2x8x128xf32, #tpu.memory_space<vmem>>
          %parallel_loop3A_1241 = arith.index_cast %parallel_loop3A_1232 : i32 to index
          %parallel_loop3A_1242 = arith.index_cast %parallel_loop3A_1233 : i32 to index
          %parallel_loop3A_1243 = arith.index_cast %parallel_loop3A_1234 : i32 to index
          %parallel_loop3A_1244 = arith.index_cast %parallel_loop3A_284 : i32 to index
          %parallel_loop3A_1245 = tpu.vector_load %parallel_loop3A_1240[%parallel_loop3A_1241, %parallel_loop3A_1242, %parallel_loop3A_1243, %parallel_loop3A_1244] {strides = array<i32>} : memref<8x2x8x128xf32, #tpu.memory_space<vmem>>, vector<16xf32>,
          tpu.vector_store %parallel_loop3A_1240[%parallel_loop3A_1241, %parallel_loop3A_1242, %parallel_loop3A_1243, %parallel_loop3A_1244], %parallel_loop3A_1231 {strides = array<i32>} : memref<8x2x8x128xf32, #tpu.memory_space<vmem>>, vector<16xf32>,
          %parallel_loop3A_1246 = arith.constant 48 : i32
          %parallel_loop3A_1247 = arith.constant 0 : i32
          %parallel_loop3A_1248 = tpu.memref_slice %arg5[%parallel_loop3A_1246, %parallel_loop3A_1247] : memref<64x9xf32, #tpu.memory_space<vmem>> -> memref<1x9xf32, #tpu.memory_space<vmem>>
          %parallel_loop3A_1249 = tpu.memref_squeeze %parallel_loop3A_1248 : memref<1x9xf32, #tpu.memory_space<vmem>> -> memref<9xf32, #tpu.memory_space<vmem>>
          %parallel_loop3A_1250 = tpu.vector_load_idx %parallel_loop3A_1249[%parallel_loop3A_333] : memref<9xf32, #tpu.memory_space<vmem>>[vector<16xi32>], vector<16xf32>,
          %parallel_loop3A_1251 = arith.constant 6 : i32
          %parallel_loop3A_1252 = arith.constant 1 : i32
          %parallel_loop3A_1253 = arith.constant 0 : i32
          %parallel_loop3A_1254 = arith.constant 0 : i32
          %parallel_loop3A_1255 = arith.constant 0 : i32
          %parallel_loop3A_1256 = arith.constant 0 : i32
          %parallel_loop3A_1257 = arith.constant 0 : i32
          %parallel_loop3A_1258 = tpu.memref_slice %run_scoped3A_8[%rem3A_209, %parallel_loop3A_1254, %parallel_loop3A_1255, %parallel_loop3A_1256, %parallel_loop3A_1257] : memref<2x8x2x8x128xf32, #tpu.memory_space<vmem>> -> memref<1x8x2x8x128xf32, #tpu.memory_space<vmem>>
          %parallel_loop3A_1259 = tpu.memref_squeeze %parallel_loop3A_1258 : memref<1x8x2x8x128xf32, #tpu.memory_space<vmem>> -> memref<8x2x8x128xf32, #tpu.memory_space<vmem>>
          %parallel_loop3A_1260 = arith.index_cast %parallel_loop3A_1251 : i32 to index
          %parallel_loop3A_1261 = arith.index_cast %parallel_loop3A_1252 : i32 to index
          %parallel_loop3A_1262 = arith.index_cast %parallel_loop3A_1253 : i32 to index
          %parallel_loop3A_1263 = arith.index_cast %parallel_loop3A_284 : i32 to index
          %parallel_loop3A_1264 = tpu.vector_load %parallel_loop3A_1259[%parallel_loop3A_1260, %parallel_loop3A_1261, %parallel_loop3A_1262, %parallel_loop3A_1263] {strides = array<i32>} : memref<8x2x8x128xf32, #tpu.memory_space<vmem>>, vector<16xf32>,
          tpu.vector_store %parallel_loop3A_1259[%parallel_loop3A_1260, %parallel_loop3A_1261, %parallel_loop3A_1262, %parallel_loop3A_1263], %parallel_loop3A_1250 {strides = array<i32>} : memref<8x2x8x128xf32, #tpu.memory_space<vmem>>, vector<16xf32>,
          %parallel_loop3A_1265 = arith.constant 49 : i32
          %parallel_loop3A_1266 = arith.constant 0 : i32
          %parallel_loop3A_1267 = tpu.memref_slice %arg5[%parallel_loop3A_1265, %parallel_loop3A_1266] : memref<64x9xf32, #tpu.memory_space<vmem>> -> memref<1x9xf32, #tpu.memory_space<vmem>>
          %parallel_loop3A_1268 = tpu.memref_squeeze %parallel_loop3A_1267 : memref<1x9xf32, #tpu.memory_space<vmem>> -> memref<9xf32, #tpu.memory_space<vmem>>
          %parallel_loop3A_1269 = tpu.vector_load_idx %parallel_loop3A_1268[%parallel_loop3A_333] : memref<9xf32, #tpu.memory_space<vmem>>[vector<16xi32>], vector<16xf32>,
          %parallel_loop3A_1270 = arith.constant 6 : i32
          %parallel_loop3A_1271 = arith.constant 1 : i32
          %parallel_loop3A_1272 = arith.constant 1 : i32
          %parallel_loop3A_1273 = arith.constant 0 : i32
          %parallel_loop3A_1274 = arith.constant 0 : i32
          %parallel_loop3A_1275 = arith.constant 0 : i32
          %parallel_loop3A_1276 = arith.constant 0 : i32
          %parallel_loop3A_1277 = tpu.memref_slice %run_scoped3A_8[%rem3A_209, %parallel_loop3A_1273, %parallel_loop3A_1274, %parallel_loop3A_1275, %parallel_loop3A_1276] : memref<2x8x2x8x128xf32, #tpu.memory_space<vmem>> -> memref<1x8x2x8x128xf32, #tpu.memory_space<vmem>>
          %parallel_loop3A_1278 = tpu.memref_squeeze %parallel_loop3A_1277 : memref<1x8x2x8x128xf32, #tpu.memory_space<vmem>> -> memref<8x2x8x128xf32, #tpu.memory_space<vmem>>
          %parallel_loop3A_1279 = arith.index_cast %parallel_loop3A_1270 : i32 to index
          %parallel_loop3A_1280 = arith.index_cast %parallel_loop3A_1271 : i32 to index
          %parallel_loop3A_1281 = arith.index_cast %parallel_loop3A_1272 : i32 to index
          %parallel_loop3A_1282 = arith.index_cast %parallel_loop3A_284 : i32 to index
          %parallel_loop3A_1283 = tpu.vector_load %parallel_loop3A_1278[%parallel_loop3A_1279, %parallel_loop3A_1280, %parallel_loop3A_1281, %parallel_loop3A_1282] {strides = array<i32>} : memref<8x2x8x128xf32, #tpu.memory_space<vmem>>, vector<16xf32>,
          tpu.vector_store %parallel_loop3A_1278[%parallel_loop3A_1279, %parallel_loop3A_1280, %parallel_loop3A_1281, %parallel_loop3A_1282], %parallel_loop3A_1269 {strides = array<i32>} : memref<8x2x8x128xf32, #tpu.memory_space<vmem>>, vector<16xf32>,
          %parallel_loop3A_1284 = arith.constant 50 : i32
          %parallel_loop3A_1285 = arith.constant 0 : i32
          %parallel_loop3A_1286 = tpu.memref_slice %arg5[%parallel_loop3A_1284, %parallel_loop3A_1285] : memref<64x9xf32, #tpu.memory_space<vmem>> -> memref<1x9xf32, #tpu.memory_space<vmem>>
          %parallel_loop3A_1287 = tpu.memref_squeeze %parallel_loop3A_1286 : memref<1x9xf32, #tpu.memory_space<vmem>> -> memref<9xf32, #tpu.memory_space<vmem>>
          %parallel_loop3A_1288 = tpu.vector_load_idx %parallel_loop3A_1287[%parallel_loop3A_333] : memref<9xf32, #tpu.memory_space<vmem>>[vector<16xi32>], vector<16xf32>,
          %parallel_loop3A_1289 = arith.constant 6 : i32
          %parallel_loop3A_1290 = arith.constant 1 : i32
          %parallel_loop3A_1291 = arith.constant 2 : i32
          %parallel_loop3A_1292 = arith.constant 0 : i32
          %parallel_loop3A_1293 = arith.constant 0 : i32
          %parallel_loop3A_1294 = arith.constant 0 : i32
          %parallel_loop3A_1295 = arith.constant 0 : i32
          %parallel_loop3A_1296 = tpu.memref_slice %run_scoped3A_8[%rem3A_209, %parallel_loop3A_1292, %parallel_loop3A_1293, %parallel_loop3A_1294, %parallel_loop3A_1295] : memref<2x8x2x8x128xf32, #tpu.memory_space<vmem>> -> memref<1x8x2x8x128xf32, #tpu.memory_space<vmem>>
          %parallel_loop3A_1297 = tpu.memref_squeeze %parallel_loop3A_1296 : memref<1x8x2x8x128xf32, #tpu.memory_space<vmem>> -> memref<8x2x8x128xf32, #tpu.memory_space<vmem>>
          %parallel_loop3A_1298 = arith.index_cast %parallel_loop3A_1289 : i32 to index
          %parallel_loop3A_1299 = arith.index_cast %parallel_loop3A_1290 : i32 to index
          %parallel_loop3A_1300 = arith.index_cast %parallel_loop3A_1291 : i32 to index
          %parallel_loop3A_1301 = arith.index_cast %parallel_loop3A_284 : i32 to index
          %parallel_loop3A_1302 = tpu.vector_load %parallel_loop3A_1297[%parallel_loop3A_1298, %parallel_loop3A_1299, %parallel_loop3A_1300, %parallel_loop3A_1301] {strides = array<i32>} : memref<8x2x8x128xf32, #tpu.memory_space<vmem>>, vector<16xf32>,
          tpu.vector_store %parallel_loop3A_1297[%parallel_loop3A_1298, %parallel_loop3A_1299, %parallel_loop3A_1300, %parallel_loop3A_1301], %parallel_loop3A_1288 {strides = array<i32>} : memref<8x2x8x128xf32, #tpu.memory_space<vmem>>, vector<16xf32>,
          %parallel_loop3A_1303 = arith.constant 51 : i32
          %parallel_loop3A_1304 = arith.constant 0 : i32
          %parallel_loop3A_1305 = tpu.memref_slice %arg5[%parallel_loop3A_1303, %parallel_loop3A_1304] : memref<64x9xf32, #tpu.memory_space<vmem>> -> memref<1x9xf32, #tpu.memory_space<vmem>>
          %parallel_loop3A_1306 = tpu.memref_squeeze %parallel_loop3A_1305 : memref<1x9xf32, #tpu.memory_space<vmem>> -> memref<9xf32, #tpu.memory_space<vmem>>
          %parallel_loop3A_1307 = tpu.vector_load_idx %parallel_loop3A_1306[%parallel_loop3A_333] : memref<9xf32, #tpu.memory_space<vmem>>[vector<16xi32>], vector<16xf32>,
          %parallel_loop3A_1308 = arith.constant 6 : i32
          %parallel_loop3A_1309 = arith.constant 1 : i32
          %parallel_loop3A_1310 = arith.constant 3 : i32
          %parallel_loop3A_1311 = arith.constant 0 : i32
          %parallel_loop3A_1312 = arith.constant 0 : i32
          %parallel_loop3A_1313 = arith.constant 0 : i32
          %parallel_loop3A_1314 = arith.constant 0 : i32
          %parallel_loop3A_1315 = tpu.memref_slice %run_scoped3A_8[%rem3A_209, %parallel_loop3A_1311, %parallel_loop3A_1312, %parallel_loop3A_1313, %parallel_loop3A_1314] : memref<2x8x2x8x128xf32, #tpu.memory_space<vmem>> -> memref<1x8x2x8x128xf32, #tpu.memory_space<vmem>>
          %parallel_loop3A_1316 = tpu.memref_squeeze %parallel_loop3A_1315 : memref<1x8x2x8x128xf32, #tpu.memory_space<vmem>> -> memref<8x2x8x128xf32, #tpu.memory_space<vmem>>
          %parallel_loop3A_1317 = arith.index_cast %parallel_loop3A_1308 : i32 to index
          %parallel_loop3A_1318 = arith.index_cast %parallel_loop3A_1309 : i32 to index
          %parallel_loop3A_1319 = arith.index_cast %parallel_loop3A_1310 : i32 to index
          %parallel_loop3A_1320 = arith.index_cast %parallel_loop3A_284 : i32 to index
          %parallel_loop3A_1321 = tpu.vector_load %parallel_loop3A_1316[%parallel_loop3A_1317, %parallel_loop3A_1318, %parallel_loop3A_1319, %parallel_loop3A_1320] {strides = array<i32>} : memref<8x2x8x128xf32, #tpu.memory_space<vmem>>, vector<16xf32>,
          tpu.vector_store %parallel_loop3A_1316[%parallel_loop3A_1317, %parallel_loop3A_1318, %parallel_loop3A_1319, %parallel_loop3A_1320], %parallel_loop3A_1307 {strides = array<i32>} : memref<8x2x8x128xf32, #tpu.memory_space<vmem>>, vector<16xf32>,
          %parallel_loop3A_1322 = arith.constant 52 : i32
          %parallel_loop3A_1323 = arith.constant 0 : i32
          %parallel_loop3A_1324 = tpu.memref_slice %arg5[%parallel_loop3A_1322, %parallel_loop3A_1323] : memref<64x9xf32, #tpu.memory_space<vmem>> -> memref<1x9xf32, #tpu.memory_space<vmem>>
          %parallel_loop3A_1325 = tpu.memref_squeeze %parallel_loop3A_1324 : memref<1x9xf32, #tpu.memory_space<vmem>> -> memref<9xf32, #tpu.memory_space<vmem>>
          %parallel_loop3A_1326 = tpu.vector_load_idx %parallel_loop3A_1325[%parallel_loop3A_333] : memref<9xf32, #tpu.memory_space<vmem>>[vector<16xi32>], vector<16xf32>,
          %parallel_loop3A_1327 = arith.constant 6 : i32
          %parallel_loop3A_1328 = arith.constant 1 : i32
          %parallel_loop3A_1329 = arith.constant 4 : i32
          %parallel_loop3A_1330 = arith.constant 0 : i32
          %parallel_loop3A_1331 = arith.constant 0 : i32
          %parallel_loop3A_1332 = arith.constant 0 : i32
          %parallel_loop3A_1333 = arith.constant 0 : i32
          %parallel_loop3A_1334 = tpu.memref_slice %run_scoped3A_8[%rem3A_209, %parallel_loop3A_1330, %parallel_loop3A_1331, %parallel_loop3A_1332, %parallel_loop3A_1333] : memref<2x8x2x8x128xf32, #tpu.memory_space<vmem>> -> memref<1x8x2x8x128xf32, #tpu.memory_space<vmem>>
          %parallel_loop3A_1335 = tpu.memref_squeeze %parallel_loop3A_1334 : memref<1x8x2x8x128xf32, #tpu.memory_space<vmem>> -> memref<8x2x8x128xf32, #tpu.memory_space<vmem>>
          %parallel_loop3A_1336 = arith.index_cast %parallel_loop3A_1327 : i32 to index
          %parallel_loop3A_1337 = arith.index_cast %parallel_loop3A_1328 : i32 to index
          %parallel_loop3A_1338 = arith.index_cast %parallel_loop3A_1329 : i32 to index
          %parallel_loop3A_1339 = arith.index_cast %parallel_loop3A_284 : i32 to index
          %parallel_loop3A_1340 = tpu.vector_load %parallel_loop3A_1335[%parallel_loop3A_1336, %parallel_loop3A_1337, %parallel_loop3A_1338, %parallel_loop3A_1339] {strides = array<i32>} : memref<8x2x8x128xf32, #tpu.memory_space<vmem>>, vector<16xf32>,
          tpu.vector_store %parallel_loop3A_1335[%parallel_loop3A_1336, %parallel_loop3A_1337, %parallel_loop3A_1338, %parallel_loop3A_1339], %parallel_loop3A_1326 {strides = array<i32>} : memref<8x2x8x128xf32, #tpu.memory_space<vmem>>, vector<16xf32>,
          %parallel_loop3A_1341 = arith.constant 53 : i32
          %parallel_loop3A_1342 = arith.constant 0 : i32
          %parallel_loop3A_1343 = tpu.memref_slice %arg5[%parallel_loop3A_1341, %parallel_loop3A_1342] : memref<64x9xf32, #tpu.memory_space<vmem>> -> memref<1x9xf32, #tpu.memory_space<vmem>>
          %parallel_loop3A_1344 = tpu.memref_squeeze %parallel_loop3A_1343 : memref<1x9xf32, #tpu.memory_space<vmem>> -> memref<9xf32, #tpu.memory_space<vmem>>
          %parallel_loop3A_1345 = tpu.vector_load_idx %parallel_loop3A_1344[%parallel_loop3A_333] : memref<9xf32, #tpu.memory_space<vmem>>[vector<16xi32>], vector<16xf32>,
          %parallel_loop3A_1346 = arith.constant 6 : i32
          %parallel_loop3A_1347 = arith.constant 1 : i32
          %parallel_loop3A_1348 = arith.constant 5 : i32
          %parallel_loop3A_1349 = arith.constant 0 : i32
          %parallel_loop3A_1350 = arith.constant 0 : i32
          %parallel_loop3A_1351 = arith.constant 0 : i32
          %parallel_loop3A_1352 = arith.constant 0 : i32
          %parallel_loop3A_1353 = tpu.memref_slice %run_scoped3A_8[%rem3A_209, %parallel_loop3A_1349, %parallel_loop3A_1350, %parallel_loop3A_1351, %parallel_loop3A_1352] : memref<2x8x2x8x128xf32, #tpu.memory_space<vmem>> -> memref<1x8x2x8x128xf32, #tpu.memory_space<vmem>>
          %parallel_loop3A_1354 = tpu.memref_squeeze %parallel_loop3A_1353 : memref<1x8x2x8x128xf32, #tpu.memory_space<vmem>> -> memref<8x2x8x128xf32, #tpu.memory_space<vmem>>
          %parallel_loop3A_1355 = arith.index_cast %parallel_loop3A_1346 : i32 to index
          %parallel_loop3A_1356 = arith.index_cast %parallel_loop3A_1347 : i32 to index
          %parallel_loop3A_1357 = arith.index_cast %parallel_loop3A_1348 : i32 to index
          %parallel_loop3A_1358 = arith.index_cast %parallel_loop3A_284 : i32 to index
          %parallel_loop3A_1359 = tpu.vector_load %parallel_loop3A_1354[%parallel_loop3A_1355, %parallel_loop3A_1356, %parallel_loop3A_1357, %parallel_loop3A_1358] {strides = array<i32>} : memref<8x2x8x128xf32, #tpu.memory_space<vmem>>, vector<16xf32>,
          tpu.vector_store %parallel_loop3A_1354[%parallel_loop3A_1355, %parallel_loop3A_1356, %parallel_loop3A_1357, %parallel_loop3A_1358], %parallel_loop3A_1345 {strides = array<i32>} : memref<8x2x8x128xf32, #tpu.memory_space<vmem>>, vector<16xf32>,
          %parallel_loop3A_1360 = arith.constant 54 : i32
          %parallel_loop3A_1361 = arith.constant 0 : i32
          %parallel_loop3A_1362 = tpu.memref_slice %arg5[%parallel_loop3A_1360, %parallel_loop3A_1361] : memref<64x9xf32, #tpu.memory_space<vmem>> -> memref<1x9xf32, #tpu.memory_space<vmem>>
          %parallel_loop3A_1363 = tpu.memref_squeeze %parallel_loop3A_1362 : memref<1x9xf32, #tpu.memory_space<vmem>> -> memref<9xf32, #tpu.memory_space<vmem>>
          %parallel_loop3A_1364 = tpu.vector_load_idx %parallel_loop3A_1363[%parallel_loop3A_333] : memref<9xf32, #tpu.memory_space<vmem>>[vector<16xi32>], vector<16xf32>,
          %parallel_loop3A_1365 = arith.constant 6 : i32
          %parallel_loop3A_1366 = arith.constant 1 : i32
          %parallel_loop3A_1367 = arith.constant 6 : i32
          %parallel_loop3A_1368 = arith.constant 0 : i32
          %parallel_loop3A_1369 = arith.constant 0 : i32
          %parallel_loop3A_1370 = arith.constant 0 : i32
          %parallel_loop3A_1371 = arith.constant 0 : i32
          %parallel_loop3A_1372 = tpu.memref_slice %run_scoped3A_8[%rem3A_209, %parallel_loop3A_1368, %parallel_loop3A_1369, %parallel_loop3A_1370, %parallel_loop3A_1371] : memref<2x8x2x8x128xf32, #tpu.memory_space<vmem>> -> memref<1x8x2x8x128xf32, #tpu.memory_space<vmem>>
          %parallel_loop3A_1373 = tpu.memref_squeeze %parallel_loop3A_1372 : memref<1x8x2x8x128xf32, #tpu.memory_space<vmem>> -> memref<8x2x8x128xf32, #tpu.memory_space<vmem>>
          %parallel_loop3A_1374 = arith.index_cast %parallel_loop3A_1365 : i32 to index
          %parallel_loop3A_1375 = arith.index_cast %parallel_loop3A_1366 : i32 to index
          %parallel_loop3A_1376 = arith.index_cast %parallel_loop3A_1367 : i32 to index
          %parallel_loop3A_1377 = arith.index_cast %parallel_loop3A_284 : i32 to index
          %parallel_loop3A_1378 = tpu.vector_load %parallel_loop3A_1373[%parallel_loop3A_1374, %parallel_loop3A_1375, %parallel_loop3A_1376, %parallel_loop3A_1377] {strides = array<i32>} : memref<8x2x8x128xf32, #tpu.memory_space<vmem>>, vector<16xf32>,
          tpu.vector_store %parallel_loop3A_1373[%parallel_loop3A_1374, %parallel_loop3A_1375, %parallel_loop3A_1376, %parallel_loop3A_1377], %parallel_loop3A_1364 {strides = array<i32>} : memref<8x2x8x128xf32, #tpu.memory_space<vmem>>, vector<16xf32>,
          %parallel_loop3A_1379 = arith.constant 55 : i32
          %parallel_loop3A_1380 = arith.constant 0 : i32
          %parallel_loop3A_1381 = tpu.memref_slice %arg5[%parallel_loop3A_1379, %parallel_loop3A_1380] : memref<64x9xf32, #tpu.memory_space<vmem>> -> memref<1x9xf32, #tpu.memory_space<vmem>>
          %parallel_loop3A_1382 = tpu.memref_squeeze %parallel_loop3A_1381 : memref<1x9xf32, #tpu.memory_space<vmem>> -> memref<9xf32, #tpu.memory_space<vmem>>
          %parallel_loop3A_1383 = tpu.vector_load_idx %parallel_loop3A_1382[%parallel_loop3A_333] : memref<9xf32, #tpu.memory_space<vmem>>[vector<16xi32>], vector<16xf32>,
          %parallel_loop3A_1384 = arith.constant 6 : i32
          %parallel_loop3A_1385 = arith.constant 1 : i32
          %parallel_loop3A_1386 = arith.constant 7 : i32
          %parallel_loop3A_1387 = arith.constant 0 : i32
          %parallel_loop3A_1388 = arith.constant 0 : i32
          %parallel_loop3A_1389 = arith.constant 0 : i32
          %parallel_loop3A_1390 = arith.constant 0 : i32
          %parallel_loop3A_1391 = tpu.memref_slice %run_scoped3A_8[%rem3A_209, %parallel_loop3A_1387, %parallel_loop3A_1388, %parallel_loop3A_1389, %parallel_loop3A_1390] : memref<2x8x2x8x128xf32, #tpu.memory_space<vmem>> -> memref<1x8x2x8x128xf32, #tpu.memory_space<vmem>>
          %parallel_loop3A_1392 = tpu.memref_squeeze %parallel_loop3A_1391 : memref<1x8x2x8x128xf32, #tpu.memory_space<vmem>> -> memref<8x2x8x128xf32, #tpu.memory_space<vmem>>
          %parallel_loop3A_1393 = arith.index_cast %parallel_loop3A_1384 : i32 to index
          %parallel_loop3A_1394 = arith.index_cast %parallel_loop3A_1385 : i32 to index
          %parallel_loop3A_1395 = arith.index_cast %parallel_loop3A_1386 : i32 to index
          %parallel_loop3A_1396 = arith.index_cast %parallel_loop3A_284 : i32 to index
          %parallel_loop3A_1397 = tpu.vector_load %parallel_loop3A_1392[%parallel_loop3A_1393, %parallel_loop3A_1394, %parallel_loop3A_1395, %parallel_loop3A_1396] {strides = array<i32>} : memref<8x2x8x128xf32, #tpu.memory_space<vmem>>, vector<16xf32>,
          tpu.vector_store %parallel_loop3A_1392[%parallel_loop3A_1393, %parallel_loop3A_1394, %parallel_loop3A_1395, %parallel_loop3A_1396], %parallel_loop3A_1383 {strides = array<i32>} : memref<8x2x8x128xf32, #tpu.memory_space<vmem>>, vector<16xf32>,
          %parallel_loop3A_1398 = arith.constant 56 : i32
          %parallel_loop3A_1399 = arith.constant 0 : i32
          %parallel_loop3A_1400 = tpu.memref_slice %arg5[%parallel_loop3A_1398, %parallel_loop3A_1399] : memref<64x9xf32, #tpu.memory_space<vmem>> -> memref<1x9xf32, #tpu.memory_space<vmem>>
          %parallel_loop3A_1401 = tpu.memref_squeeze %parallel_loop3A_1400 : memref<1x9xf32, #tpu.memory_space<vmem>> -> memref<9xf32, #tpu.memory_space<vmem>>
          %parallel_loop3A_1402 = tpu.vector_load_idx %parallel_loop3A_1401[%parallel_loop3A_333] : memref<9xf32, #tpu.memory_space<vmem>>[vector<16xi32>], vector<16xf32>,
          %parallel_loop3A_1403 = arith.constant 7 : i32
          %parallel_loop3A_1404 = arith.constant 1 : i32
          %parallel_loop3A_1405 = arith.constant 0 : i32
          %parallel_loop3A_1406 = arith.constant 0 : i32
          %parallel_loop3A_1407 = arith.constant 0 : i32
          %parallel_loop3A_1408 = arith.constant 0 : i32
          %parallel_loop3A_1409 = arith.constant 0 : i32
          %parallel_loop3A_1410 = tpu.memref_slice %run_scoped3A_8[%rem3A_209, %parallel_loop3A_1406, %parallel_loop3A_1407, %parallel_loop3A_1408, %parallel_loop3A_1409] : memref<2x8x2x8x128xf32, #tpu.memory_space<vmem>> -> memref<1x8x2x8x128xf32, #tpu.memory_space<vmem>>
          %parallel_loop3A_1411 = tpu.memref_squeeze %parallel_loop3A_1410 : memref<1x8x2x8x128xf32, #tpu.memory_space<vmem>> -> memref<8x2x8x128xf32, #tpu.memory_space<vmem>>
          %parallel_loop3A_1412 = arith.index_cast %parallel_loop3A_1403 : i32 to index
          %parallel_loop3A_1413 = arith.index_cast %parallel_loop3A_1404 : i32 to index
          %parallel_loop3A_1414 = arith.index_cast %parallel_loop3A_1405 : i32 to index
          %parallel_loop3A_1415 = arith.index_cast %parallel_loop3A_284 : i32 to index
          %parallel_loop3A_1416 = tpu.vector_load %parallel_loop3A_1411[%parallel_loop3A_1412, %parallel_loop3A_1413, %parallel_loop3A_1414, %parallel_loop3A_1415] {strides = array<i32>} : memref<8x2x8x128xf32, #tpu.memory_space<vmem>>, vector<16xf32>,
          tpu.vector_store %parallel_loop3A_1411[%parallel_loop3A_1412, %parallel_loop3A_1413, %parallel_loop3A_1414, %parallel_loop3A_1415], %parallel_loop3A_1402 {strides = array<i32>} : memref<8x2x8x128xf32, #tpu.memory_space<vmem>>, vector<16xf32>,
          %parallel_loop3A_1417 = arith.constant 57 : i32
          %parallel_loop3A_1418 = arith.constant 0 : i32
          %parallel_loop3A_1419 = tpu.memref_slice %arg5[%parallel_loop3A_1417, %parallel_loop3A_1418] : memref<64x9xf32, #tpu.memory_space<vmem>> -> memref<1x9xf32, #tpu.memory_space<vmem>>
          %parallel_loop3A_1420 = tpu.memref_squeeze %parallel_loop3A_1419 : memref<1x9xf32, #tpu.memory_space<vmem>> -> memref<9xf32, #tpu.memory_space<vmem>>
          %parallel_loop3A_1421 = tpu.vector_load_idx %parallel_loop3A_1420[%parallel_loop3A_333] : memref<9xf32, #tpu.memory_space<vmem>>[vector<16xi32>], vector<16xf32>,
          %parallel_loop3A_1422 = arith.constant 7 : i32
          %parallel_loop3A_1423 = arith.constant 1 : i32
          %parallel_loop3A_1424 = arith.constant 1 : i32
          %parallel_loop3A_1425 = arith.constant 0 : i32
          %parallel_loop3A_1426 = arith.constant 0 : i32
          %parallel_loop3A_1427 = arith.constant 0 : i32
          %parallel_loop3A_1428 = arith.constant 0 : i32
          %parallel_loop3A_1429 = tpu.memref_slice %run_scoped3A_8[%rem3A_209, %parallel_loop3A_1425, %parallel_loop3A_1426, %parallel_loop3A_1427, %parallel_loop3A_1428] : memref<2x8x2x8x128xf32, #tpu.memory_space<vmem>> -> memref<1x8x2x8x128xf32, #tpu.memory_space<vmem>>
          %parallel_loop3A_1430 = tpu.memref_squeeze %parallel_loop3A_1429 : memref<1x8x2x8x128xf32, #tpu.memory_space<vmem>> -> memref<8x2x8x128xf32, #tpu.memory_space<vmem>>
          %parallel_loop3A_1431 = arith.index_cast %parallel_loop3A_1422 : i32 to index
          %parallel_loop3A_1432 = arith.index_cast %parallel_loop3A_1423 : i32 to index
          %parallel_loop3A_1433 = arith.index_cast %parallel_loop3A_1424 : i32 to index
          %parallel_loop3A_1434 = arith.index_cast %parallel_loop3A_284 : i32 to index
          %parallel_loop3A_1435 = tpu.vector_load %parallel_loop3A_1430[%parallel_loop3A_1431, %parallel_loop3A_1432, %parallel_loop3A_1433, %parallel_loop3A_1434] {strides = array<i32>} : memref<8x2x8x128xf32, #tpu.memory_space<vmem>>, vector<16xf32>,
          tpu.vector_store %parallel_loop3A_1430[%parallel_loop3A_1431, %parallel_loop3A_1432, %parallel_loop3A_1433, %parallel_loop3A_1434], %parallel_loop3A_1421 {strides = array<i32>} : memref<8x2x8x128xf32, #tpu.memory_space<vmem>>, vector<16xf32>,
          %parallel_loop3A_1436 = arith.constant 58 : i32
          %parallel_loop3A_1437 = arith.constant 0 : i32
          %parallel_loop3A_1438 = tpu.memref_slice %arg5[%parallel_loop3A_1436, %parallel_loop3A_1437] : memref<64x9xf32, #tpu.memory_space<vmem>> -> memref<1x9xf32, #tpu.memory_space<vmem>>
          %parallel_loop3A_1439 = tpu.memref_squeeze %parallel_loop3A_1438 : memref<1x9xf32, #tpu.memory_space<vmem>> -> memref<9xf32, #tpu.memory_space<vmem>>
          %parallel_loop3A_1440 = tpu.vector_load_idx %parallel_loop3A_1439[%parallel_loop3A_333] : memref<9xf32, #tpu.memory_space<vmem>>[vector<16xi32>], vector<16xf32>,
          %parallel_loop3A_1441 = arith.constant 7 : i32
          %parallel_loop3A_1442 = arith.constant 1 : i32
          %parallel_loop3A_1443 = arith.constant 2 : i32
          %parallel_loop3A_1444 = arith.constant 0 : i32
          %parallel_loop3A_1445 = arith.constant 0 : i32
          %parallel_loop3A_1446 = arith.constant 0 : i32
          %parallel_loop3A_1447 = arith.constant 0 : i32
          %parallel_loop3A_1448 = tpu.memref_slice %run_scoped3A_8[%rem3A_209, %parallel_loop3A_1444, %parallel_loop3A_1445, %parallel_loop3A_1446, %parallel_loop3A_1447] : memref<2x8x2x8x128xf32, #tpu.memory_space<vmem>> -> memref<1x8x2x8x128xf32, #tpu.memory_space<vmem>>
          %parallel_loop3A_1449 = tpu.memref_squeeze %parallel_loop3A_1448 : memref<1x8x2x8x128xf32, #tpu.memory_space<vmem>> -> memref<8x2x8x128xf32, #tpu.memory_space<vmem>>
          %parallel_loop3A_1450 = arith.index_cast %parallel_loop3A_1441 : i32 to index
          %parallel_loop3A_1451 = arith.index_cast %parallel_loop3A_1442 : i32 to index
          %parallel_loop3A_1452 = arith.index_cast %parallel_loop3A_1443 : i32 to index
          %parallel_loop3A_1453 = arith.index_cast %parallel_loop3A_284 : i32 to index
          %parallel_loop3A_1454 = tpu.vector_load %parallel_loop3A_1449[%parallel_loop3A_1450, %parallel_loop3A_1451, %parallel_loop3A_1452, %parallel_loop3A_1453] {strides = array<i32>} : memref<8x2x8x128xf32, #tpu.memory_space<vmem>>, vector<16xf32>,
          tpu.vector_store %parallel_loop3A_1449[%parallel_loop3A_1450, %parallel_loop3A_1451, %parallel_loop3A_1452, %parallel_loop3A_1453], %parallel_loop3A_1440 {strides = array<i32>} : memref<8x2x8x128xf32, #tpu.memory_space<vmem>>, vector<16xf32>,
          %parallel_loop3A_1455 = arith.constant 59 : i32
          %parallel_loop3A_1456 = arith.constant 0 : i32
          %parallel_loop3A_1457 = tpu.memref_slice %arg5[%parallel_loop3A_1455, %parallel_loop3A_1456] : memref<64x9xf32, #tpu.memory_space<vmem>> -> memref<1x9xf32, #tpu.memory_space<vmem>>
          %parallel_loop3A_1458 = tpu.memref_squeeze %parallel_loop3A_1457 : memref<1x9xf32, #tpu.memory_space<vmem>> -> memref<9xf32, #tpu.memory_space<vmem>>
          %parallel_loop3A_1459 = tpu.vector_load_idx %parallel_loop3A_1458[%parallel_loop3A_333] : memref<9xf32, #tpu.memory_space<vmem>>[vector<16xi32>], vector<16xf32>,
          %parallel_loop3A_1460 = arith.constant 7 : i32
          %parallel_loop3A_1461 = arith.constant 1 : i32
          %parallel_loop3A_1462 = arith.constant 3 : i32
          %parallel_loop3A_1463 = arith.constant 0 : i32
          %parallel_loop3A_1464 = arith.constant 0 : i32
          %parallel_loop3A_1465 = arith.constant 0 : i32
          %parallel_loop3A_1466 = arith.constant 0 : i32
          %parallel_loop3A_1467 = tpu.memref_slice %run_scoped3A_8[%rem3A_209, %parallel_loop3A_1463, %parallel_loop3A_1464, %parallel_loop3A_1465, %parallel_loop3A_1466] : memref<2x8x2x8x128xf32, #tpu.memory_space<vmem>> -> memref<1x8x2x8x128xf32, #tpu.memory_space<vmem>>
          %parallel_loop3A_1468 = tpu.memref_squeeze %parallel_loop3A_1467 : memref<1x8x2x8x128xf32, #tpu.memory_space<vmem>> -> memref<8x2x8x128xf32, #tpu.memory_space<vmem>>
          %parallel_loop3A_1469 = arith.index_cast %parallel_loop3A_1460 : i32 to index
          %parallel_loop3A_1470 = arith.index_cast %parallel_loop3A_1461 : i32 to index
          %parallel_loop3A_1471 = arith.index_cast %parallel_loop3A_1462 : i32 to index
          %parallel_loop3A_1472 = arith.index_cast %parallel_loop3A_284 : i32 to index
          %parallel_loop3A_1473 = tpu.vector_load %parallel_loop3A_1468[%parallel_loop3A_1469, %parallel_loop3A_1470, %parallel_loop3A_1471, %parallel_loop3A_1472] {strides = array<i32>} : memref<8x2x8x128xf32, #tpu.memory_space<vmem>>, vector<16xf32>,
          tpu.vector_store %parallel_loop3A_1468[%parallel_loop3A_1469, %parallel_loop3A_1470, %parallel_loop3A_1471, %parallel_loop3A_1472], %parallel_loop3A_1459 {strides = array<i32>} : memref<8x2x8x128xf32, #tpu.memory_space<vmem>>, vector<16xf32>,
          %parallel_loop3A_1474 = arith.constant 60 : i32
          %parallel_loop3A_1475 = arith.constant 0 : i32
          %parallel_loop3A_1476 = tpu.memref_slice %arg5[%parallel_loop3A_1474, %parallel_loop3A_1475] : memref<64x9xf32, #tpu.memory_space<vmem>> -> memref<1x9xf32, #tpu.memory_space<vmem>>
          %parallel_loop3A_1477 = tpu.memref_squeeze %parallel_loop3A_1476 : memref<1x9xf32, #tpu.memory_space<vmem>> -> memref<9xf32, #tpu.memory_space<vmem>>
          %parallel_loop3A_1478 = tpu.vector_load_idx %parallel_loop3A_1477[%parallel_loop3A_333] : memref<9xf32, #tpu.memory_space<vmem>>[vector<16xi32>], vector<16xf32>,
          %parallel_loop3A_1479 = arith.constant 7 : i32
          %parallel_loop3A_1480 = arith.constant 1 : i32
          %parallel_loop3A_1481 = arith.constant 4 : i32
          %parallel_loop3A_1482 = arith.constant 0 : i32
          %parallel_loop3A_1483 = arith.constant 0 : i32
          %parallel_loop3A_1484 = arith.constant 0 : i32
          %parallel_loop3A_1485 = arith.constant 0 : i32
          %parallel_loop3A_1486 = tpu.memref_slice %run_scoped3A_8[%rem3A_209, %parallel_loop3A_1482, %parallel_loop3A_1483, %parallel_loop3A_1484, %parallel_loop3A_1485] : memref<2x8x2x8x128xf32, #tpu.memory_space<vmem>> -> memref<1x8x2x8x128xf32, #tpu.memory_space<vmem>>
          %parallel_loop3A_1487 = tpu.memref_squeeze %parallel_loop3A_1486 : memref<1x8x2x8x128xf32, #tpu.memory_space<vmem>> -> memref<8x2x8x128xf32, #tpu.memory_space<vmem>>
          %parallel_loop3A_1488 = arith.index_cast %parallel_loop3A_1479 : i32 to index
          %parallel_loop3A_1489 = arith.index_cast %parallel_loop3A_1480 : i32 to index
          %parallel_loop3A_1490 = arith.index_cast %parallel_loop3A_1481 : i32 to index
          %parallel_loop3A_1491 = arith.index_cast %parallel_loop3A_284 : i32 to index
          %parallel_loop3A_1492 = tpu.vector_load %parallel_loop3A_1487[%parallel_loop3A_1488, %parallel_loop3A_1489, %parallel_loop3A_1490, %parallel_loop3A_1491] {strides = array<i32>} : memref<8x2x8x128xf32, #tpu.memory_space<vmem>>, vector<16xf32>,
          tpu.vector_store %parallel_loop3A_1487[%parallel_loop3A_1488, %parallel_loop3A_1489, %parallel_loop3A_1490, %parallel_loop3A_1491], %parallel_loop3A_1478 {strides = array<i32>} : memref<8x2x8x128xf32, #tpu.memory_space<vmem>>, vector<16xf32>,
          %parallel_loop3A_1493 = arith.constant 61 : i32
          %parallel_loop3A_1494 = arith.constant 0 : i32
          %parallel_loop3A_1495 = tpu.memref_slice %arg5[%parallel_loop3A_1493, %parallel_loop3A_1494] : memref<64x9xf32, #tpu.memory_space<vmem>> -> memref<1x9xf32, #tpu.memory_space<vmem>>
          %parallel_loop3A_1496 = tpu.memref_squeeze %parallel_loop3A_1495 : memref<1x9xf32, #tpu.memory_space<vmem>> -> memref<9xf32, #tpu.memory_space<vmem>>
          %parallel_loop3A_1497 = tpu.vector_load_idx %parallel_loop3A_1496[%parallel_loop3A_333] : memref<9xf32, #tpu.memory_space<vmem>>[vector<16xi32>], vector<16xf32>,
          %parallel_loop3A_1498 = arith.constant 7 : i32
          %parallel_loop3A_1499 = arith.constant 1 : i32
          %parallel_loop3A_1500 = arith.constant 5 : i32
          %parallel_loop3A_1501 = arith.constant 0 : i32
          %parallel_loop3A_1502 = arith.constant 0 : i32
          %parallel_loop3A_1503 = arith.constant 0 : i32
          %parallel_loop3A_1504 = arith.constant 0 : i32
          %parallel_loop3A_1505 = tpu.memref_slice %run_scoped3A_8[%rem3A_209, %parallel_loop3A_1501, %parallel_loop3A_1502, %parallel_loop3A_1503, %parallel_loop3A_1504] : memref<2x8x2x8x128xf32, #tpu.memory_space<vmem>> -> memref<1x8x2x8x128xf32, #tpu.memory_space<vmem>>
          %parallel_loop3A_1506 = tpu.memref_squeeze %parallel_loop3A_1505 : memref<1x8x2x8x128xf32, #tpu.memory_space<vmem>> -> memref<8x2x8x128xf32, #tpu.memory_space<vmem>>
          %parallel_loop3A_1507 = arith.index_cast %parallel_loop3A_1498 : i32 to index
          %parallel_loop3A_1508 = arith.index_cast %parallel_loop3A_1499 : i32 to index
          %parallel_loop3A_1509 = arith.index_cast %parallel_loop3A_1500 : i32 to index
          %parallel_loop3A_1510 = arith.index_cast %parallel_loop3A_284 : i32 to index
          %parallel_loop3A_1511 = tpu.vector_load %parallel_loop3A_1506[%parallel_loop3A_1507, %parallel_loop3A_1508, %parallel_loop3A_1509, %parallel_loop3A_1510] {strides = array<i32>} : memref<8x2x8x128xf32, #tpu.memory_space<vmem>>, vector<16xf32>,
          tpu.vector_store %parallel_loop3A_1506[%parallel_loop3A_1507, %parallel_loop3A_1508, %parallel_loop3A_1509, %parallel_loop3A_1510], %parallel_loop3A_1497 {strides = array<i32>} : memref<8x2x8x128xf32, #tpu.memory_space<vmem>>, vector<16xf32>,
          %parallel_loop3A_1512 = arith.constant 62 : i32
          %parallel_loop3A_1513 = arith.constant 0 : i32
          %parallel_loop3A_1514 = tpu.memref_slice %arg5[%parallel_loop3A_1512, %parallel_loop3A_1513] : memref<64x9xf32, #tpu.memory_space<vmem>> -> memref<1x9xf32, #tpu.memory_space<vmem>>
          %parallel_loop3A_1515 = tpu.memref_squeeze %parallel_loop3A_1514 : memref<1x9xf32, #tpu.memory_space<vmem>> -> memref<9xf32, #tpu.memory_space<vmem>>
          %parallel_loop3A_1516 = tpu.vector_load_idx %parallel_loop3A_1515[%parallel_loop3A_333] : memref<9xf32, #tpu.memory_space<vmem>>[vector<16xi32>], vector<16xf32>,
          %parallel_loop3A_1517 = arith.constant 7 : i32
          %parallel_loop3A_1518 = arith.constant 1 : i32
          %parallel_loop3A_1519 = arith.constant 6 : i32
          %parallel_loop3A_1520 = arith.constant 0 : i32
          %parallel_loop3A_1521 = arith.constant 0 : i32
          %parallel_loop3A_1522 = arith.constant 0 : i32
          %parallel_loop3A_1523 = arith.constant 0 : i32
          %parallel_loop3A_1524 = tpu.memref_slice %run_scoped3A_8[%rem3A_209, %parallel_loop3A_1520, %parallel_loop3A_1521, %parallel_loop3A_1522, %parallel_loop3A_1523] : memref<2x8x2x8x128xf32, #tpu.memory_space<vmem>> -> memref<1x8x2x8x128xf32, #tpu.memory_space<vmem>>
          %parallel_loop3A_1525 = tpu.memref_squeeze %parallel_loop3A_1524 : memref<1x8x2x8x128xf32, #tpu.memory_space<vmem>> -> memref<8x2x8x128xf32, #tpu.memory_space<vmem>>
          %parallel_loop3A_1526 = arith.index_cast %parallel_loop3A_1517 : i32 to index
          %parallel_loop3A_1527 = arith.index_cast %parallel_loop3A_1518 : i32 to index
          %parallel_loop3A_1528 = arith.index_cast %parallel_loop3A_1519 : i32 to index
          %parallel_loop3A_1529 = arith.index_cast %parallel_loop3A_284 : i32 to index
          %parallel_loop3A_1530 = tpu.vector_load %parallel_loop3A_1525[%parallel_loop3A_1526, %parallel_loop3A_1527, %parallel_loop3A_1528, %parallel_loop3A_1529] {strides = array<i32>} : memref<8x2x8x128xf32, #tpu.memory_space<vmem>>, vector<16xf32>,
          tpu.vector_store %parallel_loop3A_1525[%parallel_loop3A_1526, %parallel_loop3A_1527, %parallel_loop3A_1528, %parallel_loop3A_1529], %parallel_loop3A_1516 {strides = array<i32>} : memref<8x2x8x128xf32, #tpu.memory_space<vmem>>, vector<16xf32>,
          %parallel_loop3A_1531 = arith.constant 63 : i32
          %parallel_loop3A_1532 = arith.constant 0 : i32
          %parallel_loop3A_1533 = tpu.memref_slice %arg5[%parallel_loop3A_1531, %parallel_loop3A_1532] : memref<64x9xf32, #tpu.memory_space<vmem>> -> memref<1x9xf32, #tpu.memory_space<vmem>>
          %parallel_loop3A_1534 = tpu.memref_squeeze %parallel_loop3A_1533 : memref<1x9xf32, #tpu.memory_space<vmem>> -> memref<9xf32, #tpu.memory_space<vmem>>
          %parallel_loop3A_1535 = tpu.vector_load_idx %parallel_loop3A_1534[%parallel_loop3A_333] : memref<9xf32, #tpu.memory_space<vmem>>[vector<16xi32>], vector<16xf32>,
          %parallel_loop3A_1536 = arith.constant 7 : i32
          %parallel_loop3A_1537 = arith.constant 1 : i32
          %parallel_loop3A_1538 = arith.constant 7 : i32
          %parallel_loop3A_1539 = arith.constant 0 : i32
          %parallel_loop3A_1540 = arith.constant 0 : i32
          %parallel_loop3A_1541 = arith.constant 0 : i32
          %parallel_loop3A_1542 = arith.constant 0 : i32
          %parallel_loop3A_1543 = tpu.memref_slice %run_scoped3A_8[%rem3A_209, %parallel_loop3A_1539, %parallel_loop3A_1540, %parallel_loop3A_1541, %parallel_loop3A_1542] : memref<2x8x2x8x128xf32, #tpu.memory_space<vmem>> -> memref<1x8x2x8x128xf32, #tpu.memory_space<vmem>>
          %parallel_loop3A_1544 = tpu.memref_squeeze %parallel_loop3A_1543 : memref<1x8x2x8x128xf32, #tpu.memory_space<vmem>> -> memref<8x2x8x128xf32, #tpu.memory_space<vmem>>
          %parallel_loop3A_1545 = arith.index_cast %parallel_loop3A_1536 : i32 to index
          %parallel_loop3A_1546 = arith.index_cast %parallel_loop3A_1537 : i32 to index
          %parallel_loop3A_1547 = arith.index_cast %parallel_loop3A_1538 : i32 to index
          %parallel_loop3A_1548 = arith.index_cast %parallel_loop3A_284 : i32 to index
          %parallel_loop3A_1549 = tpu.vector_load %parallel_loop3A_1544[%parallel_loop3A_1545, %parallel_loop3A_1546, %parallel_loop3A_1547, %parallel_loop3A_1548] {strides = array<i32>} : memref<8x2x8x128xf32, #tpu.memory_space<vmem>>, vector<16xf32>,
          tpu.vector_store %parallel_loop3A_1544[%parallel_loop3A_1545, %parallel_loop3A_1546, %parallel_loop3A_1547, %parallel_loop3A_1548], %parallel_loop3A_1535 {strides = array<i32>} : memref<8x2x8x128xf32, #tpu.memory_space<vmem>>, vector<16xf32>,
        } {sc.loop_unroll_factor = 2 : i64, sc.parallel_access}
        "tpu.trace_stop"() : () -> ()
        %ne3A_215 = arith.cmpi ne, %add3A_139, %add3A_157 : i32
        %or3A_216 = arith.constant false
        %or3A_217 = arith.ori %or3A_216, %ne3A_215 : i1
        %or3A_218 = arith.ori %or3A_217, %eq3A_138 : i1
        %convert_element_type3A_219 = arith.extui %or3A_218 : i1 to i32
        %cond3A_220 = arith.constant 0 : i32
        %cond3A_221 = arith.cmpi ne, %convert_element_type3A_219, %cond3A_220 : i32
        scf.if %cond3A_221 {
        } else {
        }
        %and3A_222 = arith.constant false
        %and3A_223 = arith.andi %or3A_218, %and3A_222 : i1
        %ne3A_224 = arith.cmpi ne, %add3A_139, %add3A_157 : i32
        %or3A_225 = arith.constant false
        %or3A_226 = arith.ori %or3A_225, %ne3A_224 : i1
        %or3A_227 = arith.constant false
        %or3A_228 = arith.ori %or3A_226, %or3A_227 : i1
        %or3A_229 = arith.constant false
        %or3A_230 = arith.ori %or3A_228, %or3A_229 : i1
        %or3A_231 = arith.ori %or3A_230, %eq3A_138 : i1
        %convert_element_type3A_232 = arith.extui %or3A_231 : i1 to i32
        %cond3A_233 = arith.constant 0 : i32
        %cond3A_234 = arith.cmpi ne, %convert_element_type3A_232, %cond3A_233 : i32
        scf.if %cond3A_234 {
          "tpu.trace_start"() <{level = 10 : i32, message = "ep_copy_out"}> : () -> ()
          %rem3A_284 = arith.constant 2 : i32
          %rem3A_285 = arith.remui %scan3A_132, %rem3A_284 : i32
          %mul3A_286 = arith.constant 2 : i32
          %mul3A_287 = arith.muli %mul3A_286, %add3A_139 : i32
          %dma_start3A_288 = arith.constant 0 : i32
          %dma_start3A_289 = arith.constant 0 : i32
          %dma_start3A_290 = arith.constant 0 : i32
          %dma_start3A_291 = arith.constant 0 : i32
          %dma_start3A_292 = tpu.memref_slice %run_scoped3A_8[%rem3A_285, %dma_start3A_288, %dma_start3A_289, %dma_start3A_290, %dma_start3A_291] : memref<2x8x2x8x128xf32, #tpu.memory_space<vmem>> -> memref<1x8x2x8x128xf32, #tpu.memory_space<vmem>>
          %dma_start3A_293 = tpu.memref_squeeze %dma_start3A_292 : memref<1x8x2x8x128xf32, #tpu.memory_space<vmem>> -> memref<8x2x8x128xf32, #tpu.memory_space<vmem>>
          %dma_start3A_294 = arith.constant 0 : i32
          %dma_start3A_295 = arith.constant 0 : i32
          %dma_start3A_296 = arith.constant 0 : i32
          %dma_start3A_297 = tpu.memref_slice %arg4[%dma_start3A_294, %mul3A_287, %dma_start3A_295, %dma_start3A_296] : memref<8x8192x8x128xf32, #tpu.memory_space<hbm>> -> memref<8x2x8x128xf32, #tpu.memory_space<hbm>>
          %dma_start3A_298 = tpu.memref_slice %run_scoped3A_9[%rem3A_285] : memref<2x!tpu.dma_semaphore, #tpu.memory_space<semaphore_mem>> -> memref<1x!tpu.dma_semaphore, #tpu.memory_space<semaphore_mem>>
          %dma_start3A_299 = tpu.memref_squeeze %dma_start3A_298 : memref<1x!tpu.dma_semaphore, #tpu.memory_space<semaphore_mem>> -> memref<!tpu.dma_semaphore, #tpu.memory_space<semaphore_mem>>
          %dma_start3A_300 = arith.constant 0 : i32
          %dma_start3A_301 = arith.constant 0 : i32
          %dma_start3A_302 = arith.constant 0 : i32
          %dma_start3A_303 = tpu.memref_slice %arg4[%dma_start3A_300, %mul3A_287, %dma_start3A_301, %dma_start3A_302] : memref<8x8192x8x128xf32, #tpu.memory_space<hbm>> -> memref<8x2x8x128xf32, #tpu.memory_space<hbm>>
          %dma_start3A_304 = arith.constant 0 : i32
          %dma_start3A_305 = arith.constant 0 : i32
          %dma_start3A_306 = arith.constant 0 : i32
          %dma_start3A_307 = arith.constant 0 : i32
          %dma_start3A_308 = tpu.memref_slice %run_scoped3A_8[%rem3A_285, %dma_start3A_304, %dma_start3A_305, %dma_start3A_306, %dma_start3A_307] : memref<2x8x2x8x128xf32, #tpu.memory_space<vmem>> -> memref<1x8x2x8x128xf32, #tpu.memory_space<vmem>>
          %dma_start3A_309 = tpu.memref_squeeze %dma_start3A_308 : memref<1x8x2x8x128xf32, #tpu.memory_space<vmem>> -> memref<8x2x8x128xf32, #tpu.memory_space<vmem>>
          tpu.enqueue_dma source(%dma_start3A_309 : memref<8x2x8x128xf32, #tpu.memory_space<vmem>>) target(%dma_start3A_303 : memref<8x2x8x128xf32, #tpu.memory_space<hbm>>) target_semaphore(%dma_start3A_299 : memref<!tpu.dma_semaphore, #tpu.memory_space<semaphore_mem>>)
          "tpu.trace_stop"() : () -> ()
        } else {
        }
        %and3A_235 = arith.constant true
        %and3A_236 = arith.andi %or3A_231, %and3A_235 : i1
        %add3A_237 = arith.constant 1 : i32
        %add3A_238 = arith.addi %scan3A_132, %add3A_237 : i32
        %select_n3A_239 = arith.select %and3A_236, %add3A_238, %scan3A_132 : i32
        %ne3A_240 = arith.cmpi ne, %add3A_139, %add3A_148 : i32
        %or3A_241 = arith.constant false
        %or3A_242 = arith.ori %or3A_241, %ne3A_240 : i1
        %not3A_243 = arith.constant true
        %not3A_244 = arith.xori %eq3A_136, %not3A_243 : i1
        %and3A_245 = arith.andi %or3A_242, %not3A_244 : i1
        %convert_element_type3A_246 = arith.extui %and3A_245 : i1 to i32
        %cond3A_247 = arith.constant 0 : i32
        %cond3A_248 = arith.cmpi ne, %convert_element_type3A_246, %cond3A_247 : i32
        scf.if %cond3A_248 {
        } else {
        }
        %and3A_249 = arith.constant false
        %and3A_250 = arith.andi %and3A_245, %and3A_249 : i1
        %ne3A_251 = arith.cmpi ne, %add3A_139, %add3A_148 : i32
        %or3A_252 = arith.constant false
        %or3A_253 = arith.ori %or3A_252, %ne3A_251 : i1
        %or3A_254 = arith.constant false
        %or3A_255 = arith.ori %or3A_253, %or3A_254 : i1
        %or3A_256 = arith.constant false
        %or3A_257 = arith.ori %or3A_255, %or3A_256 : i1
        %not3A_258 = arith.constant true
        %not3A_259 = arith.xori %eq3A_136, %not3A_258 : i1
        %and3A_260 = arith.andi %or3A_257, %not3A_259 : i1
        %convert_element_type3A_261 = arith.extui %and3A_260 : i1 to i32
        %cond3A_262 = arith.constant 0 : i32
        %cond3A_263 = arith.cmpi ne, %convert_element_type3A_261, %cond3A_262 : i32
        scf.if %cond3A_263 {
          "tpu.trace_start"() <{level = 10 : i32, message = "ep_wait_out"}> : () -> ()
          %rem3A_284 = arith.constant 2 : i32
          %rem3A_285 = arith.remui %scan3A_133, %rem3A_284 : i32
          %mul3A_286 = arith.constant 2 : i32
          %mul3A_287 = arith.muli %mul3A_286, %add3A_148 : i32
          %dma_wait3A_288 = arith.constant 0 : i32
          %dma_wait3A_289 = arith.constant 0 : i32
          %dma_wait3A_290 = arith.constant 0 : i32
          %dma_wait3A_291 = arith.constant 0 : i32
          %dma_wait3A_292 = tpu.memref_slice %run_scoped3A_8[%rem3A_285, %dma_wait3A_288, %dma_wait3A_289, %dma_wait3A_290, %dma_wait3A_291] : memref<2x8x2x8x128xf32, #tpu.memory_space<vmem>> -> memref<1x8x2x8x128xf32, #tpu.memory_space<vmem>>
          %dma_wait3A_293 = tpu.memref_squeeze %dma_wait3A_292 : memref<1x8x2x8x128xf32, #tpu.memory_space<vmem>> -> memref<8x2x8x128xf32, #tpu.memory_space<vmem>>
          %dma_wait3A_294 = arith.constant 0 : i32
          %dma_wait3A_295 = arith.constant 0 : i32
          %dma_wait3A_296 = arith.constant 0 : i32
          %dma_wait3A_297 = tpu.memref_slice %arg4[%dma_wait3A_294, %mul3A_287, %dma_wait3A_295, %dma_wait3A_296] : memref<8x8192x8x128xf32, #tpu.memory_space<hbm>> -> memref<8x2x8x128xf32, #tpu.memory_space<hbm>>
          %dma_wait3A_298 = tpu.memref_slice %run_scoped3A_9[%rem3A_285] : memref<2x!tpu.dma_semaphore, #tpu.memory_space<semaphore_mem>> -> memref<1x!tpu.dma_semaphore, #tpu.memory_space<semaphore_mem>>
          %dma_wait3A_299 = tpu.memref_squeeze %dma_wait3A_298 : memref<1x!tpu.dma_semaphore, #tpu.memory_space<semaphore_mem>> -> memref<!tpu.dma_semaphore, #tpu.memory_space<semaphore_mem>>
          %dma_wait3A_300 = arith.constant 0 : i32
          %dma_wait3A_301 = arith.constant 0 : i32
          %dma_wait3A_302 = arith.constant 0 : i32
          %dma_wait3A_303 = tpu.memref_slice %arg4[%dma_wait3A_300, %mul3A_287, %dma_wait3A_301, %dma_wait3A_302] : memref<8x8192x8x128xf32, #tpu.memory_space<hbm>> -> memref<8x2x8x128xf32, #tpu.memory_space<hbm>>
          %dma_wait3A_304 = arith.constant 0 : i32
          %dma_wait3A_305 = arith.constant 0 : i32
          %dma_wait3A_306 = arith.constant 0 : i32
          %dma_wait3A_307 = arith.constant 0 : i32
          %dma_wait3A_308 = tpu.memref_slice %run_scoped3A_8[%rem3A_285, %dma_wait3A_304, %dma_wait3A_305, %dma_wait3A_306, %dma_wait3A_307] : memref<2x8x2x8x128xf32, #tpu.memory_space<vmem>> -> memref<1x8x2x8x128xf32, #tpu.memory_space<vmem>>
          %dma_wait3A_309 = tpu.memref_squeeze %dma_wait3A_308 : memref<1x8x2x8x128xf32, #tpu.memory_space<vmem>> -> memref<8x2x8x128xf32, #tpu.memory_space<vmem>>
          tpu.wait_dma2 semaphore(%dma_wait3A_299 : memref<!tpu.dma_semaphore, #tpu.memory_space<semaphore_mem>>) src(%dma_wait3A_309 : memref<8x2x8x128xf32, #tpu.memory_space<vmem>>) dst(%dma_wait3A_303 : memref<8x2x8x128xf32, #tpu.memory_space<hbm>>)
          "tpu.trace_stop"() : () -> ()
        } else {
        }
        %and3A_264 = arith.constant true
        %and3A_265 = arith.andi %and3A_260, %and3A_264 : i1
        %add3A_266 = arith.constant 1 : i32
        %add3A_267 = arith.addi %scan3A_133, %add3A_266 : i32
        %select_n3A_268 = arith.select %and3A_265, %add3A_267, %scan3A_133 : i32
        %ne3A_269 = arith.cmpi ne, %add3A_139, %add3A_157 : i32
        %or3A_270 = arith.constant false
        %or3A_271 = arith.ori %or3A_270, %ne3A_269 : i1
        %or3A_272 = arith.ori %or3A_271, %eq3A_138 : i1
        %add3A_273 = arith.constant 1 : i32
        %add3A_274 = arith.addi %scan3A_131, %add3A_273 : i32
        %select_n3A_275 = arith.select %or3A_272, %add3A_274, %scan3A_131 : i32
        %add3A_276 = arith.constant 1 : i32
        %add3A_277 = arith.addi %scan3A_134, %add3A_276 : i32
        %select_n3A_278 = arith.constant true
        %select_n3A_279 = arith.select %select_n3A_278, %add3A_277, %scan3A_134 : i32
        %eq3A_280 = arith.constant 128 : i32
        %eq3A_281 = arith.cmpi eq, %select_n3A_279, %eq3A_280 : i32
        %select_n3A_282 = arith.constant 0 : i32
        %select_n3A_283 = arith.select %eq3A_281, %select_n3A_282, %select_n3A_279 : i32
        scf.yield %select_n3A_175, %select_n3A_275, %select_n3A_239, %select_n3A_268, %select_n3A_283 : i32, i32, i32, i32, i32
      }
      %scan3A_68 = arith.constant 128 : i32
      %sub3A = arith.constant 1 : i32
      %sub3A_69 = arith.subi %scan3A_67#4, %sub3A : i32
      %select_n3A_70 = arith.constant true
      %select_n3A_71 = arith.select %select_n3A_70, %sub3A_69, %scan3A_67#4 : i32
      %eq3A_72 = arith.constant -1 : i32
      %eq3A_73 = arith.cmpi eq, %select_n3A_71, %eq3A_72 : i32
      %select_n3A_74 = arith.constant 127 : i32
      %select_n3A_75 = arith.select %eq3A_73, %select_n3A_74, %select_n3A_71 : i32
      %add3A_76 = arith.addi %select_n3A_75, %mul3A_6 : i32
      %sub3A_77 = arith.constant 1 : i32
      %sub3A_78 = arith.subi %select_n3A_75, %sub3A_77 : i32
      %select_n3A_79 = arith.constant true
      %select_n3A_80 = arith.select %select_n3A_79, %sub3A_78, %select_n3A_75 : i32
      %eq3A_81 = arith.constant -1 : i32
      %eq3A_82 = arith.cmpi eq, %select_n3A_80, %eq3A_81 : i32
      %select_n3A_83 = arith.constant 127 : i32
      %select_n3A_84 = arith.select %eq3A_82, %select_n3A_83, %select_n3A_80 : i32
      %add3A_85 = arith.addi %select_n3A_84, %mul3A_6 : i32
      %add3A_86 = arith.constant 1 : i32
      %add3A_87 = arith.addi %select_n3A_75, %add3A_86 : i32
      %select_n3A_88 = arith.constant true
      %select_n3A_89 = arith.select %select_n3A_88, %add3A_87, %select_n3A_75 : i32
      %eq3A_90 = arith.constant 128 : i32
      %eq3A_91 = arith.cmpi eq, %select_n3A_89, %eq3A_90 : i32
      %select_n3A_92 = arith.constant 0 : i32
      %select_n3A_93 = arith.select %eq3A_91, %select_n3A_92, %select_n3A_89 : i32
      %add3A_94 = arith.addi %select_n3A_93, %mul3A_6 : i32
      %add3A_95 = arith.constant 1 : i32
      %add3A_96 = arith.addi %select_n3A_93, %add3A_95 : i32
      %select_n3A_97 = arith.constant true
      %select_n3A_98 = arith.select %select_n3A_97, %add3A_96, %select_n3A_93 : i32
      %eq3A_99 = arith.constant 128 : i32
      %eq3A_100 = arith.cmpi eq, %select_n3A_98, %eq3A_99 : i32
      %select_n3A_101 = arith.constant 0 : i32
      %select_n3A_102 = arith.select %eq3A_100, %select_n3A_101, %select_n3A_98 : i32
      %add3A_103 = arith.addi %select_n3A_102, %mul3A_6 : i32
      "tpu.trace_start"() <{level = 10 : i32, message = "ep_finalize"}> : () -> ()
      %rem3A_104 = arith.constant 2 : i32
      %rem3A_105 = arith.remui %scan3A_67#3, %rem3A_104 : i32
      %mul3A_106 = arith.constant 2 : i32
      %mul3A_107 = arith.muli %mul3A_106, %add3A_76 : i32
      %dma_wait3A = arith.constant 0 : i32
      %dma_wait3A_108 = arith.constant 0 : i32
      %dma_wait3A_109 = arith.constant 0 : i32
      %dma_wait3A_110 = arith.constant 0 : i32
      %dma_wait3A_111 = tpu.memref_slice %run_scoped3A_8[%rem3A_105, %dma_wait3A, %dma_wait3A_108, %dma_wait3A_109, %dma_wait3A_110] : memref<2x8x2x8x128xf32, #tpu.memory_space<vmem>> -> memref<1x8x2x8x128xf32, #tpu.memory_space<vmem>>
      %dma_wait3A_112 = tpu.memref_squeeze %dma_wait3A_111 : memref<1x8x2x8x128xf32, #tpu.memory_space<vmem>> -> memref<8x2x8x128xf32, #tpu.memory_space<vmem>>
      %dma_wait3A_113 = arith.constant 0 : i32
      %dma_wait3A_114 = arith.constant 0 : i32
      %dma_wait3A_115 = arith.constant 0 : i32
      %dma_wait3A_116 = tpu.memref_slice %arg4[%dma_wait3A_113, %mul3A_107, %dma_wait3A_114, %dma_wait3A_115] : memref<8x8192x8x128xf32, #tpu.memory_space<hbm>> -> memref<8x2x8x128xf32, #tpu.memory_space<hbm>>
      %dma_wait3A_117 = tpu.memref_slice %run_scoped3A_9[%rem3A_105] : memref<2x!tpu.dma_semaphore, #tpu.memory_space<semaphore_mem>> -> memref<1x!tpu.dma_semaphore, #tpu.memory_space<semaphore_mem>>
      %dma_wait3A_118 = tpu.memref_squeeze %dma_wait3A_117 : memref<1x!tpu.dma_semaphore, #tpu.memory_space<semaphore_mem>> -> memref<!tpu.dma_semaphore, #tpu.memory_space<semaphore_mem>>
      %dma_wait3A_119 = arith.constant 0 : i32
      %dma_wait3A_120 = arith.constant 0 : i32
      %dma_wait3A_121 = arith.constant 0 : i32
      %dma_wait3A_122 = tpu.memref_slice %arg4[%dma_wait3A_119, %mul3A_107, %dma_wait3A_120, %dma_wait3A_121] : memref<8x8192x8x128xf32, #tpu.memory_space<hbm>> -> memref<8x2x8x128xf32, #tpu.memory_space<hbm>>
      %dma_wait3A_123 = arith.constant 0 : i32
      %dma_wait3A_124 = arith.constant 0 : i32
      %dma_wait3A_125 = arith.constant 0 : i32
      %dma_wait3A_126 = arith.constant 0 : i32
      %dma_wait3A_127 = tpu.memref_slice %run_scoped3A_8[%rem3A_105, %dma_wait3A_123, %dma_wait3A_124, %dma_wait3A_125, %dma_wait3A_126] : memref<2x8x2x8x128xf32, #tpu.memory_space<vmem>> -> memref<1x8x2x8x128xf32, #tpu.memory_space<vmem>>
      %dma_wait3A_128 = tpu.memref_squeeze %dma_wait3A_127 : memref<1x8x2x8x128xf32, #tpu.memory_space<vmem>> -> memref<8x2x8x128xf32, #tpu.memory_space<vmem>>
      tpu.wait_dma2 semaphore(%dma_wait3A_118 : memref<!tpu.dma_semaphore, #tpu.memory_space<semaphore_mem>>) src(%dma_wait3A_128 : memref<8x2x8x128xf32, #tpu.memory_space<vmem>>) dst(%dma_wait3A_122 : memref<8x2x8x128xf32, #tpu.memory_space<hbm>>)
      "tpu.trace_stop"() : () -> ()
      tpu.yield
    }) : () -> ()
    return
  }
}

</mosaic_0001>

<sc_bundles>
// kernel: kernel.3.cloned.1.call-start
scs
__scs_entry_jumppad:
0x0: {  	(pc) =	sbr.rel $0x88, $3  }
0x1: {  	(tag) =	ssettag $0x0;
	lr =	simm.s32 $0x1  }
0x2: {  	[smem:$0x3F9F] =	sst lr;
	_ =	strace $0xD0000000  }
0x3: {  	_ = 	snop  }
0x4: {  	_ = 	snop  }
0x5: {  	_ = 	snop  }
0x6: {  	_ = 	snop  }
0x7: {  	_ = 	snop  }
__scs_overlays_trampoline_lowered:
0x8: {  	[smem:$0x3FAE] =	sst s0  }
0x9: {  	[smem:$0x3FAF] =	sst s1  }
0xa: {  	[smem:$0x3FB0] =	sst s2  }
0xb: {  	[smem:$0x3FB1] =	sst s3  }
0xc: {  	[smem:$0x3FB2] =	sst s4  }
0xd: {  	[smem:$0x3FB3] =	sst s5  }
0xe: {  	[smem:$0x3FB4] =	sst s6  }
0xf: {  	[smem:$0x3FB5] =	sst s7  }
0x10: {  	[smem:$0x3FB6] =	sst s8  }
0x11: {  	[smem:$0x3FB7] =	sst s9;
	s0 =	simm.s32 @!p0 $0x0  }
0x12: {  	s1 =	sld [smem:$0x3F9D];
	s0 =	simm.s32 @p0 $0x1  }
0x13: {  	[smem:$0x3FB8] =	sst s0;
	s0 =	simm.s32 @!p1 $0x0  }
0x14: {  	s2 =	sld [smem:$0x3F9C];
	s0 =	simm.s32 @p1 $0x1  }
0x15: {  	[smem:$0x3FB9] =	sst s0;
	s0 =	simm.s32 @!p2 $0x0  }
0x16: {  	s3 =	sld [smem:$0x3FDB];
	s0 =	simm.s32 @p2 $0x1  }
0x17: {  	s4 =	simm.s32 $0x1BF5;
	[smem:$0x3FBB] =	sst s0  }
0x18: {  	s0 =	sld [smem:$0x3F9E];
	_ =	swait.ge [sflag:s4], $0x0  }
0x19: {  	s7 =	sld [smem:$0x3F9F]  }
0x1a: {  	s8 =	sadd.s32 $0xFFFFE003, lr  }
0x1b: {  	s9 =	sadd.s32 $0xFFFFFEF7, lr;
	s5 =	simm.s32 $0xFFFFFFFF;
	p2 =	slt.u32 s8, $0xFFFFF086  }
0x1c: {  	p1 =	slt.u32 s9, $0xF7A;
	s5 =	simm.s32 @!p2 $0x0  }
0x1d: {  	s5 =	simm.s32 @p1 $0x1;
	p0 =	seq.s32 s7, s2  }
0x1e: {  	s7 =	smul.u32 @!p0 $0xF7A, s2;
	p2 =	seq.s32 @!p0 s5, $0x0  }
0x1f: {  	s9 =	smul.u32 $0xF7A, s1;
	s8 =	simm.s32 @!p0 $0x1BF5;
	p2 =	por !p2, p0  }
0x20: {  	[sflag:s8] =	ssyncset.s32 @!p0 $0xFFFFF086;
	s6 =	sadd.s32 @!p0 s3, s7;
	s7 =	simm.s32 @!p0 $0x108  }
0x21: {  	s3 =	sadd.s32 s3, s9;
	s6 =	sadd.s32 @!p0 $0x88, s6;
	s7 =	simm.s32 @p2 $0x1082  }
0x22: {  	[simem:s7], [sflag:s8] =	dma.local @!p0 [hbm:s6], $0xF7A  }
0x23: {  	s9 =	sor.u32 $0xD0000000, s2;
	s6 =	simm.s32 $0x108;
	_ =	swait.ge @!p0 [sflag:s8], $0x0  }
0x24: {  	s3 =	sadd.s32 $0x88, s3;
	s6 =	simm.s32 @!p1 $0x1082;
	[sflag:s4] =	ssyncset.s32 $0xFFFFF086  }
0x25: {  	[simem:s6], [sflag:s4] =	dma.local [hbm:s3], $0xF7A  }
0x26: {  	[smem:$0x3F9F] =	sst s1;
	(tag) =	ssettag s2;
	_ =	strace s9  }
0x27: {  	s1 =	sld [smem:$0x3FAF]  }
0x28: {  	s2 =	sld [smem:$0x3FB0]  }
0x29: {  	s4 =	sld [smem:$0x3FB2]  }
0x2a: {  	p0 =	seq.s32 s5, $0x0;
	s5 =	sld [smem:$0x3FB3]  }
0x2b: {  	s6 =	sld [smem:$0x3FB4]  }
0x2c: {  	s7 =	sld [smem:$0x3FB5]  }
0x2d: {  	s3 =	simm.s32 $0x108;
	s8 =	sld [smem:$0x3FB6]  }
0x2e: {  	s3 =	simm.s32 @!p0 $0x1082;
	s9 =	sld [smem:$0x3FB7]  }
0x2f: {  	lr =	sadd.s32 s0, s3;
	s0 =	sld [smem:$0x3FAE]  }
0x30: {  	s3 =	sld [smem:$0x3FB1]  }
0x31: {  	[smem:$0x3FBA] =	sst s10  }
0x32: {  	s10 =	sld [smem:$0x3FB8];
	_ =	sdelay $0x3  }
0x33: {  	p0 =	seq.s32 s10, $0x1;
	s10 =	sld [smem:$0x3FBA];
	_ =	sdelay $0x3  }
0x34: {  	[smem:$0x3FBA] =	sst s10  }
0x35: {  	s10 =	sld [smem:$0x3FB9];
	_ =	sdelay $0x3  }
0x36: {  	p1 =	seq.s32 s10, $0x1;
	s10 =	sld [smem:$0x3FBA];
	_ =	sdelay $0x3  }
0x37: {  	[smem:$0x3FBA] =	sst s10  }
0x38: {  	s10 =	sld [smem:$0x3FBB]  }
0x39: {  	_ = 	snop;
	(pc) =	sbr.ind lr, $3  }
0x3a: {  	_ = 	snop  }
0x3b: {  	_ = 	snop  }
0x3c: {  	p2 =	seq.s32 s10, $0x1;
	s10 =	sld [smem:$0x3FBA]  }
0x3d: {  	_ =	shalt  }
0x3e: {  	_ =	shalt  }
0x3f: {  	_ =	shalt  }
0x40: {  	_ =	shalt  }
0x41: {  	_ =	shalt  }
0x42: {  	_ =	shalt  }
0x43: {  	_ =	shalt  }
0x44: {  	_ =	shalt  }
0x45: {  	_ =	shalt  }
0x46: {  	_ =	shalt  }
0x47: {  	_ =	shalt  }
0x48: {  	_ =	shalt  }
0x49: {  	_ =	shalt  }
0x4a: {  	_ =	shalt  }
0x4b: {  	_ =	shalt  }
0x4c: {  	_ =	shalt  }
0x4d: {  	_ =	shalt  }
0x4e: {  	_ =	shalt  }
0x4f: {  	_ =	shalt  }
0x50: {  	_ =	shalt  }
0x51: {  	_ =	shalt  }
0x52: {  	_ =	shalt  }
0x53: {  	_ =	shalt  }
0x54: {  	_ =	shalt  }
0x55: {  	_ =	shalt  }
0x56: {  	_ =	shalt  }
0x57: {  	_ =	shalt  }
0x58: {  	_ =	shalt  }
0x59: {  	_ =	shalt  }
0x5a: {  	_ =	shalt  }
0x5b: {  	_ =	shalt  }
0x5c: {  	_ =	shalt  }
0x5d: {  	_ =	shalt  }
0x5e: {  	_ =	shalt  }
0x5f: {  	_ =	shalt  }
0x60: {  	_ =	shalt  }
0x61: {  	_ =	shalt  }
0x62: {  	_ =	shalt  }
0x63: {  	_ =	shalt  }
0x64: {  	_ =	shalt  }
0x65: {  	_ =	shalt  }
0x66: {  	_ =	shalt  }
0x67: {  	_ =	shalt  }
0x68: {  	_ =	shalt  }
0x69: {  	_ =	shalt  }
0x6a: {  	_ =	shalt  }
0x6b: {  	_ =	shalt  }
0x6c: {  	_ =	shalt  }
0x6d: {  	_ =	shalt  }
0x6e: {  	_ =	shalt  }
0x6f: {  	_ =	shalt  }
0x70: {  	_ =	shalt  }
0x71: {  	_ =	shalt  }
0x72: {  	_ =	shalt  }
0x73: {  	_ =	shalt  }
0x74: {  	_ =	shalt  }
0x75: {  	_ =	shalt  }
0x76: {  	_ =	shalt  }
0x77: {  	_ =	shalt  }
0x78: {  	_ =	shalt  }
0x79: {  	_ =	shalt  }
0x7a: {  	_ =	shalt  }
0x7b: {  	_ =	shalt  }
0x7c: {  	_ =	shalt  }
0x7d: {  	_ =	shalt  }
0x7e: {  	_ =	shalt  }
0x7f: {  	_ =	shalt  }
0x80: {  	_ =	shalt  }
0x81: {  	_ =	shalt  }
0x82: {  	_ =	shalt  }
0x83: {  	_ =	shalt  }
0x84: {  	_ =	shalt  }
0x85: {  	_ =	shalt  }
0x86: {  	_ =	shalt  }
0x87: {  	_ =	shalt  }
.Lfunc_end0:
.L_simem_size_0:
called_computation_lowered:
.L_overlay_start_0:
0x88: {  	s2 =	sld [smem:$0x3FD9]  }
0x89: {  	s3 =	sld [smem:$0x3FFE];
	_ =	sdelay $0x1  }
0x8a: {  	s1 =	srdreg.scid  }
0x8b: {  	s0 =	sand.u32 $0x1, s1  }
0x8c: {  	s17 =	sshll.u32 s0, $0xA;
	s2 =	sadd.s32 s3, s2  }
0x8d: {  	s2 =	sadd.s32 s2, s17  }
0x8e: {  	[smem:$0x3FC6] =	sst s2  }
0x8f: {  	_ = 	snop  }
0x90: {  	s2 =	sld [smem:$0x3FC9]  }
0x91: {  	s18 =	sld [smem:$0x3FD0];
	(tm) =	ssettm $0x1  }
0x92: {  	s4 =	sld [smem:$0x3FFB];
	_ =	sdelay $0x3  }
0x93: {  	_ =	strace s4  }
0x94: {  	s4 =	sld [smem:$0x3FFC];
	_ =	sdelay $0x3  }
0x95: {  	_ =	strace s4  }
0x96: {  	s4 =	sld [smem:$0x3FFD];
	_ =	sdelay $0x3  }
0x97: {  	_ =	strace s4  }
0x98: {  	_ =	strace $0x8FFFFFFF  }
0x99: {  	s19 =	sld [smem:$0x3FDB];
	_ =	sdelay $0x1  }
0x9a: {  	s5 =	simm.s32 $_scs_section_size  }
0x9b: {  	s6 =	simm.s32 $_size__tile_overlayer_lowered;
	s7 =	simm.s32 $_tile_overlayer_lowered  }
0x9c: {  	s22 =	simm.s32 $0x1BFF;
	s21 =	sshll.u32 s7, $0x1;
	s4 =	sadd.s32 s5, s19  }
0x9d: {  	s8 =	simm.s32 $0x0;
	s20 =	sshll.u32 s6, $0x1;
	s6 =	sadd.s32 s21, s4  }
0x9e: {  	[timem:s8], [sflag:s22] =	dma.local [hbm:s6], s20  }
0x9f: {  	_ =	swait.ge [sflag:s22], s20  }
0xa0: {  	s5 =	ssub.s32 $0x0, s20;
	[sflag:s22] =	ssyncset.done $0x0  }
0xa1: {  	[sflag:s22] =	ssyncadd.s32 s5;
	_ =	sdelay $0x1  }
0xa2: {  	s23 =	simm.s32 $0x1B8B  }
0xa3: {  	_ =	swait.ge [sflag:s23], $0x1  }
0xa4: {  	[sflag:s23] =	ssyncset.done $0x0  }
0xa5: {  	s25 =	simm.s32 $0x1B8E;
	s24 =	sld [smem:$0x3FFE];
	[sflag:s23] =	ssyncadd.s32 $0xFFFFFFFF  }
0xa6: {  	s26 =	simm.s32 $execute0_lowered;
	[smem:$0x3FD2] =	sst s25  }
0xa7: {  	s6 =	sshll.u32 s26, $0x1;
	_ =	strace $0x80000046;
	[dreg:$0x1] =	wrdreg $0xFFFFFFFF  }
0xa8: {  	s28 =	simm.s32 $_size_execute0_lowered;
	s4 =	sadd.s32 s4, s6;
	[dreg:$0x0] =	wrdreg $0x0  }
0xa9: {  	s6 =	sshll.u32 s28, $0x1;
	[dreg:$0x2] =	wrdreg s4  }
0xaa: {  	[dreg:$0x3] =	wrdreg s6  }
0xab: {  	[dreg:$0x4] =	wrdreg $0xC0  }
0xac: {  	_ =	task [dreg:s8], $0x5FFFF  }
0xad: {  	[dreg:$0x1] =	wrdreg $0xFFFFFFFF  }
0xae: {  	[dreg:$0x0] =	wrdreg $0x60  }
0xaf: {  	[dreg:$0x2] =	wrdreg s2  }
0xb0: {  	[dreg:$0x3] =	wrdreg s24  }
0xb1: {  	[dreg:$0x4] =	wrdreg s18  }
0xb2: {  	[dreg:$0x5] =	wrdreg $0x9  }
0xb3: {  	_ =	task.clear_ibuf [dreg:s8], $0x6FFFF;
	_ =	strace $0x90000046  }
0xb4: {  	s29 =	simm.s32 $0x9;
	_ =	strace $0x8000004F  }
0xb5: {  	_ =	swait.ge [sflag:s29], $0x1  }
0xb6: {  	[sflag:s29] =	ssyncadd.s32 $0xFFFFFFFF  }
0xb7: {  	_ =	strace $0x9000004F  }
0xb8: {  	_ =	sfence  }
0xb9: {  	s30 =	sld [smem:$0x0];
	_ =	sdelay $0x2  }
0xba: {  	s31 =	sshll.u32 s1, $0xD;
	s1 =	sshrl.u32 s1, $0x2  }
0xbb: {  	s3 =	sand.u32 $0x4000, s31;
	s1 =	sadd.s32 s1, s30  }
0xbc: {  	s0 =	sor.u32 s3, s0;
	s1 =	sshll.u32 s1, $0x11  }
0xbd: {  	s0 =	sor.u32 s1, s0  }
0xbe: {  	s0 =	sadd.s32 $0x8F2B, s0  }
0xbf: {  	[sflag:s0] =	ssyncadd.remote.s32 $0x1  }
0xc0: {  	_ =	sfence.sel $0xFFFF  }
0xc1: {  	[dreg:$0x0] =	wrdreg $0xFFFFFFFF;
	(pc) =	sbr.abs _section_cstart, $3  }
0xc2: {  	[dreg:$0x1] =	wrdreg $0xFFFFFFFF  }
0xc3: {  	_ =	task.clear_ibuf [dreg:s8], $0x2FFFF;
	_ =	strace $0x9FFFFFFF  }
0xc4: {  	(tm) =	ssettm $0x7FFFFFFF  }
0xc5: {  	_ =	shalt  }
tec
execute0_lowered:
.L_overlay_start_1:
0x0: {  	(tag) =	ssettag $0x1  }
0x1: {  	s4 =	rddreg [dreg:$0x0]  }
0x2: {  	s0 =	rddreg [dreg:$0x1]  }
0x3: {  	s11 =	simm.s32 $0x0;
	s1 =	srdreg.scid;
	s5 =	stileid.u32  }
0x4: {  	s16 =	simm.s32 $0x10;
	s18 =	simm.s32 $0x20;
	s19 =	simm.s32 $0x30  }
0x5: {  	s20 =	simm.s32 $0x40;
	s21 =	simm.s32 $0x50;
	s22 =	simm.s32 $0x60  }
0x6: {  	s23 =	simm.s32 $0x70;
	s24 =	simm.s32 $0x80;
	s28 =	simm.s32 $0xB0  }
0x7: {  	s29 =	simm.s32 $0xC0;
	s30 =	simm.s32 $0xD0;
	s9 =	simm.s32 $0x100  }
0x8: {  	s12 =	simm.s32 $0x0;
	[smem:$0x7FF] =	sst s11;
	s1 =	sand.u32 $0x1, s1  }
0x9: {  	s0 =	sadd.s32 $0x400, s0;
	s2 =	ssub.s32 $0x2, s1;
	s1 =	sshll.u32 s1, $0x4  }
0xa: {  	_ =	strace $0x80000047;
	[dreg:$0x4] =	wrdreg s0;
	s1 =	sor.u32 s5, s1  }
0xb: {  	s3 =	sshrl.u32 s2, $0x1;
	s26 =	sshll.u32 s1, $0xC;
	s1 =	sshll.u32 s1, $0x7  }
0xc: {  	s25 =	ssub.s32 s2, s3;
	[dreg:$0x5] =	wrdreg s1;
	s31 =	sadd.s32 s4, s26  }
0xd: {  	s5 =	simm.s32 $0x110;
	s0 =	smax.u32 s25, $0x1;
	[dreg:$0x6] =	wrdreg s31  }
0xe: {  	v0 =	vimm.s32 $0x0;
	s25 =	simm.s32 $0x90;
	s26 =	simm.s32 $0xA0;
	[dreg:$0x7] =	wrdreg s0  }
.LBB2_1:
0xf: {  	[dreg:$0x8] =	wrdreg s12  }
0x10: {  	s14 =	rddreg [dreg:$0x4];
	s15 =	simm.s32 $0x1;
	s13 =	simm.s32 $0x400  }
0x11: {  	[tilespmem:s11], [sflag:$0x1] =	stream.linear.gather [hbm4b:s14+s11], $0x400, $0x38;
	[tilespmem:$0x8600] =	vst v63  }
0x12: {  	s31 =	simm.s32 $0x0;
	s4 =	simm.s32 $0x190;
	_ =	swait.ge [sflag:s15], $0x400  }
0x13: {  	s6 =	simm.s32 $0x180;
	s1 =	simm.s32 $0x170;
	[sflag:s15] =	ssyncset.done $0x0  }
0x14: {  	s2 =	simm.s32 $0x160;
	s8 =	simm.s32 $0x150;
	[sflag:s15] =	ssyncadd.s32 $0xFFFFFC00  }
0x15: {  	s0 =	simm.s32 $0x140;
	s3 =	simm.s32 $0x130;
	_ =	strace $0x80000048  }
0x16: {  	s7 =	simm.s32 $0xE0;
	s10 =	simm.s32 $0x120;
	s17 =	rddreg [dreg:$0x6]  }
0x17: {  	[tilespmem:s13], [sflag:$0x1] =	stream.linear.gather [hbm4b:s17+s11], $0x100, $0x200038;
	[tilespmem:$0x8600] =	vst v63  }
0x18: {  	s14 =	simm.s32 $0x0;
	s15 =	simm.s32 $0x1;
	s13 =	simm.s32 $0x0  }
0x19: {  	s11 =	simm.s32 $0x0;
	s17 =	simm.s32 $0x0;
	_ =	strace $0x90000048  }
.LBB2_2:
0x1a: {  	s12 =	sadd.s32 $0x1, s14  }
0x1b: {  	[dreg:$0x9] =	wrdreg s13;
	p0 =	seq.s32 s12, $0x80  }
0x1c: {  	[dreg:$0x14] =	wrdreg s14;
	s12 =	simm.s32 @p0 $0x0  }
0x1d: {  	[dreg:$0xe] =	wrdreg s17;
	p6 =	sne.s32 s17, $0x7F;
	p1 =	sne.s32 s14, s12  }
0x1e: {  	[dreg:$0xd] =	wrdreg s15;
	p0 =	por !p6, !p1  }
0x1f: {  	s13 =	rddreg [dreg:$0x5];
	s14 =	smov.u32 s11;
	p0 =	por !p0, !p0  }
0x20: {  	[dreg:$0xa] =	wrdreg s12;
	s11 =	sand.u32 @p0 $0x1, s15;
	s12 =	sadd.s32 @p0 s13, s12  }
0x21: {  	_ =	strace @p0 $0x80000049;
	s13 =	sshll.u32 @p0 s11, $0x8;
	s12 =	sshll.u32 @p0 s12, $0x5  }
0x22: {  	s11 =	sadd.s32 @p0 $0x1, s11;
	s15 =	rddreg [dreg:$0x0];
	s12 =	sand.u32 @p0 $0x1FFFFFE0, s12  }
0x23: {  	s13 =	sor.u32 @p0 $0x400, s13;
	s12 =	sadd.s32 @p0 s15, s12;
	s15 =	simm.s32 @p0 $0x0  }
0x24: {  	[tilespmem:s13], [sflag:s11] =	stream.linear.gather @p0 [hbm4b:s12+s15], $0x100, $0x200038;
	[tilespmem:$0x8600] =	vst v63  }
0x25: {  	s15 =	sand.u32 $0x1, s14;
	_ =	strace @p0 $0x90000049;
	[dreg:$0xc] =	wrdreg s14  }
0x26: {  	s17 =	sadd.s32 $0x1, s15;
	_ =	strace $0x8000004A  }
0x27: {  	_ =	swait.ge [sflag:s17], $0x100  }
0x28: {  	[sflag:s17] =	ssyncset.done $0x0  }
0x29: {  	s11 =	sshll.u32 s15, $0xA;
	[sflag:s17] =	ssyncadd.s32 $0xFFFFFF00  }
0x2a: {  	s11 =	sshrl.u32 s11, $0x2;
	_ =	strace $0x9000004A  }
0x2b: {  	s13 =	sor.u32 $0x410, s11;
	_ =	strace $0x8000004B;
	[dreg:$0x12] =	wrdreg s11  }
0x2c: {  	v1 =	vld [tilespmem:s13+$0x0];
	_ =	sdelay $0x4  }
0x2d: {  	vm0 =	vgt.s32 v1, $0x0;
	vm1 =	vgt.s32 v1, $0x1  }
0x2e: {  	vm6 =	vgt.s32 v1, $0x2;
	v2 =	vsel vm0, $0x1, v0;
	v3 =	vsel vm1, $0x1, v0  }
0x2f: {  	vm7 =	vgt.s32 v1, $0x3;
	v2 =	vadd.s32 v3, v2;
	v3 =	vsel vm6, $0x1, v0  }
0x30: {  	vm8 =	vgt.s32 v1, $0x7;
	v2 =	vadd.s32 v3, v2;
	v3 =	vsel vm7, $0x1, v0  }
0x31: {  	v4 =	vld [tilespmem:s13+$0xFFFFFFF0];
	vm9 =	vgt.s32 v1, $0xF;
	v2 =	vadd.s32 v3, v2;
	v3 =	vsel vm8, $0x1, v0  }
0x32: {  	vm10 =	vgt.s32 v1, $0x1F;
	v2 =	vadd.s32 v3, v2;
	v3 =	vsel vm9, $0x1, v0  }
0x33: {  	vm11 =	vgt.s32 v1, $0x3F;
	v2 =	vadd.s32 v3, v2;
	v3 =	vsel vm10, $0x1, v0  }
0x34: {  	v1 =	vadd.s32 v3, v2;
	v2 =	vsel vm11, $0x1, v0  }
0x35: {  	v1 =	vadd.s32 v2, v1  }
0x36: {  	vm12 =	vgt.s32 v4, $0x0;
	vm13 =	vgt.s32 v4, $0x1  }
0x37: {  	vm14 =	vgt.s32 v4, $0x2;
	v3 =	vsel vm13, $0x1, v0;
	v2 =	vsel vm12, $0x1, v0  }
0x38: {  	vm15 =	vgt.s32 v4, $0x3;
	v2 =	vadd.s32 v3, v2;
	v3 =	vsel vm14, $0x1, v0  }
0x39: {  	s15 =	simm.s32 $0x0;
	vm4 =	vgt.s32 v4, $0x7;
	v5 =	vsel vm15, $0x1, v0;
	v2 =	vadd.s32 v3, v2  }
0x3a: {  	vm5 =	vgt.s32 v4, $0xF;
	v3 =	vsel vm4, $0x1, v0;
	v2 =	vadd.s32 v5, v2;
	v5 =	vld.idx.msk [tilespmem:v1+s15+$0x0], $0xffff  }
0x3b: {  	s14 =	sand.u32 $0x1, s31;
	v6 =	vsel vm5, $0x1, v0;
	vm6 =	vgt.s32 v4, $0x1F;
	v2 =	vadd.s32 v3, v2  }
0x3c: {  	s11 =	sshll.u32 s14, $0x10;
	vm7 =	vgt.s32 v4, $0x3F;
	v3 =	vsel vm6, $0x1, v0;
	[dreg:$0xb] =	wrdreg s31;
	v2 =	vadd.s32 v6, v2  }
0x3d: {  	s11 =	sshrl.u32 s11, $0x2;
	v4 =	vsel vm7, $0x1, v0;
	[dreg:$0xf] =	wrdreg s14;
	v2 =	vadd.s32 v3, v2  }
0x3e: {  	[dreg:$0x13] =	wrdreg s11;
	s11 =	sor.u32 $0x2600, s11;
	v2 =	vadd.s32 v4, v2  }
0x3f: {  	[tilespmem:s11+$0xFFFFE010] =	vst v5  }
0x40: {  	v3 =	vld.idx.msk [tilespmem:v1+s16+$0x0], $0xffff;
	_ =	sdelay $0x2  }
0x41: {  	v4 =	vld.idx.msk [tilespmem:v2+s15+$0x0], $0xffff;
	_ =	sdelay $0x1  }
0x42: {  	[tilespmem:s11+$0xFFFFE090] =	vst v3  }
0x43: {  	v3 =	vld.idx.msk [tilespmem:v1+s18+$0x0], $0xffff;
	_ =	sdelay $0x1  }
0x44: {  	[tilespmem:s11+$0xFFFFE000] =	vst v4  }
0x45: {  	v4 =	vld.idx.msk [tilespmem:v2+s16+$0x0], $0xffff;
	_ =	sdelay $0x1  }
0x46: {  	[tilespmem:s11+$0xFFFFE110] =	vst v3  }
0x47: {  	v3 =	vld.idx.msk [tilespmem:v1+s19+$0x0], $0xffff;
	_ =	sdelay $0x1  }
0x48: {  	[tilespmem:s11+$0xFFFFE080] =	vst v4  }
0x49: {  	v4 =	vld.idx.msk [tilespmem:v2+s18+$0x0], $0xffff;
	_ =	sdelay $0x1  }
0x4a: {  	[tilespmem:s11+$0xFFFFE190] =	vst v3  }
0x4b: {  	v3 =	vld.idx.msk [tilespmem:v1+s20+$0x0], $0xffff;
	_ =	sdelay $0x1  }
0x4c: {  	[tilespmem:s11+$0xFFFFE100] =	vst v4  }
0x4d: {  	v4 =	vld.idx.msk [tilespmem:v2+s19+$0x0], $0xffff;
	_ =	sdelay $0x1  }
0x4e: {  	[tilespmem:s11+$0xFFFFE210] =	vst v3  }
0x4f: {  	v3 =	vld.idx.msk [tilespmem:v1+s21+$0x0], $0xffff;
	_ =	sdelay $0x1  }
0x50: {  	[tilespmem:s11+$0xFFFFE180] =	vst v4  }
0x51: {  	v4 =	vld.idx.msk [tilespmem:v2+s20+$0x0], $0xffff;
	_ =	sdelay $0x1  }
0x52: {  	[tilespmem:s11+$0xFFFFE290] =	vst v3  }
0x53: {  	v3 =	vld.idx.msk [tilespmem:v1+s22+$0x0], $0xffff;
	_ =	sdelay $0x1  }
0x54: {  	[tilespmem:s11+$0xFFFFE200] =	vst v4  }
0x55: {  	v4 =	vld.idx.msk [tilespmem:v2+s21+$0x0], $0xffff;
	_ =	sdelay $0x1  }
0x56: {  	[tilespmem:s11+$0xFFFFE310] =	vst v3  }
0x57: {  	v3 =	vld.idx.msk [tilespmem:v1+s23+$0x0], $0xffff;
	_ =	sdelay $0x1  }
0x58: {  	[tilespmem:s11+$0xFFFFE280] =	vst v4  }
0x59: {  	v4 =	vld.idx.msk [tilespmem:v2+s22+$0x0], $0xffff;
	_ =	sdelay $0x1  }
0x5a: {  	[tilespmem:s11+$0xFFFFE390] =	vst v3  }
0x5b: {  	v3 =	vld.idx.msk [tilespmem:v1+s24+$0x0], $0xffff;
	_ =	sdelay $0x1  }
0x5c: {  	[tilespmem:s11+$0xFFFFE300] =	vst v4  }
0x5d: {  	v4 =	vld.idx.msk [tilespmem:v2+s23+$0x0], $0xffff;
	_ =	sdelay $0x1  }
0x5e: {  	[tilespmem:s11+$0xFFFFE810] =	vst v3  }
0x5f: {  	v3 =	vld.idx.msk [tilespmem:v1+s25+$0x0], $0xffff;
	_ =	sdelay $0x1  }
0x60: {  	[tilespmem:s11+$0xFFFFE380] =	vst v4  }
0x61: {  	v4 =	vld.idx.msk [tilespmem:v2+s24+$0x0], $0xffff;
	_ =	sdelay $0x1  }
0x62: {  	[tilespmem:s11+$0xFFFFE890] =	vst v3  }
0x63: {  	v3 =	vld.idx.msk [tilespmem:v1+s26+$0x0], $0xffff;
	_ =	sdelay $0x1  }
0x64: {  	[tilespmem:s11+$0xFFFFE800] =	vst v4  }
0x65: {  	v4 =	vld.idx.msk [tilespmem:v2+s25+$0x0], $0xffff;
	_ =	sdelay $0x1  }
0x66: {  	[tilespmem:s11+$0xFFFFE910] =	vst v3  }
0x67: {  	v3 =	vld.idx.msk [tilespmem:v1+s28+$0x0], $0xffff;
	_ =	sdelay $0x1  }
0x68: {  	[tilespmem:s11+$0xFFFFE880] =	vst v4  }
0x69: {  	v4 =	vld.idx.msk [tilespmem:v2+s26+$0x0], $0xffff;
	_ =	sdelay $0x1  }
0x6a: {  	[tilespmem:s11+$0xFFFFE990] =	vst v3  }
0x6b: {  	v3 =	vld.idx.msk [tilespmem:v1+s29+$0x0], $0xffff;
	_ =	sdelay $0x1  }
0x6c: {  	[tilespmem:s11+$0xFFFFE900] =	vst v4  }
0x6d: {  	v4 =	vld.idx.msk [tilespmem:v2+s28+$0x0], $0xffff;
	_ =	sdelay $0x1  }
0x6e: {  	[tilespmem:s11+$0xFFFFEA10] =	vst v3  }
0x6f: {  	v3 =	vld.idx.msk [tilespmem:v1+s30+$0x0], $0xffff;
	_ =	sdelay $0x1  }
0x70: {  	[tilespmem:s11+$0xFFFFE980] =	vst v4  }
0x71: {  	v4 =	vld.idx.msk [tilespmem:v2+s29+$0x0], $0xffff;
	_ =	sdelay $0x1  }
0x72: {  	[tilespmem:s11+$0xFFFFEA90] =	vst v3  }
0x73: {  	v3 =	vld.idx.msk [tilespmem:v1+s7+$0x0], $0xffff;
	_ =	sdelay $0x1  }
0x74: {  	[tilespmem:s11+$0xFFFFEA00] =	vst v4  }
0x75: {  	v4 =	vld.idx.msk [tilespmem:v2+s30+$0x0], $0xffff;
	_ =	sdelay $0x1  }
0x76: {  	s17 =	simm.s32 $0xF0;
	[tilespmem:s11+$0xFFFFEB10] =	vst v3  }
0x77: {  	v3 =	vld.idx.msk [tilespmem:v1+s17+$0x0], $0xffff;
	_ =	sdelay $0x1  }
0x78: {  	[tilespmem:s11+$0xFFFFEA80] =	vst v4  }
0x79: {  	v4 =	vld.idx.msk [tilespmem:v2+s7+$0x0], $0xffff  }
0x7a: {  	s13 =	sadd.s32 $0x20, s13  }
0x7b: {  	v5 =	vld [tilespmem:s13+$0x0];
	[tilespmem:s11+$0xFFFFEB90] =	vst v3  }
0x7c: {  	v3 =	vld.idx.msk [tilespmem:v1+s9+$0x0], $0xffff;
	_ =	sdelay $0x1  }
0x7d: {  	[tilespmem:s11+$0xFFFFEB00] =	vst v4  }
0x7e: {  	v4 =	vld.idx.msk [tilespmem:v2+s17+$0x0], $0xffff  }
0x7f: {  	vm8 =	vgt.s32 v5, $0x0;
	vm9 =	vgt.s32 v5, $0x1  }
0x80: {  	vm10 =	vgt.s32 v5, $0x2;
	v6 =	vsel vm9, $0x1, v0;
	[tilespmem:s11+$0xFFFFF010] =	vst v3;
	v3 =	vsel vm8, $0x1, v0  }
0x81: {  	vm11 =	vgt.s32 v5, $0x3;
	v7 =	vld.idx.msk [tilespmem:v1+s5+$0x0], $0xffff;
	v3 =	vadd.s32 v6, v3;
	v6 =	vsel vm10, $0x1, v0  }
0x82: {  	vm12 =	vgt.s32 v5, $0x7;
	v3 =	vadd.s32 v6, v3;
	v6 =	vsel vm11, $0x1, v0  }
0x83: {  	v8 =	vld [tilespmem:s13+$0xFFFFFFF0];
	vm13 =	vgt.s32 v5, $0xF;
	[tilespmem:s11+$0xFFFFEB80] =	vst v4;
	v4 =	vsel vm12, $0x1, v0;
	v3 =	vadd.s32 v6, v3  }
0x84: {  	vm14 =	vgt.s32 v5, $0x1F;
	v6 =	vld.idx.msk [tilespmem:v2+s9+$0x0], $0xffff;
	v3 =	vadd.s32 v4, v3;
	v4 =	vsel vm13, $0x1, v0  }
0x85: {  	vm15 =	vgt.s32 v5, $0x3F;
	v3 =	vadd.s32 v4, v3;
	v4 =	vsel vm14, $0x1, v0  }
0x86: {  	[tilespmem:s11+$0xFFFFF090] =	vst v7;
	v3 =	vadd.s32 v4, v3;
	v4 =	vsel vm15, $0x1, v0  }
0x87: {  	v5 =	vld.idx.msk [tilespmem:v1+s10+$0x0], $0xffff;
	v4 =	vadd.s32 v4, v3  }
0x88: {  	vm4 =	vgt.s32 v8, $0x0;
	vm5 =	vgt.s32 v8, $0x1  }
0x89: {  	vm6 =	vgt.s32 v8, $0x2;
	v7 =	vsel vm5, $0x1, v0;
	v3 =	vsel vm4, $0x1, v0;
	[tilespmem:s11+$0xFFFFF000] =	vst v6  }
0x8a: {  	vm7 =	vgt.s32 v8, $0x3;
	v3 =	vadd.s32 v7, v3;
	v6 =	vsel vm6, $0x1, v0;
	v7 =	vld.idx.msk [tilespmem:v2+s5+$0x0], $0xffff  }
0x8b: {  	v9 =	vsel vm7, $0x1, v0;
	vm8 =	vgt.s32 v8, $0x7;
	v3 =	vadd.s32 v6, v3  }
0x8c: {  	vm9 =	vgt.s32 v8, $0xF;
	v6 =	vsel vm8, $0x1, v0;
	v3 =	vadd.s32 v9, v3;
	v9 =	vld.idx.msk [tilespmem:v4+s15+$0x0], $0xffff;
	[tilespmem:s11+$0xFFFFF110] =	vst v5  }
0x8d: {  	vm10 =	vgt.s32 v8, $0x1F;
	v3 =	vadd.s32 v6, v3;
	v5 =	vsel vm9, $0x1, v0;
	v6 =	vld.idx.msk [tilespmem:v1+s3+$0x0], $0xffff  }
0x8e: {  	vm11 =	vgt.s32 v8, $0x3F;
	v3 =	vadd.s32 v5, v3;
	v5 =	vsel vm10, $0x1, v0  }
0x8f: {  	v8 =	vsel vm11, $0x1, v0;
	v3 =	vadd.s32 v5, v3;
	[tilespmem:s11+$0xFFFFF080] =	vst v7  }
0x90: {  	s12 =	sadd.s32 $0x20, s11;
	v3 =	vadd.s32 v8, v3;
	v5 =	vld.idx.msk [tilespmem:v2+s10+$0x0], $0xffff  }
0x91: {  	[tilespmem:s12+$0xFFFFE010] =	vst v9  }
0x92: {  	v7 =	vld.idx.msk [tilespmem:v4+s16+$0x0], $0xffff;
	[tilespmem:s11+$0xFFFFF190] =	vst v6  }
0x93: {  	v6 =	vld.idx.msk [tilespmem:v1+s0+$0x0], $0xffff;
	_ =	sdelay $0x1  }
0x94: {  	v8 =	vld.idx.msk [tilespmem:v3+s15+$0x0], $0xffff;
	[tilespmem:s11+$0xFFFFF100] =	vst v5  }
0x95: {  	v5 =	vld.idx.msk [tilespmem:v2+s3+$0x0], $0xffff  }
0x96: {  	[tilespmem:s12+$0xFFFFE090] =	vst v7  }
0x97: {  	v7 =	vld.idx.msk [tilespmem:v4+s18+$0x0], $0xffff;
	[tilespmem:s11+$0xFFFFF210] =	vst v6  }
0x98: {  	v6 =	vld.idx.msk [tilespmem:v1+s8+$0x0], $0xffff  }
0x99: {  	[tilespmem:s12+$0xFFFFE000] =	vst v8  }
0x9a: {  	v8 =	vld.idx.msk [tilespmem:v3+s16+$0x0], $0xffff;
	[tilespmem:s11+$0xFFFFF180] =	vst v5  }
0x9b: {  	v5 =	vld.idx.msk [tilespmem:v2+s0+$0x0], $0xffff  }
0x9c: {  	[tilespmem:s12+$0xFFFFE110] =	vst v7  }
0x9d: {  	v7 =	vld.idx.msk [tilespmem:v4+s19+$0x0], $0xffff;
	[tilespmem:s11+$0xFFFFF290] =	vst v6  }
0x9e: {  	v6 =	vld.idx.msk [tilespmem:v1+s2+$0x0], $0xffff  }
0x9f: {  	[tilespmem:s12+$0xFFFFE080] =	vst v8  }
0xa0: {  	v8 =	vld.idx.msk [tilespmem:v3+s18+$0x0], $0xffff;
	[tilespmem:s11+$0xFFFFF200] =	vst v5  }
0xa1: {  	v5 =	vld.idx.msk [tilespmem:v2+s8+$0x0], $0xffff  }
0xa2: {  	[tilespmem:s12+$0xFFFFE190] =	vst v7  }
0xa3: {  	v7 =	vld.idx.msk [tilespmem:v4+s20+$0x0], $0xffff;
	[tilespmem:s11+$0xFFFFF310] =	vst v6  }
0xa4: {  	v6 =	vld.idx.msk [tilespmem:v1+s1+$0x0], $0xffff  }
0xa5: {  	[tilespmem:s12+$0xFFFFE100] =	vst v8  }
0xa6: {  	v8 =	vld.idx.msk [tilespmem:v3+s19+$0x0], $0xffff;
	[tilespmem:s11+$0xFFFFF280] =	vst v5  }
0xa7: {  	v5 =	vld.idx.msk [tilespmem:v2+s2+$0x0], $0xffff  }
0xa8: {  	[tilespmem:s12+$0xFFFFE210] =	vst v7  }
0xa9: {  	v7 =	vld.idx.msk [tilespmem:v4+s21+$0x0], $0xffff;
	[tilespmem:s11+$0xFFFFF390] =	vst v6  }
0xaa: {  	v6 =	vld.idx.msk [tilespmem:v1+s6+$0x0], $0xffff  }
0xab: {  	[tilespmem:s12+$0xFFFFE180] =	vst v8  }
0xac: {  	v8 =	vld.idx.msk [tilespmem:v3+s20+$0x0], $0xffff;
	[tilespmem:s11+$0xFFFFF300] =	vst v5  }
0xad: {  	v5 =	vld.idx.msk [tilespmem:v2+s1+$0x0], $0xffff  }
0xae: {  	[tilespmem:s12+$0xFFFFE290] =	vst v7  }
0xaf: {  	v7 =	vld.idx.msk [tilespmem:v4+s22+$0x0], $0xffff;
	[tilespmem:s11+$0xFFFFF810] =	vst v6  }
0xb0: {  	v6 =	vld.idx.msk [tilespmem:v1+s4+$0x0], $0xffff  }
0xb1: {  	[tilespmem:s12+$0xFFFFE200] =	vst v8  }
0xb2: {  	v8 =	vld.idx.msk [tilespmem:v3+s21+$0x0], $0xffff;
	[tilespmem:s11+$0xFFFFF380] =	vst v5  }
0xb3: {  	v5 =	vld.idx.msk [tilespmem:v2+s6+$0x0], $0xffff  }
0xb4: {  	[tilespmem:s12+$0xFFFFE310] =	vst v7  }
0xb5: {  	s1 =	simm.s32 $0x1A0;
	[tilespmem:s11+$0xFFFFF890] =	vst v6;
	v6 =	vld.idx.msk [tilespmem:v4+s23+$0x0], $0xffff  }
0xb6: {  	v7 =	vld.idx.msk [tilespmem:v1+s1+$0x0], $0xffff  }
0xb7: {  	[tilespmem:s12+$0xFFFFE280] =	vst v8  }
0xb8: {  	v8 =	vld.idx.msk [tilespmem:v3+s22+$0x0], $0xffff;
	[tilespmem:s11+$0xFFFFF800] =	vst v5  }
0xb9: {  	v5 =	vld.idx.msk [tilespmem:v2+s4+$0x0], $0xffff  }
0xba: {  	[tilespmem:s12+$0xFFFFE390] =	vst v6  }
0xbb: {  	s2 =	simm.s32 $0x1B0;
	v6 =	vld.idx.msk [tilespmem:v4+s24+$0x0], $0xffff;
	[tilespmem:s11+$0xFFFFF910] =	vst v7  }
0xbc: {  	v7 =	vld.idx.msk [tilespmem:v1+s2+$0x0], $0xffff  }
0xbd: {  	[tilespmem:s12+$0xFFFFE300] =	vst v8  }
0xbe: {  	v8 =	vld.idx.msk [tilespmem:v3+s23+$0x0], $0xffff;
	[tilespmem:s11+$0xFFFFF880] =	vst v5  }
0xbf: {  	v5 =	vld.idx.msk [tilespmem:v2+s1+$0x0], $0xffff  }
0xc0: {  	[tilespmem:s12+$0xFFFFE810] =	vst v6  }
0xc1: {  	s3 =	simm.s32 $0x1C0;
	v6 =	vld.idx.msk [tilespmem:v4+s25+$0x0], $0xffff;
	[tilespmem:s11+$0xFFFFF990] =	vst v7  }
0xc2: {  	v7 =	vld.idx.msk [tilespmem:v1+s3+$0x0], $0xffff  }
0xc3: {  	[tilespmem:s12+$0xFFFFE380] =	vst v8  }
0xc4: {  	v8 =	vld.idx.msk [tilespmem:v3+s24+$0x0], $0xffff;
	[tilespmem:s11+$0xFFFFF900] =	vst v5  }
0xc5: {  	v5 =	vld.idx.msk [tilespmem:v2+s2+$0x0], $0xffff  }
0xc6: {  	[tilespmem:s12+$0xFFFFE890] =	vst v6  }
0xc7: {  	s4 =	simm.s32 $0x1D0;
	v6 =	vld.idx.msk [tilespmem:v4+s26+$0x0], $0xffff;
	[tilespmem:s11+$0xFFFFFA10] =	vst v7  }
0xc8: {  	v7 =	vld.idx.msk [tilespmem:v1+s4+$0x0], $0xffff  }
0xc9: {  	[tilespmem:s12+$0xFFFFE800] =	vst v8  }
0xca: {  	v8 =	vld.idx.msk [tilespmem:v3+s25+$0x0], $0xffff;
	[tilespmem:s11+$0xFFFFF980] =	vst v5  }
0xcb: {  	v5 =	vld.idx.msk [tilespmem:v2+s3+$0x0], $0xffff  }
0xcc: {  	[tilespmem:s12+$0xFFFFE910] =	vst v6  }
0xcd: {  	s5 =	simm.s32 $0x1E0;
	v6 =	vld.idx.msk [tilespmem:v4+s28+$0x0], $0xffff;
	[tilespmem:s11+$0xFFFFFA90] =	vst v7  }
0xce: {  	v7 =	vld.idx.msk [tilespmem:v1+s5+$0x0], $0xffff  }
0xcf: {  	[tilespmem:s12+$0xFFFFE880] =	vst v8  }
0xd0: {  	v8 =	vld.idx.msk [tilespmem:v3+s26+$0x0], $0xffff;
	[tilespmem:s11+$0xFFFFFA00] =	vst v5  }
0xd1: {  	v5 =	vld.idx.msk [tilespmem:v2+s4+$0x0], $0xffff  }
0xd2: {  	[tilespmem:s12+$0xFFFFE990] =	vst v6  }
0xd3: {  	s6 =	simm.s32 $0x1F0;
	v6 =	vld.idx.msk [tilespmem:v4+s29+$0x0], $0xffff;
	[tilespmem:s11+$0xFFFFFB10] =	vst v7  }
0xd4: {  	v7 =	vld.idx.msk [tilespmem:v1+s6+$0x0], $0xffff  }
0xd5: {  	[tilespmem:s12+$0xFFFFE900] =	vst v8  }
0xd6: {  	v8 =	vld.idx.msk [tilespmem:v3+s28+$0x0], $0xffff;
	[tilespmem:s11+$0xFFFFFA80] =	vst v5  }
0xd7: {  	v5 =	vld.idx.msk [tilespmem:v2+s5+$0x0], $0xffff  }
0xd8: {  	[tilespmem:s12+$0xFFFFEA10] =	vst v6  }
0xd9: {  	s8 =	simm.s32 $0x200;
	v6 =	vld.idx.msk [tilespmem:v4+s30+$0x0], $0xffff;
	[tilespmem:s11+$0xFFFFFB90] =	vst v7  }
0xda: {  	v7 =	vld.idx.msk [tilespmem:v1+s8+$0x0], $0xffff  }
0xdb: {  	[tilespmem:s12+$0xFFFFE980] =	vst v8  }
0xdc: {  	v8 =	vld.idx.msk [tilespmem:v3+s29+$0x0], $0xffff;
	[tilespmem:s11+$0xFFFFFB00] =	vst v5  }
0xdd: {  	v5 =	vld.idx.msk [tilespmem:v2+s6+$0x0], $0xffff  }
0xde: {  	[tilespmem:s12+$0xFFFFEA90] =	vst v6  }
0xdf: {  	s9 =	simm.s32 $0x210;
	v6 =	vld.idx.msk [tilespmem:v4+s7+$0x0], $0xffff;
	[tilespmem:s11+$0x10] =	vst v7  }
0xe0: {  	v7 =	vld.idx.msk [tilespmem:v1+s9+$0x0], $0xffff  }
0xe1: {  	[tilespmem:s12+$0xFFFFEA00] =	vst v8  }
0xe2: {  	v8 =	vld.idx.msk [tilespmem:v3+s30+$0x0], $0xffff;
	[tilespmem:s11+$0xFFFFFB80] =	vst v5  }
0xe3: {  	v5 =	vld.idx.msk [tilespmem:v2+s8+$0x0], $0xffff  }
0xe4: {  	s17 =	simm.s32 $0xF0;
	[tilespmem:s12+$0xFFFFEB10] =	vst v6  }
0xe5: {  	s2 =	simm.s32 $0x220;
	v6 =	vld.idx.msk [tilespmem:v4+s17+$0x0], $0xffff;
	[tilespmem:s11+$0x90] =	vst v7  }
0xe6: {  	v7 =	vld.idx.msk [tilespmem:v1+s2+$0x0], $0xffff  }
0xe7: {  	[tilespmem:s12+$0xFFFFEA80] =	vst v8  }
0xe8: {  	v8 =	vld.idx.msk [tilespmem:v3+s7+$0x0], $0xffff;
	[tilespmem:s11+$0x0] =	vst v5  }
0xe9: {  	s16 =	sadd.s32 $0x20, s13;
	v5 =	vld.idx.msk [tilespmem:v2+s9+$0x0], $0xffff  }
0xea: {  	s0 =	simm.s32 $0x100;
	v9 =	vld [tilespmem:s16+$0x0];
	[tilespmem:s12+$0xFFFFEB90] =	vst v6  }
0xeb: {  	s13 =	simm.s32 $0x230;
	v6 =	vld.idx.msk [tilespmem:v4+s0+$0x0], $0xffff;
	[tilespmem:s11+$0x110] =	vst v7  }
0xec: {  	v7 =	vld.idx.msk [tilespmem:v1+s13+$0x0], $0xffff  }
0xed: {  	s10 =	simm.s32 $0xF0;
	[tilespmem:s12+$0xFFFFEB00] =	vst v8  }
0xee: {  	[tilespmem:s11+$0x80] =	vst v5;
	v5 =	vld.idx.msk [tilespmem:v3+s10+$0x0], $0xffff  }
0xef: {  	vm12 =	vgt.s32 v9, $0x0;
	vm13 =	vgt.s32 v9, $0x1;
	v8 =	vld.idx.msk [tilespmem:v2+s2+$0x0], $0xffff  }
0xf0: {  	vm14 =	vgt.s32 v9, $0x2;
	v10 =	vsel vm13, $0x1, v0;
	s9 =	simm.s32 $0x110;
	[tilespmem:s12+$0xFFFFF010] =	vst v6;
	v6 =	vsel vm12, $0x1, v0  }
0xf1: {  	vm15 =	vgt.s32 v9, $0x3;
	s1 =	simm.s32 $0x240;
	v11 =	vld.idx.msk [tilespmem:v4+s9+$0x0], $0xffff;
	[tilespmem:s11+$0x190] =	vst v7;
	v6 =	vadd.s32 v10, v6;
	v7 =	vsel vm14, $0x1, v0  }
0xf2: {  	vm4 =	vgt.s32 v9, $0x7;
	v10 =	vld.idx.msk [tilespmem:v1+s1+$0x0], $0xffff;
	v6 =	vadd.s32 v7, v6;
	v7 =	vsel vm15, $0x1, v0  }
0xf3: {  	v12 =	vld [tilespmem:s16+$0xFFFFFFF0];
	vm5 =	vgt.s32 v9, $0xF;
	[tilespmem:s12+$0xFFFFEB80] =	vst v5;
	v5 =	vadd.s32 v7, v6;
	v6 =	vsel vm4, $0x1, v0  }
0xf4: {  	vm6 =	vgt.s32 v9, $0x1F;
	v7 =	vld.idx.msk [tilespmem:v3+s0+$0x0], $0xffff;
	[tilespmem:s11+$0x100] =	vst v8;
	v5 =	vadd.s32 v6, v5;
	v6 =	vsel vm5, $0x1, v0  }
0xf5: {  	vm7 =	vgt.s32 v9, $0x3F;
	v8 =	vld.idx.msk [tilespmem:v2+s13+$0x0], $0xffff;
	v5 =	vadd.s32 v6, v5;
	v6 =	vsel vm6, $0x1, v0  }
0xf6: {  	s8 =	simm.s32 $0x120;
	[tilespmem:s12+$0xFFFFF090] =	vst v11;
	v5 =	vadd.s32 v6, v5;
	v6 =	vsel vm7, $0x1, v0  }
0xf7: {  	s2 =	simm.s32 $0x250;
	v9 =	vld.idx.msk [tilespmem:v4+s8+$0x0], $0xffff;
	[tilespmem:s11+$0x210] =	vst v10;
	v5 =	vadd.s32 v6, v5  }
0xf8: {  	vm8 =	vgt.s32 v12, $0x0;
	vm9 =	vgt.s32 v12, $0x1;
	v6 =	vld.idx.msk [tilespmem:v1+s2+$0x0], $0xffff  }
0xf9: {  	vm10 =	vgt.s32 v12, $0x2;
	v11 =	vsel vm9, $0x1, v0;
	v10 =	vsel vm8, $0x1, v0;
	[tilespmem:s12+$0xFFFFF000] =	vst v7  }
0xfa: {  	vm11 =	vgt.s32 v12, $0x3;
	v7 =	vadd.s32 v11, v10;
	v10 =	vsel vm10, $0x1, v0;
	v11 =	vld.idx.msk [tilespmem:v3+s9+$0x0], $0xffff;
	[tilespmem:s11+$0x180] =	vst v8  }
0xfb: {  	vm12 =	vgt.s32 v12, $0x7;
	v8 =	vsel vm11, $0x1, v0;
	v7 =	vadd.s32 v10, v7;
	v10 =	vld.idx.msk [tilespmem:v2+s1+$0x0], $0xffff  }
0xfc: {  	vm13 =	vgt.s32 v12, $0xF;
	s7 =	simm.s32 $0x130;
	v7 =	vadd.s32 v8, v7;
	v8 =	vsel vm12, $0x1, v0;
	v13 =	vld.idx.msk [tilespmem:v5+s15+$0x0], $0xffff;
	[tilespmem:s12+$0xFFFFF110] =	vst v9  }
0xfd: {  	s10 =	simm.s32 $0x260;
	vm14 =	vgt.s32 v12, $0x1F;
	v7 =	vadd.s32 v8, v7;
	v9 =	vsel vm13, $0x1, v0;
	v8 =	vld.idx.msk [tilespmem:v4+s7+$0x0], $0xffff;
	[tilespmem:s11+$0x290] =	vst v6  }
0xfe: {  	vm15 =	vgt.s32 v12, $0x3F;
	v6 =	vadd.s32 v9, v7;
	v7 =	vsel vm14, $0x1, v0;
	v9 =	vld.idx.msk [tilespmem:v1+s10+$0x0], $0xffff  }
0xff: {  	v12 =	vsel vm15, $0x1, v0;
	v6 =	vadd.s32 v7, v6;
	[tilespmem:s12+$0xFFFFF080] =	vst v11  }
0x100: {  	s13 =	sadd.s32 $0x20, s12;
	v6 =	vadd.s32 v12, v6;
	v7 =	vld.idx.msk [tilespmem:v3+s8+$0x0], $0xffff;
	[tilespmem:s11+$0x200] =	vst v10  }
0x101: {  	s18 =	simm.s32 $0x10;
	v10 =	vld.idx.msk [tilespmem:v2+s2+$0x0], $0xffff;
	[tilespmem:s13+$0xFFFFE010] =	vst v13  }
0x102: {  	s6 =	simm.s32 $0x140;
	v11 =	vld.idx.msk [tilespmem:v5+s18+$0x0], $0xffff;
	[tilespmem:s12+$0xFFFFF190] =	vst v8  }
0x103: {  	s1 =	simm.s32 $0x270;
	v8 =	vld.idx.msk [tilespmem:v4+s6+$0x0], $0xffff;
	[tilespmem:s11+$0x310] =	vst v9  }
0x104: {  	v9 =	vld.idx.msk [tilespmem:v1+s1+$0x0], $0xffff  }
0x105: {  	v12 =	vld.idx.msk [tilespmem:v6+s15+$0x0], $0xffff;
	[tilespmem:s12+$0xFFFFF100] =	vst v7  }
0x106: {  	v7 =	vld.idx.msk [tilespmem:v3+s7+$0x0], $0xffff;
	[tilespmem:s11+$0x280] =	vst v10  }
0x107: {  	s3 =	simm.s32 $0x20;
	v10 =	vld.idx.msk [tilespmem:v2+s10+$0x0], $0xffff;
	[tilespmem:s13+$0xFFFFE090] =	vst v11  }
0x108: {  	s5 =	simm.s32 $0x150;
	v11 =	vld.idx.msk [tilespmem:v5+s3+$0x0], $0xffff;
	[tilespmem:s12+$0xFFFFF210] =	vst v8  }
0x109: {  	s2 =	simm.s32 $0x280;
	v8 =	vld.idx.msk [tilespmem:v4+s5+$0x0], $0xffff;
	[tilespmem:s11+$0x390] =	vst v9  }
0x10a: {  	[tilespmem:s13+$0xFFFFE000] =	vst v12;
	v9 =	vld.idx.msk [tilespmem:v1+s2+$0x0], $0xffff  }
0x10b: {  	v12 =	vld.idx.msk [tilespmem:v6+s18+$0x0], $0xffff;
	[tilespmem:s12+$0xFFFFF180] =	vst v7  }
0x10c: {  	v7 =	vld.idx.msk [tilespmem:v3+s6+$0x0], $0xffff;
	[tilespmem:s11+$0x300] =	vst v10  }
0x10d: {  	s20 =	simm.s32 $0x30;
	v10 =	vld.idx.msk [tilespmem:v2+s1+$0x0], $0xffff;
	[tilespmem:s13+$0xFFFFE110] =	vst v11  }
0x10e: {  	s4 =	simm.s32 $0x160;
	v11 =	vld.idx.msk [tilespmem:v5+s20+$0x0], $0xffff;
	[tilespmem:s12+$0xFFFFF290] =	vst v8  }
0x10f: {  	s6 =	simm.s32 $0x290;
	v8 =	vld.idx.msk [tilespmem:v4+s4+$0x0], $0xffff;
	[tilespmem:s11+$0x810] =	vst v9  }
0x110: {  	[tilespmem:s13+$0xFFFFE080] =	vst v12;
	v9 =	vld.idx.msk [tilespmem:v1+s6+$0x0], $0xffff  }
0x111: {  	v12 =	vld.idx.msk [tilespmem:v6+s3+$0x0], $0xffff;
	[tilespmem:s12+$0xFFFFF200] =	vst v7  }
0x112: {  	v7 =	vld.idx.msk [tilespmem:v3+s5+$0x0], $0xffff;
	[tilespmem:s11+$0x380] =	vst v10  }
0x113: {  	s25 =	simm.s32 $0x40;
	v10 =	vld.idx.msk [tilespmem:v2+s2+$0x0], $0xffff;
	[tilespmem:s13+$0xFFFFE190] =	vst v11  }
0x114: {  	s14 =	simm.s32 $0x170;
	v11 =	vld.idx.msk [tilespmem:v5+s25+$0x0], $0xffff;
	[tilespmem:s12+$0xFFFFF310] =	vst v8  }
0x115: {  	s7 =	simm.s32 $0x2A0;
	v8 =	vld.idx.msk [tilespmem:v4+s14+$0x0], $0xffff;
	[tilespmem:s11+$0x890] =	vst v9  }
0x116: {  	[tilespmem:s13+$0xFFFFE100] =	vst v12;
	v9 =	vld.idx.msk [tilespmem:v1+s7+$0x0], $0xffff  }
0x117: {  	v12 =	vld.idx.msk [tilespmem:v6+s20+$0x0], $0xffff;
	[tilespmem:s12+$0xFFFFF280] =	vst v7  }
0x118: {  	v7 =	vld.idx.msk [tilespmem:v3+s4+$0x0], $0xffff;
	[tilespmem:s11+$0x800] =	vst v10  }
0x119: {  	s22 =	simm.s32 $0x50;
	v10 =	vld.idx.msk [tilespmem:v2+s6+$0x0], $0xffff;
	[tilespmem:s13+$0xFFFFE210] =	vst v11  }
0x11a: {  	s17 =	simm.s32 $0x180;
	v11 =	vld.idx.msk [tilespmem:v5+s22+$0x0], $0xffff;
	[tilespmem:s12+$0xFFFFF390] =	vst v8  }
0x11b: {  	s8 =	simm.s32 $0x2B0;
	v8 =	vld.idx.msk [tilespmem:v4+s17+$0x0], $0xffff;
	[tilespmem:s11+$0x910] =	vst v9  }
0x11c: {  	[tilespmem:s13+$0xFFFFE180] =	vst v12;
	v9 =	vld.idx.msk [tilespmem:v1+s8+$0x0], $0xffff  }
0x11d: {  	v12 =	vld.idx.msk [tilespmem:v6+s25+$0x0], $0xffff;
	[tilespmem:s12+$0xFFFFF300] =	vst v7  }
0x11e: {  	v7 =	vld.idx.msk [tilespmem:v3+s14+$0x0], $0xffff;
	[tilespmem:s11+$0x880] =	vst v10  }
0x11f: {  	s21 =	simm.s32 $0x60;
	v10 =	vld.idx.msk [tilespmem:v2+s7+$0x0], $0xffff;
	[tilespmem:s13+$0xFFFFE290] =	vst v11  }
0x120: {  	s19 =	simm.s32 $0x190;
	v11 =	vld.idx.msk [tilespmem:v5+s21+$0x0], $0xffff;
	[tilespmem:s12+$0xFFFFF810] =	vst v8  }
0x121: {  	s9 =	simm.s32 $0x2C0;
	v8 =	vld.idx.msk [tilespmem:v4+s19+$0x0], $0xffff;
	[tilespmem:s11+$0x990] =	vst v9  }
0x122: {  	[tilespmem:s13+$0xFFFFE200] =	vst v12;
	v9 =	vld.idx.msk [tilespmem:v1+s9+$0x0], $0xffff  }
0x123: {  	v12 =	vld.idx.msk [tilespmem:v6+s22+$0x0], $0xffff;
	[tilespmem:s12+$0xFFFFF380] =	vst v7  }
0x124: {  	v7 =	vld.idx.msk [tilespmem:v3+s17+$0x0], $0xffff;
	[tilespmem:s11+$0x900] =	vst v10  }
0x125: {  	s24 =	simm.s32 $0x70;
	v10 =	vld.idx.msk [tilespmem:v2+s8+$0x0], $0xffff;
	[tilespmem:s13+$0xFFFFE310] =	vst v11  }
0x126: {  	s23 =	simm.s32 $0x1A0;
	[tilespmem:s12+$0xFFFFF890] =	vst v8;
	v8 =	vld.idx.msk [tilespmem:v5+s24+$0x0], $0xffff  }
0x127: {  	s10 =	simm.s32 $0x2D0;
	[tilespmem:s11+$0xA10] =	vst v9;
	v9 =	vld.idx.msk [tilespmem:v4+s23+$0x0], $0xffff  }
0x128: {  	[tilespmem:s13+$0xFFFFE280] =	vst v12;
	v11 =	vld.idx.msk [tilespmem:v1+s10+$0x0], $0xffff  }
0x129: {  	v12 =	vld.idx.msk [tilespmem:v6+s21+$0x0], $0xffff;
	[tilespmem:s12+$0xFFFFF800] =	vst v7  }
0x12a: {  	v7 =	vld.idx.msk [tilespmem:v3+s19+$0x0], $0xffff;
	[tilespmem:s11+$0x980] =	vst v10  }
0x12b: {  	s14 =	simm.s32 $0x80;
	v10 =	vld.idx.msk [tilespmem:v2+s9+$0x0], $0xffff;
	[tilespmem:s13+$0xFFFFE390] =	vst v8  }
0x12c: {  	s15 =	simm.s32 $0x1B0;
	v8 =	vld.idx.msk [tilespmem:v5+s14+$0x0], $0xffff;
	[tilespmem:s12+$0xFFFFF910] =	vst v9  }
0x12d: {  	s17 =	simm.s32 $0x2E0;
	v9 =	vld.idx.msk [tilespmem:v4+s15+$0x0], $0xffff;
	[tilespmem:s11+$0xA90] =	vst v11  }
0x12e: {  	[tilespmem:s13+$0xFFFFE300] =	vst v12;
	v11 =	vld.idx.msk [tilespmem:v1+s17+$0x0], $0xffff  }
0x12f: {  	v12 =	vld.idx.msk [tilespmem:v6+s24+$0x0], $0xffff;
	[tilespmem:s12+$0xFFFFF880] =	vst v7  }
0x130: {  	v7 =	vld.idx.msk [tilespmem:v3+s23+$0x0], $0xffff;
	[tilespmem:s11+$0xA00] =	vst v10  }
0x131: {  	s26 =	simm.s32 $0x90;
	v10 =	vld.idx.msk [tilespmem:v2+s10+$0x0], $0xffff;
	[tilespmem:s13+$0xFFFFE810] =	vst v8  }
0x132: {  	s19 =	simm.s32 $0x1C0;
	v8 =	vld.idx.msk [tilespmem:v5+s26+$0x0], $0xffff;
	[tilespmem:s12+$0xFFFFF990] =	vst v9  }
0x133: {  	s21 =	simm.s32 $0x2F0;
	v9 =	vld.idx.msk [tilespmem:v4+s19+$0x0], $0xffff;
	[tilespmem:s11+$0xB10] =	vst v11  }
0x134: {  	[tilespmem:s13+$0xFFFFE380] =	vst v12;
	v11 =	vld.idx.msk [tilespmem:v1+s21+$0x0], $0xffff  }
0x135: {  	v12 =	vld.idx.msk [tilespmem:v6+s14+$0x0], $0xffff;
	[tilespmem:s12+$0xFFFFF900] =	vst v7  }
0x136: {  	v7 =	vld.idx.msk [tilespmem:v3+s15+$0x0], $0xffff;
	[tilespmem:s11+$0xA80] =	vst v10  }
0x137: {  	s28 =	simm.s32 $0xA0;
	v10 =	vld.idx.msk [tilespmem:v2+s17+$0x0], $0xffff;
	[tilespmem:s13+$0xFFFFE890] =	vst v8  }
0x138: {  	s23 =	simm.s32 $0x1D0;
	v8 =	vld.idx.msk [tilespmem:v5+s28+$0x0], $0xffff;
	[tilespmem:s12+$0xFFFFFA10] =	vst v9  }
0x139: {  	s25 =	simm.s32 $0x300;
	v9 =	vld.idx.msk [tilespmem:v4+s23+$0x0], $0xffff;
	[tilespmem:s11+$0xB90] =	vst v11  }
0x13a: {  	[tilespmem:s13+$0xFFFFE800] =	vst v12;
	v11 =	vld.idx.msk [tilespmem:v1+s25+$0x0], $0xffff  }
0x13b: {  	v12 =	vld.idx.msk [tilespmem:v6+s26+$0x0], $0xffff;
	[tilespmem:s12+$0xFFFFF980] =	vst v7  }
0x13c: {  	v7 =	vld.idx.msk [tilespmem:v3+s19+$0x0], $0xffff;
	[tilespmem:s11+$0xB00] =	vst v10  }
0x13d: {  	s29 =	simm.s32 $0xB0;
	v10 =	vld.idx.msk [tilespmem:v2+s21+$0x0], $0xffff;
	[tilespmem:s13+$0xFFFFE910] =	vst v8  }
0x13e: {  	s0 =	simm.s32 $0x1E0;
	v8 =	vld.idx.msk [tilespmem:v5+s29+$0x0], $0xffff;
	[tilespmem:s12+$0xFFFFFA90] =	vst v9  }
0x13f: {  	s4 =	simm.s32 $0x310;
	v9 =	vld.idx.msk [tilespmem:v4+s0+$0x0], $0xffff;
	[tilespmem:s11+$0x1010] =	vst v11  }
0x140: {  	[tilespmem:s13+$0xFFFFE880] =	vst v12;
	v11 =	vld.idx.msk [tilespmem:v1+s4+$0x0], $0xffff  }
0x141: {  	v12 =	vld.idx.msk [tilespmem:v6+s28+$0x0], $0xffff;
	[tilespmem:s12+$0xFFFFFA00] =	vst v7  }
0x142: {  	v7 =	vld.idx.msk [tilespmem:v3+s23+$0x0], $0xffff;
	[tilespmem:s11+$0xB80] =	vst v10  }
0x143: {  	s30 =	simm.s32 $0xC0;
	v10 =	vld.idx.msk [tilespmem:v2+s25+$0x0], $0xffff;
	[tilespmem:s13+$0xFFFFE990] =	vst v8  }
0x144: {  	s5 =	simm.s32 $0x1F0;
	v8 =	vld.idx.msk [tilespmem:v5+s30+$0x0], $0xffff;
	[tilespmem:s12+$0xFFFFFB10] =	vst v9  }
0x145: {  	s6 =	simm.s32 $0x320;
	v9 =	vld.idx.msk [tilespmem:v4+s5+$0x0], $0xffff;
	[tilespmem:s11+$0x1090] =	vst v11  }
0x146: {  	[tilespmem:s13+$0xFFFFE900] =	vst v12;
	v11 =	vld.idx.msk [tilespmem:v1+s6+$0x0], $0xffff  }
0x147: {  	v12 =	vld.idx.msk [tilespmem:v6+s29+$0x0], $0xffff;
	[tilespmem:s12+$0xFFFFFA80] =	vst v7  }
0x148: {  	v7 =	vld.idx.msk [tilespmem:v3+s0+$0x0], $0xffff;
	[tilespmem:s11+$0x1000] =	vst v10  }
0x149: {  	s31 =	simm.s32 $0xD0;
	v10 =	vld.idx.msk [tilespmem:v2+s4+$0x0], $0xffff;
	[tilespmem:s13+$0xFFFFEA10] =	vst v8  }
0x14a: {  	s7 =	simm.s32 $0x200;
	v8 =	vld.idx.msk [tilespmem:v5+s31+$0x0], $0xffff;
	[tilespmem:s12+$0xFFFFFB90] =	vst v9  }
0x14b: {  	s8 =	simm.s32 $0x330;
	v9 =	vld.idx.msk [tilespmem:v4+s7+$0x0], $0xffff;
	[tilespmem:s11+$0x1110] =	vst v11  }
0x14c: {  	[tilespmem:s13+$0xFFFFE980] =	vst v12;
	v11 =	vld.idx.msk [tilespmem:v1+s8+$0x0], $0xffff  }
0x14d: {  	v12 =	vld.idx.msk [tilespmem:v6+s30+$0x0], $0xffff;
	[tilespmem:s12+$0xFFFFFB00] =	vst v7  }
0x14e: {  	v7 =	vld.idx.msk [tilespmem:v3+s5+$0x0], $0xffff;
	[tilespmem:s11+$0x1080] =	vst v10  }
0x14f: {  	s9 =	simm.s32 $0xE0;
	v10 =	vld.idx.msk [tilespmem:v2+s6+$0x0], $0xffff;
	[tilespmem:s13+$0xFFFFEA90] =	vst v8  }
0x150: {  	s10 =	simm.s32 $0x210;
	v8 =	vld.idx.msk [tilespmem:v5+s9+$0x0], $0xffff;
	[tilespmem:s12+$0x10] =	vst v9  }
0x151: {  	s14 =	simm.s32 $0x340;
	v9 =	vld.idx.msk [tilespmem:v4+s10+$0x0], $0xffff;
	[tilespmem:s11+$0x1190] =	vst v11  }
0x152: {  	[tilespmem:s13+$0xFFFFEA00] =	vst v12;
	v12 =	vld.idx.msk [tilespmem:v1+s14+$0x0], $0xffff  }
0x153: {  	v13 =	vld.idx.msk [tilespmem:v6+s31+$0x0], $0xffff;
	[tilespmem:s12+$0xFFFFFB80] =	vst v7  }
0x154: {  	v14 =	vld.idx.msk [tilespmem:v3+s7+$0x0], $0xffff;
	[tilespmem:s11+$0x1100] =	vst v10  }
0x155: {  	[tilespmem:s13+$0xFFFFEB10] =	vst v8  }
0x156: {  	[tilespmem:s12+$0x90] =	vst v9  }
0x157: {  	[tilespmem:s11+$0x1210] =	vst v12  }
0x158: {  	[tilespmem:s13+$0xFFFFEA80] =	vst v13  }
0x159: {  	s15 =	simm.s32 $0xF0;
	v15 =	vld.idx.msk [tilespmem:v2+s8+$0x0], $0xffff;
	[tilespmem:s12+$0x0] =	vst v14  }
0x15a: {  	s17 =	simm.s32 $0x220;
	v11 =	vld.idx.msk [tilespmem:v5+s15+$0x0], $0xffff;
	s21 =	rddreg [dreg:$0x14]  }
0x15b: {  	s19 =	simm.s32 $0x350;
	v10 =	vld.idx.msk [tilespmem:v4+s17+$0x0], $0xffff;
	s23 =	rddreg [dreg:$0x5]  }
0x15c: {  	v7 =	vld.idx.msk [tilespmem:v1+s19+$0x0], $0xffff;
	s0 =	sadd.s32 s23, s21  }
0x15d: {  	v12 =	vld.idx.msk [tilespmem:v6+s9+$0x0], $0xffff;
	[dreg:$0x11] =	wrdreg s0  }
0x15e: {  	[tilespmem:s11+$0x1180] =	vst v15  }
0x15f: {  	s25 =	rddreg [dreg:$0x13]  }
0x160: {  	s0 =	sor.u32 $0x600, s25  }
0x161: {  	v9 =	vld.idx.msk [tilespmem:v3+s10+$0x0], $0xffff;
	[dreg:$0x10] =	wrdreg s0  }
0x162: {  	s16 =	sadd.s32 $0x20, s16;
	s15 =	simm.s32 $0x40;
	v8 =	vld.idx.msk [tilespmem:v2+s14+$0x0], $0xffff;
	s14 =	smov.u32 s13  }
.LBB2_3:
0x163: {  	v13 =	vld [tilespmem:s16+$0x0];
	[tilespmem:s13+$0xFFFFEB90] =	vst v11;
	s7 =	simm.s32 $0x100  }
0x164: {  	s4 =	simm.s32 $0x230;
	v11 =	vld.idx.msk [tilespmem:v5+s7+$0x0], $0xffff;
	[tilespmem:s12+$0x110] =	vst v10  }
0x165: {  	s2 =	simm.s32 $0x360;
	v10 =	vld.idx.msk [tilespmem:v4+s4+$0x0], $0xffff;
	[tilespmem:s11+$0x1290] =	vst v7  }
0x166: {  	[tilespmem:s13+$0xFFFFEB00] =	vst v12;
	v7 =	vld.idx.msk [tilespmem:v1+s2+$0x0], $0xffff  }
0x167: {  	s23 =	simm.s32 $0xF0;
	v12 =	vld [tilespmem:s16+$0xFFFFFFF0];
	[tilespmem:s12+$0x80] =	vst v9  }
0x168: {  	s0 =	simm.s32 $0x220;
	v9 =	vld.idx.msk [tilespmem:v6+s23+$0x0], $0xffff;
	[tilespmem:s11+$0x1200] =	vst v8  }
0x169: {  	s15 =	sadd.s32 $0x20, s15;
	s5 =	simm.s32 $0x350;
	v8 =	vld.idx.msk [tilespmem:v3+s0+$0x0], $0xffff  }
0x16a: {  	s6 =	simm.s32 $0x110;
	p2 =	slt.u32 s15, $0x60;
	[tilespmem:s13+$0xFFFFF010] =	vst v11;
	v11 =	vld.idx.msk [tilespmem:v2+s5+$0x0], $0xffff  }
0x16b: {  	s3 =	simm.s32 $0x240;
	vm0 =	vgt.s32 v13, $0x0;
	vm1 =	vgt.s32 v13, $0x1;
	v14 =	vld.idx.msk [tilespmem:v5+s6+$0x0], $0xffff;
	[tilespmem:s12+$0x190] =	vst v10  }
0x16c: {  	s1 =	simm.s32 $0x370;
	v15 =	vsel vm1, $0x1, v0;
	v10 =	vsel vm0, $0x1, v0;
	vm0 =	vgt.s32 v13, $0x2;
	v16 =	vld.idx.msk [tilespmem:v4+s3+$0x0], $0xffff;
	[tilespmem:s11+$0x1310] =	vst v7  }
0x16d: {  	v7 =	vadd.s32 v15, v10;
	v10 =	vsel vm0, $0x1, v0;
	vm0 =	vgt.s32 v13, $0x3;
	v15 =	vld.idx.msk [tilespmem:v1+s1+$0x0], $0xffff  }
0x16e: {  	v7 =	vadd.s32 v10, v7;
	v10 =	vsel vm0, $0x1, v0;
	vm0 =	vgt.s32 v13, $0x7;
	[tilespmem:s13+$0xFFFFEB80] =	vst v9  }
0x16f: {  	v7 =	vadd.s32 v10, v7;
	v9 =	vsel vm0, $0x1, v0;
	vm0 =	vgt.s32 v13, $0xF;
	v10 =	vld.idx.msk [tilespmem:v6+s7+$0x0], $0xffff;
	[tilespmem:s12+$0x100] =	vst v8  }
0x170: {  	v7 =	vadd.s32 v9, v7;
	v8 =	vsel vm0, $0x1, v0;
	vm0 =	vgt.s32 v13, $0x1F;
	v9 =	vld.idx.msk [tilespmem:v3+s4+$0x0], $0xffff;
	[tilespmem:s11+$0x1280] =	vst v11  }
0x171: {  	v7 =	vadd.s32 v8, v7;
	v8 =	vsel vm0, $0x1, v0;
	vm0 =	vgt.s32 v13, $0x3F;
	s4 =	simm.s32 $0x120;
	[tilespmem:s13+$0xFFFFF090] =	vst v14;
	v11 =	vld.idx.msk [tilespmem:v2+s2+$0x0], $0xffff  }
0x172: {  	vm1 =	vgt.s32 v12, $0x0;
	v7 =	vadd.s32 v8, v7;
	v8 =	vsel vm0, $0x1, v0;
	s2 =	simm.s32 $0x250;
	v13 =	vld.idx.msk [tilespmem:v5+s4+$0x0], $0xffff;
	[tilespmem:s12+$0x210] =	vst v16  }
0x173: {  	s7 =	simm.s32 $0x380;
	v14 =	vsel vm1, $0x1, v0;
	vm0 =	vgt.s32 v12, $0x1;
	v8 =	vadd.s32 v8, v7;
	v7 =	vld.idx.msk [tilespmem:v4+s2+$0x0], $0xffff;
	[tilespmem:s11+$0x1390] =	vst v15  }
0x174: {  	vm1 =	vgt.s32 v12, $0x3;
	v15 =	vsel vm0, $0x1, v0;
	vm0 =	vgt.s32 v12, $0x2;
	v16 =	vld.idx.msk [tilespmem:v1+s7+$0x0], $0xffff  }
0x175: {  	v17 =	vsel vm1, $0x1, v0;
	v14 =	vadd.s32 v15, v14;
	v15 =	vsel vm0, $0x1, v0;
	[tilespmem:s13+$0xFFFFF000] =	vst v10  }
0x176: {  	vm1 =	vgt.s32 v12, $0xF;
	vm0 =	vgt.s32 v12, $0x7;
	v10 =	vadd.s32 v15, v14;
	v14 =	vld.idx.msk [tilespmem:v6+s6+$0x0], $0xffff;
	[tilespmem:s12+$0x180] =	vst v9  }
0x177: {  	v15 =	vsel vm1, $0x1, v0;
	v9 =	vadd.s32 v17, v10;
	v10 =	vsel vm0, $0x1, v0;
	s6 =	simm.s32 $0x0;
	v17 =	vld.idx.msk [tilespmem:v3+s3+$0x0], $0xffff;
	[tilespmem:s11+$0x1300] =	vst v11  }
0x178: {  	s10 =	simm.s32 $0x130;
	vm1 =	vgt.s32 v12, $0x3F;
	vm0 =	vgt.s32 v12, $0x1F;
	v9 =	vadd.s32 v10, v9;
	v10 =	vld.idx.msk [tilespmem:v8+s6+$0x0], $0xffff;
	[tilespmem:s13+$0xFFFFF110] =	vst v13  }
0x179: {  	v12 =	vsel vm1, $0x1, v0;
	v11 =	vsel vm0, $0x1, v0;
	s3 =	simm.s32 $0x260;
	v9 =	vadd.s32 v15, v9;
	v13 =	vld.idx.msk [tilespmem:v5+s10+$0x0], $0xffff;
	[tilespmem:s12+$0x290] =	vst v7  }
0x17a: {  	s8 =	simm.s32 $0x390;
	v7 =	vadd.s32 v11, v9;
	v9 =	vld.idx.msk [tilespmem:v4+s3+$0x0], $0xffff;
	[tilespmem:s11+$0x1810] =	vst v16  }
0x17b: {  	v7 =	vadd.s32 v12, v7;
	v11 =	vld.idx.msk [tilespmem:v1+s8+$0x0], $0xffff  }
0x17c: {  	[tilespmem:s13+$0xFFFFF080] =	vst v14;
	v12 =	vld.idx.msk [tilespmem:v2+s1+$0x0], $0xffff  }
0x17d: {  	s13 =	sadd.s32 $0x20, s13;
	v14 =	vld.idx.msk [tilespmem:v6+s4+$0x0], $0xffff;
	[tilespmem:s12+$0x200] =	vst v17  }
0x17e: {  	[tilespmem:s13+$0xFFFFE010] =	vst v10;
	v10 =	vld.idx.msk [tilespmem:v3+s2+$0x0], $0xffff  }
0x17f: {  	s9 =	simm.s32 $0x140;
	v15 =	vld.idx.msk [tilespmem:v8+s18+$0x0], $0xffff;
	[tilespmem:s14+$0xFFFFF190] =	vst v13  }
0x180: {  	s4 =	simm.s32 $0x270;
	v13 =	vld.idx.msk [tilespmem:v5+s9+$0x0], $0xffff;
	[tilespmem:s12+$0x310] =	vst v9  }
0x181: {  	s2 =	simm.s32 $0x3A0;
	v9 =	vld.idx.msk [tilespmem:v4+s4+$0x0], $0xffff;
	[tilespmem:s11+$0x1890] =	vst v11  }
0x182: {  	[tilespmem:s11+$0x1380] =	vst v12;
	v11 =	vld.idx.msk [tilespmem:v1+s2+$0x0], $0xffff  }
0x183: {  	v12 =	vld.idx.msk [tilespmem:v7+s6+$0x0], $0xffff;
	[tilespmem:s14+$0xFFFFF100] =	vst v14  }
0x184: {  	v14 =	vld.idx.msk [tilespmem:v6+s10+$0x0], $0xffff;
	[tilespmem:s12+$0x280] =	vst v10  }
0x185: {  	s19 =	simm.s32 $0x20;
	[tilespmem:s13+$0xFFFFE090] =	vst v15;
	v10 =	vld.idx.msk [tilespmem:v3+s3+$0x0], $0xffff  }
0x186: {  	s17 =	simm.s32 $0x150;
	v15 =	vld.idx.msk [tilespmem:v8+s19+$0x0], $0xffff;
	[tilespmem:s14+$0xFFFFF210] =	vst v13  }
0x187: {  	s3 =	simm.s32 $0x280;
	v13 =	vld.idx.msk [tilespmem:v5+s17+$0x0], $0xffff;
	[tilespmem:s12+$0x390] =	vst v9  }
0x188: {  	s1 =	simm.s32 $0x3B0;
	v9 =	vld.idx.msk [tilespmem:v4+s3+$0x0], $0xffff;
	[tilespmem:s11+$0x1910] =	vst v11  }
0x189: {  	[tilespmem:s13+$0xFFFFE000] =	vst v12;
	v11 =	vld.idx.msk [tilespmem:v1+s1+$0x0], $0xffff  }
0x18a: {  	v12 =	vld.idx.msk [tilespmem:v7+s18+$0x0], $0xffff;
	[tilespmem:s14+$0xFFFFF180] =	vst v14  }
0x18b: {  	v14 =	vld.idx.msk [tilespmem:v6+s9+$0x0], $0xffff;
	[tilespmem:s12+$0x300] =	vst v10  }
0x18c: {  	[tilespmem:s13+$0xFFFFE110] =	vst v15;
	v10 =	vld.idx.msk [tilespmem:v3+s4+$0x0], $0xffff  }
0x18d: {  	s10 =	simm.s32 $0x160;
	v15 =	vld.idx.msk [tilespmem:v8+s20+$0x0], $0xffff;
	[tilespmem:s14+$0xFFFFF290] =	vst v13  }
0x18e: {  	s9 =	simm.s32 $0x290;
	v13 =	vld.idx.msk [tilespmem:v5+s10+$0x0], $0xffff;
	[tilespmem:s12+$0x810] =	vst v9  }
0x18f: {  	s6 =	simm.s32 $0x3C0;
	v9 =	vld.idx.msk [tilespmem:v4+s9+$0x0], $0xffff;
	[tilespmem:s11+$0x1990] =	vst v11  }
0x190: {  	[tilespmem:s13+$0xFFFFE080] =	vst v12;
	v11 =	vld.idx.msk [tilespmem:v1+s6+$0x0], $0xffff  }
0x191: {  	v12 =	vld.idx.msk [tilespmem:v7+s19+$0x0], $0xffff;
	[tilespmem:s14+$0xFFFFF200] =	vst v14  }
0x192: {  	v14 =	vld.idx.msk [tilespmem:v6+s17+$0x0], $0xffff;
	[tilespmem:s12+$0x380] =	vst v10  }
0x193: {  	s21 =	simm.s32 $0x40;
	[tilespmem:s13+$0xFFFFE190] =	vst v15;
	v10 =	vld.idx.msk [tilespmem:v3+s3+$0x0], $0xffff  }
0x194: {  	s17 =	simm.s32 $0x170;
	v15 =	vld.idx.msk [tilespmem:v8+s21+$0x0], $0xffff;
	[tilespmem:s14+$0xFFFFF310] =	vst v13  }
0x195: {  	s3 =	simm.s32 $0x2A0;
	v13 =	vld.idx.msk [tilespmem:v5+s17+$0x0], $0xffff;
	[tilespmem:s12+$0x890] =	vst v9  }
0x196: {  	s4 =	simm.s32 $0x3D0;
	v9 =	vld.idx.msk [tilespmem:v4+s3+$0x0], $0xffff;
	[tilespmem:s11+$0x1A10] =	vst v11  }
0x197: {  	[tilespmem:s13+$0xFFFFE100] =	vst v12;
	v11 =	vld.idx.msk [tilespmem:v1+s4+$0x0], $0xffff  }
0x198: {  	v12 =	vld.idx.msk [tilespmem:v7+s20+$0x0], $0xffff;
	[tilespmem:s14+$0xFFFFF280] =	vst v14  }
0x199: {  	v14 =	vld.idx.msk [tilespmem:v6+s10+$0x0], $0xffff;
	[tilespmem:s12+$0x800] =	vst v10  }
0x19a: {  	[tilespmem:s13+$0xFFFFE210] =	vst v15;
	v10 =	vld.idx.msk [tilespmem:v3+s9+$0x0], $0xffff  }
0x19b: {  	s19 =	simm.s32 $0x180;
	v15 =	vld.idx.msk [tilespmem:v8+s22+$0x0], $0xffff;
	[tilespmem:s14+$0xFFFFF390] =	vst v13  }
0x19c: {  	s9 =	simm.s32 $0x2B0;
	v13 =	vld.idx.msk [tilespmem:v5+s19+$0x0], $0xffff;
	[tilespmem:s12+$0x910] =	vst v9  }
0x19d: {  	s10 =	simm.s32 $0x3E0;
	v9 =	vld.idx.msk [tilespmem:v4+s9+$0x0], $0xffff;
	[tilespmem:s11+$0x1A90] =	vst v11  }
0x19e: {  	[tilespmem:s13+$0xFFFFE180] =	vst v12;
	v11 =	vld.idx.msk [tilespmem:v1+s10+$0x0], $0xffff  }
0x19f: {  	v12 =	vld.idx.msk [tilespmem:v7+s21+$0x0], $0xffff;
	[tilespmem:s14+$0xFFFFF300] =	vst v14  }
0x1a0: {  	v14 =	vld.idx.msk [tilespmem:v6+s17+$0x0], $0xffff;
	[tilespmem:s12+$0x880] =	vst v10  }
0x1a1: {  	s25 =	simm.s32 $0x60;
	[tilespmem:s13+$0xFFFFE290] =	vst v15;
	v10 =	vld.idx.msk [tilespmem:v3+s3+$0x0], $0xffff  }
0x1a2: {  	s21 =	simm.s32 $0x190;
	v15 =	vld.idx.msk [tilespmem:v8+s25+$0x0], $0xffff;
	[tilespmem:s14+$0xFFFFF810] =	vst v13  }
0x1a3: {  	s3 =	simm.s32 $0x2C0;
	v13 =	vld.idx.msk [tilespmem:v5+s21+$0x0], $0xffff;
	[tilespmem:s12+$0x990] =	vst v9  }
0x1a4: {  	s17 =	simm.s32 $0x3F0;
	v9 =	vld.idx.msk [tilespmem:v4+s3+$0x0], $0xffff;
	[tilespmem:s11+$0x1B10] =	vst v11  }
0x1a5: {  	[tilespmem:s13+$0xFFFFE200] =	vst v12;
	v11 =	vld.idx.msk [tilespmem:v1+s17+$0x0], $0xffff;
	v1 =	vmov v4;
	v4 =	vmov v5;
	v5 =	vmov v8  }
0x1a6: {  	v8 =	vld.idx.msk [tilespmem:v7+s22+$0x0], $0xffff;
	[tilespmem:s14+$0xFFFFF380] =	vst v14  }
0x1a7: {  	v12 =	vld.idx.msk [tilespmem:v6+s19+$0x0], $0xffff;
	[tilespmem:s12+$0x900] =	vst v10  }
0x1a8: {  	[tilespmem:s13+$0xFFFFE310] =	vst v15;
	v10 =	vld.idx.msk [tilespmem:v3+s9+$0x0], $0xffff  }
0x1a9: {  	[tilespmem:s14+$0xFFFFF890] =	vst v13;
	v13 =	vld.idx.msk [tilespmem:v2+s7+$0x0], $0xffff  }
0x1aa: {  	s19 =	simm.s32 $0x1A0;
	v14 =	vld.idx.msk [tilespmem:v5+s24+$0x0], $0xffff;
	[tilespmem:s12+$0xA10] =	vst v9  }
0x1ab: {  	s9 =	simm.s32 $0x2D0;
	v9 =	vld.idx.msk [tilespmem:v4+s19+$0x0], $0xffff;
	[tilespmem:s11+$0x1B90] =	vst v11  }
0x1ac: {  	[tilespmem:s13+$0xFFFFE280] =	vst v8;
	v8 =	vld.idx.msk [tilespmem:v1+s9+$0x0], $0xffff  }
0x1ad: {  	v11 =	vld.idx.msk [tilespmem:v7+s25+$0x0], $0xffff;
	[tilespmem:s14+$0xFFFFF800] =	vst v12  }
0x1ae: {  	v12 =	vld.idx.msk [tilespmem:v6+s21+$0x0], $0xffff;
	[tilespmem:s12+$0x980] =	vst v10  }
0x1af: {  	v10 =	vld.idx.msk [tilespmem:v3+s3+$0x0], $0xffff;
	[tilespmem:s11+$0x1800] =	vst v13  }
0x1b0: {  	s21 =	simm.s32 $0x80;
	[tilespmem:s13+$0xFFFFE390] =	vst v14;
	v13 =	vld.idx.msk [tilespmem:v2+s8+$0x0], $0xffff  }
0x1b1: {  	s3 =	simm.s32 $0x1B0;
	v14 =	vld.idx.msk [tilespmem:v5+s21+$0x0], $0xffff;
	[tilespmem:s14+$0xFFFFF910] =	vst v9  }
0x1b2: {  	s7 =	simm.s32 $0x2E0;
	v9 =	vld.idx.msk [tilespmem:v4+s3+$0x0], $0xffff;
	[tilespmem:s12+$0xA90] =	vst v8  }
0x1b3: {  	[tilespmem:s13+$0xFFFFE300] =	vst v11;
	v8 =	vld.idx.msk [tilespmem:v1+s7+$0x0], $0xffff  }
0x1b4: {  	v11 =	vld.idx.msk [tilespmem:v7+s24+$0x0], $0xffff;
	[tilespmem:s14+$0xFFFFF880] =	vst v12  }
0x1b5: {  	v12 =	vld.idx.msk [tilespmem:v6+s19+$0x0], $0xffff;
	[tilespmem:s12+$0xA00] =	vst v10  }
0x1b6: {  	v10 =	vld.idx.msk [tilespmem:v3+s9+$0x0], $0xffff;
	[tilespmem:s11+$0x1880] =	vst v13  }
0x1b7: {  	[tilespmem:s13+$0xFFFFE810] =	vst v14;
	v13 =	vld.idx.msk [tilespmem:v2+s2+$0x0], $0xffff  }
0x1b8: {  	s8 =	simm.s32 $0x1C0;
	v14 =	vld.idx.msk [tilespmem:v5+s26+$0x0], $0xffff;
	[tilespmem:s14+$0xFFFFF990] =	vst v9  }
0x1b9: {  	s2 =	simm.s32 $0x2F0;
	v9 =	vld.idx.msk [tilespmem:v4+s8+$0x0], $0xffff;
	[tilespmem:s12+$0xB10] =	vst v8  }
0x1ba: {  	[tilespmem:s13+$0xFFFFE380] =	vst v11;
	v8 =	vld.idx.msk [tilespmem:v1+s2+$0x0], $0xffff  }
0x1bb: {  	v11 =	vld.idx.msk [tilespmem:v7+s21+$0x0], $0xffff;
	[tilespmem:s14+$0xFFFFF900] =	vst v12  }
0x1bc: {  	v12 =	vld.idx.msk [tilespmem:v6+s3+$0x0], $0xffff;
	[tilespmem:s12+$0xA80] =	vst v10  }
0x1bd: {  	v10 =	vld.idx.msk [tilespmem:v3+s7+$0x0], $0xffff;
	[tilespmem:s11+$0x1900] =	vst v13  }
0x1be: {  	[tilespmem:s13+$0xFFFFE890] =	vst v14;
	v13 =	vld.idx.msk [tilespmem:v2+s1+$0x0], $0xffff  }
0x1bf: {  	s3 =	simm.s32 $0x1D0;
	v14 =	vld.idx.msk [tilespmem:v5+s28+$0x0], $0xffff;
	[tilespmem:s14+$0xFFFFFA10] =	vst v9  }
0x1c0: {  	s1 =	simm.s32 $0x300;
	v9 =	vld.idx.msk [tilespmem:v4+s3+$0x0], $0xffff;
	[tilespmem:s12+$0xB90] =	vst v8  }
0x1c1: {  	[tilespmem:s13+$0xFFFFE800] =	vst v11;
	v8 =	vld.idx.msk [tilespmem:v1+s1+$0x0], $0xffff  }
0x1c2: {  	v11 =	vld.idx.msk [tilespmem:v7+s26+$0x0], $0xffff;
	[tilespmem:s14+$0xFFFFF980] =	vst v12  }
0x1c3: {  	v12 =	vld.idx.msk [tilespmem:v6+s8+$0x0], $0xffff;
	[tilespmem:s12+$0xB00] =	vst v10  }
0x1c4: {  	v10 =	vld.idx.msk [tilespmem:v3+s2+$0x0], $0xffff;
	[tilespmem:s11+$0x1980] =	vst v13  }
0x1c5: {  	[tilespmem:s13+$0xFFFFE910] =	vst v14;
	v13 =	vld.idx.msk [tilespmem:v2+s6+$0x0], $0xffff  }
0x1c6: {  	s6 =	simm.s32 $0x1E0;
	v14 =	vld.idx.msk [tilespmem:v5+s29+$0x0], $0xffff;
	[tilespmem:s14+$0xFFFFFA90] =	vst v9  }
0x1c7: {  	s2 =	simm.s32 $0x310;
	v9 =	vld.idx.msk [tilespmem:v4+s6+$0x0], $0xffff;
	[tilespmem:s12+$0x1010] =	vst v8  }
0x1c8: {  	[tilespmem:s13+$0xFFFFE880] =	vst v11;
	v8 =	vld.idx.msk [tilespmem:v1+s2+$0x0], $0xffff  }
0x1c9: {  	v11 =	vld.idx.msk [tilespmem:v7+s28+$0x0], $0xffff;
	[tilespmem:s14+$0xFFFFFA00] =	vst v12  }
0x1ca: {  	v12 =	vld.idx.msk [tilespmem:v6+s3+$0x0], $0xffff;
	[tilespmem:s12+$0xB80] =	vst v10  }
0x1cb: {  	v10 =	vld.idx.msk [tilespmem:v3+s1+$0x0], $0xffff;
	[tilespmem:s11+$0x1A00] =	vst v13  }
0x1cc: {  	[tilespmem:s13+$0xFFFFE990] =	vst v14;
	v13 =	vld.idx.msk [tilespmem:v2+s4+$0x0], $0xffff  }
0x1cd: {  	s3 =	simm.s32 $0x1F0;
	v14 =	vld.idx.msk [tilespmem:v5+s30+$0x0], $0xffff;
	[tilespmem:s14+$0xFFFFFB10] =	vst v9  }
0x1ce: {  	s1 =	simm.s32 $0x320;
	v9 =	vld.idx.msk [tilespmem:v4+s3+$0x0], $0xffff;
	[tilespmem:s12+$0x1090] =	vst v8  }
0x1cf: {  	[tilespmem:s13+$0xFFFFE900] =	vst v11;
	v8 =	vld.idx.msk [tilespmem:v1+s1+$0x0], $0xffff  }
0x1d0: {  	v11 =	vld.idx.msk [tilespmem:v7+s29+$0x0], $0xffff;
	[tilespmem:s14+$0xFFFFFA80] =	vst v12  }
0x1d1: {  	v12 =	vld.idx.msk [tilespmem:v6+s6+$0x0], $0xffff;
	[tilespmem:s12+$0x1000] =	vst v10  }
0x1d2: {  	v10 =	vld.idx.msk [tilespmem:v3+s2+$0x0], $0xffff;
	[tilespmem:s11+$0x1A80] =	vst v13  }
0x1d3: {  	[tilespmem:s13+$0xFFFFEA10] =	vst v14;
	v13 =	vld.idx.msk [tilespmem:v2+s10+$0x0], $0xffff  }
0x1d4: {  	s4 =	simm.s32 $0x200;
	v14 =	vld.idx.msk [tilespmem:v5+s31+$0x0], $0xffff;
	[tilespmem:s14+$0xFFFFFB90] =	vst v9  }
0x1d5: {  	s2 =	simm.s32 $0x330;
	v9 =	vld.idx.msk [tilespmem:v4+s4+$0x0], $0xffff;
	[tilespmem:s12+$0x1110] =	vst v8  }
0x1d6: {  	[tilespmem:s13+$0xFFFFE980] =	vst v11;
	v8 =	vld.idx.msk [tilespmem:v1+s2+$0x0], $0xffff  }
0x1d7: {  	v11 =	vld.idx.msk [tilespmem:v7+s30+$0x0], $0xffff;
	[tilespmem:s14+$0xFFFFFB00] =	vst v12  }
0x1d8: {  	v12 =	vld.idx.msk [tilespmem:v6+s3+$0x0], $0xffff;
	[tilespmem:s12+$0x1080] =	vst v10  }
0x1d9: {  	v10 =	vld.idx.msk [tilespmem:v3+s1+$0x0], $0xffff;
	[tilespmem:s11+$0x1B00] =	vst v13  }
0x1da: {  	s6 =	simm.s32 $0xE0;
	[tilespmem:s13+$0xFFFFEA90] =	vst v14;
	v13 =	vld.idx.msk [tilespmem:v2+s17+$0x0], $0xffff;
	v2 =	vmov v3;
	v3 =	vmov v6;
	v6 =	vmov v7  }
0x1db: {  	s3 =	simm.s32 $0x210;
	v14 =	vld.idx.msk [tilespmem:v5+s6+$0x0], $0xffff;
	[tilespmem:s14+$0x10] =	vst v9  }
0x1dc: {  	s1 =	simm.s32 $0x340;
	v9 =	vld.idx.msk [tilespmem:v4+s3+$0x0], $0xffff;
	[tilespmem:s12+$0x1190] =	vst v8  }
0x1dd: {  	[tilespmem:s13+$0xFFFFEA00] =	vst v11;
	v8 =	vld.idx.msk [tilespmem:v1+s1+$0x0], $0xffff  }
0x1de: {  	v7 =	vld.idx.msk [tilespmem:v7+s31+$0x0], $0xffff;
	[tilespmem:s14+$0xFFFFFB80] =	vst v12  }
0x1df: {  	v15 =	vld.idx.msk [tilespmem:v3+s4+$0x0], $0xffff;
	[tilespmem:s12+$0x1100] =	vst v10  }
0x1e0: {  	v16 =	vld.idx.msk [tilespmem:v2+s2+$0x0], $0xffff;
	[tilespmem:s11+$0x1B80] =	vst v13;
	s11 =	smov.u32 s12;
	s12 =	smov.u32 s14;
	s14 =	smov.u32 s13  }
0x1e1: {  	[tilespmem:s13+$0xFFFFEB10] =	vst v14  }
0x1e2: {  	v11 =	vld.idx.msk [tilespmem:v5+s23+$0x0], $0xffff;
	[tilespmem:s12+$0x90] =	vst v9  }
.Ltmp0:
0x1e3: {  	v10 =	vld.idx.msk [tilespmem:v4+s0+$0x0], $0xffff;
	[tilespmem:s11+$0x1210] =	vst v8;
	(pc) =	sbr.rel @p2 .LBB2_3-.Ltmp0, $4  }
0x1e4: {  	[tilespmem:s13+$0xFFFFEA80] =	vst v7;
	v7 =	vld.idx.msk [tilespmem:v1+s5+$0x0], $0xffff  }
0x1e5: {  	v12 =	vld.idx.msk [tilespmem:v6+s6+$0x0], $0xffff;
	[tilespmem:s12+$0x0] =	vst v15  }
0x1e6: {  	v9 =	vld.idx.msk [tilespmem:v3+s3+$0x0], $0xffff;
	[tilespmem:s11+$0x1180] =	vst v16  }
0x1e7: {  	s16 =	sadd.s32 $0x20, s16;
	v8 =	vld.idx.msk [tilespmem:v2+s1+$0x0], $0xffff  }
0x1e8: {  	_ =	sdelay $0x2  }
0x1e9: {  	s0 =	simm.s32 $0xF0;
	[tilespmem:s13+$0xFFFFEB00] =	vst v12  }
0x1ea: {  	v12 =	vld.idx.msk [tilespmem:v6+s0+$0x0], $0xffff;
	_ =	sdelay $0x2  }
0x1eb: {  	[tilespmem:s13+$0xFFFFEB90] =	vst v11;
	s2 =	simm.s32 $0x100  }
0x1ec: {  	[tilespmem:s12+$0x110] =	vst v10;
	s6 =	simm.s32 $0x230;
	v11 =	vld.idx.msk [tilespmem:v5+s2+$0x0], $0xffff  }
0x1ed: {  	v10 =	vld.idx.msk [tilespmem:v4+s6+$0x0], $0xffff;
	[tilespmem:s13+$0xFFFFEB80] =	vst v12  }
0x1ee: {  	v12 =	vld.idx.msk [tilespmem:v6+s2+$0x0], $0xffff;
	_ =	sdelay $0x2  }
0x1ef: {  	s1 =	simm.s32 $0x110;
	[tilespmem:s13+$0xFFFFF010] =	vst v11  }
0x1f0: {  	s7 =	simm.s32 $0x240;
	[tilespmem:s12+$0x190] =	vst v10;
	v11 =	vld.idx.msk [tilespmem:v5+s1+$0x0], $0xffff  }
0x1f1: {  	v10 =	vld.idx.msk [tilespmem:v4+s7+$0x0], $0xffff;
	[tilespmem:s13+$0xFFFFF000] =	vst v12  }
0x1f2: {  	v12 =	vld.idx.msk [tilespmem:v6+s1+$0x0], $0xffff;
	_ =	sdelay $0x2  }
0x1f3: {  	s8 =	simm.s32 $0x120;
	[tilespmem:s13+$0xFFFFF090] =	vst v11  }
0x1f4: {  	s15 =	simm.s32 $0x250;
	[tilespmem:s12+$0x210] =	vst v10;
	v11 =	vld.idx.msk [tilespmem:v5+s8+$0x0], $0xffff  }
0x1f5: {  	v10 =	vld.idx.msk [tilespmem:v4+s15+$0x0], $0xffff;
	[tilespmem:s13+$0xFFFFF080] =	vst v12  }
0x1f6: {  	v12 =	vld.idx.msk [tilespmem:v6+s8+$0x0], $0xffff;
	_ =	sdelay $0x2  }
0x1f7: {  	s16 =	simm.s32 $0x130;
	[tilespmem:s13+$0xFFFFF110] =	vst v11  }
0x1f8: {  	s17 =	simm.s32 $0x260;
	[tilespmem:s12+$0x290] =	vst v10;
	v11 =	vld.idx.msk [tilespmem:v5+s16+$0x0], $0xffff  }
0x1f9: {  	v10 =	vld.idx.msk [tilespmem:v4+s17+$0x0], $0xffff;
	[tilespmem:s14+$0xFFFFF100] =	vst v12  }
0x1fa: {  	v12 =	vld.idx.msk [tilespmem:v6+s16+$0x0], $0xffff;
	_ =	sdelay $0x2  }
0x1fb: {  	s19 =	simm.s32 $0x140;
	[tilespmem:s14+$0xFFFFF190] =	vst v11  }
0x1fc: {  	s21 =	simm.s32 $0x270;
	[tilespmem:s12+$0x310] =	vst v10;
	v11 =	vld.idx.msk [tilespmem:v5+s19+$0x0], $0xffff  }
0x1fd: {  	v10 =	vld.idx.msk [tilespmem:v4+s21+$0x0], $0xffff;
	[tilespmem:s14+$0xFFFFF180] =	vst v12  }
0x1fe: {  	v12 =	vld.idx.msk [tilespmem:v6+s19+$0x0], $0xffff;
	_ =	sdelay $0x2  }
0x1ff: {  	s23 =	simm.s32 $0x150;
	[tilespmem:s14+$0xFFFFF210] =	vst v11  }
0x200: {  	s25 =	simm.s32 $0x280;
	[tilespmem:s12+$0x390] =	vst v10;
	v11 =	vld.idx.msk [tilespmem:v5+s23+$0x0], $0xffff  }
0x201: {  	v10 =	vld.idx.msk [tilespmem:v4+s25+$0x0], $0xffff;
	[tilespmem:s14+$0xFFFFF200] =	vst v12  }
0x202: {  	v12 =	vld.idx.msk [tilespmem:v6+s23+$0x0], $0xffff;
	_ =	sdelay $0x1  }
0x203: {  	[tilespmem:s12+$0x80] =	vst v9  }
0x204: {  	s15 =	simm.s32 $0x220;
	[tilespmem:s14+$0xFFFFF290] =	vst v11  }
0x205: {  	s1 =	simm.s32 $0x160;
	[tilespmem:s12+$0x810] =	vst v10;
	v10 =	vld.idx.msk [tilespmem:v3+s15+$0x0], $0xffff  }
0x206: {  	s4 =	simm.s32 $0x160;
	v11 =	vld.idx.msk [tilespmem:v5+s1+$0x0], $0xffff;
	[tilespmem:s14+$0xFFFFF280] =	vst v12  }
0x207: {  	v12 =	vld.idx.msk [tilespmem:v6+s4+$0x0], $0xffff;
	_ =	sdelay $0x1  }
0x208: {  	s13 =	simm.s32 $0x290  }
0x209: {  	s6 =	simm.s32 $0x230;
	v9 =	vld.idx.msk [tilespmem:v4+s13+$0x0], $0xffff;
	[tilespmem:s12+$0x100] =	vst v10  }
0x20a: {  	s16 =	simm.s32 $0x170;
	[tilespmem:s14+$0xFFFFF310] =	vst v11;
	v10 =	vld.idx.msk [tilespmem:v3+s6+$0x0], $0xffff  }
0x20b: {  	s17 =	simm.s32 $0x170;
	v11 =	vld.idx.msk [tilespmem:v5+s16+$0x0], $0xffff;
	[tilespmem:s14+$0xFFFFF300] =	vst v12  }
0x20c: {  	v12 =	vld.idx.msk [tilespmem:v6+s17+$0x0], $0xffff;
	_ =	sdelay $0x1  }
0x20d: {  	s19 =	simm.s32 $0x2A0;
	[tilespmem:s12+$0x890] =	vst v9  }
0x20e: {  	s10 =	simm.s32 $0x240;
	v9 =	vld.idx.msk [tilespmem:v4+s19+$0x0], $0xffff;
	[tilespmem:s12+$0x180] =	vst v10  }
0x20f: {  	s21 =	simm.s32 $0x180;
	[tilespmem:s14+$0xFFFFF390] =	vst v11;
	v10 =	vld.idx.msk [tilespmem:v3+s10+$0x0], $0xffff  }
0x210: {  	s23 =	simm.s32 $0x180;
	v11 =	vld.idx.msk [tilespmem:v5+s21+$0x0], $0xffff;
	[tilespmem:s14+$0xFFFFF380] =	vst v12  }
0x211: {  	v12 =	vld.idx.msk [tilespmem:v6+s23+$0x0], $0xffff;
	_ =	sdelay $0x1  }
0x212: {  	s25 =	simm.s32 $0x2B0;
	[tilespmem:s12+$0x910] =	vst v9  }
0x213: {  	s9 =	simm.s32 $0x250;
	v9 =	vld.idx.msk [tilespmem:v4+s25+$0x0], $0xffff;
	[tilespmem:s12+$0x200] =	vst v10  }
0x214: {  	s2 =	simm.s32 $0x190;
	[tilespmem:s14+$0xFFFFF810] =	vst v11;
	v10 =	vld.idx.msk [tilespmem:v3+s9+$0x0], $0xffff  }
0x215: {  	s10 =	simm.s32 $0x190;
	v11 =	vld.idx.msk [tilespmem:v5+s2+$0x0], $0xffff;
	[tilespmem:s14+$0xFFFFF800] =	vst v12  }
0x216: {  	v12 =	vld.idx.msk [tilespmem:v6+s10+$0x0], $0xffff;
	_ =	sdelay $0x1  }
0x217: {  	s13 =	simm.s32 $0x2C0;
	[tilespmem:s12+$0x990] =	vst v9  }
0x218: {  	s7 =	simm.s32 $0x260;
	v9 =	vld.idx.msk [tilespmem:v4+s13+$0x0], $0xffff;
	[tilespmem:s12+$0x280] =	vst v10  }
0x219: {  	s15 =	simm.s32 $0x1A0;
	[tilespmem:s14+$0xFFFFF890] =	vst v11;
	v10 =	vld.idx.msk [tilespmem:v3+s7+$0x0], $0xffff  }
0x21a: {  	s16 =	simm.s32 $0x1A0;
	v11 =	vld.idx.msk [tilespmem:v5+s15+$0x0], $0xffff;
	[tilespmem:s14+$0xFFFFF880] =	vst v12  }
0x21b: {  	v12 =	vld.idx.msk [tilespmem:v6+s16+$0x0], $0xffff;
	_ =	sdelay $0x1  }
0x21c: {  	s17 =	simm.s32 $0x2D0;
	[tilespmem:s12+$0xA10] =	vst v9  }
0x21d: {  	s5 =	simm.s32 $0x270;
	v9 =	vld.idx.msk [tilespmem:v4+s17+$0x0], $0xffff;
	[tilespmem:s12+$0x300] =	vst v10  }
0x21e: {  	s19 =	simm.s32 $0x1B0;
	[tilespmem:s14+$0xFFFFF910] =	vst v11;
	v10 =	vld.idx.msk [tilespmem:v3+s5+$0x0], $0xffff  }
0x21f: {  	s21 =	simm.s32 $0x1B0;
	v11 =	vld.idx.msk [tilespmem:v5+s19+$0x0], $0xffff;
	[tilespmem:s14+$0xFFFFF900] =	vst v12  }
0x220: {  	v12 =	vld.idx.msk [tilespmem:v6+s21+$0x0], $0xffff;
	_ =	sdelay $0x1  }
0x221: {  	s7 =	simm.s32 $0x2E0;
	[tilespmem:s12+$0xA90] =	vst v9  }
0x222: {  	s3 =	simm.s32 $0x280;
	v9 =	vld.idx.msk [tilespmem:v4+s7+$0x0], $0xffff;
	[tilespmem:s12+$0x380] =	vst v10  }
0x223: {  	s23 =	simm.s32 $0x1C0;
	[tilespmem:s14+$0xFFFFF990] =	vst v11;
	v10 =	vld.idx.msk [tilespmem:v3+s3+$0x0], $0xffff  }
0x224: {  	s25 =	simm.s32 $0x1C0;
	v11 =	vld.idx.msk [tilespmem:v5+s23+$0x0], $0xffff;
	[tilespmem:s14+$0xFFFFF980] =	vst v12  }
0x225: {  	v12 =	vld.idx.msk [tilespmem:v6+s25+$0x0], $0xffff;
	_ =	sdelay $0x1  }
0x226: {  	s5 =	simm.s32 $0x2F0;
	[tilespmem:s12+$0xB10] =	vst v9  }
0x227: {  	s8 =	simm.s32 $0x290;
	v9 =	vld.idx.msk [tilespmem:v4+s5+$0x0], $0xffff;
	[tilespmem:s12+$0x800] =	vst v10  }
0x228: {  	s10 =	simm.s32 $0x1D0;
	[tilespmem:s14+$0xFFFFFA10] =	vst v11;
	v10 =	vld.idx.msk [tilespmem:v3+s8+$0x0], $0xffff  }
0x229: {  	s15 =	simm.s32 $0x1D0;
	v11 =	vld.idx.msk [tilespmem:v5+s10+$0x0], $0xffff;
	[tilespmem:s14+$0xFFFFFA00] =	vst v12  }
0x22a: {  	v12 =	vld.idx.msk [tilespmem:v6+s15+$0x0], $0xffff;
	_ =	sdelay $0x1  }
0x22b: {  	s3 =	simm.s32 $0x300;
	[tilespmem:s12+$0xB90] =	vst v9  }
0x22c: {  	s4 =	simm.s32 $0x2A0;
	v9 =	vld.idx.msk [tilespmem:v4+s3+$0x0], $0xffff;
	[tilespmem:s12+$0x880] =	vst v10  }
0x22d: {  	s16 =	simm.s32 $0x1E0;
	[tilespmem:s14+$0xFFFFFA90] =	vst v11;
	v10 =	vld.idx.msk [tilespmem:v3+s4+$0x0], $0xffff  }
0x22e: {  	s17 =	simm.s32 $0x1E0;
	v11 =	vld.idx.msk [tilespmem:v5+s16+$0x0], $0xffff;
	[tilespmem:s14+$0xFFFFFA80] =	vst v12  }
0x22f: {  	v12 =	vld.idx.msk [tilespmem:v6+s17+$0x0], $0xffff;
	_ =	sdelay $0x1  }
0x230: {  	s8 =	simm.s32 $0x310;
	[tilespmem:s12+$0x1010] =	vst v9  }
0x231: {  	s6 =	simm.s32 $0x2B0;
	v9 =	vld.idx.msk [tilespmem:v4+s8+$0x0], $0xffff;
	[tilespmem:s12+$0x900] =	vst v10  }
0x232: {  	s19 =	simm.s32 $0x1F0;
	[tilespmem:s14+$0xFFFFFB10] =	vst v11;
	v10 =	vld.idx.msk [tilespmem:v3+s6+$0x0], $0xffff  }
0x233: {  	s21 =	simm.s32 $0x1F0;
	v11 =	vld.idx.msk [tilespmem:v5+s19+$0x0], $0xffff;
	[tilespmem:s14+$0xFFFFFB00] =	vst v12  }
0x234: {  	v12 =	vld.idx.msk [tilespmem:v6+s21+$0x0], $0xffff;
	_ =	sdelay $0x1  }
0x235: {  	s10 =	simm.s32 $0x320;
	[tilespmem:s12+$0x1090] =	vst v9  }
0x236: {  	s13 =	simm.s32 $0x2C0;
	v9 =	vld.idx.msk [tilespmem:v4+s10+$0x0], $0xffff;
	[tilespmem:s12+$0x980] =	vst v10  }
0x237: {  	s23 =	simm.s32 $0x200;
	[tilespmem:s14+$0xFFFFFB90] =	vst v11;
	v10 =	vld.idx.msk [tilespmem:v3+s13+$0x0], $0xffff  }
0x238: {  	s25 =	simm.s32 $0x200;
	v11 =	vld.idx.msk [tilespmem:v5+s23+$0x0], $0xffff;
	[tilespmem:s14+$0xFFFFFB80] =	vst v12  }
0x239: {  	v12 =	vld.idx.msk [tilespmem:v6+s25+$0x0], $0xffff;
	_ =	sdelay $0x1  }
0x23a: {  	s6 =	simm.s32 $0x330;
	[tilespmem:s12+$0x1110] =	vst v9  }
0x23b: {  	s9 =	simm.s32 $0x2D0;
	v9 =	vld.idx.msk [tilespmem:v4+s6+$0x0], $0xffff;
	[tilespmem:s12+$0xA00] =	vst v10  }
0x23c: {  	s0 =	simm.s32 $0x210;
	[tilespmem:s14+$0x10] =	vst v11;
	v10 =	vld.idx.msk [tilespmem:v3+s9+$0x0], $0xffff  }
0x23d: {  	s4 =	simm.s32 $0x210;
	v11 =	vld.idx.msk [tilespmem:v5+s0+$0x0], $0xffff;
	[tilespmem:s14+$0x0] =	vst v12  }
0x23e: {  	v12 =	vld.idx.msk [tilespmem:v6+s4+$0x0], $0xffff;
	_ =	sdelay $0x1  }
0x23f: {  	s13 =	simm.s32 $0x340;
	[tilespmem:s12+$0x1190] =	vst v9  }
0x240: {  	v9 =	vld.idx.msk [tilespmem:v4+s13+$0x0], $0xffff;
	[tilespmem:s12+$0xA80] =	vst v10  }
0x241: {  	s25 =	simm.s32 $0x220;
	[tilespmem:s14+$0x90] =	vst v11;
	v10 =	vld.idx.msk [tilespmem:v3+s7+$0x0], $0xffff  }
0x242: {  	v11 =	vld.idx.msk [tilespmem:v5+s25+$0x0], $0xffff;
	[tilespmem:s14+$0x80] =	vst v12  }
0x243: {  	[tilespmem:s11+$0x1290] =	vst v7;
	s16 =	simm.s32 $0x360;
	v7 =	vld.idx.msk [tilespmem:v6+s25+$0x0], $0xffff  }
0x244: {  	[tilespmem:s11+$0x1200] =	vst v8;
	s2 =	simm.s32 $0x350;
	v12 =	vld.idx.msk [tilespmem:v1+s16+$0x0], $0xffff  }
0x245: {  	v8 =	vld.idx.msk [tilespmem:v2+s2+$0x0], $0xffff;
	[tilespmem:s12+$0x1210] =	vst v9  }
0x246: {  	v9 =	vld.idx.msk [tilespmem:v4+s2+$0x0], $0xffff;
	[tilespmem:s12+$0xB00] =	vst v10  }
0x247: {  	s17 =	simm.s32 $0x230;
	[tilespmem:s14+$0x110] =	vst v11;
	v10 =	vld.idx.msk [tilespmem:v3+s5+$0x0], $0xffff  }
0x248: {  	v11 =	vld.idx.msk [tilespmem:v5+s17+$0x0], $0xffff;
	[tilespmem:s14+$0x100] =	vst v7  }
0x249: {  	s15 =	simm.s32 $0x370;
	[tilespmem:s11+$0x1310] =	vst v12;
	v7 =	vld.idx.msk [tilespmem:v6+s17+$0x0], $0xffff  }
0x24a: {  	[tilespmem:s11+$0x1280] =	vst v8;
	v12 =	vld.idx.msk [tilespmem:v1+s15+$0x0], $0xffff  }
0x24b: {  	v8 =	vld.idx.msk [tilespmem:v2+s16+$0x0], $0xffff;
	[tilespmem:s12+$0x1290] =	vst v9  }
0x24c: {  	v9 =	vld.idx.msk [tilespmem:v4+s16+$0x0], $0xffff;
	[tilespmem:s12+$0xB80] =	vst v10  }
0x24d: {  	s19 =	simm.s32 $0x240;
	[tilespmem:s14+$0x190] =	vst v11;
	v10 =	vld.idx.msk [tilespmem:v3+s3+$0x0], $0xffff  }
0x24e: {  	v11 =	vld.idx.msk [tilespmem:v5+s19+$0x0], $0xffff;
	[tilespmem:s14+$0x180] =	vst v7  }
0x24f: {  	s7 =	simm.s32 $0x380;
	[tilespmem:s11+$0x1390] =	vst v12;
	v7 =	vld.idx.msk [tilespmem:v6+s19+$0x0], $0xffff  }
0x250: {  	[tilespmem:s11+$0x1300] =	vst v8;
	v12 =	vld.idx.msk [tilespmem:v1+s7+$0x0], $0xffff  }
0x251: {  	v8 =	vld.idx.msk [tilespmem:v2+s15+$0x0], $0xffff;
	[tilespmem:s12+$0x1310] =	vst v9  }
0x252: {  	v9 =	vld.idx.msk [tilespmem:v4+s15+$0x0], $0xffff;
	[tilespmem:s12+$0x1000] =	vst v10  }
0x253: {  	s21 =	simm.s32 $0x250;
	[tilespmem:s14+$0x210] =	vst v11;
	v10 =	vld.idx.msk [tilespmem:v3+s8+$0x0], $0xffff  }
0x254: {  	v11 =	vld.idx.msk [tilespmem:v5+s21+$0x0], $0xffff;
	[tilespmem:s14+$0x200] =	vst v7  }
0x255: {  	s8 =	simm.s32 $0x390;
	[tilespmem:s11+$0x1810] =	vst v12;
	v7 =	vld.idx.msk [tilespmem:v6+s21+$0x0], $0xffff  }
0x256: {  	[tilespmem:s11+$0x1380] =	vst v8;
	v12 =	vld.idx.msk [tilespmem:v1+s8+$0x0], $0xffff  }
0x257: {  	v8 =	vld.idx.msk [tilespmem:v2+s7+$0x0], $0xffff  }
0x258: {  	[tilespmem:s12+$0x1390] =	vst v9  }
0x259: {  	s23 =	simm.s32 $0x260;
	v9 =	vld.idx.msk [tilespmem:v4+s7+$0x0], $0xffff;
	[tilespmem:s14+$0x290] =	vst v11  }
0x25a: {  	v11 =	vld.idx.msk [tilespmem:v5+s23+$0x0], $0xffff;
	[tilespmem:s14+$0x280] =	vst v7  }
0x25b: {  	s2 =	simm.s32 $0x3A0;
	[tilespmem:s11+$0x1890] =	vst v12;
	v7 =	vld.idx.msk [tilespmem:v6+s23+$0x0], $0xffff  }
0x25c: {  	[tilespmem:s11+$0x1800] =	vst v8;
	v12 =	vld.idx.msk [tilespmem:v1+s2+$0x0], $0xffff  }
0x25d: {  	v8 =	vld.idx.msk [tilespmem:v2+s8+$0x0], $0xffff;
	[tilespmem:s12+$0x1080] =	vst v10  }
0x25e: {  	[tilespmem:s12+$0x1810] =	vst v9;
	v10 =	vld.idx.msk [tilespmem:v3+s10+$0x0], $0xffff  }
0x25f: {  	s25 =	simm.s32 $0x270;
	v9 =	vld.idx.msk [tilespmem:v4+s8+$0x0], $0xffff;
	[tilespmem:s14+$0x310] =	vst v11  }
0x260: {  	v11 =	vld.idx.msk [tilespmem:v5+s25+$0x0], $0xffff;
	[tilespmem:s14+$0x300] =	vst v7  }
0x261: {  	s1 =	simm.s32 $0x3B0;
	[tilespmem:s11+$0x1910] =	vst v12;
	v7 =	vld.idx.msk [tilespmem:v6+s25+$0x0], $0xffff  }
0x262: {  	[tilespmem:s11+$0x1880] =	vst v8;
	v12 =	vld.idx.msk [tilespmem:v1+s1+$0x0], $0xffff  }
0x263: {  	v8 =	vld.idx.msk [tilespmem:v2+s2+$0x0], $0xffff;
	[tilespmem:s12+$0x1100] =	vst v10  }
0x264: {  	[tilespmem:s12+$0x1890] =	vst v9;
	v10 =	vld.idx.msk [tilespmem:v3+s6+$0x0], $0xffff  }
0x265: {  	s3 =	simm.s32 $0x280;
	v9 =	vld.idx.msk [tilespmem:v4+s2+$0x0], $0xffff;
	[tilespmem:s14+$0x390] =	vst v11  }
0x266: {  	v11 =	vld.idx.msk [tilespmem:v5+s3+$0x0], $0xffff;
	[tilespmem:s14+$0x380] =	vst v7  }
0x267: {  	s6 =	simm.s32 $0x3C0;
	[tilespmem:s11+$0x1990] =	vst v12;
	v7 =	vld.idx.msk [tilespmem:v6+s3+$0x0], $0xffff  }
0x268: {  	[tilespmem:s11+$0x1900] =	vst v8;
	v12 =	vld.idx.msk [tilespmem:v1+s6+$0x0], $0xffff  }
0x269: {  	v8 =	vld.idx.msk [tilespmem:v2+s1+$0x0], $0xffff;
	[tilespmem:s12+$0x1180] =	vst v10  }
0x26a: {  	[tilespmem:s12+$0x1910] =	vst v9;
	v10 =	vld.idx.msk [tilespmem:v3+s13+$0x0], $0xffff  }
0x26b: {  	s5 =	simm.s32 $0x290;
	v9 =	vld.idx.msk [tilespmem:v4+s1+$0x0], $0xffff;
	[tilespmem:s14+$0x810] =	vst v11  }
0x26c: {  	v11 =	vld.idx.msk [tilespmem:v5+s5+$0x0], $0xffff;
	[tilespmem:s14+$0x800] =	vst v7  }
0x26d: {  	s4 =	simm.s32 $0x3D0;
	[tilespmem:s11+$0x1A10] =	vst v12;
	v7 =	vld.idx.msk [tilespmem:v6+s5+$0x0], $0xffff  }
0x26e: {  	[tilespmem:s11+$0x1980] =	vst v8;
	v12 =	vld.idx.msk [tilespmem:v1+s4+$0x0], $0xffff  }
0x26f: {  	s9 =	simm.s32 $0x350;
	v8 =	vld.idx.msk [tilespmem:v2+s6+$0x0], $0xffff;
	[tilespmem:s12+$0x1200] =	vst v10  }
0x270: {  	[tilespmem:s12+$0x1990] =	vst v9;
	v10 =	vld.idx.msk [tilespmem:v3+s9+$0x0], $0xffff  }
0x271: {  	s9 =	simm.s32 $0x2A0;
	v9 =	vld.idx.msk [tilespmem:v4+s6+$0x0], $0xffff;
	[tilespmem:s14+$0x890] =	vst v11  }
0x272: {  	v11 =	vld.idx.msk [tilespmem:v5+s9+$0x0], $0xffff;
	[tilespmem:s14+$0x880] =	vst v7  }
0x273: {  	s13 =	simm.s32 $0x3E0;
	[tilespmem:s11+$0x1A90] =	vst v12;
	v7 =	vld.idx.msk [tilespmem:v6+s9+$0x0], $0xffff  }
0x274: {  	[tilespmem:s11+$0x1A00] =	vst v8;
	v12 =	vld.idx.msk [tilespmem:v1+s13+$0x0], $0xffff  }
0x275: {  	v8 =	vld.idx.msk [tilespmem:v2+s4+$0x0], $0xffff;
	[tilespmem:s12+$0x1280] =	vst v10  }
0x276: {  	[tilespmem:s12+$0x1A10] =	vst v9;
	v10 =	vld.idx.msk [tilespmem:v3+s16+$0x0], $0xffff  }
0x277: {  	s10 =	simm.s32 $0x2B0;
	v9 =	vld.idx.msk [tilespmem:v4+s4+$0x0], $0xffff;
	[tilespmem:s14+$0x910] =	vst v11  }
0x278: {  	v11 =	vld.idx.msk [tilespmem:v5+s10+$0x0], $0xffff;
	[tilespmem:s14+$0x900] =	vst v7  }
0x279: {  	s5 =	simm.s32 $0x3F0;
	[tilespmem:s11+$0x1B10] =	vst v12;
	v7 =	vld.idx.msk [tilespmem:v6+s10+$0x0], $0xffff  }
0x27a: {  	[tilespmem:s11+$0x1A80] =	vst v8;
	v1 =	vld.idx.msk [tilespmem:v1+s5+$0x0], $0xffff  }
0x27b: {  	v8 =	vld.idx.msk [tilespmem:v2+s13+$0x0], $0xffff;
	[tilespmem:s12+$0x1300] =	vst v10  }
0x27c: {  	[tilespmem:s12+$0x1A90] =	vst v9;
	v10 =	vld.idx.msk [tilespmem:v3+s15+$0x0], $0xffff  }
0x27d: {  	s25 =	simm.s32 $0x2C0;
	v9 =	vld.idx.msk [tilespmem:v4+s13+$0x0], $0xffff;
	[tilespmem:s14+$0x990] =	vst v11  }
0x27e: {  	v11 =	vld.idx.msk [tilespmem:v5+s25+$0x0], $0xffff;
	[tilespmem:s14+$0x980] =	vst v7  }
0x27f: {  	[tilespmem:s11+$0x1B90] =	vst v1;
	v1 =	vld.idx.msk [tilespmem:v6+s25+$0x0], $0xffff  }
0x280: {  	[tilespmem:s11+$0x1B00] =	vst v8  }
0x281: {  	v2 =	vld.idx.msk [tilespmem:v2+s5+$0x0], $0xffff;
	[tilespmem:s12+$0x1380] =	vst v10  }
0x282: {  	[tilespmem:s12+$0x1B10] =	vst v9;
	v8 =	vld.idx.msk [tilespmem:v3+s7+$0x0], $0xffff  }
0x283: {  	s9 =	simm.s32 $0x2D0;
	v4 =	vld.idx.msk [tilespmem:v4+s5+$0x0], $0xffff;
	[tilespmem:s14+$0xA10] =	vst v11  }
0x284: {  	v9 =	vld.idx.msk [tilespmem:v5+s9+$0x0], $0xffff;
	[tilespmem:s14+$0xA00] =	vst v1  }
0x285: {  	v1 =	vld.idx.msk [tilespmem:v6+s9+$0x0], $0xffff  }
0x286: {  	[tilespmem:s11+$0x1B80] =	vst v2  }
0x287: {  	[tilespmem:s12+$0x1800] =	vst v8  }
0x288: {  	[tilespmem:s12+$0x1B90] =	vst v4  }
0x289: {  	v2 =	vld.idx.msk [tilespmem:v3+s8+$0x0], $0xffff;
	s11 =	simm.s32 $0x2E0;
	[tilespmem:s14+$0xA90] =	vst v9  }
0x28a: {  	v4 =	vld.idx.msk [tilespmem:v5+s11+$0x0], $0xffff;
	[tilespmem:s14+$0xA80] =	vst v1  }
0x28b: {  	v1 =	vld.idx.msk [tilespmem:v6+s11+$0x0], $0xffff;
	_ =	sdelay $0x3  }
0x28c: {  	s17 =	simm.s32 $0x2F0;
	[tilespmem:s14+$0xB10] =	vst v4  }
0x28d: {  	v4 =	vld.idx.msk [tilespmem:v5+s17+$0x0], $0xffff;
	[tilespmem:s14+$0xB00] =	vst v1  }
0x28e: {  	v1 =	vld.idx.msk [tilespmem:v6+s17+$0x0], $0xffff;
	_ =	sdelay $0x3  }
0x28f: {  	s19 =	simm.s32 $0x300;
	[tilespmem:s14+$0xB90] =	vst v4  }
0x290: {  	v4 =	vld.idx.msk [tilespmem:v5+s19+$0x0], $0xffff;
	[tilespmem:s14+$0xB80] =	vst v1  }
0x291: {  	v1 =	vld.idx.msk [tilespmem:v6+s19+$0x0], $0xffff;
	_ =	sdelay $0x3  }
0x292: {  	s21 =	simm.s32 $0x310;
	[tilespmem:s14+$0x1010] =	vst v4  }
0x293: {  	v4 =	vld.idx.msk [tilespmem:v5+s21+$0x0], $0xffff;
	[tilespmem:s14+$0x1000] =	vst v1  }
0x294: {  	v1 =	vld.idx.msk [tilespmem:v6+s21+$0x0], $0xffff;
	_ =	sdelay $0x3  }
0x295: {  	s23 =	simm.s32 $0x320;
	[tilespmem:s14+$0x1090] =	vst v4  }
0x296: {  	v4 =	vld.idx.msk [tilespmem:v5+s23+$0x0], $0xffff;
	[tilespmem:s14+$0x1080] =	vst v1  }
0x297: {  	v1 =	vld.idx.msk [tilespmem:v6+s23+$0x0], $0xffff;
	_ =	sdelay $0x3  }
0x298: {  	s25 =	simm.s32 $0x330;
	[tilespmem:s14+$0x1110] =	vst v4  }
0x299: {  	v4 =	vld.idx.msk [tilespmem:v5+s25+$0x0], $0xffff;
	[tilespmem:s14+$0x1100] =	vst v1  }
0x29a: {  	v1 =	vld.idx.msk [tilespmem:v6+s25+$0x0], $0xffff;
	_ =	sdelay $0x3  }
0x29b: {  	s0 =	simm.s32 $0x340;
	[tilespmem:s14+$0x1190] =	vst v4  }
0x29c: {  	v4 =	vld.idx.msk [tilespmem:v5+s0+$0x0], $0xffff;
	[tilespmem:s14+$0x1180] =	vst v1  }
0x29d: {  	v1 =	vld.idx.msk [tilespmem:v6+s0+$0x0], $0xffff;
	_ =	sdelay $0x3  }
0x29e: {  	s3 =	simm.s32 $0x350;
	[tilespmem:s14+$0x1210] =	vst v4  }
0x29f: {  	v4 =	vld.idx.msk [tilespmem:v5+s3+$0x0], $0xffff;
	[tilespmem:s14+$0x1200] =	vst v1  }
0x2a0: {  	v1 =	vld.idx.msk [tilespmem:v6+s3+$0x0], $0xffff;
	_ =	sdelay $0x3  }
0x2a1: {  	[tilespmem:s14+$0x1290] =	vst v4  }
0x2a2: {  	v4 =	vld.idx.msk [tilespmem:v5+s16+$0x0], $0xffff;
	[tilespmem:s14+$0x1280] =	vst v1  }
0x2a3: {  	v1 =	vld.idx.msk [tilespmem:v6+s16+$0x0], $0xffff;
	_ =	sdelay $0x3  }
0x2a4: {  	[tilespmem:s14+$0x1310] =	vst v4  }
0x2a5: {  	v4 =	vld.idx.msk [tilespmem:v5+s15+$0x0], $0xffff;
	[tilespmem:s14+$0x1300] =	vst v1  }
0x2a6: {  	v1 =	vld.idx.msk [tilespmem:v6+s15+$0x0], $0xffff;
	_ =	sdelay $0x3  }
0x2a7: {  	[tilespmem:s14+$0x1390] =	vst v4  }
0x2a8: {  	v4 =	vld.idx.msk [tilespmem:v5+s7+$0x0], $0xffff;
	[tilespmem:s14+$0x1380] =	vst v1  }
0x2a9: {  	v1 =	vld.idx.msk [tilespmem:v6+s7+$0x0], $0xffff;
	_ =	sdelay $0x3  }
0x2aa: {  	[tilespmem:s14+$0x1810] =	vst v4  }
0x2ab: {  	v4 =	vld.idx.msk [tilespmem:v5+s8+$0x0], $0xffff;
	[tilespmem:s14+$0x1800] =	vst v1  }
0x2ac: {  	v1 =	vld.idx.msk [tilespmem:v6+s8+$0x0], $0xffff;
	_ =	sdelay $0x2  }
0x2ad: {  	[tilespmem:s12+$0x1880] =	vst v2  }
0x2ae: {  	v2 =	vld.idx.msk [tilespmem:v3+s2+$0x0], $0xffff;
	[tilespmem:s14+$0x1890] =	vst v4  }
0x2af: {  	v4 =	vld.idx.msk [tilespmem:v5+s2+$0x0], $0xffff;
	[tilespmem:s14+$0x1880] =	vst v1  }
0x2b0: {  	v1 =	vld.idx.msk [tilespmem:v6+s2+$0x0], $0xffff;
	_ =	sdelay $0x2  }
0x2b1: {  	[tilespmem:s12+$0x1900] =	vst v2  }
0x2b2: {  	v2 =	vld.idx.msk [tilespmem:v3+s1+$0x0], $0xffff;
	[tilespmem:s14+$0x1910] =	vst v4  }
0x2b3: {  	v4 =	vld.idx.msk [tilespmem:v5+s1+$0x0], $0xffff;
	[tilespmem:s14+$0x1900] =	vst v1  }
0x2b4: {  	v1 =	vld.idx.msk [tilespmem:v6+s1+$0x0], $0xffff;
	_ =	sdelay $0x2  }
0x2b5: {  	[tilespmem:s12+$0x1980] =	vst v2  }
0x2b6: {  	v2 =	vld.idx.msk [tilespmem:v3+s6+$0x0], $0xffff;
	[tilespmem:s14+$0x1990] =	vst v4  }
0x2b7: {  	v4 =	vld.idx.msk [tilespmem:v5+s6+$0x0], $0xffff;
	[tilespmem:s14+$0x1980] =	vst v1  }
0x2b8: {  	v1 =	vld.idx.msk [tilespmem:v6+s6+$0x0], $0xffff;
	_ =	sdelay $0x2  }
0x2b9: {  	[tilespmem:s12+$0x1A00] =	vst v2  }
0x2ba: {  	v2 =	vld.idx.msk [tilespmem:v3+s4+$0x0], $0xffff;
	[tilespmem:s14+$0x1A10] =	vst v4  }
0x2bb: {  	v4 =	vld.idx.msk [tilespmem:v5+s4+$0x0], $0xffff;
	[tilespmem:s14+$0x1A00] =	vst v1  }
0x2bc: {  	v1 =	vld.idx.msk [tilespmem:v6+s4+$0x0], $0xffff;
	_ =	sdelay $0x2  }
0x2bd: {  	[tilespmem:s12+$0x1A80] =	vst v2  }
0x2be: {  	v2 =	vld.idx.msk [tilespmem:v3+s13+$0x0], $0xffff;
	[tilespmem:s14+$0x1A90] =	vst v4  }
0x2bf: {  	v4 =	vld.idx.msk [tilespmem:v5+s13+$0x0], $0xffff;
	[tilespmem:s14+$0x1A80] =	vst v1  }
0x2c0: {  	v1 =	vld.idx.msk [tilespmem:v6+s13+$0x0], $0xffff;
	_ =	sdelay $0x2  }
0x2c1: {  	[tilespmem:s12+$0x1B00] =	vst v2  }
0x2c2: {  	v2 =	vld.idx.msk [tilespmem:v3+s5+$0x0], $0xffff;
	[tilespmem:s14+$0x1B10] =	vst v4  }
0x2c3: {  	v3 =	vld.idx.msk [tilespmem:v5+s5+$0x0], $0xffff;
	[tilespmem:s14+$0x1B00] =	vst v1  }
0x2c4: {  	v1 =	vld.idx.msk [tilespmem:v6+s5+$0x0], $0xffff;
	_ =	sdelay $0x2  }
0x2c5: {  	[tilespmem:s12+$0x1B80] =	vst v2  }
0x2c6: {  	[tilespmem:s14+$0x1B90] =	vst v3  }
0x2c7: {  	[tilespmem:s14+$0x1B80] =	vst v1  }
0x2c8: {  	s4 =	rddreg [dreg:$0x12]  }
0x2c9: {  	s5 =	sadd.s32 $0x490, s4  }
0x2ca: {  	v1 =	vld [tilespmem:s5+$0x0];
	_ =	sdelay $0x4  }
0x2cb: {  	vm0 =	vgt.s32 v1, $0x0;
	vm1 =	vgt.s32 v1, $0x1  }
0x2cc: {  	vm6 =	vgt.s32 v1, $0x2;
	v2 =	vsel vm0, $0x1, v0;
	v3 =	vsel vm1, $0x1, v0  }
0x2cd: {  	vm7 =	vgt.s32 v1, $0x3;
	v2 =	vadd.s32 v3, v2;
	v3 =	vsel vm6, $0x1, v0  }
0x2ce: {  	vm8 =	vgt.s32 v1, $0x7;
	v2 =	vadd.s32 v3, v2;
	v3 =	vsel vm7, $0x1, v0  }
0x2cf: {  	v4 =	vld [tilespmem:s5+$0xFFFFFFF0];
	vm9 =	vgt.s32 v1, $0xF;
	v2 =	vadd.s32 v3, v2;
	v3 =	vsel vm8, $0x1, v0  }
0x2d0: {  	vm10 =	vgt.s32 v1, $0x1F;
	v2 =	vadd.s32 v3, v2;
	v3 =	vsel vm9, $0x1, v0  }
0x2d1: {  	vm11 =	vgt.s32 v1, $0x3F;
	v2 =	vadd.s32 v3, v2;
	v3 =	vsel vm10, $0x1, v0  }
0x2d2: {  	v1 =	vadd.s32 v3, v2;
	v2 =	vsel vm11, $0x1, v0  }
0x2d3: {  	v1 =	vadd.s32 v2, v1  }
0x2d4: {  	vm12 =	vgt.s32 v4, $0x0;
	vm13 =	vgt.s32 v4, $0x1  }
0x2d5: {  	vm14 =	vgt.s32 v4, $0x2;
	v3 =	vsel vm13, $0x1, v0;
	v2 =	vsel vm12, $0x1, v0  }
0x2d6: {  	vm15 =	vgt.s32 v4, $0x3;
	v2 =	vadd.s32 v3, v2;
	v3 =	vsel vm14, $0x1, v0  }
0x2d7: {  	s4 =	simm.s32 $0x0;
	vm4 =	vgt.s32 v4, $0x7;
	v5 =	vsel vm15, $0x1, v0;
	v2 =	vadd.s32 v3, v2  }
0x2d8: {  	vm5 =	vgt.s32 v4, $0xF;
	v3 =	vsel vm4, $0x1, v0;
	v2 =	vadd.s32 v5, v2;
	v5 =	vld.idx.msk [tilespmem:v1+s4+$0x0], $0xffff  }
0x2d9: {  	v6 =	vsel vm5, $0x1, v0;
	vm6 =	vgt.s32 v4, $0x1F;
	v2 =	vadd.s32 v3, v2  }
0x2da: {  	vm7 =	vgt.s32 v4, $0x3F;
	v3 =	vsel vm6, $0x1, v0;
	v2 =	vadd.s32 v6, v2  }
0x2db: {  	s9 =	rddreg [dreg:$0x13];
	v4 =	vsel vm7, $0x1, v0;
	v2 =	vadd.s32 v3, v2  }
0x2dc: {  	s11 =	sadd.s32 $0x2A00, s9;
	v2 =	vadd.s32 v4, v2  }
0x2dd: {  	[tilespmem:s11+$0xFFFFE010] =	vst v5  }
0x2de: {  	v3 =	vld.idx.msk [tilespmem:v1+s18+$0x0], $0xffff;
	_ =	sdelay $0x2  }
0x2df: {  	v4 =	vld.idx.msk [tilespmem:v2+s4+$0x0], $0xffff;
	_ =	sdelay $0x1  }
0x2e0: {  	s8 =	simm.s32 $0x20;
	[tilespmem:s11+$0xFFFFE090] =	vst v3  }
0x2e1: {  	v3 =	vld.idx.msk [tilespmem:v1+s8+$0x0], $0xffff;
	_ =	sdelay $0x1  }
0x2e2: {  	[tilespmem:s11+$0xFFFFE000] =	vst v4  }
0x2e3: {  	v4 =	vld.idx.msk [tilespmem:v2+s18+$0x0], $0xffff;
	_ =	sdelay $0x1  }
0x2e4: {  	[tilespmem:s11+$0xFFFFE110] =	vst v3  }
0x2e5: {  	v3 =	vld.idx.msk [tilespmem:v1+s20+$0x0], $0xffff;
	_ =	sdelay $0x1  }
0x2e6: {  	[tilespmem:s11+$0xFFFFE080] =	vst v4  }
0x2e7: {  	v4 =	vld.idx.msk [tilespmem:v2+s8+$0x0], $0xffff;
	_ =	sdelay $0x1  }
0x2e8: {  	s7 =	simm.s32 $0x40;
	[tilespmem:s11+$0xFFFFE190] =	vst v3  }
0x2e9: {  	v3 =	vld.idx.msk [tilespmem:v1+s7+$0x0], $0xffff;
	_ =	sdelay $0x1  }
0x2ea: {  	[tilespmem:s11+$0xFFFFE100] =	vst v4  }
0x2eb: {  	v4 =	vld.idx.msk [tilespmem:v2+s20+$0x0], $0xffff;
	_ =	sdelay $0x1  }
0x2ec: {  	[tilespmem:s11+$0xFFFFE210] =	vst v3  }
0x2ed: {  	v3 =	vld.idx.msk [tilespmem:v1+s22+$0x0], $0xffff;
	_ =	sdelay $0x1  }
0x2ee: {  	[tilespmem:s11+$0xFFFFE180] =	vst v4  }
0x2ef: {  	v4 =	vld.idx.msk [tilespmem:v2+s7+$0x0], $0xffff;
	_ =	sdelay $0x1  }
0x2f0: {  	s2 =	simm.s32 $0x60;
	[tilespmem:s11+$0xFFFFE290] =	vst v3  }
0x2f1: {  	v3 =	vld.idx.msk [tilespmem:v1+s2+$0x0], $0xffff;
	_ =	sdelay $0x1  }
0x2f2: {  	[tilespmem:s11+$0xFFFFE200] =	vst v4  }
0x2f3: {  	v4 =	vld.idx.msk [tilespmem:v2+s22+$0x0], $0xffff;
	_ =	sdelay $0x1  }
0x2f4: {  	[tilespmem:s11+$0xFFFFE310] =	vst v3  }
0x2f5: {  	v3 =	vld.idx.msk [tilespmem:v1+s24+$0x0], $0xffff;
	_ =	sdelay $0x1  }
0x2f6: {  	[tilespmem:s11+$0xFFFFE280] =	vst v4  }
0x2f7: {  	v4 =	vld.idx.msk [tilespmem:v2+s2+$0x0], $0xffff;
	_ =	sdelay $0x1  }
0x2f8: {  	s6 =	simm.s32 $0x80;
	[tilespmem:s11+$0xFFFFE390] =	vst v3  }
0x2f9: {  	v3 =	vld.idx.msk [tilespmem:v1+s6+$0x0], $0xffff;
	_ =	sdelay $0x1  }
0x2fa: {  	[tilespmem:s11+$0xFFFFE300] =	vst v4  }
0x2fb: {  	v4 =	vld.idx.msk [tilespmem:v2+s24+$0x0], $0xffff;
	_ =	sdelay $0x1  }
0x2fc: {  	[tilespmem:s11+$0xFFFFE810] =	vst v3  }
0x2fd: {  	v3 =	vld.idx.msk [tilespmem:v1+s26+$0x0], $0xffff;
	_ =	sdelay $0x1  }
0x2fe: {  	[tilespmem:s11+$0xFFFFE380] =	vst v4  }
0x2ff: {  	v4 =	vld.idx.msk [tilespmem:v2+s6+$0x0], $0xffff;
	_ =	sdelay $0x1  }
0x300: {  	[tilespmem:s11+$0xFFFFE890] =	vst v3  }
0x301: {  	v3 =	vld.idx.msk [tilespmem:v1+s28+$0x0], $0xffff;
	_ =	sdelay $0x1  }
0x302: {  	[tilespmem:s11+$0xFFFFE800] =	vst v4  }
0x303: {  	v4 =	vld.idx.msk [tilespmem:v2+s26+$0x0], $0xffff;
	_ =	sdelay $0x1  }
0x304: {  	[tilespmem:s11+$0xFFFFE910] =	vst v3  }
0x305: {  	v3 =	vld.idx.msk [tilespmem:v1+s29+$0x0], $0xffff;
	_ =	sdelay $0x1  }
0x306: {  	[tilespmem:s11+$0xFFFFE880] =	vst v4  }
0x307: {  	v4 =	vld.idx.msk [tilespmem:v2+s28+$0x0], $0xffff;
	_ =	sdelay $0x1  }
0x308: {  	[tilespmem:s11+$0xFFFFE990] =	vst v3  }
0x309: {  	v3 =	vld.idx.msk [tilespmem:v1+s30+$0x0], $0xffff;
	_ =	sdelay $0x1  }
0x30a: {  	[tilespmem:s11+$0xFFFFE900] =	vst v4  }
0x30b: {  	v4 =	vld.idx.msk [tilespmem:v2+s29+$0x0], $0xffff;
	_ =	sdelay $0x1  }
0x30c: {  	[tilespmem:s11+$0xFFFFEA10] =	vst v3  }
0x30d: {  	v3 =	vld.idx.msk [tilespmem:v1+s31+$0x0], $0xffff;
	_ =	sdelay $0x1  }
0x30e: {  	[tilespmem:s11+$0xFFFFE980] =	vst v4  }
0x30f: {  	v4 =	vld.idx.msk [tilespmem:v2+s30+$0x0], $0xffff;
	_ =	sdelay $0x1  }
0x310: {  	s15 =	simm.s32 $0xE0;
	[tilespmem:s11+$0xFFFFEA90] =	vst v3  }
0x311: {  	v3 =	vld.idx.msk [tilespmem:v1+s15+$0x0], $0xffff;
	_ =	sdelay $0x1  }
0x312: {  	[tilespmem:s11+$0xFFFFEA00] =	vst v4  }
0x313: {  	v4 =	vld.idx.msk [tilespmem:v2+s31+$0x0], $0xffff;
	_ =	sdelay $0x1  }
0x314: {  	s10 =	simm.s32 $0xF0;
	[tilespmem:s11+$0xFFFFEB10] =	vst v3  }
0x315: {  	v3 =	vld.idx.msk [tilespmem:v1+s10+$0x0], $0xffff;
	_ =	sdelay $0x1  }
0x316: {  	[tilespmem:s11+$0xFFFFEA80] =	vst v4  }
0x317: {  	v4 =	vld.idx.msk [tilespmem:v2+s15+$0x0], $0xffff  }
0x318: {  	s13 =	sadd.s32 $0x20, s5  }
0x319: {  	s14 =	simm.s32 $0x100;
	v5 =	vld [tilespmem:s13+$0x0];
	[tilespmem:s11+$0xFFFFEB90] =	vst v3  }
0x31a: {  	v3 =	vld.idx.msk [tilespmem:v1+s14+$0x0], $0xffff;
	_ =	sdelay $0x1  }
0x31b: {  	[tilespmem:s11+$0xFFFFEB00] =	vst v4  }
0x31c: {  	v4 =	vld.idx.msk [tilespmem:v2+s10+$0x0], $0xffff  }
0x31d: {  	vm8 =	vgt.s32 v5, $0x0;
	vm9 =	vgt.s32 v5, $0x1  }
0x31e: {  	s16 =	simm.s32 $0x110;
	vm10 =	vgt.s32 v5, $0x2;
	v6 =	vsel vm9, $0x1, v0;
	[tilespmem:s11+$0xFFFFF010] =	vst v3;
	v3 =	vsel vm8, $0x1, v0  }
0x31f: {  	vm11 =	vgt.s32 v5, $0x3;
	v7 =	vld.idx.msk [tilespmem:v1+s16+$0x0], $0xffff;
	v3 =	vadd.s32 v6, v3;
	v6 =	vsel vm10, $0x1, v0  }
0x320: {  	vm12 =	vgt.s32 v5, $0x7;
	v3 =	vadd.s32 v6, v3;
	v6 =	vsel vm11, $0x1, v0  }
0x321: {  	v8 =	vld [tilespmem:s13+$0xFFFFFFF0];
	vm13 =	vgt.s32 v5, $0xF;
	[tilespmem:s11+$0xFFFFEB80] =	vst v4;
	v4 =	vsel vm12, $0x1, v0;
	v3 =	vadd.s32 v6, v3  }
0x322: {  	vm14 =	vgt.s32 v5, $0x1F;
	v6 =	vld.idx.msk [tilespmem:v2+s14+$0x0], $0xffff;
	v3 =	vadd.s32 v4, v3;
	v4 =	vsel vm13, $0x1, v0  }
0x323: {  	vm15 =	vgt.s32 v5, $0x3F;
	v3 =	vadd.s32 v4, v3;
	v4 =	vsel vm14, $0x1, v0  }
0x324: {  	s17 =	simm.s32 $0x120;
	[tilespmem:s11+$0xFFFFF090] =	vst v7;
	v3 =	vadd.s32 v4, v3;
	v4 =	vsel vm15, $0x1, v0  }
0x325: {  	v5 =	vld.idx.msk [tilespmem:v1+s17+$0x0], $0xffff;
	v3 =	vadd.s32 v4, v3  }
0x326: {  	vm5 =	vgt.s32 v8, $0x1;
	vm4 =	vgt.s32 v8, $0x0  }
0x327: {  	vm6 =	vgt.s32 v8, $0x2;
	v7 =	vsel vm5, $0x1, v0;
	v4 =	vsel vm4, $0x1, v0;
	[tilespmem:s11+$0xFFFFF000] =	vst v6  }
0x328: {  	vm7 =	vgt.s32 v8, $0x3;
	v4 =	vadd.s32 v7, v4;
	v6 =	vsel vm6, $0x1, v0;
	v7 =	vld.idx.msk [tilespmem:v2+s16+$0x0], $0xffff  }
0x329: {  	v9 =	vsel vm7, $0x1, v0;
	vm8 =	vgt.s32 v8, $0x7;
	v4 =	vadd.s32 v6, v4  }
0x32a: {  	s19 =	simm.s32 $0x130;
	vm9 =	vgt.s32 v8, $0xF;
	v6 =	vsel vm8, $0x1, v0;
	v4 =	vadd.s32 v9, v4;
	v9 =	vld.idx.msk [tilespmem:v3+s4+$0x0], $0xffff;
	[tilespmem:s11+$0xFFFFF110] =	vst v5  }
0x32b: {  	vm10 =	vgt.s32 v8, $0x1F;
	v4 =	vadd.s32 v6, v4;
	v5 =	vsel vm9, $0x1, v0;
	v6 =	vld.idx.msk [tilespmem:v1+s19+$0x0], $0xffff  }
0x32c: {  	vm11 =	vgt.s32 v8, $0x3F;
	v4 =	vadd.s32 v5, v4;
	v5 =	vsel vm10, $0x1, v0  }
0x32d: {  	v8 =	vsel vm11, $0x1, v0;
	v4 =	vadd.s32 v5, v4;
	[tilespmem:s11+$0xFFFFF080] =	vst v7  }
0x32e: {  	s12 =	sadd.s32 $0x20, s11;
	v4 =	vadd.s32 v8, v4;
	v5 =	vld.idx.msk [tilespmem:v2+s17+$0x0], $0xffff  }
0x32f: {  	[tilespmem:s12+$0xFFFFE010] =	vst v9  }
0x330: {  	s21 =	simm.s32 $0x140;
	v7 =	vld.idx.msk [tilespmem:v3+s18+$0x0], $0xffff;
	[tilespmem:s11+$0xFFFFF190] =	vst v6  }
0x331: {  	v6 =	vld.idx.msk [tilespmem:v1+s21+$0x0], $0xffff;
	_ =	sdelay $0x1  }
0x332: {  	v8 =	vld.idx.msk [tilespmem:v4+s4+$0x0], $0xffff;
	[tilespmem:s11+$0xFFFFF100] =	vst v5  }
0x333: {  	v5 =	vld.idx.msk [tilespmem:v2+s19+$0x0], $0xffff  }
0x334: {  	[tilespmem:s12+$0xFFFFE090] =	vst v7  }
0x335: {  	s23 =	simm.s32 $0x150;
	v7 =	vld.idx.msk [tilespmem:v3+s8+$0x0], $0xffff;
	[tilespmem:s11+$0xFFFFF210] =	vst v6  }
0x336: {  	v6 =	vld.idx.msk [tilespmem:v1+s23+$0x0], $0xffff  }
0x337: {  	[tilespmem:s12+$0xFFFFE000] =	vst v8  }
0x338: {  	v8 =	vld.idx.msk [tilespmem:v4+s18+$0x0], $0xffff;
	[tilespmem:s11+$0xFFFFF180] =	vst v5  }
0x339: {  	v5 =	vld.idx.msk [tilespmem:v2+s21+$0x0], $0xffff  }
0x33a: {  	[tilespmem:s12+$0xFFFFE110] =	vst v7  }
0x33b: {  	s25 =	simm.s32 $0x160;
	v7 =	vld.idx.msk [tilespmem:v3+s20+$0x0], $0xffff;
	[tilespmem:s11+$0xFFFFF290] =	vst v6  }
0x33c: {  	v6 =	vld.idx.msk [tilespmem:v1+s25+$0x0], $0xffff  }
0x33d: {  	[tilespmem:s12+$0xFFFFE080] =	vst v8  }
0x33e: {  	v8 =	vld.idx.msk [tilespmem:v4+s8+$0x0], $0xffff;
	[tilespmem:s11+$0xFFFFF200] =	vst v5  }
0x33f: {  	v5 =	vld.idx.msk [tilespmem:v2+s23+$0x0], $0xffff  }
0x340: {  	[tilespmem:s12+$0xFFFFE190] =	vst v7  }
0x341: {  	s1 =	simm.s32 $0x170;
	v7 =	vld.idx.msk [tilespmem:v3+s7+$0x0], $0xffff;
	[tilespmem:s11+$0xFFFFF310] =	vst v6  }
0x342: {  	v6 =	vld.idx.msk [tilespmem:v1+s1+$0x0], $0xffff  }
0x343: {  	[tilespmem:s12+$0xFFFFE100] =	vst v8  }
0x344: {  	v8 =	vld.idx.msk [tilespmem:v4+s20+$0x0], $0xffff;
	[tilespmem:s11+$0xFFFFF280] =	vst v5  }
0x345: {  	v5 =	vld.idx.msk [tilespmem:v2+s25+$0x0], $0xffff  }
0x346: {  	[tilespmem:s12+$0xFFFFE210] =	vst v7  }
0x347: {  	s10 =	simm.s32 $0x180;
	v7 =	vld.idx.msk [tilespmem:v3+s22+$0x0], $0xffff;
	[tilespmem:s11+$0xFFFFF390] =	vst v6  }
0x348: {  	v6 =	vld.idx.msk [tilespmem:v1+s10+$0x0], $0xffff  }
0x349: {  	[tilespmem:s12+$0xFFFFE180] =	vst v8  }
0x34a: {  	v8 =	vld.idx.msk [tilespmem:v4+s7+$0x0], $0xffff;
	[tilespmem:s11+$0xFFFFF300] =	vst v5  }
0x34b: {  	v5 =	vld.idx.msk [tilespmem:v2+s1+$0x0], $0xffff  }
0x34c: {  	[tilespmem:s12+$0xFFFFE290] =	vst v7  }
0x34d: {  	s14 =	simm.s32 $0x190;
	v7 =	vld.idx.msk [tilespmem:v3+s2+$0x0], $0xffff;
	[tilespmem:s11+$0xFFFFF810] =	vst v6  }
0x34e: {  	v6 =	vld.idx.msk [tilespmem:v1+s14+$0x0], $0xffff  }
0x34f: {  	[tilespmem:s12+$0xFFFFE200] =	vst v8  }
0x350: {  	v8 =	vld.idx.msk [tilespmem:v4+s22+$0x0], $0xffff;
	[tilespmem:s11+$0xFFFFF380] =	vst v5  }
0x351: {  	v5 =	vld.idx.msk [tilespmem:v2+s10+$0x0], $0xffff  }
0x352: {  	[tilespmem:s12+$0xFFFFE310] =	vst v7  }
0x353: {  	s1 =	simm.s32 $0x1A0;
	[tilespmem:s11+$0xFFFFF890] =	vst v6;
	v6 =	vld.idx.msk [tilespmem:v3+s24+$0x0], $0xffff  }
0x354: {  	v7 =	vld.idx.msk [tilespmem:v1+s1+$0x0], $0xffff  }
0x355: {  	[tilespmem:s12+$0xFFFFE280] =	vst v8  }
0x356: {  	v8 =	vld.idx.msk [tilespmem:v4+s2+$0x0], $0xffff;
	[tilespmem:s11+$0xFFFFF800] =	vst v5  }
0x357: {  	v5 =	vld.idx.msk [tilespmem:v2+s14+$0x0], $0xffff  }
0x358: {  	[tilespmem:s12+$0xFFFFE390] =	vst v6  }
0x359: {  	s10 =	simm.s32 $0x1B0;
	v6 =	vld.idx.msk [tilespmem:v3+s6+$0x0], $0xffff;
	[tilespmem:s11+$0xFFFFF910] =	vst v7  }
0x35a: {  	v7 =	vld.idx.msk [tilespmem:v1+s10+$0x0], $0xffff  }
0x35b: {  	[tilespmem:s12+$0xFFFFE300] =	vst v8  }
0x35c: {  	v8 =	vld.idx.msk [tilespmem:v4+s24+$0x0], $0xffff;
	[tilespmem:s11+$0xFFFFF880] =	vst v5  }
0x35d: {  	v5 =	vld.idx.msk [tilespmem:v2+s1+$0x0], $0xffff  }
0x35e: {  	[tilespmem:s12+$0xFFFFE810] =	vst v6  }
0x35f: {  	s14 =	simm.s32 $0x1C0;
	v6 =	vld.idx.msk [tilespmem:v3+s26+$0x0], $0xffff;
	[tilespmem:s11+$0xFFFFF990] =	vst v7  }
0x360: {  	v7 =	vld.idx.msk [tilespmem:v1+s14+$0x0], $0xffff  }
0x361: {  	[tilespmem:s12+$0xFFFFE380] =	vst v8  }
0x362: {  	v8 =	vld.idx.msk [tilespmem:v4+s6+$0x0], $0xffff;
	[tilespmem:s11+$0xFFFFF900] =	vst v5  }
0x363: {  	v5 =	vld.idx.msk [tilespmem:v2+s10+$0x0], $0xffff  }
0x364: {  	[tilespmem:s12+$0xFFFFE890] =	vst v6  }
0x365: {  	s1 =	simm.s32 $0x1D0;
	v6 =	vld.idx.msk [tilespmem:v3+s28+$0x0], $0xffff;
	[tilespmem:s11+$0xFFFFFA10] =	vst v7  }
0x366: {  	v7 =	vld.idx.msk [tilespmem:v1+s1+$0x0], $0xffff  }
0x367: {  	[tilespmem:s12+$0xFFFFE800] =	vst v8  }
0x368: {  	v8 =	vld.idx.msk [tilespmem:v4+s26+$0x0], $0xffff;
	[tilespmem:s11+$0xFFFFF980] =	vst v5  }
0x369: {  	v5 =	vld.idx.msk [tilespmem:v2+s14+$0x0], $0xffff  }
0x36a: {  	[tilespmem:s12+$0xFFFFE910] =	vst v6  }
0x36b: {  	s10 =	simm.s32 $0x1E0;
	v6 =	vld.idx.msk [tilespmem:v3+s29+$0x0], $0xffff;
	[tilespmem:s11+$0xFFFFFA90] =	vst v7  }
0x36c: {  	v7 =	vld.idx.msk [tilespmem:v1+s10+$0x0], $0xffff  }
0x36d: {  	[tilespmem:s12+$0xFFFFE880] =	vst v8  }
0x36e: {  	v8 =	vld.idx.msk [tilespmem:v4+s28+$0x0], $0xffff;
	[tilespmem:s11+$0xFFFFFA00] =	vst v5  }
0x36f: {  	v5 =	vld.idx.msk [tilespmem:v2+s1+$0x0], $0xffff  }
0x370: {  	[tilespmem:s12+$0xFFFFE990] =	vst v6  }
0x371: {  	s14 =	simm.s32 $0x1F0;
	v6 =	vld.idx.msk [tilespmem:v3+s30+$0x0], $0xffff;
	[tilespmem:s11+$0xFFFFFB10] =	vst v7  }
0x372: {  	v7 =	vld.idx.msk [tilespmem:v1+s14+$0x0], $0xffff  }
0x373: {  	[tilespmem:s12+$0xFFFFE900] =	vst v8  }
0x374: {  	v8 =	vld.idx.msk [tilespmem:v4+s29+$0x0], $0xffff;
	[tilespmem:s11+$0xFFFFFA80] =	vst v5  }
0x375: {  	v5 =	vld.idx.msk [tilespmem:v2+s10+$0x0], $0xffff  }
0x376: {  	[tilespmem:s12+$0xFFFFEA10] =	vst v6  }
0x377: {  	s0 =	simm.s32 $0x200;
	v6 =	vld.idx.msk [tilespmem:v3+s31+$0x0], $0xffff;
	[tilespmem:s11+$0xFFFFFB90] =	vst v7  }
0x378: {  	v7 =	vld.idx.msk [tilespmem:v1+s0+$0x0], $0xffff  }
0x379: {  	[tilespmem:s12+$0xFFFFE980] =	vst v8  }
0x37a: {  	v8 =	vld.idx.msk [tilespmem:v4+s30+$0x0], $0xffff;
	[tilespmem:s11+$0xFFFFFB00] =	vst v5  }
0x37b: {  	v5 =	vld.idx.msk [tilespmem:v2+s14+$0x0], $0xffff  }
0x37c: {  	[tilespmem:s12+$0xFFFFEA90] =	vst v6  }
0x37d: {  	s1 =	simm.s32 $0x210;
	v6 =	vld.idx.msk [tilespmem:v3+s15+$0x0], $0xffff;
	[tilespmem:s11+$0x10] =	vst v7  }
0x37e: {  	v7 =	vld.idx.msk [tilespmem:v1+s1+$0x0], $0xffff  }
0x37f: {  	[tilespmem:s12+$0xFFFFEA00] =	vst v8  }
0x380: {  	v8 =	vld.idx.msk [tilespmem:v4+s31+$0x0], $0xffff;
	[tilespmem:s11+$0xFFFFFB80] =	vst v5  }
0x381: {  	v5 =	vld.idx.msk [tilespmem:v2+s0+$0x0], $0xffff  }
0x382: {  	s0 =	simm.s32 $0xF0;
	[tilespmem:s12+$0xFFFFEB10] =	vst v6  }
0x383: {  	s14 =	simm.s32 $0x220;
	v6 =	vld.idx.msk [tilespmem:v3+s0+$0x0], $0xffff;
	[tilespmem:s11+$0x90] =	vst v7  }
0x384: {  	v7 =	vld.idx.msk [tilespmem:v1+s14+$0x0], $0xffff  }
0x385: {  	[tilespmem:s12+$0xFFFFEA80] =	vst v8  }
0x386: {  	v8 =	vld.idx.msk [tilespmem:v4+s15+$0x0], $0xffff;
	[tilespmem:s11+$0x0] =	vst v5  }
0x387: {  	s13 =	sadd.s32 $0x20, s13;
	v5 =	vld.idx.msk [tilespmem:v2+s1+$0x0], $0xffff  }
0x388: {  	s5 =	simm.s32 $0x100;
	v9 =	vld [tilespmem:s13+$0x0];
	[tilespmem:s12+$0xFFFFEB90] =	vst v6  }
0x389: {  	s1 =	simm.s32 $0x230;
	v6 =	vld.idx.msk [tilespmem:v3+s5+$0x0], $0xffff;
	[tilespmem:s11+$0x110] =	vst v7  }
0x38a: {  	v7 =	vld.idx.msk [tilespmem:v1+s1+$0x0], $0xffff  }
0x38b: {  	[tilespmem:s12+$0xFFFFEB00] =	vst v8  }
0x38c: {  	[tilespmem:s11+$0x80] =	vst v5;
	v5 =	vld.idx.msk [tilespmem:v4+s0+$0x0], $0xffff  }
0x38d: {  	vm12 =	vgt.s32 v9, $0x0;
	vm13 =	vgt.s32 v9, $0x1;
	v8 =	vld.idx.msk [tilespmem:v2+s14+$0x0], $0xffff  }
0x38e: {  	s9 =	simm.s32 $0x110;
	vm14 =	vgt.s32 v9, $0x2;
	v10 =	vsel vm13, $0x1, v0;
	[tilespmem:s12+$0xFFFFF010] =	vst v6;
	v6 =	vsel vm12, $0x1, v0  }
0x38f: {  	vm15 =	vgt.s32 v9, $0x3;
	s0 =	simm.s32 $0x240;
	v11 =	vld.idx.msk [tilespmem:v3+s9+$0x0], $0xffff;
	[tilespmem:s11+$0x190] =	vst v7;
	v6 =	vadd.s32 v10, v6;
	v7 =	vsel vm14, $0x1, v0  }
0x390: {  	vm4 =	vgt.s32 v9, $0x7;
	v10 =	vld.idx.msk [tilespmem:v1+s0+$0x0], $0xffff;
	v6 =	vadd.s32 v7, v6;
	v7 =	vsel vm15, $0x1, v0  }
0x391: {  	v12 =	vld [tilespmem:s13+$0xFFFFFFF0];
	vm5 =	vgt.s32 v9, $0xF;
	[tilespmem:s12+$0xFFFFEB80] =	vst v5;
	v5 =	vadd.s32 v7, v6;
	v6 =	vsel vm4, $0x1, v0  }
0x392: {  	vm6 =	vgt.s32 v9, $0x1F;
	v7 =	vld.idx.msk [tilespmem:v4+s5+$0x0], $0xffff;
	[tilespmem:s11+$0x100] =	vst v8;
	v5 =	vadd.s32 v6, v5;
	v6 =	vsel vm5, $0x1, v0  }
0x393: {  	vm7 =	vgt.s32 v9, $0x3F;
	v8 =	vld.idx.msk [tilespmem:v2+s1+$0x0], $0xffff;
	v5 =	vadd.s32 v6, v5;
	v6 =	vsel vm6, $0x1, v0  }
0x394: {  	s16 =	simm.s32 $0x120;
	[tilespmem:s12+$0xFFFFF090] =	vst v11;
	v5 =	vadd.s32 v6, v5;
	v6 =	vsel vm7, $0x1, v0  }
0x395: {  	s1 =	simm.s32 $0x250;
	v9 =	vld.idx.msk [tilespmem:v3+s16+$0x0], $0xffff;
	[tilespmem:s11+$0x210] =	vst v10;
	v5 =	vadd.s32 v6, v5  }
0x396: {  	vm8 =	vgt.s32 v12, $0x0;
	vm9 =	vgt.s32 v12, $0x1;
	v6 =	vld.idx.msk [tilespmem:v1+s1+$0x0], $0xffff  }
0x397: {  	vm10 =	vgt.s32 v12, $0x2;
	v11 =	vsel vm9, $0x1, v0;
	v10 =	vsel vm8, $0x1, v0;
	[tilespmem:s12+$0xFFFFF000] =	vst v7  }
0x398: {  	vm11 =	vgt.s32 v12, $0x3;
	v7 =	vadd.s32 v11, v10;
	v10 =	vsel vm10, $0x1, v0;
	v11 =	vld.idx.msk [tilespmem:v4+s9+$0x0], $0xffff;
	[tilespmem:s11+$0x180] =	vst v8  }
0x399: {  	vm12 =	vgt.s32 v12, $0x7;
	v8 =	vsel vm11, $0x1, v0;
	v7 =	vadd.s32 v10, v7;
	v10 =	vld.idx.msk [tilespmem:v2+s0+$0x0], $0xffff  }
0x39a: {  	s17 =	simm.s32 $0x130;
	vm13 =	vgt.s32 v12, $0xF;
	v7 =	vadd.s32 v8, v7;
	v8 =	vsel vm12, $0x1, v0;
	v13 =	vld.idx.msk [tilespmem:v5+s4+$0x0], $0xffff;
	[tilespmem:s12+$0xFFFFF110] =	vst v9  }
0x39b: {  	vm14 =	vgt.s32 v12, $0x1F;
	s9 =	simm.s32 $0x260;
	v7 =	vadd.s32 v8, v7;
	v9 =	vsel vm13, $0x1, v0;
	v8 =	vld.idx.msk [tilespmem:v3+s17+$0x0], $0xffff;
	[tilespmem:s11+$0x290] =	vst v6  }
0x39c: {  	vm15 =	vgt.s32 v12, $0x3F;
	v6 =	vadd.s32 v9, v7;
	v7 =	vsel vm14, $0x1, v0;
	v9 =	vld.idx.msk [tilespmem:v1+s9+$0x0], $0xffff  }
0x39d: {  	v12 =	vsel vm15, $0x1, v0;
	v6 =	vadd.s32 v7, v6;
	[tilespmem:s12+$0xFFFFF080] =	vst v11  }
0x39e: {  	s14 =	sadd.s32 $0x20, s12;
	v6 =	vadd.s32 v12, v6;
	v7 =	vld.idx.msk [tilespmem:v4+s16+$0x0], $0xffff;
	[tilespmem:s11+$0x200] =	vst v10  }
0x39f: {  	v10 =	vld.idx.msk [tilespmem:v2+s1+$0x0], $0xffff;
	[tilespmem:s14+$0xFFFFE010] =	vst v13  }
0x3a0: {  	s19 =	simm.s32 $0x140;
	v11 =	vld.idx.msk [tilespmem:v5+s18+$0x0], $0xffff;
	[tilespmem:s12+$0xFFFFF190] =	vst v8  }
0x3a1: {  	s16 =	simm.s32 $0x270;
	v8 =	vld.idx.msk [tilespmem:v3+s19+$0x0], $0xffff;
	[tilespmem:s11+$0x310] =	vst v9  }
0x3a2: {  	v9 =	vld.idx.msk [tilespmem:v1+s16+$0x0], $0xffff  }
0x3a3: {  	v12 =	vld.idx.msk [tilespmem:v6+s4+$0x0], $0xffff;
	[tilespmem:s12+$0xFFFFF100] =	vst v7  }
0x3a4: {  	v7 =	vld.idx.msk [tilespmem:v4+s17+$0x0], $0xffff;
	[tilespmem:s11+$0x280] =	vst v10  }
0x3a5: {  	v10 =	vld.idx.msk [tilespmem:v2+s9+$0x0], $0xffff;
	[tilespmem:s14+$0xFFFFE090] =	vst v11  }
0x3a6: {  	s21 =	simm.s32 $0x150;
	v11 =	vld.idx.msk [tilespmem:v5+s8+$0x0], $0xffff;
	[tilespmem:s12+$0xFFFFF210] =	vst v8  }
0x3a7: {  	s17 =	simm.s32 $0x280;
	v8 =	vld.idx.msk [tilespmem:v3+s21+$0x0], $0xffff;
	[tilespmem:s11+$0x390] =	vst v9  }
0x3a8: {  	[tilespmem:s14+$0xFFFFE000] =	vst v12;
	v9 =	vld.idx.msk [tilespmem:v1+s17+$0x0], $0xffff  }
0x3a9: {  	v12 =	vld.idx.msk [tilespmem:v6+s18+$0x0], $0xffff;
	[tilespmem:s12+$0xFFFFF180] =	vst v7  }
0x3aa: {  	v7 =	vld.idx.msk [tilespmem:v4+s19+$0x0], $0xffff;
	[tilespmem:s11+$0x300] =	vst v10  }
0x3ab: {  	v10 =	vld.idx.msk [tilespmem:v2+s16+$0x0], $0xffff;
	[tilespmem:s14+$0xFFFFE110] =	vst v11  }
0x3ac: {  	s23 =	simm.s32 $0x160;
	v11 =	vld.idx.msk [tilespmem:v5+s20+$0x0], $0xffff;
	[tilespmem:s12+$0xFFFFF290] =	vst v8  }
0x3ad: {  	s19 =	simm.s32 $0x290;
	v8 =	vld.idx.msk [tilespmem:v3+s23+$0x0], $0xffff;
	[tilespmem:s11+$0x810] =	vst v9  }
0x3ae: {  	[tilespmem:s14+$0xFFFFE080] =	vst v12;
	v9 =	vld.idx.msk [tilespmem:v1+s19+$0x0], $0xffff  }
0x3af: {  	v12 =	vld.idx.msk [tilespmem:v6+s8+$0x0], $0xffff;
	[tilespmem:s12+$0xFFFFF200] =	vst v7  }
0x3b0: {  	v7 =	vld.idx.msk [tilespmem:v4+s21+$0x0], $0xffff;
	[tilespmem:s11+$0x380] =	vst v10  }
0x3b1: {  	v10 =	vld.idx.msk [tilespmem:v2+s17+$0x0], $0xffff;
	[tilespmem:s14+$0xFFFFE190] =	vst v11  }
0x3b2: {  	s25 =	simm.s32 $0x170;
	v11 =	vld.idx.msk [tilespmem:v5+s7+$0x0], $0xffff;
	[tilespmem:s12+$0xFFFFF310] =	vst v8  }
0x3b3: {  	s0 =	simm.s32 $0x2A0;
	v8 =	vld.idx.msk [tilespmem:v3+s25+$0x0], $0xffff;
	[tilespmem:s11+$0x890] =	vst v9  }
0x3b4: {  	[tilespmem:s14+$0xFFFFE100] =	vst v12;
	v9 =	vld.idx.msk [tilespmem:v1+s0+$0x0], $0xffff  }
0x3b5: {  	v12 =	vld.idx.msk [tilespmem:v6+s20+$0x0], $0xffff;
	[tilespmem:s12+$0xFFFFF280] =	vst v7  }
0x3b6: {  	v7 =	vld.idx.msk [tilespmem:v4+s23+$0x0], $0xffff;
	[tilespmem:s11+$0x800] =	vst v10  }
0x3b7: {  	v10 =	vld.idx.msk [tilespmem:v2+s19+$0x0], $0xffff;
	[tilespmem:s14+$0xFFFFE210] =	vst v11  }
0x3b8: {  	s1 =	simm.s32 $0x180;
	v11 =	vld.idx.msk [tilespmem:v5+s22+$0x0], $0xffff;
	[tilespmem:s12+$0xFFFFF390] =	vst v8  }
0x3b9: {  	s4 =	simm.s32 $0x2B0;
	v8 =	vld.idx.msk [tilespmem:v3+s1+$0x0], $0xffff;
	[tilespmem:s11+$0x910] =	vst v9  }
0x3ba: {  	[tilespmem:s14+$0xFFFFE180] =	vst v12;
	v9 =	vld.idx.msk [tilespmem:v1+s4+$0x0], $0xffff  }
0x3bb: {  	v12 =	vld.idx.msk [tilespmem:v6+s7+$0x0], $0xffff;
	[tilespmem:s12+$0xFFFFF300] =	vst v7  }
0x3bc: {  	v7 =	vld.idx.msk [tilespmem:v4+s25+$0x0], $0xffff;
	[tilespmem:s11+$0x880] =	vst v10  }
0x3bd: {  	v10 =	vld.idx.msk [tilespmem:v2+s0+$0x0], $0xffff;
	[tilespmem:s14+$0xFFFFE290] =	vst v11  }
0x3be: {  	s7 =	simm.s32 $0x190;
	v11 =	vld.idx.msk [tilespmem:v5+s2+$0x0], $0xffff;
	[tilespmem:s12+$0xFFFFF810] =	vst v8  }
0x3bf: {  	s9 =	simm.s32 $0x2C0;
	v8 =	vld.idx.msk [tilespmem:v3+s7+$0x0], $0xffff;
	[tilespmem:s11+$0x990] =	vst v9  }
0x3c0: {  	[tilespmem:s14+$0xFFFFE200] =	vst v12;
	v9 =	vld.idx.msk [tilespmem:v1+s9+$0x0], $0xffff  }
0x3c1: {  	v12 =	vld.idx.msk [tilespmem:v6+s22+$0x0], $0xffff;
	[tilespmem:s12+$0xFFFFF380] =	vst v7  }
0x3c2: {  	v7 =	vld.idx.msk [tilespmem:v4+s1+$0x0], $0xffff;
	[tilespmem:s11+$0x900] =	vst v10  }
0x3c3: {  	v10 =	vld.idx.msk [tilespmem:v2+s4+$0x0], $0xffff;
	[tilespmem:s14+$0xFFFFE310] =	vst v11  }
0x3c4: {  	s16 =	simm.s32 $0x1A0;
	[tilespmem:s12+$0xFFFFF890] =	vst v8;
	v8 =	vld.idx.msk [tilespmem:v5+s24+$0x0], $0xffff  }
0x3c5: {  	s17 =	simm.s32 $0x2D0;
	[tilespmem:s11+$0xA10] =	vst v9;
	v9 =	vld.idx.msk [tilespmem:v3+s16+$0x0], $0xffff  }
0x3c6: {  	[tilespmem:s14+$0xFFFFE280] =	vst v12;
	v11 =	vld.idx.msk [tilespmem:v1+s17+$0x0], $0xffff  }
0x3c7: {  	v12 =	vld.idx.msk [tilespmem:v6+s2+$0x0], $0xffff;
	[tilespmem:s12+$0xFFFFF800] =	vst v7  }
0x3c8: {  	v7 =	vld.idx.msk [tilespmem:v4+s7+$0x0], $0xffff;
	[tilespmem:s11+$0x980] =	vst v10  }
0x3c9: {  	v10 =	vld.idx.msk [tilespmem:v2+s9+$0x0], $0xffff;
	[tilespmem:s14+$0xFFFFE390] =	vst v8  }
0x3ca: {  	s19 =	simm.s32 $0x1B0;
	v8 =	vld.idx.msk [tilespmem:v5+s6+$0x0], $0xffff;
	[tilespmem:s12+$0xFFFFF910] =	vst v9  }
0x3cb: {  	s21 =	simm.s32 $0x2E0;
	v9 =	vld.idx.msk [tilespmem:v3+s19+$0x0], $0xffff;
	[tilespmem:s11+$0xA90] =	vst v11  }
0x3cc: {  	[tilespmem:s14+$0xFFFFE300] =	vst v12;
	v11 =	vld.idx.msk [tilespmem:v1+s21+$0x0], $0xffff  }
0x3cd: {  	v12 =	vld.idx.msk [tilespmem:v6+s24+$0x0], $0xffff;
	[tilespmem:s12+$0xFFFFF880] =	vst v7  }
0x3ce: {  	v7 =	vld.idx.msk [tilespmem:v4+s16+$0x0], $0xffff;
	[tilespmem:s11+$0xA00] =	vst v10  }
0x3cf: {  	v10 =	vld.idx.msk [tilespmem:v2+s17+$0x0], $0xffff;
	[tilespmem:s14+$0xFFFFE810] =	vst v8  }
0x3d0: {  	s23 =	simm.s32 $0x1C0;
	v8 =	vld.idx.msk [tilespmem:v5+s26+$0x0], $0xffff;
	[tilespmem:s12+$0xFFFFF990] =	vst v9  }
0x3d1: {  	s25 =	simm.s32 $0x2F0;
	v9 =	vld.idx.msk [tilespmem:v3+s23+$0x0], $0xffff;
	[tilespmem:s11+$0xB10] =	vst v11  }
0x3d2: {  	[tilespmem:s14+$0xFFFFE380] =	vst v12;
	v11 =	vld.idx.msk [tilespmem:v1+s25+$0x0], $0xffff  }
0x3d3: {  	v12 =	vld.idx.msk [tilespmem:v6+s6+$0x0], $0xffff;
	[tilespmem:s12+$0xFFFFF900] =	vst v7  }
0x3d4: {  	v7 =	vld.idx.msk [tilespmem:v4+s19+$0x0], $0xffff;
	[tilespmem:s11+$0xA80] =	vst v10  }
0x3d5: {  	v10 =	vld.idx.msk [tilespmem:v2+s21+$0x0], $0xffff;
	[tilespmem:s14+$0xFFFFE890] =	vst v8  }
0x3d6: {  	s3 =	simm.s32 $0x1D0;
	v8 =	vld.idx.msk [tilespmem:v5+s28+$0x0], $0xffff;
	[tilespmem:s12+$0xFFFFFA10] =	vst v9  }
0x3d7: {  	s5 =	simm.s32 $0x300;
	v9 =	vld.idx.msk [tilespmem:v3+s3+$0x0], $0xffff;
	[tilespmem:s11+$0xB90] =	vst v11  }
0x3d8: {  	[tilespmem:s14+$0xFFFFE800] =	vst v12;
	v11 =	vld.idx.msk [tilespmem:v1+s5+$0x0], $0xffff  }
0x3d9: {  	v12 =	vld.idx.msk [tilespmem:v6+s26+$0x0], $0xffff;
	[tilespmem:s12+$0xFFFFF980] =	vst v7  }
0x3da: {  	v7 =	vld.idx.msk [tilespmem:v4+s23+$0x0], $0xffff;
	[tilespmem:s11+$0xB00] =	vst v10  }
0x3db: {  	v10 =	vld.idx.msk [tilespmem:v2+s25+$0x0], $0xffff;
	[tilespmem:s14+$0xFFFFE910] =	vst v8  }
0x3dc: {  	s6 =	simm.s32 $0x1E0;
	v8 =	vld.idx.msk [tilespmem:v5+s29+$0x0], $0xffff;
	[tilespmem:s12+$0xFFFFFA90] =	vst v9  }
0x3dd: {  	s7 =	simm.s32 $0x310;
	v9 =	vld.idx.msk [tilespmem:v3+s6+$0x0], $0xffff;
	[tilespmem:s11+$0x1010] =	vst v11  }
0x3de: {  	[tilespmem:s14+$0xFFFFE880] =	vst v12;
	v11 =	vld.idx.msk [tilespmem:v1+s7+$0x0], $0xffff  }
0x3df: {  	v12 =	vld.idx.msk [tilespmem:v6+s28+$0x0], $0xffff;
	[tilespmem:s12+$0xFFFFFA00] =	vst v7  }
0x3e0: {  	v7 =	vld.idx.msk [tilespmem:v4+s3+$0x0], $0xffff;
	[tilespmem:s11+$0xB80] =	vst v10  }
0x3e1: {  	v10 =	vld.idx.msk [tilespmem:v2+s5+$0x0], $0xffff;
	[tilespmem:s14+$0xFFFFE990] =	vst v8  }
0x3e2: {  	s8 =	simm.s32 $0x1F0;
	v8 =	vld.idx.msk [tilespmem:v5+s30+$0x0], $0xffff;
	[tilespmem:s12+$0xFFFFFB10] =	vst v9  }
0x3e3: {  	s9 =	simm.s32 $0x320;
	v9 =	vld.idx.msk [tilespmem:v3+s8+$0x0], $0xffff;
	[tilespmem:s11+$0x1090] =	vst v11  }
0x3e4: {  	[tilespmem:s14+$0xFFFFE900] =	vst v12;
	v11 =	vld.idx.msk [tilespmem:v1+s9+$0x0], $0xffff  }
0x3e5: {  	v12 =	vld.idx.msk [tilespmem:v6+s29+$0x0], $0xffff;
	[tilespmem:s12+$0xFFFFFA80] =	vst v7  }
0x3e6: {  	v7 =	vld.idx.msk [tilespmem:v4+s6+$0x0], $0xffff;
	[tilespmem:s11+$0x1000] =	vst v10  }
0x3e7: {  	v10 =	vld.idx.msk [tilespmem:v2+s7+$0x0], $0xffff;
	[tilespmem:s14+$0xFFFFEA10] =	vst v8  }
0x3e8: {  	s16 =	simm.s32 $0x200;
	v8 =	vld.idx.msk [tilespmem:v5+s31+$0x0], $0xffff;
	[tilespmem:s12+$0xFFFFFB90] =	vst v9  }
0x3e9: {  	s17 =	simm.s32 $0x330;
	v9 =	vld.idx.msk [tilespmem:v3+s16+$0x0], $0xffff;
	[tilespmem:s11+$0x1110] =	vst v11  }
0x3ea: {  	[tilespmem:s14+$0xFFFFE980] =	vst v12;
	v11 =	vld.idx.msk [tilespmem:v1+s17+$0x0], $0xffff  }
0x3eb: {  	v12 =	vld.idx.msk [tilespmem:v6+s30+$0x0], $0xffff;
	[tilespmem:s12+$0xFFFFFB00] =	vst v7  }
0x3ec: {  	v7 =	vld.idx.msk [tilespmem:v4+s8+$0x0], $0xffff;
	[tilespmem:s11+$0x1080] =	vst v10  }
0x3ed: {  	v10 =	vld.idx.msk [tilespmem:v2+s9+$0x0], $0xffff;
	[tilespmem:s14+$0xFFFFEA90] =	vst v8  }
0x3ee: {  	s10 =	simm.s32 $0x210;
	v8 =	vld.idx.msk [tilespmem:v5+s15+$0x0], $0xffff;
	[tilespmem:s12+$0x10] =	vst v9  }
0x3ef: {  	s19 =	simm.s32 $0x340;
	v9 =	vld.idx.msk [tilespmem:v3+s10+$0x0], $0xffff;
	[tilespmem:s11+$0x1190] =	vst v11  }
0x3f0: {  	[tilespmem:s14+$0xFFFFEA00] =	vst v12;
	v12 =	vld.idx.msk [tilespmem:v1+s19+$0x0], $0xffff  }
0x3f1: {  	v13 =	vld.idx.msk [tilespmem:v6+s31+$0x0], $0xffff;
	[tilespmem:s12+$0xFFFFFB80] =	vst v7  }
0x3f2: {  	v14 =	vld.idx.msk [tilespmem:v4+s16+$0x0], $0xffff;
	[tilespmem:s11+$0x1100] =	vst v10  }
0x3f3: {  	s21 =	simm.s32 $0xF0;
	v15 =	vld.idx.msk [tilespmem:v2+s17+$0x0], $0xffff;
	[tilespmem:s14+$0xFFFFEB10] =	vst v8  }
0x3f4: {  	s23 =	simm.s32 $0x220;
	v11 =	vld.idx.msk [tilespmem:v5+s21+$0x0], $0xffff;
	[tilespmem:s12+$0x90] =	vst v9  }
0x3f5: {  	s25 =	simm.s32 $0x350;
	v9 =	vld.idx.msk [tilespmem:v3+s23+$0x0], $0xffff;
	[tilespmem:s11+$0x1210] =	vst v12  }
0x3f6: {  	[tilespmem:s14+$0xFFFFEA80] =	vst v13;
	v7 =	vld.idx.msk [tilespmem:v1+s25+$0x0], $0xffff  }
0x3f7: {  	v12 =	vld.idx.msk [tilespmem:v6+s15+$0x0], $0xffff;
	[tilespmem:s12+$0x0] =	vst v14  }
0x3f8: {  	v10 =	vld.idx.msk [tilespmem:v4+s10+$0x0], $0xffff;
	[tilespmem:s11+$0x1180] =	vst v15  }
0x3f9: {  	s16 =	sadd.s32 $0x20, s13;
	s13 =	smov.u32 s14;
	s15 =	simm.s32 $0x40;
	v8 =	vld.idx.msk [tilespmem:v2+s19+$0x0], $0xffff  }
.LBB2_5:
0x3fa: {  	v13 =	vld [tilespmem:s16+$0x0];
	[tilespmem:s14+$0xFFFFEB90] =	vst v11;
	s7 =	simm.s32 $0x100  }
0x3fb: {  	s4 =	simm.s32 $0x230;
	v11 =	vld.idx.msk [tilespmem:v5+s7+$0x0], $0xffff;
	[tilespmem:s12+$0x110] =	vst v9  }
0x3fc: {  	s2 =	simm.s32 $0x360;
	v9 =	vld.idx.msk [tilespmem:v3+s4+$0x0], $0xffff;
	[tilespmem:s11+$0x1290] =	vst v7  }
0x3fd: {  	[tilespmem:s14+$0xFFFFEB00] =	vst v12;
	v7 =	vld.idx.msk [tilespmem:v1+s2+$0x0], $0xffff  }
0x3fe: {  	s23 =	simm.s32 $0xF0;
	v12 =	vld [tilespmem:s16+$0xFFFFFFF0];
	[tilespmem:s12+$0x80] =	vst v10  }
0x3ff: {  	s0 =	simm.s32 $0x220;
	v10 =	vld.idx.msk [tilespmem:v6+s23+$0x0], $0xffff;
	[tilespmem:s11+$0x1200] =	vst v8  }
0x400: {  	s15 =	sadd.s32 $0x20, s15;
	s5 =	simm.s32 $0x350;
	v8 =	vld.idx.msk [tilespmem:v4+s0+$0x0], $0xffff  }
0x401: {  	s6 =	simm.s32 $0x110;
	p2 =	slt.u32 s15, $0x60;
	[tilespmem:s14+$0xFFFFF010] =	vst v11;
	v11 =	vld.idx.msk [tilespmem:v2+s5+$0x0], $0xffff  }
0x402: {  	s3 =	simm.s32 $0x240;
	vm0 =	vgt.s32 v13, $0x0;
	vm1 =	vgt.s32 v13, $0x1;
	v14 =	vld.idx.msk [tilespmem:v5+s6+$0x0], $0xffff;
	[tilespmem:s12+$0x190] =	vst v9  }
0x403: {  	s1 =	simm.s32 $0x370;
	v15 =	vsel vm1, $0x1, v0;
	v9 =	vsel vm0, $0x1, v0;
	vm0 =	vgt.s32 v13, $0x2;
	v16 =	vld.idx.msk [tilespmem:v3+s3+$0x0], $0xffff;
	[tilespmem:s11+$0x1310] =	vst v7  }
0x404: {  	v7 =	vadd.s32 v15, v9;
	v9 =	vsel vm0, $0x1, v0;
	vm0 =	vgt.s32 v13, $0x3;
	v15 =	vld.idx.msk [tilespmem:v1+s1+$0x0], $0xffff  }
0x405: {  	v7 =	vadd.s32 v9, v7;
	v9 =	vsel vm0, $0x1, v0;
	vm0 =	vgt.s32 v13, $0x7;
	[tilespmem:s14+$0xFFFFEB80] =	vst v10  }
0x406: {  	v7 =	vadd.s32 v9, v7;
	v9 =	vsel vm0, $0x1, v0;
	vm0 =	vgt.s32 v13, $0xF;
	v10 =	vld.idx.msk [tilespmem:v6+s7+$0x0], $0xffff;
	[tilespmem:s12+$0x100] =	vst v8  }
0x407: {  	v7 =	vadd.s32 v9, v7;
	v8 =	vsel vm0, $0x1, v0;
	vm0 =	vgt.s32 v13, $0x1F;
	v9 =	vld.idx.msk [tilespmem:v4+s4+$0x0], $0xffff;
	[tilespmem:s11+$0x1280] =	vst v11  }
0x408: {  	v7 =	vadd.s32 v8, v7;
	v8 =	vsel vm0, $0x1, v0;
	vm0 =	vgt.s32 v13, $0x3F;
	s4 =	simm.s32 $0x120;
	[tilespmem:s14+$0xFFFFF090] =	vst v14;
	v11 =	vld.idx.msk [tilespmem:v2+s2+$0x0], $0xffff  }
0x409: {  	vm1 =	vgt.s32 v12, $0x0;
	v7 =	vadd.s32 v8, v7;
	v8 =	vsel vm0, $0x1, v0;
	s2 =	simm.s32 $0x250;
	v13 =	vld.idx.msk [tilespmem:v5+s4+$0x0], $0xffff;
	[tilespmem:s12+$0x210] =	vst v16  }
0x40a: {  	s7 =	simm.s32 $0x380;
	v14 =	vsel vm1, $0x1, v0;
	vm0 =	vgt.s32 v12, $0x1;
	v8 =	vadd.s32 v8, v7;
	v7 =	vld.idx.msk [tilespmem:v3+s2+$0x0], $0xffff;
	[tilespmem:s11+$0x1390] =	vst v15  }
0x40b: {  	vm1 =	vgt.s32 v12, $0x3;
	v15 =	vsel vm0, $0x1, v0;
	vm0 =	vgt.s32 v12, $0x2;
	v16 =	vld.idx.msk [tilespmem:v1+s7+$0x0], $0xffff  }
0x40c: {  	v17 =	vsel vm1, $0x1, v0;
	v14 =	vadd.s32 v15, v14;
	v15 =	vsel vm0, $0x1, v0;
	[tilespmem:s14+$0xFFFFF000] =	vst v10  }
0x40d: {  	vm1 =	vgt.s32 v12, $0xF;
	vm0 =	vgt.s32 v12, $0x7;
	v10 =	vadd.s32 v15, v14;
	v14 =	vld.idx.msk [tilespmem:v6+s6+$0x0], $0xffff;
	[tilespmem:s12+$0x180] =	vst v9  }
0x40e: {  	v15 =	vsel vm1, $0x1, v0;
	v9 =	vadd.s32 v17, v10;
	v10 =	vsel vm0, $0x1, v0;
	s6 =	simm.s32 $0x0;
	v17 =	vld.idx.msk [tilespmem:v4+s3+$0x0], $0xffff;
	[tilespmem:s11+$0x1300] =	vst v11  }
0x40f: {  	s10 =	simm.s32 $0x130;
	vm1 =	vgt.s32 v12, $0x3F;
	vm0 =	vgt.s32 v12, $0x1F;
	v9 =	vadd.s32 v10, v9;
	v10 =	vld.idx.msk [tilespmem:v8+s6+$0x0], $0xffff;
	[tilespmem:s14+$0xFFFFF110] =	vst v13  }
0x410: {  	v12 =	vsel vm1, $0x1, v0;
	v11 =	vsel vm0, $0x1, v0;
	s3 =	simm.s32 $0x260;
	v9 =	vadd.s32 v15, v9;
	v13 =	vld.idx.msk [tilespmem:v5+s10+$0x0], $0xffff;
	[tilespmem:s12+$0x290] =	vst v7  }
0x411: {  	s8 =	simm.s32 $0x390;
	v7 =	vadd.s32 v11, v9;
	v9 =	vld.idx.msk [tilespmem:v3+s3+$0x0], $0xffff;
	[tilespmem:s11+$0x1810] =	vst v16  }
0x412: {  	v7 =	vadd.s32 v12, v7;
	v11 =	vld.idx.msk [tilespmem:v1+s8+$0x0], $0xffff  }
0x413: {  	[tilespmem:s14+$0xFFFFF080] =	vst v14;
	v12 =	vld.idx.msk [tilespmem:v2+s1+$0x0], $0xffff  }
0x414: {  	s14 =	sadd.s32 $0x20, s14;
	v14 =	vld.idx.msk [tilespmem:v6+s4+$0x0], $0xffff;
	[tilespmem:s12+$0x200] =	vst v17  }
0x415: {  	[tilespmem:s14+$0xFFFFE010] =	vst v10;
	v10 =	vld.idx.msk [tilespmem:v4+s2+$0x0], $0xffff  }
0x416: {  	s9 =	simm.s32 $0x140;
	v15 =	vld.idx.msk [tilespmem:v8+s18+$0x0], $0xffff;
	[tilespmem:s13+$0xFFFFF190] =	vst v13  }
0x417: {  	s4 =	simm.s32 $0x270;
	v13 =	vld.idx.msk [tilespmem:v5+s9+$0x0], $0xffff;
	[tilespmem:s12+$0x310] =	vst v9  }
0x418: {  	s2 =	simm.s32 $0x3A0;
	v9 =	vld.idx.msk [tilespmem:v3+s4+$0x0], $0xffff;
	[tilespmem:s11+$0x1890] =	vst v11  }
0x419: {  	[tilespmem:s11+$0x1380] =	vst v12;
	v11 =	vld.idx.msk [tilespmem:v1+s2+$0x0], $0xffff  }
0x41a: {  	v12 =	vld.idx.msk [tilespmem:v7+s6+$0x0], $0xffff;
	[tilespmem:s13+$0xFFFFF100] =	vst v14  }
0x41b: {  	v14 =	vld.idx.msk [tilespmem:v6+s10+$0x0], $0xffff;
	[tilespmem:s12+$0x280] =	vst v10  }
0x41c: {  	s19 =	simm.s32 $0x20;
	[tilespmem:s14+$0xFFFFE090] =	vst v15;
	v10 =	vld.idx.msk [tilespmem:v4+s3+$0x0], $0xffff  }
0x41d: {  	s17 =	simm.s32 $0x150;
	v15 =	vld.idx.msk [tilespmem:v8+s19+$0x0], $0xffff;
	[tilespmem:s13+$0xFFFFF210] =	vst v13  }
0x41e: {  	s3 =	simm.s32 $0x280;
	v13 =	vld.idx.msk [tilespmem:v5+s17+$0x0], $0xffff;
	[tilespmem:s12+$0x390] =	vst v9  }
0x41f: {  	s1 =	simm.s32 $0x3B0;
	v9 =	vld.idx.msk [tilespmem:v3+s3+$0x0], $0xffff;
	[tilespmem:s11+$0x1910] =	vst v11  }
0x420: {  	[tilespmem:s14+$0xFFFFE000] =	vst v12;
	v11 =	vld.idx.msk [tilespmem:v1+s1+$0x0], $0xffff  }
0x421: {  	v12 =	vld.idx.msk [tilespmem:v7+s18+$0x0], $0xffff;
	[tilespmem:s13+$0xFFFFF180] =	vst v14  }
0x422: {  	v14 =	vld.idx.msk [tilespmem:v6+s9+$0x0], $0xffff;
	[tilespmem:s12+$0x300] =	vst v10  }
0x423: {  	[tilespmem:s14+$0xFFFFE110] =	vst v15;
	v10 =	vld.idx.msk [tilespmem:v4+s4+$0x0], $0xffff  }
0x424: {  	s10 =	simm.s32 $0x160;
	v15 =	vld.idx.msk [tilespmem:v8+s20+$0x0], $0xffff;
	[tilespmem:s13+$0xFFFFF290] =	vst v13  }
0x425: {  	s9 =	simm.s32 $0x290;
	v13 =	vld.idx.msk [tilespmem:v5+s10+$0x0], $0xffff;
	[tilespmem:s12+$0x810] =	vst v9  }
0x426: {  	s6 =	simm.s32 $0x3C0;
	v9 =	vld.idx.msk [tilespmem:v3+s9+$0x0], $0xffff;
	[tilespmem:s11+$0x1990] =	vst v11  }
0x427: {  	[tilespmem:s14+$0xFFFFE080] =	vst v12;
	v11 =	vld.idx.msk [tilespmem:v1+s6+$0x0], $0xffff  }
0x428: {  	v12 =	vld.idx.msk [tilespmem:v7+s19+$0x0], $0xffff;
	[tilespmem:s13+$0xFFFFF200] =	vst v14  }
0x429: {  	v14 =	vld.idx.msk [tilespmem:v6+s17+$0x0], $0xffff;
	[tilespmem:s12+$0x380] =	vst v10  }
0x42a: {  	s21 =	simm.s32 $0x40;
	[tilespmem:s14+$0xFFFFE190] =	vst v15;
	v10 =	vld.idx.msk [tilespmem:v4+s3+$0x0], $0xffff  }
0x42b: {  	s17 =	simm.s32 $0x170;
	v15 =	vld.idx.msk [tilespmem:v8+s21+$0x0], $0xffff;
	[tilespmem:s13+$0xFFFFF310] =	vst v13  }
0x42c: {  	s3 =	simm.s32 $0x2A0;
	v13 =	vld.idx.msk [tilespmem:v5+s17+$0x0], $0xffff;
	[tilespmem:s12+$0x890] =	vst v9  }
0x42d: {  	s4 =	simm.s32 $0x3D0;
	v9 =	vld.idx.msk [tilespmem:v3+s3+$0x0], $0xffff;
	[tilespmem:s11+$0x1A10] =	vst v11  }
0x42e: {  	[tilespmem:s14+$0xFFFFE100] =	vst v12;
	v11 =	vld.idx.msk [tilespmem:v1+s4+$0x0], $0xffff  }
0x42f: {  	v12 =	vld.idx.msk [tilespmem:v7+s20+$0x0], $0xffff;
	[tilespmem:s13+$0xFFFFF280] =	vst v14  }
0x430: {  	v14 =	vld.idx.msk [tilespmem:v6+s10+$0x0], $0xffff;
	[tilespmem:s12+$0x800] =	vst v10  }
0x431: {  	[tilespmem:s14+$0xFFFFE210] =	vst v15;
	v10 =	vld.idx.msk [tilespmem:v4+s9+$0x0], $0xffff  }
0x432: {  	s19 =	simm.s32 $0x180;
	v15 =	vld.idx.msk [tilespmem:v8+s22+$0x0], $0xffff;
	[tilespmem:s13+$0xFFFFF390] =	vst v13  }
0x433: {  	s9 =	simm.s32 $0x2B0;
	v13 =	vld.idx.msk [tilespmem:v5+s19+$0x0], $0xffff;
	[tilespmem:s12+$0x910] =	vst v9  }
0x434: {  	s10 =	simm.s32 $0x3E0;
	v9 =	vld.idx.msk [tilespmem:v3+s9+$0x0], $0xffff;
	[tilespmem:s11+$0x1A90] =	vst v11  }
0x435: {  	[tilespmem:s14+$0xFFFFE180] =	vst v12;
	v11 =	vld.idx.msk [tilespmem:v1+s10+$0x0], $0xffff  }
0x436: {  	v12 =	vld.idx.msk [tilespmem:v7+s21+$0x0], $0xffff;
	[tilespmem:s13+$0xFFFFF300] =	vst v14  }
0x437: {  	v14 =	vld.idx.msk [tilespmem:v6+s17+$0x0], $0xffff;
	[tilespmem:s12+$0x880] =	vst v10  }
0x438: {  	s25 =	simm.s32 $0x60;
	[tilespmem:s14+$0xFFFFE290] =	vst v15;
	v10 =	vld.idx.msk [tilespmem:v4+s3+$0x0], $0xffff  }
0x439: {  	s21 =	simm.s32 $0x190;
	v15 =	vld.idx.msk [tilespmem:v8+s25+$0x0], $0xffff;
	[tilespmem:s13+$0xFFFFF810] =	vst v13  }
0x43a: {  	s3 =	simm.s32 $0x2C0;
	v13 =	vld.idx.msk [tilespmem:v5+s21+$0x0], $0xffff;
	[tilespmem:s12+$0x990] =	vst v9  }
0x43b: {  	s17 =	simm.s32 $0x3F0;
	v9 =	vld.idx.msk [tilespmem:v3+s3+$0x0], $0xffff;
	[tilespmem:s11+$0x1B10] =	vst v11  }
0x43c: {  	[tilespmem:s14+$0xFFFFE200] =	vst v12;
	v11 =	vld.idx.msk [tilespmem:v1+s17+$0x0], $0xffff;
	v1 =	vmov v3;
	v3 =	vmov v5;
	v5 =	vmov v8  }
0x43d: {  	v8 =	vld.idx.msk [tilespmem:v7+s22+$0x0], $0xffff;
	[tilespmem:s13+$0xFFFFF380] =	vst v14  }
0x43e: {  	v12 =	vld.idx.msk [tilespmem:v6+s19+$0x0], $0xffff;
	[tilespmem:s12+$0x900] =	vst v10  }
0x43f: {  	[tilespmem:s14+$0xFFFFE310] =	vst v15;
	v10 =	vld.idx.msk [tilespmem:v4+s9+$0x0], $0xffff  }
0x440: {  	[tilespmem:s13+$0xFFFFF890] =	vst v13;
	v13 =	vld.idx.msk [tilespmem:v2+s7+$0x0], $0xffff  }
0x441: {  	s19 =	simm.s32 $0x1A0;
	v14 =	vld.idx.msk [tilespmem:v5+s24+$0x0], $0xffff;
	[tilespmem:s12+$0xA10] =	vst v9  }
0x442: {  	s9 =	simm.s32 $0x2D0;
	v9 =	vld.idx.msk [tilespmem:v3+s19+$0x0], $0xffff;
	[tilespmem:s11+$0x1B90] =	vst v11  }
0x443: {  	[tilespmem:s14+$0xFFFFE280] =	vst v8;
	v8 =	vld.idx.msk [tilespmem:v1+s9+$0x0], $0xffff  }
0x444: {  	v11 =	vld.idx.msk [tilespmem:v7+s25+$0x0], $0xffff;
	[tilespmem:s13+$0xFFFFF800] =	vst v12  }
0x445: {  	v12 =	vld.idx.msk [tilespmem:v6+s21+$0x0], $0xffff;
	[tilespmem:s12+$0x980] =	vst v10  }
0x446: {  	v10 =	vld.idx.msk [tilespmem:v4+s3+$0x0], $0xffff;
	[tilespmem:s11+$0x1800] =	vst v13  }
0x447: {  	s21 =	simm.s32 $0x80;
	[tilespmem:s14+$0xFFFFE390] =	vst v14;
	v13 =	vld.idx.msk [tilespmem:v2+s8+$0x0], $0xffff  }
0x448: {  	s3 =	simm.s32 $0x1B0;
	v14 =	vld.idx.msk [tilespmem:v5+s21+$0x0], $0xffff;
	[tilespmem:s13+$0xFFFFF910] =	vst v9  }
0x449: {  	s7 =	simm.s32 $0x2E0;
	v9 =	vld.idx.msk [tilespmem:v3+s3+$0x0], $0xffff;
	[tilespmem:s12+$0xA90] =	vst v8  }
0x44a: {  	[tilespmem:s14+$0xFFFFE300] =	vst v11;
	v8 =	vld.idx.msk [tilespmem:v1+s7+$0x0], $0xffff  }
0x44b: {  	v11 =	vld.idx.msk [tilespmem:v7+s24+$0x0], $0xffff;
	[tilespmem:s13+$0xFFFFF880] =	vst v12  }
0x44c: {  	v12 =	vld.idx.msk [tilespmem:v6+s19+$0x0], $0xffff;
	[tilespmem:s12+$0xA00] =	vst v10  }
0x44d: {  	v10 =	vld.idx.msk [tilespmem:v4+s9+$0x0], $0xffff;
	[tilespmem:s11+$0x1880] =	vst v13  }
0x44e: {  	[tilespmem:s14+$0xFFFFE810] =	vst v14;
	v13 =	vld.idx.msk [tilespmem:v2+s2+$0x0], $0xffff  }
0x44f: {  	s8 =	simm.s32 $0x1C0;
	v14 =	vld.idx.msk [tilespmem:v5+s26+$0x0], $0xffff;
	[tilespmem:s13+$0xFFFFF990] =	vst v9  }
0x450: {  	s2 =	simm.s32 $0x2F0;
	v9 =	vld.idx.msk [tilespmem:v3+s8+$0x0], $0xffff;
	[tilespmem:s12+$0xB10] =	vst v8  }
0x451: {  	[tilespmem:s14+$0xFFFFE380] =	vst v11;
	v8 =	vld.idx.msk [tilespmem:v1+s2+$0x0], $0xffff  }
0x452: {  	v11 =	vld.idx.msk [tilespmem:v7+s21+$0x0], $0xffff;
	[tilespmem:s13+$0xFFFFF900] =	vst v12  }
0x453: {  	v12 =	vld.idx.msk [tilespmem:v6+s3+$0x0], $0xffff;
	[tilespmem:s12+$0xA80] =	vst v10  }
0x454: {  	v10 =	vld.idx.msk [tilespmem:v4+s7+$0x0], $0xffff;
	[tilespmem:s11+$0x1900] =	vst v13  }
0x455: {  	[tilespmem:s14+$0xFFFFE890] =	vst v14;
	v13 =	vld.idx.msk [tilespmem:v2+s1+$0x0], $0xffff  }
0x456: {  	s3 =	simm.s32 $0x1D0;
	v14 =	vld.idx.msk [tilespmem:v5+s28+$0x0], $0xffff;
	[tilespmem:s13+$0xFFFFFA10] =	vst v9  }
0x457: {  	s1 =	simm.s32 $0x300;
	v9 =	vld.idx.msk [tilespmem:v3+s3+$0x0], $0xffff;
	[tilespmem:s12+$0xB90] =	vst v8  }
0x458: {  	[tilespmem:s14+$0xFFFFE800] =	vst v11;
	v8 =	vld.idx.msk [tilespmem:v1+s1+$0x0], $0xffff  }
0x459: {  	v11 =	vld.idx.msk [tilespmem:v7+s26+$0x0], $0xffff;
	[tilespmem:s13+$0xFFFFF980] =	vst v12  }
0x45a: {  	v12 =	vld.idx.msk [tilespmem:v6+s8+$0x0], $0xffff;
	[tilespmem:s12+$0xB00] =	vst v10  }
0x45b: {  	v10 =	vld.idx.msk [tilespmem:v4+s2+$0x0], $0xffff;
	[tilespmem:s11+$0x1980] =	vst v13  }
0x45c: {  	[tilespmem:s14+$0xFFFFE910] =	vst v14;
	v13 =	vld.idx.msk [tilespmem:v2+s6+$0x0], $0xffff  }
0x45d: {  	s6 =	simm.s32 $0x1E0;
	v14 =	vld.idx.msk [tilespmem:v5+s29+$0x0], $0xffff;
	[tilespmem:s13+$0xFFFFFA90] =	vst v9  }
0x45e: {  	s2 =	simm.s32 $0x310;
	v9 =	vld.idx.msk [tilespmem:v3+s6+$0x0], $0xffff;
	[tilespmem:s12+$0x1010] =	vst v8  }
0x45f: {  	[tilespmem:s14+$0xFFFFE880] =	vst v11;
	v8 =	vld.idx.msk [tilespmem:v1+s2+$0x0], $0xffff  }
0x460: {  	v11 =	vld.idx.msk [tilespmem:v7+s28+$0x0], $0xffff;
	[tilespmem:s13+$0xFFFFFA00] =	vst v12  }
0x461: {  	v12 =	vld.idx.msk [tilespmem:v6+s3+$0x0], $0xffff;
	[tilespmem:s12+$0xB80] =	vst v10  }
0x462: {  	v10 =	vld.idx.msk [tilespmem:v4+s1+$0x0], $0xffff;
	[tilespmem:s11+$0x1A00] =	vst v13  }
0x463: {  	[tilespmem:s14+$0xFFFFE990] =	vst v14;
	v13 =	vld.idx.msk [tilespmem:v2+s4+$0x0], $0xffff  }
0x464: {  	s3 =	simm.s32 $0x1F0;
	v14 =	vld.idx.msk [tilespmem:v5+s30+$0x0], $0xffff;
	[tilespmem:s13+$0xFFFFFB10] =	vst v9  }
0x465: {  	s1 =	simm.s32 $0x320;
	v9 =	vld.idx.msk [tilespmem:v3+s3+$0x0], $0xffff;
	[tilespmem:s12+$0x1090] =	vst v8  }
0x466: {  	[tilespmem:s14+$0xFFFFE900] =	vst v11;
	v8 =	vld.idx.msk [tilespmem:v1+s1+$0x0], $0xffff  }
0x467: {  	v11 =	vld.idx.msk [tilespmem:v7+s29+$0x0], $0xffff;
	[tilespmem:s13+$0xFFFFFA80] =	vst v12  }
0x468: {  	v12 =	vld.idx.msk [tilespmem:v6+s6+$0x0], $0xffff;
	[tilespmem:s12+$0x1000] =	vst v10  }
0x469: {  	v10 =	vld.idx.msk [tilespmem:v4+s2+$0x0], $0xffff;
	[tilespmem:s11+$0x1A80] =	vst v13  }
0x46a: {  	[tilespmem:s14+$0xFFFFEA10] =	vst v14;
	v13 =	vld.idx.msk [tilespmem:v2+s10+$0x0], $0xffff  }
0x46b: {  	s4 =	simm.s32 $0x200;
	v14 =	vld.idx.msk [tilespmem:v5+s31+$0x0], $0xffff;
	[tilespmem:s13+$0xFFFFFB90] =	vst v9  }
0x46c: {  	s2 =	simm.s32 $0x330;
	v9 =	vld.idx.msk [tilespmem:v3+s4+$0x0], $0xffff;
	[tilespmem:s12+$0x1110] =	vst v8  }
0x46d: {  	[tilespmem:s14+$0xFFFFE980] =	vst v11;
	v8 =	vld.idx.msk [tilespmem:v1+s2+$0x0], $0xffff  }
0x46e: {  	v11 =	vld.idx.msk [tilespmem:v7+s30+$0x0], $0xffff;
	[tilespmem:s13+$0xFFFFFB00] =	vst v12  }
0x46f: {  	v12 =	vld.idx.msk [tilespmem:v6+s3+$0x0], $0xffff;
	[tilespmem:s12+$0x1080] =	vst v10  }
0x470: {  	v10 =	vld.idx.msk [tilespmem:v4+s1+$0x0], $0xffff;
	[tilespmem:s11+$0x1B00] =	vst v13  }
0x471: {  	s6 =	simm.s32 $0xE0;
	[tilespmem:s14+$0xFFFFEA90] =	vst v14;
	v13 =	vld.idx.msk [tilespmem:v2+s17+$0x0], $0xffff;
	v2 =	vmov v4;
	v4 =	vmov v6;
	v6 =	vmov v7  }
0x472: {  	s3 =	simm.s32 $0x210;
	v14 =	vld.idx.msk [tilespmem:v5+s6+$0x0], $0xffff;
	[tilespmem:s13+$0x10] =	vst v9  }
0x473: {  	s1 =	simm.s32 $0x340;
	v9 =	vld.idx.msk [tilespmem:v3+s3+$0x0], $0xffff;
	[tilespmem:s12+$0x1190] =	vst v8  }
0x474: {  	[tilespmem:s14+$0xFFFFEA00] =	vst v11;
	v8 =	vld.idx.msk [tilespmem:v1+s1+$0x0], $0xffff  }
0x475: {  	v7 =	vld.idx.msk [tilespmem:v7+s31+$0x0], $0xffff;
	[tilespmem:s13+$0xFFFFFB80] =	vst v12  }
0x476: {  	v15 =	vld.idx.msk [tilespmem:v4+s4+$0x0], $0xffff;
	[tilespmem:s12+$0x1100] =	vst v10  }
0x477: {  	v16 =	vld.idx.msk [tilespmem:v2+s2+$0x0], $0xffff;
	[tilespmem:s11+$0x1B80] =	vst v13;
	s11 =	smov.u32 s12;
	s12 =	smov.u32 s13;
	s13 =	smov.u32 s14  }
0x478: {  	[tilespmem:s14+$0xFFFFEB10] =	vst v14  }
0x479: {  	s2 =	simm.s32 $0xF0;
	v11 =	vld.idx.msk [tilespmem:v5+s23+$0x0], $0xffff;
	[tilespmem:s12+$0x90] =	vst v9  }
.Ltmp1:
0x47a: {  	v9 =	vld.idx.msk [tilespmem:v3+s0+$0x0], $0xffff;
	[tilespmem:s11+$0x1210] =	vst v8;
	(pc) =	sbr.rel @p2 .LBB2_5-.Ltmp1, $4  }
0x47b: {  	[tilespmem:s14+$0xFFFFEA80] =	vst v7;
	v7 =	vld.idx.msk [tilespmem:v1+s5+$0x0], $0xffff  }
0x47c: {  	v12 =	vld.idx.msk [tilespmem:v6+s6+$0x0], $0xffff;
	[tilespmem:s12+$0x0] =	vst v15  }
0x47d: {  	v10 =	vld.idx.msk [tilespmem:v4+s3+$0x0], $0xffff;
	[tilespmem:s11+$0x1180] =	vst v16  }
0x47e: {  	s16 =	sadd.s32 $0x20, s16;
	v8 =	vld.idx.msk [tilespmem:v2+s1+$0x0], $0xffff  }
0x47f: {  	_ =	sdelay $0x2  }
0x480: {  	[tilespmem:s14+$0xFFFFEB00] =	vst v12  }
0x481: {  	v12 =	vld.idx.msk [tilespmem:v6+s2+$0x0], $0xffff;
	_ =	sdelay $0x2  }
0x482: {  	[tilespmem:s14+$0xFFFFEB90] =	vst v11;
	s0 =	simm.s32 $0x100  }
0x483: {  	v11 =	vld.idx.msk [tilespmem:v5+s0+$0x0], $0xffff  }
0x484: {  	[tilespmem:s14+$0xFFFFEB80] =	vst v12  }
0x485: {  	v12 =	vld.idx.msk [tilespmem:v6+s0+$0x0], $0xffff;
	_ =	sdelay $0x2  }
0x486: {  	s25 =	simm.s32 $0x110;
	[tilespmem:s14+$0xFFFFF010] =	vst v11  }
0x487: {  	v11 =	vld.idx.msk [tilespmem:v5+s25+$0x0], $0xffff  }
0x488: {  	[tilespmem:s14+$0xFFFFF000] =	vst v12  }
0x489: {  	v12 =	vld.idx.msk [tilespmem:v6+s25+$0x0], $0xffff;
	_ =	sdelay $0x2  }
0x48a: {  	s26 =	simm.s32 $0x120;
	[tilespmem:s14+$0xFFFFF090] =	vst v11  }
0x48b: {  	v11 =	vld.idx.msk [tilespmem:v5+s26+$0x0], $0xffff  }
0x48c: {  	[tilespmem:s14+$0xFFFFF080] =	vst v12  }
0x48d: {  	v12 =	vld.idx.msk [tilespmem:v6+s26+$0x0], $0xffff;
	_ =	sdelay $0x2  }
0x48e: {  	s1 =	simm.s32 $0x130;
	[tilespmem:s14+$0xFFFFF110] =	vst v11  }
0x48f: {  	v11 =	vld.idx.msk [tilespmem:v5+s1+$0x0], $0xffff  }
0x490: {  	[tilespmem:s13+$0xFFFFF100] =	vst v12  }
0x491: {  	v12 =	vld.idx.msk [tilespmem:v6+s1+$0x0], $0xffff;
	_ =	sdelay $0x2  }
0x492: {  	s2 =	simm.s32 $0x140;
	[tilespmem:s13+$0xFFFFF190] =	vst v11  }
0x493: {  	v11 =	vld.idx.msk [tilespmem:v5+s2+$0x0], $0xffff  }
0x494: {  	[tilespmem:s13+$0xFFFFF180] =	vst v12  }
0x495: {  	v12 =	vld.idx.msk [tilespmem:v6+s2+$0x0], $0xffff;
	_ =	sdelay $0x2  }
0x496: {  	s3 =	simm.s32 $0x150;
	[tilespmem:s13+$0xFFFFF210] =	vst v11  }
0x497: {  	v11 =	vld.idx.msk [tilespmem:v5+s3+$0x0], $0xffff  }
0x498: {  	[tilespmem:s13+$0xFFFFF200] =	vst v12  }
0x499: {  	v12 =	vld.idx.msk [tilespmem:v6+s3+$0x0], $0xffff;
	_ =	sdelay $0x2  }
0x49a: {  	s4 =	simm.s32 $0x160;
	[tilespmem:s13+$0xFFFFF290] =	vst v11  }
0x49b: {  	v11 =	vld.idx.msk [tilespmem:v5+s4+$0x0], $0xffff  }
0x49c: {  	[tilespmem:s13+$0xFFFFF280] =	vst v12  }
0x49d: {  	v12 =	vld.idx.msk [tilespmem:v6+s4+$0x0], $0xffff;
	_ =	sdelay $0x2  }
0x49e: {  	s5 =	simm.s32 $0x170;
	[tilespmem:s13+$0xFFFFF310] =	vst v11  }
0x49f: {  	v11 =	vld.idx.msk [tilespmem:v5+s5+$0x0], $0xffff  }
0x4a0: {  	[tilespmem:s13+$0xFFFFF300] =	vst v12  }
0x4a1: {  	v12 =	vld.idx.msk [tilespmem:v6+s5+$0x0], $0xffff;
	_ =	sdelay $0x2  }
0x4a2: {  	s6 =	simm.s32 $0x180;
	[tilespmem:s13+$0xFFFFF390] =	vst v11  }
0x4a3: {  	v11 =	vld.idx.msk [tilespmem:v5+s6+$0x0], $0xffff  }
0x4a4: {  	[tilespmem:s13+$0xFFFFF380] =	vst v12  }
0x4a5: {  	v12 =	vld.idx.msk [tilespmem:v6+s6+$0x0], $0xffff;
	_ =	sdelay $0x2  }
0x4a6: {  	s7 =	simm.s32 $0x190;
	[tilespmem:s13+$0xFFFFF810] =	vst v11  }
0x4a7: {  	v11 =	vld.idx.msk [tilespmem:v5+s7+$0x0], $0xffff  }
0x4a8: {  	[tilespmem:s13+$0xFFFFF800] =	vst v12  }
0x4a9: {  	v12 =	vld.idx.msk [tilespmem:v6+s7+$0x0], $0xffff;
	_ =	sdelay $0x2  }
0x4aa: {  	s8 =	simm.s32 $0x1A0;
	[tilespmem:s13+$0xFFFFF890] =	vst v11  }
0x4ab: {  	v11 =	vld.idx.msk [tilespmem:v5+s8+$0x0], $0xffff  }
0x4ac: {  	[tilespmem:s13+$0xFFFFF880] =	vst v12  }
0x4ad: {  	v12 =	vld.idx.msk [tilespmem:v6+s8+$0x0], $0xffff;
	_ =	sdelay $0x2  }
0x4ae: {  	s9 =	simm.s32 $0x1B0;
	[tilespmem:s13+$0xFFFFF910] =	vst v11  }
0x4af: {  	v11 =	vld.idx.msk [tilespmem:v5+s9+$0x0], $0xffff  }
0x4b0: {  	[tilespmem:s13+$0xFFFFF900] =	vst v12  }
0x4b1: {  	v12 =	vld.idx.msk [tilespmem:v6+s9+$0x0], $0xffff;
	_ =	sdelay $0x2  }
0x4b2: {  	s10 =	simm.s32 $0x1C0;
	[tilespmem:s13+$0xFFFFF990] =	vst v11  }
0x4b3: {  	v11 =	vld.idx.msk [tilespmem:v5+s10+$0x0], $0xffff  }
0x4b4: {  	[tilespmem:s13+$0xFFFFF980] =	vst v12  }
0x4b5: {  	v12 =	vld.idx.msk [tilespmem:v6+s10+$0x0], $0xffff;
	_ =	sdelay $0x2  }
0x4b6: {  	s14 =	simm.s32 $0x1D0;
	[tilespmem:s13+$0xFFFFFA10] =	vst v11  }
0x4b7: {  	v11 =	vld.idx.msk [tilespmem:v5+s14+$0x0], $0xffff  }
0x4b8: {  	[tilespmem:s13+$0xFFFFFA00] =	vst v12  }
0x4b9: {  	v12 =	vld.idx.msk [tilespmem:v6+s14+$0x0], $0xffff;
	_ =	sdelay $0x2  }
0x4ba: {  	s15 =	simm.s32 $0x1E0;
	[tilespmem:s13+$0xFFFFFA90] =	vst v11  }
0x4bb: {  	v11 =	vld.idx.msk [tilespmem:v5+s15+$0x0], $0xffff  }
0x4bc: {  	[tilespmem:s13+$0xFFFFFA80] =	vst v12  }
0x4bd: {  	v12 =	vld.idx.msk [tilespmem:v6+s15+$0x0], $0xffff;
	_ =	sdelay $0x2  }
0x4be: {  	s16 =	simm.s32 $0x1F0;
	[tilespmem:s13+$0xFFFFFB10] =	vst v11  }
0x4bf: {  	v11 =	vld.idx.msk [tilespmem:v5+s16+$0x0], $0xffff  }
0x4c0: {  	[tilespmem:s13+$0xFFFFFB00] =	vst v12  }
0x4c1: {  	v12 =	vld.idx.msk [tilespmem:v6+s16+$0x0], $0xffff;
	_ =	sdelay $0x2  }
0x4c2: {  	s17 =	simm.s32 $0x200;
	[tilespmem:s13+$0xFFFFFB90] =	vst v11  }
0x4c3: {  	v11 =	vld.idx.msk [tilespmem:v5+s17+$0x0], $0xffff  }
0x4c4: {  	[tilespmem:s13+$0xFFFFFB80] =	vst v12  }
0x4c5: {  	v12 =	vld.idx.msk [tilespmem:v6+s17+$0x0], $0xffff;
	_ =	sdelay $0x2  }
0x4c6: {  	s18 =	simm.s32 $0x210;
	[tilespmem:s13+$0x10] =	vst v11  }
0x4c7: {  	v11 =	vld.idx.msk [tilespmem:v5+s18+$0x0], $0xffff  }
0x4c8: {  	[tilespmem:s13+$0x0] =	vst v12  }
0x4c9: {  	v12 =	vld.idx.msk [tilespmem:v6+s18+$0x0], $0xffff;
	_ =	sdelay $0x1  }
0x4ca: {  	s19 =	simm.s32 $0x220;
	[tilespmem:s12+$0x80] =	vst v10  }
0x4cb: {  	v10 =	vld.idx.msk [tilespmem:v4+s19+$0x0], $0xffff;
	[tilespmem:s13+$0x90] =	vst v11  }
0x4cc: {  	v11 =	vld.idx.msk [tilespmem:v5+s19+$0x0], $0xffff  }
0x4cd: {  	[tilespmem:s13+$0x80] =	vst v12  }
0x4ce: {  	v12 =	vld.idx.msk [tilespmem:v6+s19+$0x0], $0xffff  }
0x4cf: {  	[tilespmem:s12+$0x110] =	vst v9;
	s20 =	simm.s32 $0x230  }
0x4d0: {  	v9 =	vld.idx.msk [tilespmem:v3+s20+$0x0], $0xffff;
	[tilespmem:s12+$0x100] =	vst v10  }
0x4d1: {  	v10 =	vld.idx.msk [tilespmem:v4+s20+$0x0], $0xffff;
	[tilespmem:s13+$0x110] =	vst v11  }
0x4d2: {  	v11 =	vld.idx.msk [tilespmem:v5+s20+$0x0], $0xffff  }
0x4d3: {  	[tilespmem:s13+$0x100] =	vst v12  }
0x4d4: {  	v12 =	vld.idx.msk [tilespmem:v6+s20+$0x0], $0xffff  }
0x4d5: {  	s21 =	simm.s32 $0x240;
	[tilespmem:s12+$0x190] =	vst v9  }
0x4d6: {  	v9 =	vld.idx.msk [tilespmem:v3+s21+$0x0], $0xffff;
	[tilespmem:s12+$0x180] =	vst v10  }
0x4d7: {  	v10 =	vld.idx.msk [tilespmem:v4+s21+$0x0], $0xffff;
	[tilespmem:s13+$0x190] =	vst v11  }
0x4d8: {  	v11 =	vld.idx.msk [tilespmem:v5+s21+$0x0], $0xffff  }
0x4d9: {  	[tilespmem:s13+$0x180] =	vst v12  }
0x4da: {  	v12 =	vld.idx.msk [tilespmem:v6+s21+$0x0], $0xffff  }
0x4db: {  	s22 =	simm.s32 $0x250;
	[tilespmem:s12+$0x210] =	vst v9  }
0x4dc: {  	v9 =	vld.idx.msk [tilespmem:v3+s22+$0x0], $0xffff;
	[tilespmem:s12+$0x200] =	vst v10  }
0x4dd: {  	v10 =	vld.idx.msk [tilespmem:v4+s22+$0x0], $0xffff;
	[tilespmem:s13+$0x210] =	vst v11  }
0x4de: {  	v11 =	vld.idx.msk [tilespmem:v5+s22+$0x0], $0xffff  }
0x4df: {  	[tilespmem:s13+$0x200] =	vst v12  }
0x4e0: {  	v12 =	vld.idx.msk [tilespmem:v6+s22+$0x0], $0xffff  }
0x4e1: {  	s23 =	simm.s32 $0x260;
	[tilespmem:s12+$0x290] =	vst v9  }
0x4e2: {  	v9 =	vld.idx.msk [tilespmem:v3+s23+$0x0], $0xffff;
	[tilespmem:s12+$0x280] =	vst v10  }
0x4e3: {  	v10 =	vld.idx.msk [tilespmem:v4+s23+$0x0], $0xffff;
	[tilespmem:s13+$0x290] =	vst v11  }
0x4e4: {  	v11 =	vld.idx.msk [tilespmem:v5+s23+$0x0], $0xffff  }
0x4e5: {  	[tilespmem:s13+$0x280] =	vst v12  }
0x4e6: {  	v12 =	vld.idx.msk [tilespmem:v6+s23+$0x0], $0xffff  }
0x4e7: {  	s24 =	simm.s32 $0x270;
	[tilespmem:s12+$0x310] =	vst v9  }
0x4e8: {  	v9 =	vld.idx.msk [tilespmem:v3+s24+$0x0], $0xffff;
	[tilespmem:s12+$0x300] =	vst v10  }
0x4e9: {  	v10 =	vld.idx.msk [tilespmem:v4+s24+$0x0], $0xffff;
	[tilespmem:s13+$0x310] =	vst v11  }
0x4ea: {  	v11 =	vld.idx.msk [tilespmem:v5+s24+$0x0], $0xffff  }
0x4eb: {  	[tilespmem:s13+$0x300] =	vst v12  }
0x4ec: {  	v12 =	vld.idx.msk [tilespmem:v6+s24+$0x0], $0xffff  }
0x4ed: {  	s25 =	simm.s32 $0x280;
	[tilespmem:s12+$0x390] =	vst v9  }
0x4ee: {  	v9 =	vld.idx.msk [tilespmem:v3+s25+$0x0], $0xffff;
	[tilespmem:s12+$0x380] =	vst v10  }
0x4ef: {  	v10 =	vld.idx.msk [tilespmem:v4+s25+$0x0], $0xffff;
	[tilespmem:s13+$0x390] =	vst v11  }
0x4f0: {  	v11 =	vld.idx.msk [tilespmem:v5+s25+$0x0], $0xffff  }
0x4f1: {  	[tilespmem:s13+$0x380] =	vst v12  }
0x4f2: {  	v12 =	vld.idx.msk [tilespmem:v6+s25+$0x0], $0xffff  }
0x4f3: {  	s26 =	simm.s32 $0x290;
	[tilespmem:s12+$0x810] =	vst v9  }
0x4f4: {  	v9 =	vld.idx.msk [tilespmem:v3+s26+$0x0], $0xffff;
	[tilespmem:s12+$0x800] =	vst v10  }
0x4f5: {  	v10 =	vld.idx.msk [tilespmem:v4+s26+$0x0], $0xffff;
	[tilespmem:s13+$0x810] =	vst v11  }
0x4f6: {  	v11 =	vld.idx.msk [tilespmem:v5+s26+$0x0], $0xffff  }
0x4f7: {  	[tilespmem:s13+$0x800] =	vst v12  }
0x4f8: {  	v12 =	vld.idx.msk [tilespmem:v6+s26+$0x0], $0xffff  }
0x4f9: {  	s1 =	simm.s32 $0x2A0;
	[tilespmem:s12+$0x890] =	vst v9  }
0x4fa: {  	v9 =	vld.idx.msk [tilespmem:v3+s1+$0x0], $0xffff;
	[tilespmem:s12+$0x880] =	vst v10  }
0x4fb: {  	v10 =	vld.idx.msk [tilespmem:v4+s1+$0x0], $0xffff;
	[tilespmem:s13+$0x890] =	vst v11  }
0x4fc: {  	v11 =	vld.idx.msk [tilespmem:v5+s1+$0x0], $0xffff  }
0x4fd: {  	[tilespmem:s13+$0x880] =	vst v12  }
0x4fe: {  	v12 =	vld.idx.msk [tilespmem:v6+s1+$0x0], $0xffff  }
0x4ff: {  	s2 =	simm.s32 $0x2B0;
	[tilespmem:s12+$0x910] =	vst v9  }
0x500: {  	v9 =	vld.idx.msk [tilespmem:v3+s2+$0x0], $0xffff;
	[tilespmem:s12+$0x900] =	vst v10  }
0x501: {  	v10 =	vld.idx.msk [tilespmem:v4+s2+$0x0], $0xffff;
	[tilespmem:s13+$0x910] =	vst v11  }
0x502: {  	v11 =	vld.idx.msk [tilespmem:v5+s2+$0x0], $0xffff  }
0x503: {  	[tilespmem:s13+$0x900] =	vst v12  }
0x504: {  	v12 =	vld.idx.msk [tilespmem:v6+s2+$0x0], $0xffff  }
0x505: {  	s3 =	simm.s32 $0x2C0;
	[tilespmem:s12+$0x990] =	vst v9  }
0x506: {  	v9 =	vld.idx.msk [tilespmem:v3+s3+$0x0], $0xffff;
	[tilespmem:s12+$0x980] =	vst v10  }
0x507: {  	v10 =	vld.idx.msk [tilespmem:v4+s3+$0x0], $0xffff;
	[tilespmem:s13+$0x990] =	vst v11  }
0x508: {  	v11 =	vld.idx.msk [tilespmem:v5+s3+$0x0], $0xffff  }
0x509: {  	[tilespmem:s13+$0x980] =	vst v12  }
0x50a: {  	v12 =	vld.idx.msk [tilespmem:v6+s3+$0x0], $0xffff  }
0x50b: {  	s4 =	simm.s32 $0x2D0;
	[tilespmem:s12+$0xA10] =	vst v9  }
0x50c: {  	v9 =	vld.idx.msk [tilespmem:v3+s4+$0x0], $0xffff;
	[tilespmem:s12+$0xA00] =	vst v10  }
0x50d: {  	v10 =	vld.idx.msk [tilespmem:v4+s4+$0x0], $0xffff;
	[tilespmem:s13+$0xA10] =	vst v11  }
0x50e: {  	v11 =	vld.idx.msk [tilespmem:v5+s4+$0x0], $0xffff  }
0x50f: {  	[tilespmem:s13+$0xA00] =	vst v12  }
0x510: {  	v12 =	vld.idx.msk [tilespmem:v6+s4+$0x0], $0xffff  }
0x511: {  	s5 =	simm.s32 $0x2E0;
	[tilespmem:s12+$0xA90] =	vst v9  }
0x512: {  	v9 =	vld.idx.msk [tilespmem:v3+s5+$0x0], $0xffff;
	[tilespmem:s12+$0xA80] =	vst v10  }
0x513: {  	v10 =	vld.idx.msk [tilespmem:v4+s5+$0x0], $0xffff;
	[tilespmem:s13+$0xA90] =	vst v11  }
0x514: {  	v11 =	vld.idx.msk [tilespmem:v5+s5+$0x0], $0xffff  }
0x515: {  	[tilespmem:s13+$0xA80] =	vst v12  }
0x516: {  	v12 =	vld.idx.msk [tilespmem:v6+s5+$0x0], $0xffff  }
0x517: {  	s6 =	simm.s32 $0x2F0;
	[tilespmem:s12+$0xB10] =	vst v9  }
0x518: {  	v9 =	vld.idx.msk [tilespmem:v3+s6+$0x0], $0xffff;
	[tilespmem:s12+$0xB00] =	vst v10  }
0x519: {  	v10 =	vld.idx.msk [tilespmem:v4+s6+$0x0], $0xffff;
	[tilespmem:s13+$0xB10] =	vst v11  }
0x51a: {  	v11 =	vld.idx.msk [tilespmem:v5+s6+$0x0], $0xffff  }
0x51b: {  	[tilespmem:s13+$0xB00] =	vst v12  }
0x51c: {  	v12 =	vld.idx.msk [tilespmem:v6+s6+$0x0], $0xffff  }
0x51d: {  	s7 =	simm.s32 $0x300;
	[tilespmem:s12+$0xB90] =	vst v9  }
0x51e: {  	v9 =	vld.idx.msk [tilespmem:v3+s7+$0x0], $0xffff;
	[tilespmem:s12+$0xB80] =	vst v10  }
0x51f: {  	v10 =	vld.idx.msk [tilespmem:v4+s7+$0x0], $0xffff;
	[tilespmem:s13+$0xB90] =	vst v11  }
0x520: {  	v11 =	vld.idx.msk [tilespmem:v5+s7+$0x0], $0xffff  }
0x521: {  	[tilespmem:s13+$0xB80] =	vst v12  }
0x522: {  	v12 =	vld.idx.msk [tilespmem:v6+s7+$0x0], $0xffff  }
0x523: {  	s8 =	simm.s32 $0x310;
	[tilespmem:s12+$0x1010] =	vst v9  }
0x524: {  	v9 =	vld.idx.msk [tilespmem:v3+s8+$0x0], $0xffff;
	[tilespmem:s12+$0x1000] =	vst v10  }
0x525: {  	v10 =	vld.idx.msk [tilespmem:v4+s8+$0x0], $0xffff;
	[tilespmem:s13+$0x1010] =	vst v11  }
0x526: {  	v11 =	vld.idx.msk [tilespmem:v5+s8+$0x0], $0xffff  }
0x527: {  	[tilespmem:s13+$0x1000] =	vst v12  }
0x528: {  	v12 =	vld.idx.msk [tilespmem:v6+s8+$0x0], $0xffff  }
0x529: {  	s9 =	simm.s32 $0x320;
	[tilespmem:s12+$0x1090] =	vst v9  }
0x52a: {  	v9 =	vld.idx.msk [tilespmem:v3+s9+$0x0], $0xffff;
	[tilespmem:s12+$0x1080] =	vst v10  }
0x52b: {  	v10 =	vld.idx.msk [tilespmem:v4+s9+$0x0], $0xffff;
	[tilespmem:s13+$0x1090] =	vst v11  }
0x52c: {  	v11 =	vld.idx.msk [tilespmem:v5+s9+$0x0], $0xffff  }
0x52d: {  	[tilespmem:s13+$0x1080] =	vst v12  }
0x52e: {  	v12 =	vld.idx.msk [tilespmem:v6+s9+$0x0], $0xffff  }
0x52f: {  	s10 =	simm.s32 $0x330;
	[tilespmem:s12+$0x1110] =	vst v9  }
0x530: {  	v9 =	vld.idx.msk [tilespmem:v3+s10+$0x0], $0xffff;
	[tilespmem:s12+$0x1100] =	vst v10  }
0x531: {  	v10 =	vld.idx.msk [tilespmem:v4+s10+$0x0], $0xffff;
	[tilespmem:s13+$0x1110] =	vst v11  }
0x532: {  	v11 =	vld.idx.msk [tilespmem:v5+s10+$0x0], $0xffff  }
0x533: {  	[tilespmem:s13+$0x1100] =	vst v12  }
0x534: {  	v12 =	vld.idx.msk [tilespmem:v6+s10+$0x0], $0xffff  }
0x535: {  	s14 =	simm.s32 $0x340;
	[tilespmem:s12+$0x1190] =	vst v9  }
0x536: {  	v9 =	vld.idx.msk [tilespmem:v3+s14+$0x0], $0xffff;
	[tilespmem:s12+$0x1180] =	vst v10  }
0x537: {  	v10 =	vld.idx.msk [tilespmem:v4+s14+$0x0], $0xffff;
	[tilespmem:s13+$0x1190] =	vst v11  }
0x538: {  	[tilespmem:s11+$0x1200] =	vst v8;
	s15 =	simm.s32 $0x350;
	v11 =	vld.idx.msk [tilespmem:v5+s14+$0x0], $0xffff  }
0x539: {  	v8 =	vld.idx.msk [tilespmem:v2+s15+$0x0], $0xffff;
	[tilespmem:s13+$0x1180] =	vst v12  }
0x53a: {  	v12 =	vld.idx.msk [tilespmem:v6+s14+$0x0], $0xffff  }
0x53b: {  	[tilespmem:s12+$0x1210] =	vst v9  }
0x53c: {  	v9 =	vld.idx.msk [tilespmem:v3+s15+$0x0], $0xffff;
	[tilespmem:s12+$0x1200] =	vst v10  }
0x53d: {  	v10 =	vld.idx.msk [tilespmem:v4+s15+$0x0], $0xffff;
	[tilespmem:s13+$0x1210] =	vst v11  }
0x53e: {  	s16 =	simm.s32 $0x360;
	[tilespmem:s11+$0x1280] =	vst v8;
	v11 =	vld.idx.msk [tilespmem:v5+s15+$0x0], $0xffff  }
0x53f: {  	v8 =	vld.idx.msk [tilespmem:v2+s16+$0x0], $0xffff;
	[tilespmem:s13+$0x1200] =	vst v12  }
0x540: {  	[tilespmem:s11+$0x1290] =	vst v7;
	v60 =	vld.idx.msk [tilespmem:v6+s15+$0x0], $0xffff  }
0x541: {  	v61 =	vld.idx.msk [tilespmem:v1+s16+$0x0], $0xffff;
	[tilespmem:s12+$0x1290] =	vst v9  }
0x542: {  	v9 =	vld.idx.msk [tilespmem:v3+s16+$0x0], $0xffff;
	[tilespmem:s12+$0x1280] =	vst v10  }
0x543: {  	v10 =	vld.idx.msk [tilespmem:v4+s16+$0x0], $0xffff;
	[tilespmem:s13+$0x1290] =	vst v11  }
0x544: {  	s17 =	simm.s32 $0x370;
	[tilespmem:s11+$0x1300] =	vst v8;
	v11 =	vld.idx.msk [tilespmem:v5+s16+$0x0], $0xffff  }
0x545: {  	v8 =	vld.idx.msk [tilespmem:v2+s17+$0x0], $0xffff;
	[tilespmem:s13+$0x1280] =	vst v60  }
0x546: {  	[tilespmem:s11+$0x1310] =	vst v61;
	v7 =	vld.idx.msk [tilespmem:v6+s16+$0x0], $0xffff  }
0x547: {  	[tilespmem:s12+$0x1310] =	vst v9;
	v12 =	vld.idx.msk [tilespmem:v1+s17+$0x0], $0xffff  }
0x548: {  	v9 =	vld.idx.msk [tilespmem:v3+s17+$0x0], $0xffff;
	[tilespmem:s12+$0x1300] =	vst v10  }
0x549: {  	v10 =	vld.idx.msk [tilespmem:v4+s17+$0x0], $0xffff;
	[tilespmem:s13+$0x1310] =	vst v11  }
0x54a: {  	s18 =	simm.s32 $0x380;
	[tilespmem:s11+$0x1380] =	vst v8;
	v11 =	vld.idx.msk [tilespmem:v5+s17+$0x0], $0xffff  }
0x54b: {  	v8 =	vld.idx.msk [tilespmem:v2+s18+$0x0], $0xffff;
	[tilespmem:s13+$0x1300] =	vst v7  }
0x54c: {  	[tilespmem:s11+$0x1390] =	vst v12;
	v7 =	vld.idx.msk [tilespmem:v6+s17+$0x0], $0xffff  }
0x54d: {  	[tilespmem:s12+$0x1390] =	vst v9;
	v12 =	vld.idx.msk [tilespmem:v1+s18+$0x0], $0xffff  }
0x54e: {  	v9 =	vld.idx.msk [tilespmem:v3+s18+$0x0], $0xffff;
	[tilespmem:s12+$0x1380] =	vst v10  }
0x54f: {  	v10 =	vld.idx.msk [tilespmem:v4+s18+$0x0], $0xffff;
	[tilespmem:s13+$0x1390] =	vst v11  }
0x550: {  	s19 =	simm.s32 $0x390;
	[tilespmem:s11+$0x1800] =	vst v8;
	v11 =	vld.idx.msk [tilespmem:v5+s18+$0x0], $0xffff  }
0x551: {  	v8 =	vld.idx.msk [tilespmem:v2+s19+$0x0], $0xffff;
	[tilespmem:s13+$0x1380] =	vst v7  }
0x552: {  	[tilespmem:s11+$0x1810] =	vst v12;
	v7 =	vld.idx.msk [tilespmem:v6+s18+$0x0], $0xffff  }
0x553: {  	[tilespmem:s12+$0x1810] =	vst v9;
	v12 =	vld.idx.msk [tilespmem:v1+s19+$0x0], $0xffff  }
0x554: {  	v9 =	vld.idx.msk [tilespmem:v3+s19+$0x0], $0xffff;
	[tilespmem:s12+$0x1800] =	vst v10  }
0x555: {  	v10 =	vld.idx.msk [tilespmem:v4+s19+$0x0], $0xffff;
	[tilespmem:s13+$0x1810] =	vst v11  }
0x556: {  	s20 =	simm.s32 $0x3A0;
	[tilespmem:s11+$0x1880] =	vst v8;
	v11 =	vld.idx.msk [tilespmem:v5+s19+$0x0], $0xffff  }
0x557: {  	v8 =	vld.idx.msk [tilespmem:v2+s20+$0x0], $0xffff;
	[tilespmem:s13+$0x1800] =	vst v7  }
0x558: {  	[tilespmem:s11+$0x1890] =	vst v12;
	v7 =	vld.idx.msk [tilespmem:v6+s19+$0x0], $0xffff  }
0x559: {  	[tilespmem:s12+$0x1890] =	vst v9;
	v12 =	vld.idx.msk [tilespmem:v1+s20+$0x0], $0xffff  }
0x55a: {  	v9 =	vld.idx.msk [tilespmem:v3+s20+$0x0], $0xffff;
	[tilespmem:s12+$0x1880] =	vst v10  }
0x55b: {  	v10 =	vld.idx.msk [tilespmem:v4+s20+$0x0], $0xffff;
	[tilespmem:s13+$0x1890] =	vst v11  }
0x55c: {  	s21 =	simm.s32 $0x3B0;
	[tilespmem:s11+$0x1900] =	vst v8;
	v11 =	vld.idx.msk [tilespmem:v5+s20+$0x0], $0xffff  }
0x55d: {  	v8 =	vld.idx.msk [tilespmem:v2+s21+$0x0], $0xffff;
	[tilespmem:s13+$0x1880] =	vst v7  }
0x55e: {  	[tilespmem:s11+$0x1910] =	vst v12;
	v7 =	vld.idx.msk [tilespmem:v6+s20+$0x0], $0xffff  }
0x55f: {  	[tilespmem:s12+$0x1910] =	vst v9;
	v12 =	vld.idx.msk [tilespmem:v1+s21+$0x0], $0xffff  }
0x560: {  	v9 =	vld.idx.msk [tilespmem:v3+s21+$0x0], $0xffff;
	[tilespmem:s12+$0x1900] =	vst v10  }
0x561: {  	v10 =	vld.idx.msk [tilespmem:v4+s21+$0x0], $0xffff;
	[tilespmem:s13+$0x1910] =	vst v11  }
0x562: {  	s22 =	simm.s32 $0x3C0;
	[tilespmem:s11+$0x1980] =	vst v8;
	v11 =	vld.idx.msk [tilespmem:v5+s21+$0x0], $0xffff  }
0x563: {  	v8 =	vld.idx.msk [tilespmem:v2+s22+$0x0], $0xffff;
	[tilespmem:s13+$0x1900] =	vst v7  }
0x564: {  	[tilespmem:s11+$0x1990] =	vst v12;
	v7 =	vld.idx.msk [tilespmem:v6+s21+$0x0], $0xffff  }
0x565: {  	[tilespmem:s12+$0x1990] =	vst v9;
	v12 =	vld.idx.msk [tilespmem:v1+s22+$0x0], $0xffff  }
0x566: {  	v9 =	vld.idx.msk [tilespmem:v3+s22+$0x0], $0xffff;
	[tilespmem:s12+$0x1980] =	vst v10  }
0x567: {  	v10 =	vld.idx.msk [tilespmem:v4+s22+$0x0], $0xffff;
	[tilespmem:s13+$0x1990] =	vst v11  }
0x568: {  	s23 =	simm.s32 $0x3D0;
	[tilespmem:s11+$0x1A00] =	vst v8;
	v11 =	vld.idx.msk [tilespmem:v5+s22+$0x0], $0xffff  }
0x569: {  	v8 =	vld.idx.msk [tilespmem:v2+s23+$0x0], $0xffff;
	[tilespmem:s13+$0x1980] =	vst v7  }
0x56a: {  	[tilespmem:s11+$0x1A10] =	vst v12;
	v7 =	vld.idx.msk [tilespmem:v6+s22+$0x0], $0xffff  }
0x56b: {  	[tilespmem:s12+$0x1A10] =	vst v9;
	v12 =	vld.idx.msk [tilespmem:v1+s23+$0x0], $0xffff  }
0x56c: {  	v9 =	vld.idx.msk [tilespmem:v3+s23+$0x0], $0xffff;
	[tilespmem:s12+$0x1A00] =	vst v10  }
0x56d: {  	v10 =	vld.idx.msk [tilespmem:v4+s23+$0x0], $0xffff;
	[tilespmem:s13+$0x1A10] =	vst v11  }
0x56e: {  	s24 =	simm.s32 $0x3E0;
	[tilespmem:s11+$0x1A80] =	vst v8;
	v11 =	vld.idx.msk [tilespmem:v5+s23+$0x0], $0xffff  }
0x56f: {  	v8 =	vld.idx.msk [tilespmem:v2+s24+$0x0], $0xffff;
	[tilespmem:s13+$0x1A00] =	vst v7  }
0x570: {  	[tilespmem:s11+$0x1A90] =	vst v12;
	v7 =	vld.idx.msk [tilespmem:v6+s23+$0x0], $0xffff  }
0x571: {  	[tilespmem:s12+$0x1A90] =	vst v9;
	v12 =	vld.idx.msk [tilespmem:v1+s24+$0x0], $0xffff  }
0x572: {  	v9 =	vld.idx.msk [tilespmem:v3+s24+$0x0], $0xffff;
	[tilespmem:s12+$0x1A80] =	vst v10  }
0x573: {  	v10 =	vld.idx.msk [tilespmem:v4+s24+$0x0], $0xffff;
	[tilespmem:s13+$0x1A90] =	vst v11  }
0x574: {  	s25 =	simm.s32 $0x3F0;
	[tilespmem:s11+$0x1B00] =	vst v8;
	v11 =	vld.idx.msk [tilespmem:v5+s24+$0x0], $0xffff  }
0x575: {  	v2 =	vld.idx.msk [tilespmem:v2+s25+$0x0], $0xffff;
	[tilespmem:s13+$0x1A80] =	vst v7  }
0x576: {  	[tilespmem:s11+$0x1B10] =	vst v12;
	v7 =	vld.idx.msk [tilespmem:v6+s24+$0x0], $0xffff  }
0x577: {  	[tilespmem:s12+$0x1B10] =	vst v9;
	v1 =	vld.idx.msk [tilespmem:v1+s25+$0x0], $0xffff  }
0x578: {  	v3 =	vld.idx.msk [tilespmem:v3+s25+$0x0], $0xffff;
	[tilespmem:s12+$0x1B00] =	vst v10  }
0x579: {  	v62 =	vld.idx.msk [tilespmem:v4+s25+$0x0], $0xffff;
	[tilespmem:s13+$0x1B10] =	vst v11  }
0x57a: {  	[tilespmem:s11+$0x1B80] =	vst v2;
	v63 =	vld.idx.msk [tilespmem:v5+s25+$0x0], $0xffff  }
0x57b: {  	[tilespmem:s13+$0x1B00] =	vst v7  }
0x57c: {  	[tilespmem:s11+$0x1B90] =	vst v1;
	v1 =	vld.idx.msk [tilespmem:v6+s25+$0x0], $0xffff  }
0x57d: {  	s28 =	simm.s32 $0xB0;
	[tilespmem:s12+$0x1B90] =	vst v3  }
0x57e: {  	s29 =	simm.s32 $0xC0;
	s30 =	simm.s32 $0xD0;
	s1 =	simm.s32 $0x170;
	[tilespmem:s12+$0x1B80] =	vst v62  }
0x57f: {  	s2 =	simm.s32 $0x160;
	s3 =	simm.s32 $0x130;
	s4 =	simm.s32 $0x190;
	[tilespmem:s13+$0x1B90] =	vst v63  }
0x580: {  	s5 =	simm.s32 $0x110;
	s6 =	simm.s32 $0x180;
	s17 =	rddreg [dreg:$0xe]  }
0x581: {  	s7 =	simm.s32 $0xE0;
	s8 =	simm.s32 $0x150;
	p2 =	seq.s32 s17, $0x7F;
	[tilespmem:s13+$0x1B80] =	vst v1  }
0x582: {  	s9 =	simm.s32 $0x100;
	p1 =	por p2, p1;
	_ =	strace $0x9000004B  }
0x583: {  	s10 =	simm.s32 $0x120;
	s0 =	rddreg [dreg:$0x11];
	_ =	strace @p1 $0x8000004C  }
0x584: {  	s14 =	simm.s32 @p1 $0x800000;
	s11 =	sshll.u32 @p1 s0, $0x8;
	s0 =	rddreg [dreg:$0xf]  }
0x585: {  	s13 =	rddreg [dreg:$0x2];
	s12 =	sadd.s32 @p1 $0x3, s0;
	s11 =	sand.u32 @p1 $0x1FFFFF00, s11  }
0x586: {  	s0 =	rddreg [dreg:$0x10];
	s11 =	sadd.s32 @p1 s13, s11;
	s13 =	simm.s32 @p1 $0x800  }
0x587: {  	[hbm4b:s11+s13] =	stream.strided.scatter @p1 [tilespmem:s0], [sflag:s12], $0x4000, s14, s13, $0x200038;
	[tilespmem:$0x8600] =	vst v63  }
0x588: {  	s16 =	simm.s32 $0x10;
	s18 =	simm.s32 $0x20;
	_ =	strace @p1 $0x9000004C  }
0x589: {  	s19 =	simm.s32 $0x30;
	p2 =	seq.s32 s17, $0x0;
	s13 =	rddreg [dreg:$0x9]  }
0x58a: {  	s20 =	simm.s32 $0x40;
	s21 =	simm.s32 $0x50;
	s11 =	sand.u32 @!p2 $0x1, s13  }
0x58b: {  	s22 =	simm.s32 $0x60;
	_ =	strace @!p2 $0x8000004D;
	s11 =	sadd.s32 @!p2 $0x3, s11  }
0x58c: {  	s23 =	simm.s32 $0x70;
	s12 =	simm.s32 $0x1;
	_ =	swait.ge @!p2 [sflag:s11], $0x4000  }
0x58d: {  	s12 =	simm.s32 @!p0 $0x0;
	p0 =	sne.s32 s17, $0x0;
	[sflag:s11] =	ssyncset.done @!p2 $0x0  }
0x58e: {  	s17 =	sadd.s32 $0x1, s17;
	[sflag:s11] =	ssyncadd.s32 @!p2 $0xFFFFC000;
	s11 =	simm.s32 $0x1  }
0x58f: {  	s24 =	simm.s32 $0x80;
	s11 =	simm.s32 @!p0 $0x0;
	p0 =	sne.s32 s17, $0x80  }
.Ltmp2:
0x590: {  	s25 =	simm.s32 $0x90;
	s15 =	rddreg [dreg:$0xd];
	(pc) =	sbr.rel @p0 .LBB2_2-.Ltmp2, $4  }
0x591: {  	s31 =	rddreg [dreg:$0xb];
	s15 =	sadd.s32 s12, s15;
	s12 =	simm.s32 $0x1  }
0x592: {  	s0 =	simm.s32 $0x140;
	s26 =	rddreg [dreg:$0xc];
	s12 =	simm.s32 @!p1 $0x0  }
0x593: {  	_ =	strace @!p2 $0x9000004D;
	s13 =	sadd.s32 s11, s13;
	s31 =	sadd.s32 s12, s31  }
0x594: {  	s11 =	sadd.s32 s12, s26;
	s26 =	simm.s32 $0xA0;
	s14 =	rddreg [dreg:$0xa]  }
0x595: {  	s11 =	sand.u32 $0x1, s13  }
0x596: {  	_ =	strace $0x8000004E;
	s11 =	sadd.s32 $0x3, s11  }
0x597: {  	_ =	swait.ge [sflag:s11], $0x4000  }
0x598: {  	s12 =	rddreg [dreg:$0x8]  }
0x599: {  	s31 =	rddreg [dreg:$0x7];
	s12 =	sadd.s32 $0x1, s12  }
0x59a: {  	p0 =	sne.s32 s12, s31  }
.Ltmp3:
0x59b: {  	_ = 	snop;
	(pc) =	sbr.rel @p0 .LBB2_1-.Ltmp3, $4  }
0x59c: {  	_ = 	snop  }
0x59d: {  	[sflag:s11] =	ssyncset.done $0x0  }
0x59e: {  	[sflag:s11] =	ssyncadd.s32 $0xFFFFC000  }
0x59f: {  	s11 =	simm.s32 $0x0;
	_ =	strace $0x9000004E  }
0x5a0: {  	_ =	sfence.sel $0x180000  }
0x5a1: {  	[bflag:$0x0] =	sbarrier.arrive $0xFFFF  }
0x5a2: {  	_ =	strace $0x90000047  }
0x5a3: {  	s0 =	stileid.u32;
	[bflag:$0x2] =	sbarrier.arrive $0xFFFF  }
0x5a4: {  	p0 =	sne.s32 s0, $0x0;
	s0 =	rddreg [dreg:$0x3]  }
0x5a5: {  	s0 =	sadd.s32 @!p0 $0x100000, s0  }
0x5a6: {  	[sflag:s0] =	ssyncadd.tile.s32 @!p0 $0x1;
	_ =	shalt  }
.Lfunc_end2:
_tile_overlayer_lowered:
.L_overlay_start_2:
0x5a7: {  	(tag) =	ssettag $0x2  }
0x5a8: {  	s0 =	rddreg [dreg:$0x0];
	s2 =	stileid.u32  }
0x5a9: {  	s1 =	rddreg [dreg:$0x1];
	p0 =	sne.s32 s2, $0x0  }
0x5aa: {  	s3 =	rddreg [dreg:$0x2];
	[bflag:$0x3] =	sbarrier.arrive $0xFFFF;
	s2 =	simm.s32 @!p0 $0x1C01  }
0x5ab: {  	[timem:s3], [sflag:s2] =	dma.local @!p0 [hbm:s0], s1  }
0x5ac: {  	s0 =	simm.s32 @!p0 $0x1  }
0x5ad: {  	_ =	swait.ge @!p0 [sflag:s0], s1  }
0x5ae: {  	s1 =	ssub.s32 @!p0 $0x0, s1;
	[sflag:s0] =	ssyncset.done @!p0 $0x0  }
0x5af: {  	[sflag:s0] =	ssyncadd.s32 @!p0 s1  }
0x5b0: {  	[bflag:$0x3] =	sbarrier.arrive $0xFFFF  }
0x5b1: {  	_ =	shalt  }

</sc_bundles>
